<compile_context>
chip_gen: v7x
topology: tpu7x:2x2x1
jax: 0.10.2.dev20260603
libtpu: 0.0.44.dev20260713+nightly
codegen_flags: <defaults>
</compile_context>

<pallas_src>
import functools

import jax
import jax.numpy as jnp
from jax import lax
from jax.experimental import pallas as pl
from jax.experimental.pallas import tpu as pltpu
from jax.experimental.pallas import tpu_sc as plsc

H = 1024
I = 256
ER = 15
EP = 16
T = 4096
TOPK2 = 2
TB = 512
CB = 256
NB = 48
PADT = NB * CB
SENT = TOPK2 * T
NS = 16
L = 16
CAP = T + 64
GC = 32
SC_C = 32
PC = 128
POSN = TOPK2 * T + CB
RPT = PADT // 32


def _silu(v):
    return v * jax.nn.sigmoid(v)


def _dotT(a, b):
    return lax.dot_general(a, b, (((1,), (1,)), ((), ())),
                           preferred_element_type=jnp.float32)



def _router_body(x_ref, wr_ref, rb_ref, sg_ref, su_ref, sd_ref,
                 e1_ref, e2_ref, w1_ref, w2_ref, sh_ref):
    x = x_ref[...]
    gg = _dotT(x, sg_ref[...])
    uu = _dotT(x, su_ref[...])
    sh_ref[...] = _dotT(_silu(gg) * uu, sd_ref[...])
    logits = _dotT(x, wr_ref[...]) + rb_ref[...]
    probs = jax.nn.sigmoid(logits)
    idx = lax.broadcasted_iota(jnp.int32, probs.shape, 1)
    v1 = jnp.max(probs, axis=1, keepdims=True)
    i1 = jnp.min(jnp.where(probs == v1, idx, ER), axis=1, keepdims=True)
    p2 = jnp.where(idx == i1, -jnp.inf, probs)
    v2 = jnp.max(p2, axis=1, keepdims=True)
    i2 = jnp.min(jnp.where(p2 == v2, idx, ER), axis=1, keepdims=True)
    den = v1 + v2
    e1_ref[...] = i1
    e2_ref[...] = i2
    w1_ref[...] = v1 / den
    w2_ref[...] = v2 / den


def _router(xs, Wr, rb, sg, su, sd):
    outs = pl.pallas_call(
        _router_body,
        grid=(T // TB,),
        in_specs=[
            pl.BlockSpec((TB, H), lambda i: (i, 0)),
            pl.BlockSpec((ER, H), lambda i: (0, 0)),
            pl.BlockSpec((ER,), lambda i: (0,)),
            pl.BlockSpec((I, H), lambda i: (0, 0)),
            pl.BlockSpec((I, H), lambda i: (0, 0)),
            pl.BlockSpec((H, I), lambda i: (0, 0)),
        ],
        out_specs=[
            pl.BlockSpec((TB, 1), lambda i: (i, 0)),
            pl.BlockSpec((TB, 1), lambda i: (i, 0)),
            pl.BlockSpec((TB, 1), lambda i: (i, 0)),
            pl.BlockSpec((TB, 1), lambda i: (i, 0)),
            pl.BlockSpec((TB, H), lambda i: (i, 0)),
        ],
        out_shape=[
            jax.ShapeDtypeStruct((T, 1), jnp.int32),
            jax.ShapeDtypeStruct((T, 1), jnp.int32),
            jax.ShapeDtypeStruct((T, 1), jnp.float32),
            jax.ShapeDtypeStruct((T, 1), jnp.float32),
            jax.ShapeDtypeStruct((T, H), jnp.float32),
        ],
    )(xs, Wr, rb, sg, su, sd)
    return outs



def _dispatch_body(e1_hbm, e2_hbm, w1_hbm, w2_hbm, x_hbm,
                   xg_hbm, wg_hbm, pos_hbm, be_hbm,
                   e1_v, e2_v, w1_v, w2_v, stok_v,
                   tmp_v, allc_v, counts_sh, pos_sh, posb_v, sa2p_v, vals_v, swb_v,
                   rows_v, rows2_v, sem, sem2):
    sid = lax.axis_index("s")
    de1 = pltpu.make_async_copy(e1_hbm, e1_v, sem)
    de2 = pltpu.make_async_copy(e2_hbm, e2_v, sem2)
    de1.start()
    de2.start()
    lanes = lax.broadcasted_iota(jnp.int32, (L,), 0)
    zero_vec = jnp.zeros((L,), jnp.int32)

    def _shift(v, k):
        sh = v.at[jnp.maximum(lanes - k, 0)].get(mode="promise_in_bounds")
        return v + jnp.where(lanes >= k, sh, 0)

    def _prefix(v):
        for k in (1, 2, 4, 8):
            v = _shift(v, k)
        return v

    def _splat(v, i):
        return v.at[zero_vec + i].get(mode="promise_in_bounds")

    def init_body(i, c):
        stok_v[pl.ds(i * L, L)] = zero_vec
        return c
    lax.fori_loop(0, CAP // L, init_body, 0)
    de1.wait()
    de2.wait()
    dw1 = pltpu.make_async_copy(w1_hbm, w1_v, sem)
    dw2 = pltpu.make_async_copy(w2_hbm, w2_v, sem2)
    dw1.start()
    dw2.start()

    def scan_pass(e_v):
        def body(s2, cv):
            o = s2 * (2 * L)
            ids_a = e_v[pl.ds(o, L)]
            ids_b = e_v[pl.ds(o + L, L)]
            m_a = ids_a == sid
            m_b = ids_b == sid
            pref_a = _prefix(jnp.where(m_a, 1, 0))
            pref_b = _prefix(jnp.where(m_b, 1, 0))
            tot_a = _splat(pref_a, L - 1)
            plsc.store_scatter(stok_v, [cv + pref_a - 1], o + lanes, mask=m_a)
            plsc.store_scatter(stok_v, [cv + tot_a + pref_b - 1],
                               o + L + lanes, mask=m_b)
            return cv + tot_a + _splat(pref_b, L - 1)
        return body

    cv1 = lax.fori_loop(0, T // (2 * L), scan_pass(e1_v), zero_vec)
    cv = lax.fori_loop(0, T // (2 * L), scan_pass(e2_v), cv1)

    dw1.wait()
    dw2.wait()

    tmp_v[...] = jnp.where(lanes == sid, cv, 0)
    pltpu.sync_copy(tmp_v, counts_sh.at[sid])
    plsc.subcore_barrier()
    pltpu.sync_copy(counts_sh, allc_v)
    counts = jnp.zeros((L,), jnp.int32)
    for _e in range(NS):
        counts = counts + allc_v[_e]
    padded = ((counts + (CB - 1)) >> 8) << 8
    pincl = _prefix(padded)
    basev = pincl - padded
    cursor = cv[0]
    c1 = cv1[0]
    base = _splat(basev, sid)[0]

    nch = (cursor + (GC - 1)) >> 5

    def _gd(c, buf, s):
        idx = stok_v.at[pl.ds(pl.multiple_of(c * GC, L), GC)]
        return pltpu.make_async_copy(x_hbm.at[idx], buf, s)

    def _write(c, buf):
        pltpu.sync_copy(
            buf, xg_hbm.at[pl.ds(pl.multiple_of(base + c * GC, GC), GC)])

    def gather_pair(p, _):
        c0 = p * 2
        d0 = _gd(c0, rows_v, sem)
        d1 = _gd(c0 + 1, rows2_v, sem2)
        d0.start()
        d1.start()
        d0.wait()

        @pl.when(c0 < nch)
        def _w0():
            _write(c0, rows_v)
        d1.wait()

        @pl.when(c0 + 1 < nch)
        def _w1():
            _write(c0 + 1, rows2_v)
        return 0
    lax.fori_loop(0, (nch + 1) >> 1, gather_pair, 0)

    def wg_chunk(j, _):
        for q in range(CB // L):
            r0 = pl.multiple_of(j * CB, CB) + q * L
            toks = stok_v[pl.ds(r0, L)]
            wa = plsc.load_gather(w1_v, [toks])
            wb = plsc.load_gather(w2_v, [toks])
            swb_v[pl.ds(q * L, L)] = jnp.where(r0 + lanes >= c1, wb, wa)
        pltpu.sync_copy(
            swb_v, wg_hbm.at[pl.ds(pl.multiple_of(base + j * CB, CB), CB)])
        return 0
    lax.fori_loop(0, (cursor + (CB - 1)) >> 8, wg_chunk, 0)

    def pos_chunk(c, _):
        for q in range(PC // L):
            r0 = pl.multiple_of(c * PC, PC) + q * L
            r = r0 + lanes
            toks = stok_v[pl.ds(r0, L)]
            slot = toks + jnp.where(r >= c1, T, 0)
            slot = jnp.where(r >= cursor, SENT, slot)
            sa2p_v.at[c][pl.ds(q * L, L)] = slot
            vals_v[pl.ds(q * L, L)] = base + r
        d = pltpu.make_async_copy(vals_v, pos_sh.at[sa2p_v.at[c]], sem)
        d.start()
        d.wait()
        return 0
    lax.fori_loop(0, (cursor + (PC - 1)) >> 7, pos_chunk, 0)
    plsc.subcore_barrier()
    psl = POSN // NS
    pltpu.sync_copy(pos_sh.at[pl.ds(pl.multiple_of(sid * psl, psl), psl)],
                    posb_v)
    pltpu.sync_copy(posb_v,
                    pos_hbm.at[pl.ds(pl.multiple_of(sid * psl, psl), psl)])

    @pl.when(sid == EP - 1)
    def _tail():
        bblk = basev >> 8

        def be_slice(s, _):
            bv = s * L + lanes
            acc = jnp.zeros((L,), jnp.int32)
            for _e in range(EP):
                acc = acc + jnp.where(bv >= _splat(bblk, _e), 1, 0)
            tmp_v[...] = acc - 1
            pltpu.sync_copy(tmp_v, be_hbm.at[pl.ds(pl.multiple_of(s * L, L), L)])
            return 0
        lax.fori_loop(0, NB // L, be_slice, 0)


def _dispatch(e1, e2, w1, w2, xs):
    mesh = plsc.VectorSubcoreMesh(core_axis_name="c", subcore_axis_name="s",
                                  num_cores=1)
    f = pl.kernel(
        _dispatch_body,
        mesh=mesh,
        compiler_params=pltpu.CompilerParams(needs_layout_passes=False),
        out_type=[
            jax.ShapeDtypeStruct((PADT, H), jnp.float32),
            jax.ShapeDtypeStruct((PADT,), jnp.float32),
            jax.ShapeDtypeStruct((POSN,), jnp.int32),
            jax.ShapeDtypeStruct((NB,), jnp.int32),
        ],
        scratch_types=[
            pltpu.VMEM((T,), jnp.int32),
            pltpu.VMEM((T,), jnp.int32),
            pltpu.VMEM((T,), jnp.float32),
            pltpu.VMEM((T,), jnp.float32),
            pltpu.VMEM((CAP,), jnp.int32),
            pltpu.VMEM((L,), jnp.int32),
            pltpu.VMEM((NS, L), jnp.int32),
            pltpu.VMEM_SHARED((NS, L), jnp.int32),
            pltpu.VMEM_SHARED((POSN,), jnp.int32),
            pltpu.VMEM((POSN // NS,), jnp.int32),
            pltpu.VMEM((T // PC, PC), jnp.int32),
            pltpu.VMEM((PC,), jnp.int32),
            pltpu.VMEM((CB,), jnp.float32),
            pltpu.VMEM((GC, H), jnp.float32),
            pltpu.VMEM((GC, H), jnp.float32),
            pltpu.SemaphoreType.DMA,
            pltpu.SemaphoreType.DMA,
        ],
    )
    return f(e1, e2, w1, w2, xs)



def _group_body(be_ref, xg_ref, wg_ref, rg_ref, ru_ref, rd_ref, yg_ref):
    xb = xg_ref[...].astype(jnp.bfloat16)
    g = _dotT(xb, rg_ref[0])
    u = _dotT(xb, ru_ref[0])
    h = (_silu(g) * u * wg_ref[...]).astype(jnp.bfloat16)
    yg_ref[...] = _dotT(h, rd_ref[0])


def _grouped(be, xg, wg, rg_pad, ru_pad, rd_pad):
    grid_spec = pltpu.PrefetchScalarGridSpec(
        num_scalar_prefetch=1,
        grid=(NB,),
        in_specs=[
            pl.BlockSpec((CB, H), lambda j, be: (j, 0)),
            pl.BlockSpec((CB, 1), lambda j, be: (j, 0)),
            pl.BlockSpec((1, I, H), lambda j, be: (be[j], 0, 0)),
            pl.BlockSpec((1, I, H), lambda j, be: (be[j], 0, 0)),
            pl.BlockSpec((1, H, I), lambda j, be: (be[j], 0, 0)),
        ],
        out_specs=pl.BlockSpec((CB, H), lambda j, be: (j, 0)),
    )
    return pl.pallas_call(
        _group_body,
        grid_spec=grid_spec,
        out_shape=jax.ShapeDtypeStruct((PADT, H), jnp.float32),
    )(be, xg, wg.reshape(PADT, 1), rg_pad, ru_pad, rd_pad)



def _gcombine_body(yg_hbm, pos_hbm, y0_hbm, y1_hbm,
                   pos_v, rows_v, rows2_v, sem, sem2):
    wid = lax.axis_index("c") * NS + lax.axis_index("s")
    t0 = pl.multiple_of(wid * (T // 32), T // 32)
    pltpu.sync_copy(pos_hbm.at[pl.ds(t0, T // 32)], pos_v.at[0])
    pltpu.sync_copy(pos_hbm.at[pl.ds(T + t0, T // 32)], pos_v.at[1])
    nc = (T // 32) // SC_C

    def _gd(k, c, buf, s):
        idx = pos_v.at[k, pl.ds(c * SC_C, SC_C)]
        return pltpu.make_async_copy(yg_hbm.at[idx], buf, s)

    def _wr(dst, c, buf):
        pltpu.sync_copy(
            buf, dst.at[pl.ds(pl.multiple_of(t0 + c * SC_C, SC_C), SC_C)])

    for k, dst in ((0, y0_hbm), (1, y1_hbm)):
        for c in range(0, nc, 2):
            d0 = _gd(k, c, rows_v, sem)
            d1 = _gd(k, c + 1, rows2_v, sem2)
            d0.start()
            d1.start()
            d0.wait()
            _wr(dst, c, rows_v)
            d1.wait()
            _wr(dst, c + 1, rows2_v)


def _gcombine(yg, pos):
    mesh = plsc.VectorSubcoreMesh(core_axis_name="c", subcore_axis_name="s")
    f = pl.kernel(
        _gcombine_body,
        mesh=mesh,
        compiler_params=pltpu.CompilerParams(needs_layout_passes=False),
        out_type=[
            jax.ShapeDtypeStruct((T, H), jnp.float32),
            jax.ShapeDtypeStruct((T, H), jnp.float32),
        ],
        scratch_types=[
            pltpu.VMEM((2, T // 32), jnp.int32),
            pltpu.VMEM((SC_C, H), jnp.float32),
            pltpu.VMEM((SC_C, H), jnp.float32),
            pltpu.SemaphoreType.DMA,
            pltpu.SemaphoreType.DMA,
        ],
    )
    return f(yg, pos)



def _combine_body(sh_ref, y0_ref, y1_ref, out_ref):
    out_ref[...] = sh_ref[...] + y0_ref[...] + y1_ref[...]


def _combine(sh, y0, y1):
    return pl.pallas_call(
        _combine_body,
        grid=(T // TB,),
        in_specs=[
            pl.BlockSpec((TB, H), lambda i: (i, 0)),
            pl.BlockSpec((TB, H), lambda i: (i, 0)),
            pl.BlockSpec((TB, H), lambda i: (i, 0)),
        ],
        out_specs=pl.BlockSpec((TB, H), lambda i: (i, 0)),
        out_shape=jax.ShapeDtypeStruct((T, H), jnp.float32),
    )(sh, y0, y1)


def kernel(x, sg, su, sd, rg, ru, rd, Wr, rb):
    orig_shape = x.shape
    xs = x.reshape(-1, H)
    e1, e2, w1, w2, sh = _router(xs, Wr, rb, sg, su, sd)
    xg, wg, pos, be = _dispatch(e1.reshape(-1), e2.reshape(-1),
                                w1.reshape(-1), w2.reshape(-1), xs)
    zpad = jnp.zeros((1,) + rg.shape[1:], jnp.bfloat16)
    rg_pad = jnp.concatenate([rg.astype(jnp.bfloat16), zpad], axis=0)
    ru_pad = jnp.concatenate([ru.astype(jnp.bfloat16), zpad], axis=0)
    rd_pad = jnp.concatenate(
        [rd.astype(jnp.bfloat16),
         jnp.zeros((1,) + rd.shape[1:], jnp.bfloat16)], axis=0)
    yg = _grouped(be, xg, wg, rg_pad, ru_pad, rd_pad)
    y0, y1 = _gcombine(yg, pos)
    out = _combine(sh, y0, y1)
    return out.reshape(orig_shape)

# --- scband reference (transcript-rebuilt; emitter-appended) ---
"""Pipeline reference for scband-deep-seek-mo-e-14139032338629 (READ-ONLY COPY).

The authoritative reference and input builder live on the scoring server;
editing this copy changes nothing except your own understanding.
"""

import jax, jax.numpy as jnp
import numpy as np

H = 1024
I = 256  # hidden_size * mlp_ratio
ER = 15  # num_experts - num_shared
TOPK = 2
B = 2
S = 2048


def setup_inputs(seed: int = 0) -> dict:
    key = jax.random.key(seed)
    ks = jax.random.split(key, 10)
    x = jax.random.normal(ks[0], (B, S, H), dtype=jnp.float32)
    sg = jax.random.normal(ks[1], (I, H), dtype=jnp.float32) * 0.02
    su = jax.random.normal(ks[2], (I, H), dtype=jnp.float32) * 0.02
    sd = jax.random.normal(ks[3], (H, I), dtype=jnp.float32) * 0.02
    rg = jax.random.normal(ks[4], (ER, I, H), dtype=jnp.float32) * 0.02
    ru = jax.random.normal(ks[5], (ER, I, H), dtype=jnp.float32) * 0.02
    rd = jax.random.normal(ks[6], (ER, H, I), dtype=jnp.float32) * 0.02
    Wr = jax.random.normal(ks[7], (ER, H), dtype=jnp.float32) * 0.02
    rb = jnp.zeros((ER,), dtype=jnp.float32)
    return {"x": x, "sg": sg, "su": su, "sd": sd, "rg": rg, "ru": ru, "rd": rd, "Wr": Wr, "rb": rb}


def _silu(v):
    return v * jax.nn.sigmoid(v)


def reference(x, sg, su, sd, rg, ru, rd, Wr, rb):
    orig_shape = x.shape
    xs = x.reshape(-1, H)
    # shared experts (num_shared = 1, averaged)
    shared = (_silu(xs @ sg.T) * (xs @ su.T)) @ sd.T
    # router
    logits = xs @ Wr.T + rb
    probs = jax.nn.sigmoid(logits)
    topv, topi = jax.lax.top_k(probs, TOPK)
    topv = topv / jnp.sum(topv, axis=-1, keepdims=True)
    # per-token per-expert combine weight [T, ER]
    onehot = jax.nn.one_hot(topi, ER, dtype=xs.dtype)  # [T, K, ER]
    w = jnp.einsum('tk,tke->te', topv, onehot)
    # routed experts (dense-equivalent: weight is 0 for non-selected experts)
    g = jnp.einsum('th,eih->tei', xs, rg)
    u = jnp.einsum('th,eih->tei', xs, ru)
    hmid = _silu(g) * u
    hw = hmid * w[:, :, None]
    routed = jnp.einsum('tei,ehi->th', hw, rd)
    out = (shared + routed).reshape(orig_shape)
    return out

if __name__ == "__main__":
    import jax
    _d = setup_inputs()
    print(jax.jit(kernel)(*tuple(_d.values())))

</pallas_src>

<mosaic_0001>
#map = affine_map<(d0, d1) -> (0, 0)>
#map1 = affine_map<(d0, d1) -> (0)>
module attributes {stable_mosaic.version = 14 : i64} {
  func.func @_gcombine_body(%arg0: i32, %arg1: i32, %arg2: memref<12288x1024xf32, #tpu.memory_space<hbm>>, %arg3: memref<8448xi32, #tpu.memory_space<hbm>>, %arg4: memref<4096x1024xf32, #tpu.memory_space<hbm>>, %arg5: memref<4096x1024xf32, #tpu.memory_space<hbm>>, %arg6: memref<2x128xi32, #tpu.memory_space<vmem>>, %arg7: memref<32x1024xf32, #tpu.memory_space<vmem>>, %arg8: memref<32x1024xf32, #tpu.memory_space<vmem>>, %arg9: memref<!tpu.dma_semaphore, #tpu.memory_space<semaphore_mem>>, %arg10: memref<!tpu.dma_semaphore, #tpu.memory_space<semaphore_mem>>) attributes {dimension_semantics = [#tpu.dimension_semantics<core_parallel>, #tpu.dimension_semantics<subcore_parallel>], iteration_bounds = array<i64: 2, 16>, scalar_prefetch = 0 : i64, scratch_operands = 5 : i64, tpu.core_type = #tpu.core_type<sc_vector_subcore>, window_params = [{transform_indices = #map}, {transform_indices = #map1}, {transform_indices = #map}, {transform_indices = #map}]} {
    %mul3A = arith.constant 16 : i32
    %mul3A_0 = arith.muli %arg0, %mul3A : i32
    %add3A = arith.addi %mul3A_0, %arg1 : i32
    %mul3A_1 = arith.constant 128 : i32
    %mul3A_2 = arith.muli %add3A, %mul3A_1 : i32
    %multiple_of3A = tpu.assume_multiple %mul3A_2, 128 : i32
    %run_scoped3A = arith.constant 0 : i32
    "tpu.region"() ({
      %run_scoped3A_140 = tpu.sem_alloc : memref<!tpu.dma_semaphore, #tpu.memory_space<semaphore_mem>>
      %dma_start3A_141 = arith.constant 0 : i32
      %dma_start3A_142 = tpu.memref_slice %arg6[%run_scoped3A, %dma_start3A_141] : memref<2x128xi32, #tpu.memory_space<vmem>> -> memref<1x128xi32, #tpu.memory_space<vmem>>
      %dma_start3A_143 = tpu.memref_squeeze %dma_start3A_142 : memref<1x128xi32, #tpu.memory_space<vmem>> -> memref<128xi32, #tpu.memory_space<vmem>>
      %dma_start3A_144 = tpu.memref_slice %arg3[%multiple_of3A] : memref<8448xi32, #tpu.memory_space<hbm>> -> memref<128xi32, #tpu.memory_space<hbm>>
      %dma_start3A_145 = arith.constant 0 : i32
      %dma_start3A_146 = tpu.memref_slice %arg6[%run_scoped3A, %dma_start3A_145] : memref<2x128xi32, #tpu.memory_space<vmem>> -> memref<1x128xi32, #tpu.memory_space<vmem>>
      %dma_start3A_147 = tpu.memref_squeeze %dma_start3A_146 : memref<1x128xi32, #tpu.memory_space<vmem>> -> memref<128xi32, #tpu.memory_space<vmem>>
      %dma_start3A_148 = tpu.memref_slice %arg3[%multiple_of3A] : memref<8448xi32, #tpu.memory_space<hbm>> -> memref<128xi32, #tpu.memory_space<hbm>>
      tpu.enqueue_dma source(%dma_start3A_148 : memref<128xi32, #tpu.memory_space<hbm>>) target(%dma_start3A_147 : memref<128xi32, #tpu.memory_space<vmem>>) target_semaphore(%run_scoped3A_140 : memref<!tpu.dma_semaphore, #tpu.memory_space<semaphore_mem>>)
      %dma_wait3A_149 = arith.constant 0 : i32
      %dma_wait3A_150 = tpu.memref_slice %arg6[%run_scoped3A, %dma_wait3A_149] : memref<2x128xi32, #tpu.memory_space<vmem>> -> memref<1x128xi32, #tpu.memory_space<vmem>>
      %dma_wait3A_151 = tpu.memref_squeeze %dma_wait3A_150 : memref<1x128xi32, #tpu.memory_space<vmem>> -> memref<128xi32, #tpu.memory_space<vmem>>
      %dma_wait3A_152 = tpu.memref_slice %arg3[%multiple_of3A] : memref<8448xi32, #tpu.memory_space<hbm>> -> memref<128xi32, #tpu.memory_space<hbm>>
      %dma_wait3A_153 = arith.constant 0 : i32
      %dma_wait3A_154 = tpu.memref_slice %arg6[%run_scoped3A, %dma_wait3A_153] : memref<2x128xi32, #tpu.memory_space<vmem>> -> memref<1x128xi32, #tpu.memory_space<vmem>>
      %dma_wait3A_155 = tpu.memref_squeeze %dma_wait3A_154 : memref<1x128xi32, #tpu.memory_space<vmem>> -> memref<128xi32, #tpu.memory_space<vmem>>
      %dma_wait3A_156 = tpu.memref_slice %arg3[%multiple_of3A] : memref<8448xi32, #tpu.memory_space<hbm>> -> memref<128xi32, #tpu.memory_space<hbm>>
      tpu.wait_dma2 semaphore(%run_scoped3A_140 : memref<!tpu.dma_semaphore, #tpu.memory_space<semaphore_mem>>) src(%dma_wait3A_156 : memref<128xi32, #tpu.memory_space<hbm>>) dst(%dma_wait3A_155 : memref<128xi32, #tpu.memory_space<vmem>>)
      tpu.yield
    }) : () -> ()
    %add3A_3 = arith.constant 4096 : i32
    %add3A_4 = arith.addi %add3A_3, %multiple_of3A : i32
    %run_scoped3A_5 = arith.constant 1 : i32
    "tpu.region"() ({
      %run_scoped3A_140 = tpu.sem_alloc : memref<!tpu.dma_semaphore, #tpu.memory_space<semaphore_mem>>
      %dma_start3A_141 = arith.constant 0 : i32
      %dma_start3A_142 = tpu.memref_slice %arg6[%run_scoped3A_5, %dma_start3A_141] : memref<2x128xi32, #tpu.memory_space<vmem>> -> memref<1x128xi32, #tpu.memory_space<vmem>>
      %dma_start3A_143 = tpu.memref_squeeze %dma_start3A_142 : memref<1x128xi32, #tpu.memory_space<vmem>> -> memref<128xi32, #tpu.memory_space<vmem>>
      %dma_start3A_144 = tpu.memref_slice %arg3[%add3A_4] : memref<8448xi32, #tpu.memory_space<hbm>> -> memref<128xi32, #tpu.memory_space<hbm>>
      %dma_start3A_145 = arith.constant 0 : i32
      %dma_start3A_146 = tpu.memref_slice %arg6[%run_scoped3A_5, %dma_start3A_145] : memref<2x128xi32, #tpu.memory_space<vmem>> -> memref<1x128xi32, #tpu.memory_space<vmem>>
      %dma_start3A_147 = tpu.memref_squeeze %dma_start3A_146 : memref<1x128xi32, #tpu.memory_space<vmem>> -> memref<128xi32, #tpu.memory_space<vmem>>
      %dma_start3A_148 = tpu.memref_slice %arg3[%add3A_4] : memref<8448xi32, #tpu.memory_space<hbm>> -> memref<128xi32, #tpu.memory_space<hbm>>
      tpu.enqueue_dma source(%dma_start3A_148 : memref<128xi32, #tpu.memory_space<hbm>>) target(%dma_start3A_147 : memref<128xi32, #tpu.memory_space<vmem>>) target_semaphore(%run_scoped3A_140 : memref<!tpu.dma_semaphore, #tpu.memory_space<semaphore_mem>>)
      %dma_wait3A_149 = arith.constant 0 : i32
      %dma_wait3A_150 = tpu.memref_slice %arg6[%run_scoped3A_5, %dma_wait3A_149] : memref<2x128xi32, #tpu.memory_space<vmem>> -> memref<1x128xi32, #tpu.memory_space<vmem>>
      %dma_wait3A_151 = tpu.memref_squeeze %dma_wait3A_150 : memref<1x128xi32, #tpu.memory_space<vmem>> -> memref<128xi32, #tpu.memory_space<vmem>>
      %dma_wait3A_152 = tpu.memref_slice %arg3[%add3A_4] : memref<8448xi32, #tpu.memory_space<hbm>> -> memref<128xi32, #tpu.memory_space<hbm>>
      %dma_wait3A_153 = arith.constant 0 : i32
      %dma_wait3A_154 = tpu.memref_slice %arg6[%run_scoped3A_5, %dma_wait3A_153] : memref<2x128xi32, #tpu.memory_space<vmem>> -> memref<1x128xi32, #tpu.memory_space<vmem>>
      %dma_wait3A_155 = tpu.memref_squeeze %dma_wait3A_154 : memref<1x128xi32, #tpu.memory_space<vmem>> -> memref<128xi32, #tpu.memory_space<vmem>>
      %dma_wait3A_156 = tpu.memref_slice %arg3[%add3A_4] : memref<8448xi32, #tpu.memory_space<hbm>> -> memref<128xi32, #tpu.memory_space<hbm>>
      tpu.wait_dma2 semaphore(%run_scoped3A_140 : memref<!tpu.dma_semaphore, #tpu.memory_space<semaphore_mem>>) src(%dma_wait3A_156 : memref<128xi32, #tpu.memory_space<hbm>>) dst(%dma_wait3A_155 : memref<128xi32, #tpu.memory_space<vmem>>)
      tpu.yield
    }) : () -> ()
    %dma_start3A = arith.constant 0 : i32
    %dma_start3A_6 = arith.constant 0 : i32
    %dma_start3A_7 = tpu.memref_slice %arg6[%dma_start3A, %dma_start3A_6] : memref<2x128xi32, #tpu.memory_space<vmem>> -> memref<1x32xi32, #tpu.memory_space<vmem>>
    %dma_start3A_8 = tpu.memref_squeeze %dma_start3A_7 : memref<1x32xi32, #tpu.memory_space<vmem>> -> memref<32xi32, #tpu.memory_space<vmem>>
    %dma_start3A_9 = arith.constant 0 : i32
    %dma_start3A_10 = arith.constant 0 : i32
    %dma_start3A_11 = tpu.memref_slice %arg2[%dma_start3A_9, %dma_start3A_10] : memref<12288x1024xf32, #tpu.memory_space<hbm>> -> memref<12288x1024xf32, #tpu.memory_space<hbm>>
    tpu.enqueue_indirect_dma source(%dma_start3A_11 : memref<12288x1024xf32, #tpu.memory_space<hbm>>) target(%arg7 : memref<32x1024xf32, #tpu.memory_space<vmem>>) offsets(%dma_start3A_8 : memref<32xi32, #tpu.memory_space<vmem>>) semaphore(%arg9 : memref<!tpu.dma_semaphore, #tpu.memory_space<semaphore_mem>>)
    %dma_start3A_12 = arith.constant 0 : i32
    %dma_start3A_13 = arith.constant 32 : i32
    %dma_start3A_14 = tpu.memref_slice %arg6[%dma_start3A_12, %dma_start3A_13] : memref<2x128xi32, #tpu.memory_space<vmem>> -> memref<1x32xi32, #tpu.memory_space<vmem>>
    %dma_start3A_15 = tpu.memref_squeeze %dma_start3A_14 : memref<1x32xi32, #tpu.memory_space<vmem>> -> memref<32xi32, #tpu.memory_space<vmem>>
    %dma_start3A_16 = arith.constant 0 : i32
    %dma_start3A_17 = arith.constant 0 : i32
    %dma_start3A_18 = tpu.memref_slice %arg2[%dma_start3A_16, %dma_start3A_17] : memref<12288x1024xf32, #tpu.memory_space<hbm>> -> memref<12288x1024xf32, #tpu.memory_space<hbm>>
    tpu.enqueue_indirect_dma source(%dma_start3A_18 : memref<12288x1024xf32, #tpu.memory_space<hbm>>) target(%arg8 : memref<32x1024xf32, #tpu.memory_space<vmem>>) offsets(%dma_start3A_15 : memref<32xi32, #tpu.memory_space<vmem>>) semaphore(%arg10 : memref<!tpu.dma_semaphore, #tpu.memory_space<semaphore_mem>>)
    %dma_wait3A = arith.constant 0 : i32
    %dma_wait3A_19 = arith.constant 0 : i32
    %dma_wait3A_20 = tpu.memref_slice %arg6[%dma_wait3A, %dma_wait3A_19] : memref<2x128xi32, #tpu.memory_space<vmem>> -> memref<1x32xi32, #tpu.memory_space<vmem>>
    %dma_wait3A_21 = tpu.memref_squeeze %dma_wait3A_20 : memref<1x32xi32, #tpu.memory_space<vmem>> -> memref<32xi32, #tpu.memory_space<vmem>>
    %dma_wait3A_22 = arith.constant 0 : i32
    %dma_wait3A_23 = arith.constant 0 : i32
    %dma_wait3A_24 = tpu.memref_slice %arg2[%dma_wait3A_22, %dma_wait3A_23] : memref<12288x1024xf32, #tpu.memory_space<hbm>> -> memref<12288x1024xf32, #tpu.memory_space<hbm>>
    tpu.wait_indirect_dma semaphore(%arg9 : memref<!tpu.dma_semaphore, #tpu.memory_space<semaphore_mem>>) src(%dma_wait3A_24 : memref<12288x1024xf32, #tpu.memory_space<hbm>>) dst(%arg7 : memref<32x1024xf32, #tpu.memory_space<vmem>>)
    %add3A_25 = arith.constant 0 : i32
    %add3A_26 = arith.addi %multiple_of3A, %add3A_25 : i32
    %multiple_of3A_27 = tpu.assume_multiple %add3A_26, 32 : i32
    "tpu.region"() ({
      %run_scoped3A_140 = tpu.sem_alloc : memref<!tpu.dma_semaphore, #tpu.memory_space<semaphore_mem>>
      %dma_start3A_141 = arith.constant 0 : i32
      %dma_start3A_142 = tpu.memref_slice %arg4[%multiple_of3A_27, %dma_start3A_141] : memref<4096x1024xf32, #tpu.memory_space<hbm>> -> memref<32x1024xf32, #tpu.memory_space<hbm>>
      %dma_start3A_143 = arith.constant 0 : i32
      %dma_start3A_144 = tpu.memref_slice %arg4[%multiple_of3A_27, %dma_start3A_143] : memref<4096x1024xf32, #tpu.memory_space<hbm>> -> memref<32x1024xf32, #tpu.memory_space<hbm>>
      tpu.enqueue_dma source(%arg7 : memref<32x1024xf32, #tpu.memory_space<vmem>>) target(%dma_start3A_144 : memref<32x1024xf32, #tpu.memory_space<hbm>>) target_semaphore(%run_scoped3A_140 : memref<!tpu.dma_semaphore, #tpu.memory_space<semaphore_mem>>)
      %dma_wait3A_145 = arith.constant 0 : i32
      %dma_wait3A_146 = tpu.memref_slice %arg4[%multiple_of3A_27, %dma_wait3A_145] : memref<4096x1024xf32, #tpu.memory_space<hbm>> -> memref<32x1024xf32, #tpu.memory_space<hbm>>
      %dma_wait3A_147 = arith.constant 0 : i32
      %dma_wait3A_148 = tpu.memref_slice %arg4[%multiple_of3A_27, %dma_wait3A_147] : memref<4096x1024xf32, #tpu.memory_space<hbm>> -> memref<32x1024xf32, #tpu.memory_space<hbm>>
      tpu.wait_dma2 semaphore(%run_scoped3A_140 : memref<!tpu.dma_semaphore, #tpu.memory_space<semaphore_mem>>) src(%arg7 : memref<32x1024xf32, #tpu.memory_space<vmem>>) dst(%dma_wait3A_148 : memref<32x1024xf32, #tpu.memory_space<hbm>>)
      tpu.yield
    }) : () -> ()
    %dma_wait3A_28 = arith.constant 0 : i32
    %dma_wait3A_29 = arith.constant 32 : i32
    %dma_wait3A_30 = tpu.memref_slice %arg6[%dma_wait3A_28, %dma_wait3A_29] : memref<2x128xi32, #tpu.memory_space<vmem>> -> memref<1x32xi32, #tpu.memory_space<vmem>>
    %dma_wait3A_31 = tpu.memref_squeeze %dma_wait3A_30 : memref<1x32xi32, #tpu.memory_space<vmem>> -> memref<32xi32, #tpu.memory_space<vmem>>
    %dma_wait3A_32 = arith.constant 0 : i32
    %dma_wait3A_33 = arith.constant 0 : i32
    %dma_wait3A_34 = tpu.memref_slice %arg2[%dma_wait3A_32, %dma_wait3A_33] : memref<12288x1024xf32, #tpu.memory_space<hbm>> -> memref<12288x1024xf32, #tpu.memory_space<hbm>>
    tpu.wait_indirect_dma semaphore(%arg10 : memref<!tpu.dma_semaphore, #tpu.memory_space<semaphore_mem>>) src(%dma_wait3A_34 : memref<12288x1024xf32, #tpu.memory_space<hbm>>) dst(%arg8 : memref<32x1024xf32, #tpu.memory_space<vmem>>)
    %add3A_35 = arith.constant 32 : i32
    %add3A_36 = arith.addi %multiple_of3A, %add3A_35 : i32
    %multiple_of3A_37 = tpu.assume_multiple %add3A_36, 32 : i32
    "tpu.region"() ({
      %run_scoped3A_140 = tpu.sem_alloc : memref<!tpu.dma_semaphore, #tpu.memory_space<semaphore_mem>>
      %dma_start3A_141 = arith.constant 0 : i32
      %dma_start3A_142 = tpu.memref_slice %arg4[%multiple_of3A_37, %dma_start3A_141] : memref<4096x1024xf32, #tpu.memory_space<hbm>> -> memref<32x1024xf32, #tpu.memory_space<hbm>>
      %dma_start3A_143 = arith.constant 0 : i32
      %dma_start3A_144 = tpu.memref_slice %arg4[%multiple_of3A_37, %dma_start3A_143] : memref<4096x1024xf32, #tpu.memory_space<hbm>> -> memref<32x1024xf32, #tpu.memory_space<hbm>>
      tpu.enqueue_dma source(%arg8 : memref<32x1024xf32, #tpu.memory_space<vmem>>) target(%dma_start3A_144 : memref<32x1024xf32, #tpu.memory_space<hbm>>) target_semaphore(%run_scoped3A_140 : memref<!tpu.dma_semaphore, #tpu.memory_space<semaphore_mem>>)
      %dma_wait3A_145 = arith.constant 0 : i32
      %dma_wait3A_146 = tpu.memref_slice %arg4[%multiple_of3A_37, %dma_wait3A_145] : memref<4096x1024xf32, #tpu.memory_space<hbm>> -> memref<32x1024xf32, #tpu.memory_space<hbm>>
      %dma_wait3A_147 = arith.constant 0 : i32
      %dma_wait3A_148 = tpu.memref_slice %arg4[%multiple_of3A_37, %dma_wait3A_147] : memref<4096x1024xf32, #tpu.memory_space<hbm>> -> memref<32x1024xf32, #tpu.memory_space<hbm>>
      tpu.wait_dma2 semaphore(%run_scoped3A_140 : memref<!tpu.dma_semaphore, #tpu.memory_space<semaphore_mem>>) src(%arg8 : memref<32x1024xf32, #tpu.memory_space<vmem>>) dst(%dma_wait3A_148 : memref<32x1024xf32, #tpu.memory_space<hbm>>)
      tpu.yield
    }) : () -> ()
    %dma_start3A_38 = arith.constant 0 : i32
    %dma_start3A_39 = arith.constant 64 : i32
    %dma_start3A_40 = tpu.memref_slice %arg6[%dma_start3A_38, %dma_start3A_39] : memref<2x128xi32, #tpu.memory_space<vmem>> -> memref<1x32xi32, #tpu.memory_space<vmem>>
    %dma_start3A_41 = tpu.memref_squeeze %dma_start3A_40 : memref<1x32xi32, #tpu.memory_space<vmem>> -> memref<32xi32, #tpu.memory_space<vmem>>
    %dma_start3A_42 = arith.constant 0 : i32
    %dma_start3A_43 = arith.constant 0 : i32
    %dma_start3A_44 = tpu.memref_slice %arg2[%dma_start3A_42, %dma_start3A_43] : memref<12288x1024xf32, #tpu.memory_space<hbm>> -> memref<12288x1024xf32, #tpu.memory_space<hbm>>
    tpu.enqueue_indirect_dma source(%dma_start3A_44 : memref<12288x1024xf32, #tpu.memory_space<hbm>>) target(%arg7 : memref<32x1024xf32, #tpu.memory_space<vmem>>) offsets(%dma_start3A_41 : memref<32xi32, #tpu.memory_space<vmem>>) semaphore(%arg9 : memref<!tpu.dma_semaphore, #tpu.memory_space<semaphore_mem>>)
    %dma_start3A_45 = arith.constant 0 : i32
    %dma_start3A_46 = arith.constant 96 : i32
    %dma_start3A_47 = tpu.memref_slice %arg6[%dma_start3A_45, %dma_start3A_46] : memref<2x128xi32, #tpu.memory_space<vmem>> -> memref<1x32xi32, #tpu.memory_space<vmem>>
    %dma_start3A_48 = tpu.memref_squeeze %dma_start3A_47 : memref<1x32xi32, #tpu.memory_space<vmem>> -> memref<32xi32, #tpu.memory_space<vmem>>
    %dma_start3A_49 = arith.constant 0 : i32
    %dma_start3A_50 = arith.constant 0 : i32
    %dma_start3A_51 = tpu.memref_slice %arg2[%dma_start3A_49, %dma_start3A_50] : memref<12288x1024xf32, #tpu.memory_space<hbm>> -> memref<12288x1024xf32, #tpu.memory_space<hbm>>
    tpu.enqueue_indirect_dma source(%dma_start3A_51 : memref<12288x1024xf32, #tpu.memory_space<hbm>>) target(%arg8 : memref<32x1024xf32, #tpu.memory_space<vmem>>) offsets(%dma_start3A_48 : memref<32xi32, #tpu.memory_space<vmem>>) semaphore(%arg10 : memref<!tpu.dma_semaphore, #tpu.memory_space<semaphore_mem>>)
    %dma_wait3A_52 = arith.constant 0 : i32
    %dma_wait3A_53 = arith.constant 64 : i32
    %dma_wait3A_54 = tpu.memref_slice %arg6[%dma_wait3A_52, %dma_wait3A_53] : memref<2x128xi32, #tpu.memory_space<vmem>> -> memref<1x32xi32, #tpu.memory_space<vmem>>
    %dma_wait3A_55 = tpu.memref_squeeze %dma_wait3A_54 : memref<1x32xi32, #tpu.memory_space<vmem>> -> memref<32xi32, #tpu.memory_space<vmem>>
    %dma_wait3A_56 = arith.constant 0 : i32
    %dma_wait3A_57 = arith.constant 0 : i32
    %dma_wait3A_58 = tpu.memref_slice %arg2[%dma_wait3A_56, %dma_wait3A_57] : memref<12288x1024xf32, #tpu.memory_space<hbm>> -> memref<12288x1024xf32, #tpu.memory_space<hbm>>
    tpu.wait_indirect_dma semaphore(%arg9 : memref<!tpu.dma_semaphore, #tpu.memory_space<semaphore_mem>>) src(%dma_wait3A_58 : memref<12288x1024xf32, #tpu.memory_space<hbm>>) dst(%arg7 : memref<32x1024xf32, #tpu.memory_space<vmem>>)
    %add3A_59 = arith.constant 64 : i32
    %add3A_60 = arith.addi %multiple_of3A, %add3A_59 : i32
    %multiple_of3A_61 = tpu.assume_multiple %add3A_60, 32 : i32
    "tpu.region"() ({
      %run_scoped3A_140 = tpu.sem_alloc : memref<!tpu.dma_semaphore, #tpu.memory_space<semaphore_mem>>
      %dma_start3A_141 = arith.constant 0 : i32
      %dma_start3A_142 = tpu.memref_slice %arg4[%multiple_of3A_61, %dma_start3A_141] : memref<4096x1024xf32, #tpu.memory_space<hbm>> -> memref<32x1024xf32, #tpu.memory_space<hbm>>
      %dma_start3A_143 = arith.constant 0 : i32
      %dma_start3A_144 = tpu.memref_slice %arg4[%multiple_of3A_61, %dma_start3A_143] : memref<4096x1024xf32, #tpu.memory_space<hbm>> -> memref<32x1024xf32, #tpu.memory_space<hbm>>
      tpu.enqueue_dma source(%arg7 : memref<32x1024xf32, #tpu.memory_space<vmem>>) target(%dma_start3A_144 : memref<32x1024xf32, #tpu.memory_space<hbm>>) target_semaphore(%run_scoped3A_140 : memref<!tpu.dma_semaphore, #tpu.memory_space<semaphore_mem>>)
      %dma_wait3A_145 = arith.constant 0 : i32
      %dma_wait3A_146 = tpu.memref_slice %arg4[%multiple_of3A_61, %dma_wait3A_145] : memref<4096x1024xf32, #tpu.memory_space<hbm>> -> memref<32x1024xf32, #tpu.memory_space<hbm>>
      %dma_wait3A_147 = arith.constant 0 : i32
      %dma_wait3A_148 = tpu.memref_slice %arg4[%multiple_of3A_61, %dma_wait3A_147] : memref<4096x1024xf32, #tpu.memory_space<hbm>> -> memref<32x1024xf32, #tpu.memory_space<hbm>>
      tpu.wait_dma2 semaphore(%run_scoped3A_140 : memref<!tpu.dma_semaphore, #tpu.memory_space<semaphore_mem>>) src(%arg7 : memref<32x1024xf32, #tpu.memory_space<vmem>>) dst(%dma_wait3A_148 : memref<32x1024xf32, #tpu.memory_space<hbm>>)
      tpu.yield
    }) : () -> ()
    %dma_wait3A_62 = arith.constant 0 : i32
    %dma_wait3A_63 = arith.constant 96 : i32
    %dma_wait3A_64 = tpu.memref_slice %arg6[%dma_wait3A_62, %dma_wait3A_63] : memref<2x128xi32, #tpu.memory_space<vmem>> -> memref<1x32xi32, #tpu.memory_space<vmem>>
    %dma_wait3A_65 = tpu.memref_squeeze %dma_wait3A_64 : memref<1x32xi32, #tpu.memory_space<vmem>> -> memref<32xi32, #tpu.memory_space<vmem>>
    %dma_wait3A_66 = arith.constant 0 : i32
    %dma_wait3A_67 = arith.constant 0 : i32
    %dma_wait3A_68 = tpu.memref_slice %arg2[%dma_wait3A_66, %dma_wait3A_67] : memref<12288x1024xf32, #tpu.memory_space<hbm>> -> memref<12288x1024xf32, #tpu.memory_space<hbm>>
    tpu.wait_indirect_dma semaphore(%arg10 : memref<!tpu.dma_semaphore, #tpu.memory_space<semaphore_mem>>) src(%dma_wait3A_68 : memref<12288x1024xf32, #tpu.memory_space<hbm>>) dst(%arg8 : memref<32x1024xf32, #tpu.memory_space<vmem>>)
    %add3A_69 = arith.constant 96 : i32
    %add3A_70 = arith.addi %multiple_of3A, %add3A_69 : i32
    %multiple_of3A_71 = tpu.assume_multiple %add3A_70, 32 : i32
    "tpu.region"() ({
      %run_scoped3A_140 = tpu.sem_alloc : memref<!tpu.dma_semaphore, #tpu.memory_space<semaphore_mem>>
      %dma_start3A_141 = arith.constant 0 : i32
      %dma_start3A_142 = tpu.memref_slice %arg4[%multiple_of3A_71, %dma_start3A_141] : memref<4096x1024xf32, #tpu.memory_space<hbm>> -> memref<32x1024xf32, #tpu.memory_space<hbm>>
      %dma_start3A_143 = arith.constant 0 : i32
      %dma_start3A_144 = tpu.memref_slice %arg4[%multiple_of3A_71, %dma_start3A_143] : memref<4096x1024xf32, #tpu.memory_space<hbm>> -> memref<32x1024xf32, #tpu.memory_space<hbm>>
      tpu.enqueue_dma source(%arg8 : memref<32x1024xf32, #tpu.memory_space<vmem>>) target(%dma_start3A_144 : memref<32x1024xf32, #tpu.memory_space<hbm>>) target_semaphore(%run_scoped3A_140 : memref<!tpu.dma_semaphore, #tpu.memory_space<semaphore_mem>>)
      %dma_wait3A_145 = arith.constant 0 : i32
      %dma_wait3A_146 = tpu.memref_slice %arg4[%multiple_of3A_71, %dma_wait3A_145] : memref<4096x1024xf32, #tpu.memory_space<hbm>> -> memref<32x1024xf32, #tpu.memory_space<hbm>>
      %dma_wait3A_147 = arith.constant 0 : i32
      %dma_wait3A_148 = tpu.memref_slice %arg4[%multiple_of3A_71, %dma_wait3A_147] : memref<4096x1024xf32, #tpu.memory_space<hbm>> -> memref<32x1024xf32, #tpu.memory_space<hbm>>
      tpu.wait_dma2 semaphore(%run_scoped3A_140 : memref<!tpu.dma_semaphore, #tpu.memory_space<semaphore_mem>>) src(%arg8 : memref<32x1024xf32, #tpu.memory_space<vmem>>) dst(%dma_wait3A_148 : memref<32x1024xf32, #tpu.memory_space<hbm>>)
      tpu.yield
    }) : () -> ()
    %dma_start3A_72 = arith.constant 1 : i32
    %dma_start3A_73 = arith.constant 0 : i32
    %dma_start3A_74 = tpu.memref_slice %arg6[%dma_start3A_72, %dma_start3A_73] : memref<2x128xi32, #tpu.memory_space<vmem>> -> memref<1x32xi32, #tpu.memory_space<vmem>>
    %dma_start3A_75 = tpu.memref_squeeze %dma_start3A_74 : memref<1x32xi32, #tpu.memory_space<vmem>> -> memref<32xi32, #tpu.memory_space<vmem>>
    %dma_start3A_76 = arith.constant 0 : i32
    %dma_start3A_77 = arith.constant 0 : i32
    %dma_start3A_78 = tpu.memref_slice %arg2[%dma_start3A_76, %dma_start3A_77] : memref<12288x1024xf32, #tpu.memory_space<hbm>> -> memref<12288x1024xf32, #tpu.memory_space<hbm>>
    tpu.enqueue_indirect_dma source(%dma_start3A_78 : memref<12288x1024xf32, #tpu.memory_space<hbm>>) target(%arg7 : memref<32x1024xf32, #tpu.memory_space<vmem>>) offsets(%dma_start3A_75 : memref<32xi32, #tpu.memory_space<vmem>>) semaphore(%arg9 : memref<!tpu.dma_semaphore, #tpu.memory_space<semaphore_mem>>)
    %dma_start3A_79 = arith.constant 1 : i32
    %dma_start3A_80 = arith.constant 32 : i32
    %dma_start3A_81 = tpu.memref_slice %arg6[%dma_start3A_79, %dma_start3A_80] : memref<2x128xi32, #tpu.memory_space<vmem>> -> memref<1x32xi32, #tpu.memory_space<vmem>>
    %dma_start3A_82 = tpu.memref_squeeze %dma_start3A_81 : memref<1x32xi32, #tpu.memory_space<vmem>> -> memref<32xi32, #tpu.memory_space<vmem>>
    %dma_start3A_83 = arith.constant 0 : i32
    %dma_start3A_84 = arith.constant 0 : i32
    %dma_start3A_85 = tpu.memref_slice %arg2[%dma_start3A_83, %dma_start3A_84] : memref<12288x1024xf32, #tpu.memory_space<hbm>> -> memref<12288x1024xf32, #tpu.memory_space<hbm>>
    tpu.enqueue_indirect_dma source(%dma_start3A_85 : memref<12288x1024xf32, #tpu.memory_space<hbm>>) target(%arg8 : memref<32x1024xf32, #tpu.memory_space<vmem>>) offsets(%dma_start3A_82 : memref<32xi32, #tpu.memory_space<vmem>>) semaphore(%arg10 : memref<!tpu.dma_semaphore, #tpu.memory_space<semaphore_mem>>)
    %dma_wait3A_86 = arith.constant 1 : i32
    %dma_wait3A_87 = arith.constant 0 : i32
    %dma_wait3A_88 = tpu.memref_slice %arg6[%dma_wait3A_86, %dma_wait3A_87] : memref<2x128xi32, #tpu.memory_space<vmem>> -> memref<1x32xi32, #tpu.memory_space<vmem>>
    %dma_wait3A_89 = tpu.memref_squeeze %dma_wait3A_88 : memref<1x32xi32, #tpu.memory_space<vmem>> -> memref<32xi32, #tpu.memory_space<vmem>>
    %dma_wait3A_90 = arith.constant 0 : i32
    %dma_wait3A_91 = arith.constant 0 : i32
    %dma_wait3A_92 = tpu.memref_slice %arg2[%dma_wait3A_90, %dma_wait3A_91] : memref<12288x1024xf32, #tpu.memory_space<hbm>> -> memref<12288x1024xf32, #tpu.memory_space<hbm>>
    tpu.wait_indirect_dma semaphore(%arg9 : memref<!tpu.dma_semaphore, #tpu.memory_space<semaphore_mem>>) src(%dma_wait3A_92 : memref<12288x1024xf32, #tpu.memory_space<hbm>>) dst(%arg7 : memref<32x1024xf32, #tpu.memory_space<vmem>>)
    %add3A_93 = arith.constant 0 : i32
    %add3A_94 = arith.addi %multiple_of3A, %add3A_93 : i32
    %multiple_of3A_95 = tpu.assume_multiple %add3A_94, 32 : i32
    "tpu.region"() ({
      %run_scoped3A_140 = tpu.sem_alloc : memref<!tpu.dma_semaphore, #tpu.memory_space<semaphore_mem>>
      %dma_start3A_141 = arith.constant 0 : i32
      %dma_start3A_142 = tpu.memref_slice %arg5[%multiple_of3A_95, %dma_start3A_141] : memref<4096x1024xf32, #tpu.memory_space<hbm>> -> memref<32x1024xf32, #tpu.memory_space<hbm>>
      %dma_start3A_143 = arith.constant 0 : i32
      %dma_start3A_144 = tpu.memref_slice %arg5[%multiple_of3A_95, %dma_start3A_143] : memref<4096x1024xf32, #tpu.memory_space<hbm>> -> memref<32x1024xf32, #tpu.memory_space<hbm>>
      tpu.enqueue_dma source(%arg7 : memref<32x1024xf32, #tpu.memory_space<vmem>>) target(%dma_start3A_144 : memref<32x1024xf32, #tpu.memory_space<hbm>>) target_semaphore(%run_scoped3A_140 : memref<!tpu.dma_semaphore, #tpu.memory_space<semaphore_mem>>)
      %dma_wait3A_145 = arith.constant 0 : i32
      %dma_wait3A_146 = tpu.memref_slice %arg5[%multiple_of3A_95, %dma_wait3A_145] : memref<4096x1024xf32, #tpu.memory_space<hbm>> -> memref<32x1024xf32, #tpu.memory_space<hbm>>
      %dma_wait3A_147 = arith.constant 0 : i32
      %dma_wait3A_148 = tpu.memref_slice %arg5[%multiple_of3A_95, %dma_wait3A_147] : memref<4096x1024xf32, #tpu.memory_space<hbm>> -> memref<32x1024xf32, #tpu.memory_space<hbm>>
      tpu.wait_dma2 semaphore(%run_scoped3A_140 : memref<!tpu.dma_semaphore, #tpu.memory_space<semaphore_mem>>) src(%arg7 : memref<32x1024xf32, #tpu.memory_space<vmem>>) dst(%dma_wait3A_148 : memref<32x1024xf32, #tpu.memory_space<hbm>>)
      tpu.yield
    }) : () -> ()
    %dma_wait3A_96 = arith.constant 1 : i32
    %dma_wait3A_97 = arith.constant 32 : i32
    %dma_wait3A_98 = tpu.memref_slice %arg6[%dma_wait3A_96, %dma_wait3A_97] : memref<2x128xi32, #tpu.memory_space<vmem>> -> memref<1x32xi32, #tpu.memory_space<vmem>>
    %dma_wait3A_99 = tpu.memref_squeeze %dma_wait3A_98 : memref<1x32xi32, #tpu.memory_space<vmem>> -> memref<32xi32, #tpu.memory_space<vmem>>
    %dma_wait3A_100 = arith.constant 0 : i32
    %dma_wait3A_101 = arith.constant 0 : i32
    %dma_wait3A_102 = tpu.memref_slice %arg2[%dma_wait3A_100, %dma_wait3A_101] : memref<12288x1024xf32, #tpu.memory_space<hbm>> -> memref<12288x1024xf32, #tpu.memory_space<hbm>>
    tpu.wait_indirect_dma semaphore(%arg10 : memref<!tpu.dma_semaphore, #tpu.memory_space<semaphore_mem>>) src(%dma_wait3A_102 : memref<12288x1024xf32, #tpu.memory_space<hbm>>) dst(%arg8 : memref<32x1024xf32, #tpu.memory_space<vmem>>)
    %add3A_103 = arith.constant 32 : i32
    %add3A_104 = arith.addi %multiple_of3A, %add3A_103 : i32
    %multiple_of3A_105 = tpu.assume_multiple %add3A_104, 32 : i32
    "tpu.region"() ({
      %run_scoped3A_140 = tpu.sem_alloc : memref<!tpu.dma_semaphore, #tpu.memory_space<semaphore_mem>>
      %dma_start3A_141 = arith.constant 0 : i32
      %dma_start3A_142 = tpu.memref_slice %arg5[%multiple_of3A_105, %dma_start3A_141] : memref<4096x1024xf32, #tpu.memory_space<hbm>> -> memref<32x1024xf32, #tpu.memory_space<hbm>>
      %dma_start3A_143 = arith.constant 0 : i32
      %dma_start3A_144 = tpu.memref_slice %arg5[%multiple_of3A_105, %dma_start3A_143] : memref<4096x1024xf32, #tpu.memory_space<hbm>> -> memref<32x1024xf32, #tpu.memory_space<hbm>>
      tpu.enqueue_dma source(%arg8 : memref<32x1024xf32, #tpu.memory_space<vmem>>) target(%dma_start3A_144 : memref<32x1024xf32, #tpu.memory_space<hbm>>) target_semaphore(%run_scoped3A_140 : memref<!tpu.dma_semaphore, #tpu.memory_space<semaphore_mem>>)
      %dma_wait3A_145 = arith.constant 0 : i32
      %dma_wait3A_146 = tpu.memref_slice %arg5[%multiple_of3A_105, %dma_wait3A_145] : memref<4096x1024xf32, #tpu.memory_space<hbm>> -> memref<32x1024xf32, #tpu.memory_space<hbm>>
      %dma_wait3A_147 = arith.constant 0 : i32
      %dma_wait3A_148 = tpu.memref_slice %arg5[%multiple_of3A_105, %dma_wait3A_147] : memref<4096x1024xf32, #tpu.memory_space<hbm>> -> memref<32x1024xf32, #tpu.memory_space<hbm>>
      tpu.wait_dma2 semaphore(%run_scoped3A_140 : memref<!tpu.dma_semaphore, #tpu.memory_space<semaphore_mem>>) src(%arg8 : memref<32x1024xf32, #tpu.memory_space<vmem>>) dst(%dma_wait3A_148 : memref<32x1024xf32, #tpu.memory_space<hbm>>)
      tpu.yield
    }) : () -> ()
    %dma_start3A_106 = arith.constant 1 : i32
    %dma_start3A_107 = arith.constant 64 : i32
    %dma_start3A_108 = tpu.memref_slice %arg6[%dma_start3A_106, %dma_start3A_107] : memref<2x128xi32, #tpu.memory_space<vmem>> -> memref<1x32xi32, #tpu.memory_space<vmem>>
    %dma_start3A_109 = tpu.memref_squeeze %dma_start3A_108 : memref<1x32xi32, #tpu.memory_space<vmem>> -> memref<32xi32, #tpu.memory_space<vmem>>
    %dma_start3A_110 = arith.constant 0 : i32
    %dma_start3A_111 = arith.constant 0 : i32
    %dma_start3A_112 = tpu.memref_slice %arg2[%dma_start3A_110, %dma_start3A_111] : memref<12288x1024xf32, #tpu.memory_space<hbm>> -> memref<12288x1024xf32, #tpu.memory_space<hbm>>
    tpu.enqueue_indirect_dma source(%dma_start3A_112 : memref<12288x1024xf32, #tpu.memory_space<hbm>>) target(%arg7 : memref<32x1024xf32, #tpu.memory_space<vmem>>) offsets(%dma_start3A_109 : memref<32xi32, #tpu.memory_space<vmem>>) semaphore(%arg9 : memref<!tpu.dma_semaphore, #tpu.memory_space<semaphore_mem>>)
    %dma_start3A_113 = arith.constant 1 : i32
    %dma_start3A_114 = arith.constant 96 : i32
    %dma_start3A_115 = tpu.memref_slice %arg6[%dma_start3A_113, %dma_start3A_114] : memref<2x128xi32, #tpu.memory_space<vmem>> -> memref<1x32xi32, #tpu.memory_space<vmem>>
    %dma_start3A_116 = tpu.memref_squeeze %dma_start3A_115 : memref<1x32xi32, #tpu.memory_space<vmem>> -> memref<32xi32, #tpu.memory_space<vmem>>
    %dma_start3A_117 = arith.constant 0 : i32
    %dma_start3A_118 = arith.constant 0 : i32
    %dma_start3A_119 = tpu.memref_slice %arg2[%dma_start3A_117, %dma_start3A_118] : memref<12288x1024xf32, #tpu.memory_space<hbm>> -> memref<12288x1024xf32, #tpu.memory_space<hbm>>
    tpu.enqueue_indirect_dma source(%dma_start3A_119 : memref<12288x1024xf32, #tpu.memory_space<hbm>>) target(%arg8 : memref<32x1024xf32, #tpu.memory_space<vmem>>) offsets(%dma_start3A_116 : memref<32xi32, #tpu.memory_space<vmem>>) semaphore(%arg10 : memref<!tpu.dma_semaphore, #tpu.memory_space<semaphore_mem>>)
    %dma_wait3A_120 = arith.constant 1 : i32
    %dma_wait3A_121 = arith.constant 64 : i32
    %dma_wait3A_122 = tpu.memref_slice %arg6[%dma_wait3A_120, %dma_wait3A_121] : memref<2x128xi32, #tpu.memory_space<vmem>> -> memref<1x32xi32, #tpu.memory_space<vmem>>
    %dma_wait3A_123 = tpu.memref_squeeze %dma_wait3A_122 : memref<1x32xi32, #tpu.memory_space<vmem>> -> memref<32xi32, #tpu.memory_space<vmem>>
    %dma_wait3A_124 = arith.constant 0 : i32
    %dma_wait3A_125 = arith.constant 0 : i32
    %dma_wait3A_126 = tpu.memref_slice %arg2[%dma_wait3A_124, %dma_wait3A_125] : memref<12288x1024xf32, #tpu.memory_space<hbm>> -> memref<12288x1024xf32, #tpu.memory_space<hbm>>
    tpu.wait_indirect_dma semaphore(%arg9 : memref<!tpu.dma_semaphore, #tpu.memory_space<semaphore_mem>>) src(%dma_wait3A_126 : memref<12288x1024xf32, #tpu.memory_space<hbm>>) dst(%arg7 : memref<32x1024xf32, #tpu.memory_space<vmem>>)
    %add3A_127 = arith.constant 64 : i32
    %add3A_128 = arith.addi %multiple_of3A, %add3A_127 : i32
    %multiple_of3A_129 = tpu.assume_multiple %add3A_128, 32 : i32
    "tpu.region"() ({
      %run_scoped3A_140 = tpu.sem_alloc : memref<!tpu.dma_semaphore, #tpu.memory_space<semaphore_mem>>
      %dma_start3A_141 = arith.constant 0 : i32
      %dma_start3A_142 = tpu.memref_slice %arg5[%multiple_of3A_129, %dma_start3A_141] : memref<4096x1024xf32, #tpu.memory_space<hbm>> -> memref<32x1024xf32, #tpu.memory_space<hbm>>
      %dma_start3A_143 = arith.constant 0 : i32
      %dma_start3A_144 = tpu.memref_slice %arg5[%multiple_of3A_129, %dma_start3A_143] : memref<4096x1024xf32, #tpu.memory_space<hbm>> -> memref<32x1024xf32, #tpu.memory_space<hbm>>
      tpu.enqueue_dma source(%arg7 : memref<32x1024xf32, #tpu.memory_space<vmem>>) target(%dma_start3A_144 : memref<32x1024xf32, #tpu.memory_space<hbm>>) target_semaphore(%run_scoped3A_140 : memref<!tpu.dma_semaphore, #tpu.memory_space<semaphore_mem>>)
      %dma_wait3A_145 = arith.constant 0 : i32
      %dma_wait3A_146 = tpu.memref_slice %arg5[%multiple_of3A_129, %dma_wait3A_145] : memref<4096x1024xf32, #tpu.memory_space<hbm>> -> memref<32x1024xf32, #tpu.memory_space<hbm>>
      %dma_wait3A_147 = arith.constant 0 : i32
      %dma_wait3A_148 = tpu.memref_slice %arg5[%multiple_of3A_129, %dma_wait3A_147] : memref<4096x1024xf32, #tpu.memory_space<hbm>> -> memref<32x1024xf32, #tpu.memory_space<hbm>>
      tpu.wait_dma2 semaphore(%run_scoped3A_140 : memref<!tpu.dma_semaphore, #tpu.memory_space<semaphore_mem>>) src(%arg7 : memref<32x1024xf32, #tpu.memory_space<vmem>>) dst(%dma_wait3A_148 : memref<32x1024xf32, #tpu.memory_space<hbm>>)
      tpu.yield
    }) : () -> ()
    %dma_wait3A_130 = arith.constant 1 : i32
    %dma_wait3A_131 = arith.constant 96 : i32
    %dma_wait3A_132 = tpu.memref_slice %arg6[%dma_wait3A_130, %dma_wait3A_131] : memref<2x128xi32, #tpu.memory_space<vmem>> -> memref<1x32xi32, #tpu.memory_space<vmem>>
    %dma_wait3A_133 = tpu.memref_squeeze %dma_wait3A_132 : memref<1x32xi32, #tpu.memory_space<vmem>> -> memref<32xi32, #tpu.memory_space<vmem>>
    %dma_wait3A_134 = arith.constant 0 : i32
    %dma_wait3A_135 = arith.constant 0 : i32
    %dma_wait3A_136 = tpu.memref_slice %arg2[%dma_wait3A_134, %dma_wait3A_135] : memref<12288x1024xf32, #tpu.memory_space<hbm>> -> memref<12288x1024xf32, #tpu.memory_space<hbm>>
    tpu.wait_indirect_dma semaphore(%arg10 : memref<!tpu.dma_semaphore, #tpu.memory_space<semaphore_mem>>) src(%dma_wait3A_136 : memref<12288x1024xf32, #tpu.memory_space<hbm>>) dst(%arg8 : memref<32x1024xf32, #tpu.memory_space<vmem>>)
    %add3A_137 = arith.constant 96 : i32
    %add3A_138 = arith.addi %multiple_of3A, %add3A_137 : i32
    %multiple_of3A_139 = tpu.assume_multiple %add3A_138, 32 : i32
    "tpu.region"() ({
      %run_scoped3A_140 = tpu.sem_alloc : memref<!tpu.dma_semaphore, #tpu.memory_space<semaphore_mem>>
      %dma_start3A_141 = arith.constant 0 : i32
      %dma_start3A_142 = tpu.memref_slice %arg5[%multiple_of3A_139, %dma_start3A_141] : memref<4096x1024xf32, #tpu.memory_space<hbm>> -> memref<32x1024xf32, #tpu.memory_space<hbm>>
      %dma_start3A_143 = arith.constant 0 : i32
      %dma_start3A_144 = tpu.memref_slice %arg5[%multiple_of3A_139, %dma_start3A_143] : memref<4096x1024xf32, #tpu.memory_space<hbm>> -> memref<32x1024xf32, #tpu.memory_space<hbm>>
      tpu.enqueue_dma source(%arg8 : memref<32x1024xf32, #tpu.memory_space<vmem>>) target(%dma_start3A_144 : memref<32x1024xf32, #tpu.memory_space<hbm>>) target_semaphore(%run_scoped3A_140 : memref<!tpu.dma_semaphore, #tpu.memory_space<semaphore_mem>>)
      %dma_wait3A_145 = arith.constant 0 : i32
      %dma_wait3A_146 = tpu.memref_slice %arg5[%multiple_of3A_139, %dma_wait3A_145] : memref<4096x1024xf32, #tpu.memory_space<hbm>> -> memref<32x1024xf32, #tpu.memory_space<hbm>>
      %dma_wait3A_147 = arith.constant 0 : i32
      %dma_wait3A_148 = tpu.memref_slice %arg5[%multiple_of3A_139, %dma_wait3A_147] : memref<4096x1024xf32, #tpu.memory_space<hbm>> -> memref<32x1024xf32, #tpu.memory_space<hbm>>
      tpu.wait_dma2 semaphore(%run_scoped3A_140 : memref<!tpu.dma_semaphore, #tpu.memory_space<semaphore_mem>>) src(%arg8 : memref<32x1024xf32, #tpu.memory_space<vmem>>) dst(%dma_wait3A_148 : memref<32x1024xf32, #tpu.memory_space<hbm>>)
      tpu.yield
    }) : () -> ()
    return
  }
}

#map = affine_map<(d0, d1) -> (0)>
#map1 = affine_map<(d0, d1) -> (0, 0)>
module attributes {stable_mosaic.version = 14 : i64} {
  func.func @_dispatch_body(%arg0: i32, %arg1: i32, %arg2: memref<4096xi32, #tpu.memory_space<hbm>>, %arg3: memref<4096xi32, #tpu.memory_space<hbm>>, %arg4: memref<4096xf32, #tpu.memory_space<hbm>>, %arg5: memref<4096xf32, #tpu.memory_space<hbm>>, %arg6: memref<4096x1024xf32, #tpu.memory_space<hbm>>, %arg7: memref<12288x1024xf32, #tpu.memory_space<hbm>>, %arg8: memref<12288xf32, #tpu.memory_space<hbm>>, %arg9: memref<8448xi32, #tpu.memory_space<hbm>>, %arg10: memref<48xi32, #tpu.memory_space<hbm>>, %arg11: memref<4096xi32, #tpu.memory_space<vmem>>, %arg12: memref<4096xi32, #tpu.memory_space<vmem>>, %arg13: memref<4096xf32, #tpu.memory_space<vmem>>, %arg14: memref<4096xf32, #tpu.memory_space<vmem>>, %arg15: memref<4160xi32, #tpu.memory_space<vmem>>, %arg16: memref<16xi32, #tpu.memory_space<vmem>>, %arg17: memref<16x16xi32, #tpu.memory_space<vmem>>, %arg18: memref<16x16xi32, #tpu.memory_space<vmem_shared>>, %arg19: memref<8448xi32, #tpu.memory_space<vmem_shared>>, %arg20: memref<528xi32, #tpu.memory_space<vmem>>, %arg21: memref<32x128xi32, #tpu.memory_space<vmem>>, %arg22: memref<128xi32, #tpu.memory_space<vmem>>, %arg23: memref<256xf32, #tpu.memory_space<vmem>>, %arg24: memref<32x1024xf32, #tpu.memory_space<vmem>>, %arg25: memref<32x1024xf32, #tpu.memory_space<vmem>>, %arg26: memref<!tpu.dma_semaphore, #tpu.memory_space<semaphore_mem>>, %arg27: memref<!tpu.dma_semaphore, #tpu.memory_space<semaphore_mem>>) attributes {dimension_semantics = [#tpu.dimension_semantics<core_parallel>, #tpu.dimension_semantics<subcore_parallel>], iteration_bounds = array<i64: 1, 16>, scalar_prefetch = 0 : i64, scratch_operands = 17 : i64, tpu.core_type = #tpu.core_type<sc_vector_subcore>, window_params = [{transform_indices = #map}, {transform_indices = #map}, {transform_indices = #map}, {transform_indices = #map}, {transform_indices = #map1}, {transform_indices = #map1}, {transform_indices = #map}, {transform_indices = #map}, {transform_indices = #map}]} {
    tpu.enqueue_dma source(%arg2 : memref<4096xi32, #tpu.memory_space<hbm>>) target(%arg11 : memref<4096xi32, #tpu.memory_space<vmem>>) target_semaphore(%arg26 : memref<!tpu.dma_semaphore, #tpu.memory_space<semaphore_mem>>)
    tpu.enqueue_dma source(%arg3 : memref<4096xi32, #tpu.memory_space<hbm>>) target(%arg12 : memref<4096xi32, #tpu.memory_space<vmem>>) target_semaphore(%arg27 : memref<!tpu.dma_semaphore, #tpu.memory_space<semaphore_mem>>)
    %iota3A = tpu.iota {dimensions = array<i32: 0>} : vector<16xi32>
    %broadcast_in_dim3A = arith.constant 0 : i32
    %broadcast_in_dim3A_0 = vector.broadcast %broadcast_in_dim3A : i32 to vector<16xi32>
    %scan3A = arith.constant 0 : i32
    %scan3A_1 = arith.constant 0 : i32
    %scan3A_2 = arith.constant 260 : i32
    %scan3A_3 = arith.addi %scan3A_1, %scan3A_2 : i32
    %scan3A_4 = arith.constant 1 : i32
    scf.for %scan3A_271 = %scan3A_1 to %scan3A_3 step %scan3A_4  : i32 {
      %mul3A_272 = arith.constant 16 : i32
      %mul3A_273 = arith.muli %scan3A_271, %mul3A_272 : i32
      %swap3A_274 = arith.index_cast %mul3A_273 : i32 to index
      %swap3A_275 = tpu.vector_load %arg15[%swap3A_274] {strides = array<i32>} : memref<4160xi32, #tpu.memory_space<vmem>>, vector<16xi32>,
      tpu.vector_store %arg15[%swap3A_274], %broadcast_in_dim3A_0 {strides = array<i32>} : memref<4160xi32, #tpu.memory_space<vmem>>, vector<16xi32>,
    }
    %scan3A_5 = arith.constant 260 : i32
    tpu.wait_dma2 semaphore(%arg26 : memref<!tpu.dma_semaphore, #tpu.memory_space<semaphore_mem>>) src(%arg2 : memref<4096xi32, #tpu.memory_space<hbm>>) dst(%arg11 : memref<4096xi32, #tpu.memory_space<vmem>>)
    tpu.wait_dma2 semaphore(%arg27 : memref<!tpu.dma_semaphore, #tpu.memory_space<semaphore_mem>>) src(%arg3 : memref<4096xi32, #tpu.memory_space<hbm>>) dst(%arg12 : memref<4096xi32, #tpu.memory_space<vmem>>)
    tpu.enqueue_dma source(%arg4 : memref<4096xf32, #tpu.memory_space<hbm>>) target(%arg13 : memref<4096xf32, #tpu.memory_space<vmem>>) target_semaphore(%arg26 : memref<!tpu.dma_semaphore, #tpu.memory_space<semaphore_mem>>)
    tpu.enqueue_dma source(%arg5 : memref<4096xf32, #tpu.memory_space<hbm>>) target(%arg14 : memref<4096xf32, #tpu.memory_space<vmem>>) target_semaphore(%arg27 : memref<!tpu.dma_semaphore, #tpu.memory_space<semaphore_mem>>)
    %scan3A_6 = arith.constant 0 : i32
    %scan3A_7 = arith.constant 128 : i32
    %scan3A_8 = arith.addi %scan3A_6, %scan3A_7 : i32
    %scan3A_9 = arith.constant 1 : i32
    %scan3A_10 = scf.for %scan3A_271 = %scan3A_6 to %scan3A_8 step %scan3A_9 iter_args(%scan3A_272 = %broadcast_in_dim3A_0) -> (vector<16xi32>)  : i32 {
      %mul3A_273 = arith.constant 32 : i32
      %mul3A_274 = arith.muli %scan3A_271, %mul3A_273 : i32
      %get3A_275 = arith.index_cast %mul3A_274 : i32 to index
      %get3A_276 = tpu.vector_load %arg11[%get3A_275] {strides = array<i32>} : memref<4096xi32, #tpu.memory_space<vmem>>, vector<16xi32>,
      %add3A_277 = arith.constant 16 : i32
      %add3A_278 = arith.addi %mul3A_274, %add3A_277 : i32
      %get3A_279 = arith.index_cast %add3A_278 : i32 to index
      %get3A_280 = tpu.vector_load %arg11[%get3A_279] {strides = array<i32>} : memref<4096xi32, #tpu.memory_space<vmem>>, vector<16xi32>,
      %eq3A_281 = vector.broadcast %arg1 : i32 to vector<16xi32>
      %eq3A_282 = arith.cmpi eq, %get3A_276, %eq3A_281 : vector<16xi32>
      %eq3A_283 = vector.broadcast %arg1 : i32 to vector<16xi32>
      %eq3A_284 = arith.cmpi eq, %get3A_280, %eq3A_283 : vector<16xi32>
      %jit3A_285 = arith.constant 1 : i32
      %jit3A_286 = arith.constant 0 : i32
      %broadcast_in_dim3A_287 = vector.broadcast %jit3A_285 : i32 to vector<16xi32>
      %broadcast_in_dim3A_288 = vector.broadcast %jit3A_286 : i32 to vector<16xi32>
      %select_n3A_289 = arith.select %eq3A_282, %broadcast_in_dim3A_287, %broadcast_in_dim3A_288 : vector<16xi1>, vector<16xi32>
      %sub3A_290 = arith.constant 1 : i32
      %sub3A_291 = vector.broadcast %sub3A_290 : i32 to vector<16xi32>
      %sub3A_292 = arith.subi %iota3A, %sub3A_291 : vector<16xi32>
      %max3A_293 = arith.constant 0 : i32
      %max3A_294 = vector.broadcast %max3A_293 : i32 to vector<16xi32>
      %max3A_295 = arith.maxsi %sub3A_292, %max3A_294 : vector<16xi32>
      %lt3A_296 = arith.constant 0 : i32
      %lt3A_297 = vector.broadcast %lt3A_296 : i32 to vector<16xi32>
      %lt3A_298 = arith.cmpi slt, %max3A_295, %lt3A_297 : vector<16xi32>
      %add3A_299 = arith.constant 16 : i32
      %add3A_300 = vector.broadcast %add3A_299 : i32 to vector<16xi32>
      %add3A_301 = arith.addi %max3A_295, %add3A_300 : vector<16xi32>
      %select_n3A_302 = arith.select %lt3A_298, %add3A_301, %max3A_295 : vector<16xi1>, vector<16xi32>
      %broadcast_in_dim3A_303 = vector.shape_cast %select_n3A_302 : vector<16xi32> to vector<16x1xi32>
      %gather3A_304 = vector.shape_cast %broadcast_in_dim3A_303 : vector<16x1xi32> to vector<16xi32>
      %gather3A_305 = tpu.dynamic_gather %select_n3A_289[%gather3A_304] in [0] : vector<16xi32>, vector<16xi32> -> vector<16xi32>
      %ge3A_306 = arith.constant 1 : i32
      %ge3A_307 = vector.broadcast %ge3A_306 : i32 to vector<16xi32>
      %ge3A_308 = arith.cmpi sge, %iota3A, %ge3A_307 : vector<16xi32>
      %jit3A_309 = arith.constant 0 : i32
      %broadcast_in_dim3A_310 = vector.broadcast %jit3A_309 : i32 to vector<16xi32>
      %select_n3A_311 = arith.select %ge3A_308, %gather3A_305, %broadcast_in_dim3A_310 : vector<16xi1>, vector<16xi32>
      %add3A_312 = arith.addi %select_n3A_289, %select_n3A_311 : vector<16xi32>
      %sub3A_313 = arith.constant 2 : i32
      %sub3A_314 = vector.broadcast %sub3A_313 : i32 to vector<16xi32>
      %sub3A_315 = arith.subi %iota3A, %sub3A_314 : vector<16xi32>
      %max3A_316 = arith.constant 0 : i32
      %max3A_317 = vector.broadcast %max3A_316 : i32 to vector<16xi32>
      %max3A_318 = arith.maxsi %sub3A_315, %max3A_317 : vector<16xi32>
      %lt3A_319 = arith.constant 0 : i32
      %lt3A_320 = vector.broadcast %lt3A_319 : i32 to vector<16xi32>
      %lt3A_321 = arith.cmpi slt, %max3A_318, %lt3A_320 : vector<16xi32>
      %add3A_322 = arith.constant 16 : i32
      %add3A_323 = vector.broadcast %add3A_322 : i32 to vector<16xi32>
      %add3A_324 = arith.addi %max3A_318, %add3A_323 : vector<16xi32>
      %select_n3A_325 = arith.select %lt3A_321, %add3A_324, %max3A_318 : vector<16xi1>, vector<16xi32>
      %broadcast_in_dim3A_326 = vector.shape_cast %select_n3A_325 : vector<16xi32> to vector<16x1xi32>
      %gather3A_327 = vector.shape_cast %broadcast_in_dim3A_326 : vector<16x1xi32> to vector<16xi32>
      %gather3A_328 = tpu.dynamic_gather %add3A_312[%gather3A_327] in [0] : vector<16xi32>, vector<16xi32> -> vector<16xi32>
      %ge3A_329 = arith.constant 2 : i32
      %ge3A_330 = vector.broadcast %ge3A_329 : i32 to vector<16xi32>
      %ge3A_331 = arith.cmpi sge, %iota3A, %ge3A_330 : vector<16xi32>
      %jit3A_332 = arith.constant 0 : i32
      %broadcast_in_dim3A_333 = vector.broadcast %jit3A_332 : i32 to vector<16xi32>
      %select_n3A_334 = arith.select %ge3A_331, %gather3A_328, %broadcast_in_dim3A_333 : vector<16xi1>, vector<16xi32>
      %add3A_335 = arith.addi %add3A_312, %select_n3A_334 : vector<16xi32>
      %sub3A_336 = arith.constant 4 : i32
      %sub3A_337 = vector.broadcast %sub3A_336 : i32 to vector<16xi32>
      %sub3A_338 = arith.subi %iota3A, %sub3A_337 : vector<16xi32>
      %max3A_339 = arith.constant 0 : i32
      %max3A_340 = vector.broadcast %max3A_339 : i32 to vector<16xi32>
      %max3A_341 = arith.maxsi %sub3A_338, %max3A_340 : vector<16xi32>
      %lt3A_342 = arith.constant 0 : i32
      %lt3A_343 = vector.broadcast %lt3A_342 : i32 to vector<16xi32>
      %lt3A_344 = arith.cmpi slt, %max3A_341, %lt3A_343 : vector<16xi32>
      %add3A_345 = arith.constant 16 : i32
      %add3A_346 = vector.broadcast %add3A_345 : i32 to vector<16xi32>
      %add3A_347 = arith.addi %max3A_341, %add3A_346 : vector<16xi32>
      %select_n3A_348 = arith.select %lt3A_344, %add3A_347, %max3A_341 : vector<16xi1>, vector<16xi32>
      %broadcast_in_dim3A_349 = vector.shape_cast %select_n3A_348 : vector<16xi32> to vector<16x1xi32>
      %gather3A_350 = vector.shape_cast %broadcast_in_dim3A_349 : vector<16x1xi32> to vector<16xi32>
      %gather3A_351 = tpu.dynamic_gather %add3A_335[%gather3A_350] in [0] : vector<16xi32>, vector<16xi32> -> vector<16xi32>
      %ge3A_352 = arith.constant 4 : i32
      %ge3A_353 = vector.broadcast %ge3A_352 : i32 to vector<16xi32>
      %ge3A_354 = arith.cmpi sge, %iota3A, %ge3A_353 : vector<16xi32>
      %jit3A_355 = arith.constant 0 : i32
      %broadcast_in_dim3A_356 = vector.broadcast %jit3A_355 : i32 to vector<16xi32>
      %select_n3A_357 = arith.select %ge3A_354, %gather3A_351, %broadcast_in_dim3A_356 : vector<16xi1>, vector<16xi32>
      %add3A_358 = arith.addi %add3A_335, %select_n3A_357 : vector<16xi32>
      %sub3A_359 = arith.constant 8 : i32
      %sub3A_360 = vector.broadcast %sub3A_359 : i32 to vector<16xi32>
      %sub3A_361 = arith.subi %iota3A, %sub3A_360 : vector<16xi32>
      %max3A_362 = arith.constant 0 : i32
      %max3A_363 = vector.broadcast %max3A_362 : i32 to vector<16xi32>
      %max3A_364 = arith.maxsi %sub3A_361, %max3A_363 : vector<16xi32>
      %lt3A_365 = arith.constant 0 : i32
      %lt3A_366 = vector.broadcast %lt3A_365 : i32 to vector<16xi32>
      %lt3A_367 = arith.cmpi slt, %max3A_364, %lt3A_366 : vector<16xi32>
      %add3A_368 = arith.constant 16 : i32
      %add3A_369 = vector.broadcast %add3A_368 : i32 to vector<16xi32>
      %add3A_370 = arith.addi %max3A_364, %add3A_369 : vector<16xi32>
      %select_n3A_371 = arith.select %lt3A_367, %add3A_370, %max3A_364 : vector<16xi1>, vector<16xi32>
      %broadcast_in_dim3A_372 = vector.shape_cast %select_n3A_371 : vector<16xi32> to vector<16x1xi32>
      %gather3A_373 = vector.shape_cast %broadcast_in_dim3A_372 : vector<16x1xi32> to vector<16xi32>
      %gather3A_374 = tpu.dynamic_gather %add3A_358[%gather3A_373] in [0] : vector<16xi32>, vector<16xi32> -> vector<16xi32>
      %ge3A_375 = arith.constant 8 : i32
      %ge3A_376 = vector.broadcast %ge3A_375 : i32 to vector<16xi32>
      %ge3A_377 = arith.cmpi sge, %iota3A, %ge3A_376 : vector<16xi32>
      %jit3A_378 = arith.constant 0 : i32
      %broadcast_in_dim3A_379 = vector.broadcast %jit3A_378 : i32 to vector<16xi32>
      %select_n3A_380 = arith.select %ge3A_377, %gather3A_374, %broadcast_in_dim3A_379 : vector<16xi1>, vector<16xi32>
      %add3A_381 = arith.addi %add3A_358, %select_n3A_380 : vector<16xi32>
      %jit3A_382 = arith.constant 1 : i32
      %jit3A_383 = arith.constant 0 : i32
      %broadcast_in_dim3A_384 = vector.broadcast %jit3A_382 : i32 to vector<16xi32>
      %broadcast_in_dim3A_385 = vector.broadcast %jit3A_383 : i32 to vector<16xi32>
      %select_n3A_386 = arith.select %eq3A_284, %broadcast_in_dim3A_384, %broadcast_in_dim3A_385 : vector<16xi1>, vector<16xi32>
      %sub3A_387 = arith.constant 1 : i32
      %sub3A_388 = vector.broadcast %sub3A_387 : i32 to vector<16xi32>
      %sub3A_389 = arith.subi %iota3A, %sub3A_388 : vector<16xi32>
      %max3A_390 = arith.constant 0 : i32
      %max3A_391 = vector.broadcast %max3A_390 : i32 to vector<16xi32>
      %max3A_392 = arith.maxsi %sub3A_389, %max3A_391 : vector<16xi32>
      %lt3A_393 = arith.constant 0 : i32
      %lt3A_394 = vector.broadcast %lt3A_393 : i32 to vector<16xi32>
      %lt3A_395 = arith.cmpi slt, %max3A_392, %lt3A_394 : vector<16xi32>
      %add3A_396 = arith.constant 16 : i32
      %add3A_397 = vector.broadcast %add3A_396 : i32 to vector<16xi32>
      %add3A_398 = arith.addi %max3A_392, %add3A_397 : vector<16xi32>
      %select_n3A_399 = arith.select %lt3A_395, %add3A_398, %max3A_392 : vector<16xi1>, vector<16xi32>
      %broadcast_in_dim3A_400 = vector.shape_cast %select_n3A_399 : vector<16xi32> to vector<16x1xi32>
      %gather3A_401 = vector.shape_cast %broadcast_in_dim3A_400 : vector<16x1xi32> to vector<16xi32>
      %gather3A_402 = tpu.dynamic_gather %select_n3A_386[%gather3A_401] in [0] : vector<16xi32>, vector<16xi32> -> vector<16xi32>
      %ge3A_403 = arith.constant 1 : i32
      %ge3A_404 = vector.broadcast %ge3A_403 : i32 to vector<16xi32>
      %ge3A_405 = arith.cmpi sge, %iota3A, %ge3A_404 : vector<16xi32>
      %jit3A_406 = arith.constant 0 : i32
      %broadcast_in_dim3A_407 = vector.broadcast %jit3A_406 : i32 to vector<16xi32>
      %select_n3A_408 = arith.select %ge3A_405, %gather3A_402, %broadcast_in_dim3A_407 : vector<16xi1>, vector<16xi32>
      %add3A_409 = arith.addi %select_n3A_386, %select_n3A_408 : vector<16xi32>
      %sub3A_410 = arith.constant 2 : i32
      %sub3A_411 = vector.broadcast %sub3A_410 : i32 to vector<16xi32>
      %sub3A_412 = arith.subi %iota3A, %sub3A_411 : vector<16xi32>
      %max3A_413 = arith.constant 0 : i32
      %max3A_414 = vector.broadcast %max3A_413 : i32 to vector<16xi32>
      %max3A_415 = arith.maxsi %sub3A_412, %max3A_414 : vector<16xi32>
      %lt3A_416 = arith.constant 0 : i32
      %lt3A_417 = vector.broadcast %lt3A_416 : i32 to vector<16xi32>
      %lt3A_418 = arith.cmpi slt, %max3A_415, %lt3A_417 : vector<16xi32>
      %add3A_419 = arith.constant 16 : i32
      %add3A_420 = vector.broadcast %add3A_419 : i32 to vector<16xi32>
      %add3A_421 = arith.addi %max3A_415, %add3A_420 : vector<16xi32>
      %select_n3A_422 = arith.select %lt3A_418, %add3A_421, %max3A_415 : vector<16xi1>, vector<16xi32>
      %broadcast_in_dim3A_423 = vector.shape_cast %select_n3A_422 : vector<16xi32> to vector<16x1xi32>
      %gather3A_424 = vector.shape_cast %broadcast_in_dim3A_423 : vector<16x1xi32> to vector<16xi32>
      %gather3A_425 = tpu.dynamic_gather %add3A_409[%gather3A_424] in [0] : vector<16xi32>, vector<16xi32> -> vector<16xi32>
      %ge3A_426 = arith.constant 2 : i32
      %ge3A_427 = vector.broadcast %ge3A_426 : i32 to vector<16xi32>
      %ge3A_428 = arith.cmpi sge, %iota3A, %ge3A_427 : vector<16xi32>
      %jit3A_429 = arith.constant 0 : i32
      %broadcast_in_dim3A_430 = vector.broadcast %jit3A_429 : i32 to vector<16xi32>
      %select_n3A_431 = arith.select %ge3A_428, %gather3A_425, %broadcast_in_dim3A_430 : vector<16xi1>, vector<16xi32>
      %add3A_432 = arith.addi %add3A_409, %select_n3A_431 : vector<16xi32>
      %sub3A_433 = arith.constant 4 : i32
      %sub3A_434 = vector.broadcast %sub3A_433 : i32 to vector<16xi32>
      %sub3A_435 = arith.subi %iota3A, %sub3A_434 : vector<16xi32>
      %max3A_436 = arith.constant 0 : i32
      %max3A_437 = vector.broadcast %max3A_436 : i32 to vector<16xi32>
      %max3A_438 = arith.maxsi %sub3A_435, %max3A_437 : vector<16xi32>
      %lt3A_439 = arith.constant 0 : i32
      %lt3A_440 = vector.broadcast %lt3A_439 : i32 to vector<16xi32>
      %lt3A_441 = arith.cmpi slt, %max3A_438, %lt3A_440 : vector<16xi32>
      %add3A_442 = arith.constant 16 : i32
      %add3A_443 = vector.broadcast %add3A_442 : i32 to vector<16xi32>
      %add3A_444 = arith.addi %max3A_438, %add3A_443 : vector<16xi32>
      %select_n3A_445 = arith.select %lt3A_441, %add3A_444, %max3A_438 : vector<16xi1>, vector<16xi32>
      %broadcast_in_dim3A_446 = vector.shape_cast %select_n3A_445 : vector<16xi32> to vector<16x1xi32>
      %gather3A_447 = vector.shape_cast %broadcast_in_dim3A_446 : vector<16x1xi32> to vector<16xi32>
      %gather3A_448 = tpu.dynamic_gather %add3A_432[%gather3A_447] in [0] : vector<16xi32>, vector<16xi32> -> vector<16xi32>
      %ge3A_449 = arith.constant 4 : i32
      %ge3A_450 = vector.broadcast %ge3A_449 : i32 to vector<16xi32>
      %ge3A_451 = arith.cmpi sge, %iota3A, %ge3A_450 : vector<16xi32>
      %jit3A_452 = arith.constant 0 : i32
      %broadcast_in_dim3A_453 = vector.broadcast %jit3A_452 : i32 to vector<16xi32>
      %select_n3A_454 = arith.select %ge3A_451, %gather3A_448, %broadcast_in_dim3A_453 : vector<16xi1>, vector<16xi32>
      %add3A_455 = arith.addi %add3A_432, %select_n3A_454 : vector<16xi32>
      %sub3A_456 = arith.constant 8 : i32
      %sub3A_457 = vector.broadcast %sub3A_456 : i32 to vector<16xi32>
      %sub3A_458 = arith.subi %iota3A, %sub3A_457 : vector<16xi32>
      %max3A_459 = arith.constant 0 : i32
      %max3A_460 = vector.broadcast %max3A_459 : i32 to vector<16xi32>
      %max3A_461 = arith.maxsi %sub3A_458, %max3A_460 : vector<16xi32>
      %lt3A_462 = arith.constant 0 : i32
      %lt3A_463 = vector.broadcast %lt3A_462 : i32 to vector<16xi32>
      %lt3A_464 = arith.cmpi slt, %max3A_461, %lt3A_463 : vector<16xi32>
      %add3A_465 = arith.constant 16 : i32
      %add3A_466 = vector.broadcast %add3A_465 : i32 to vector<16xi32>
      %add3A_467 = arith.addi %max3A_461, %add3A_466 : vector<16xi32>
      %select_n3A_468 = arith.select %lt3A_464, %add3A_467, %max3A_461 : vector<16xi1>, vector<16xi32>
      %broadcast_in_dim3A_469 = vector.shape_cast %select_n3A_468 : vector<16xi32> to vector<16x1xi32>
      %gather3A_470 = vector.shape_cast %broadcast_in_dim3A_469 : vector<16x1xi32> to vector<16xi32>
      %gather3A_471 = tpu.dynamic_gather %add3A_455[%gather3A_470] in [0] : vector<16xi32>, vector<16xi32> -> vector<16xi32>
      %ge3A_472 = arith.constant 8 : i32
      %ge3A_473 = vector.broadcast %ge3A_472 : i32 to vector<16xi32>
      %ge3A_474 = arith.cmpi sge, %iota3A, %ge3A_473 : vector<16xi32>
      %jit3A_475 = arith.constant 0 : i32
      %broadcast_in_dim3A_476 = vector.broadcast %jit3A_475 : i32 to vector<16xi32>
      %select_n3A_477 = arith.select %ge3A_474, %gather3A_471, %broadcast_in_dim3A_476 : vector<16xi1>, vector<16xi32>
      %add3A_478 = arith.addi %add3A_455, %select_n3A_477 : vector<16xi32>
      %add3A_479 = arith.constant 15 : i32
      %add3A_480 = vector.broadcast %add3A_479 : i32 to vector<16xi32>
      %add3A_481 = arith.addi %broadcast_in_dim3A_0, %add3A_480 : vector<16xi32>
      %lt3A_482 = arith.constant 0 : i32
      %lt3A_483 = vector.broadcast %lt3A_482 : i32 to vector<16xi32>
      %lt3A_484 = arith.cmpi slt, %add3A_481, %lt3A_483 : vector<16xi32>
      %add3A_485 = arith.constant 16 : i32
      %add3A_486 = vector.broadcast %add3A_485 : i32 to vector<16xi32>
      %add3A_487 = arith.addi %add3A_481, %add3A_486 : vector<16xi32>
      %select_n3A_488 = arith.select %lt3A_484, %add3A_487, %add3A_481 : vector<16xi1>, vector<16xi32>
      %broadcast_in_dim3A_489 = vector.shape_cast %select_n3A_488 : vector<16xi32> to vector<16x1xi32>
      %gather3A_490 = vector.shape_cast %broadcast_in_dim3A_489 : vector<16x1xi32> to vector<16xi32>
      %gather3A_491 = tpu.dynamic_gather %add3A_381[%gather3A_490] in [0] : vector<16xi32>, vector<16xi32> -> vector<16xi32>
      %add3A_492 = arith.addi %scan3A_272, %add3A_381 : vector<16xi32>
      %sub3A_493 = arith.constant 1 : i32
      %sub3A_494 = vector.broadcast %sub3A_493 : i32 to vector<16xi32>
      %sub3A_495 = arith.subi %add3A_492, %sub3A_494 : vector<16xi32>
      %add3A_496 = vector.broadcast %mul3A_274 : i32 to vector<16xi32>
      %add3A_497 = arith.addi %add3A_496, %iota3A : vector<16xi32>
      tpu.vector_store_idx %arg15[%sub3A_495], %add3A_497 masked %eq3A_282 : memref<4160xi32, #tpu.memory_space<vmem>>[vector<16xi32>], vector<16xi32>, vector<16xi1>
      %add3A_498 = arith.addi %scan3A_272, %gather3A_491 : vector<16xi32>
      %add3A_499 = arith.addi %add3A_498, %add3A_478 : vector<16xi32>
      %sub3A_500 = arith.constant 1 : i32
      %sub3A_501 = vector.broadcast %sub3A_500 : i32 to vector<16xi32>
      %sub3A_502 = arith.subi %add3A_499, %sub3A_501 : vector<16xi32>
      %add3A_503 = arith.constant 16 : i32
      %add3A_504 = arith.addi %mul3A_274, %add3A_503 : i32
      %add3A_505 = vector.broadcast %add3A_504 : i32 to vector<16xi32>
      %add3A_506 = arith.addi %add3A_505, %iota3A : vector<16xi32>
      tpu.vector_store_idx %arg15[%sub3A_502], %add3A_506 masked %eq3A_284 : memref<4160xi32, #tpu.memory_space<vmem>>[vector<16xi32>], vector<16xi32>, vector<16xi1>
      %add3A_507 = arith.addi %scan3A_272, %gather3A_491 : vector<16xi32>
      %add3A_508 = arith.constant 15 : i32
      %add3A_509 = vector.broadcast %add3A_508 : i32 to vector<16xi32>
      %add3A_510 = arith.addi %broadcast_in_dim3A_0, %add3A_509 : vector<16xi32>
      %lt3A_511 = arith.constant 0 : i32
      %lt3A_512 = vector.broadcast %lt3A_511 : i32 to vector<16xi32>
      %lt3A_513 = arith.cmpi slt, %add3A_510, %lt3A_512 : vector<16xi32>
      %add3A_514 = arith.constant 16 : i32
      %add3A_515 = vector.broadcast %add3A_514 : i32 to vector<16xi32>
      %add3A_516 = arith.addi %add3A_510, %add3A_515 : vector<16xi32>
      %select_n3A_517 = arith.select %lt3A_513, %add3A_516, %add3A_510 : vector<16xi1>, vector<16xi32>
      %broadcast_in_dim3A_518 = vector.shape_cast %select_n3A_517 : vector<16xi32> to vector<16x1xi32>
      %gather3A_519 = vector.shape_cast %broadcast_in_dim3A_518 : vector<16x1xi32> to vector<16xi32>
      %gather3A_520 = tpu.dynamic_gather %add3A_478[%gather3A_519] in [0] : vector<16xi32>, vector<16xi32> -> vector<16xi32>
      %add3A_521 = arith.addi %add3A_507, %gather3A_520 : vector<16xi32>
      scf.yield %add3A_521 : vector<16xi32>
    }
    %scan3A_11 = arith.constant 128 : i32
    %scan3A_12 = arith.constant 0 : i32
    %scan3A_13 = arith.constant 128 : i32
    %scan3A_14 = arith.addi %scan3A_12, %scan3A_13 : i32
    %scan3A_15 = arith.constant 1 : i32
    %scan3A_16 = scf.for %scan3A_271 = %scan3A_12 to %scan3A_14 step %scan3A_15 iter_args(%scan3A_272 = %scan3A_10) -> (vector<16xi32>)  : i32 {
      %mul3A_273 = arith.constant 32 : i32
      %mul3A_274 = arith.muli %scan3A_271, %mul3A_273 : i32
      %get3A_275 = arith.index_cast %mul3A_274 : i32 to index
      %get3A_276 = tpu.vector_load %arg12[%get3A_275] {strides = array<i32>} : memref<4096xi32, #tpu.memory_space<vmem>>, vector<16xi32>,
      %add3A_277 = arith.constant 16 : i32
      %add3A_278 = arith.addi %mul3A_274, %add3A_277 : i32
      %get3A_279 = arith.index_cast %add3A_278 : i32 to index
      %get3A_280 = tpu.vector_load %arg12[%get3A_279] {strides = array<i32>} : memref<4096xi32, #tpu.memory_space<vmem>>, vector<16xi32>,
      %eq3A_281 = vector.broadcast %arg1 : i32 to vector<16xi32>
      %eq3A_282 = arith.cmpi eq, %get3A_276, %eq3A_281 : vector<16xi32>
      %eq3A_283 = vector.broadcast %arg1 : i32 to vector<16xi32>
      %eq3A_284 = arith.cmpi eq, %get3A_280, %eq3A_283 : vector<16xi32>
      %jit3A_285 = arith.constant 1 : i32
      %jit3A_286 = arith.constant 0 : i32
      %broadcast_in_dim3A_287 = vector.broadcast %jit3A_285 : i32 to vector<16xi32>
      %broadcast_in_dim3A_288 = vector.broadcast %jit3A_286 : i32 to vector<16xi32>
      %select_n3A_289 = arith.select %eq3A_282, %broadcast_in_dim3A_287, %broadcast_in_dim3A_288 : vector<16xi1>, vector<16xi32>
      %sub3A_290 = arith.constant 1 : i32
      %sub3A_291 = vector.broadcast %sub3A_290 : i32 to vector<16xi32>
      %sub3A_292 = arith.subi %iota3A, %sub3A_291 : vector<16xi32>
      %max3A_293 = arith.constant 0 : i32
      %max3A_294 = vector.broadcast %max3A_293 : i32 to vector<16xi32>
      %max3A_295 = arith.maxsi %sub3A_292, %max3A_294 : vector<16xi32>
      %lt3A_296 = arith.constant 0 : i32
      %lt3A_297 = vector.broadcast %lt3A_296 : i32 to vector<16xi32>
      %lt3A_298 = arith.cmpi slt, %max3A_295, %lt3A_297 : vector<16xi32>
      %add3A_299 = arith.constant 16 : i32
      %add3A_300 = vector.broadcast %add3A_299 : i32 to vector<16xi32>
      %add3A_301 = arith.addi %max3A_295, %add3A_300 : vector<16xi32>
      %select_n3A_302 = arith.select %lt3A_298, %add3A_301, %max3A_295 : vector<16xi1>, vector<16xi32>
      %broadcast_in_dim3A_303 = vector.shape_cast %select_n3A_302 : vector<16xi32> to vector<16x1xi32>
      %gather3A_304 = vector.shape_cast %broadcast_in_dim3A_303 : vector<16x1xi32> to vector<16xi32>
      %gather3A_305 = tpu.dynamic_gather %select_n3A_289[%gather3A_304] in [0] : vector<16xi32>, vector<16xi32> -> vector<16xi32>
      %ge3A_306 = arith.constant 1 : i32
      %ge3A_307 = vector.broadcast %ge3A_306 : i32 to vector<16xi32>
      %ge3A_308 = arith.cmpi sge, %iota3A, %ge3A_307 : vector<16xi32>
      %jit3A_309 = arith.constant 0 : i32
      %broadcast_in_dim3A_310 = vector.broadcast %jit3A_309 : i32 to vector<16xi32>
      %select_n3A_311 = arith.select %ge3A_308, %gather3A_305, %broadcast_in_dim3A_310 : vector<16xi1>, vector<16xi32>
      %add3A_312 = arith.addi %select_n3A_289, %select_n3A_311 : vector<16xi32>
      %sub3A_313 = arith.constant 2 : i32
      %sub3A_314 = vector.broadcast %sub3A_313 : i32 to vector<16xi32>
      %sub3A_315 = arith.subi %iota3A, %sub3A_314 : vector<16xi32>
      %max3A_316 = arith.constant 0 : i32
      %max3A_317 = vector.broadcast %max3A_316 : i32 to vector<16xi32>
      %max3A_318 = arith.maxsi %sub3A_315, %max3A_317 : vector<16xi32>
      %lt3A_319 = arith.constant 0 : i32
      %lt3A_320 = vector.broadcast %lt3A_319 : i32 to vector<16xi32>
      %lt3A_321 = arith.cmpi slt, %max3A_318, %lt3A_320 : vector<16xi32>
      %add3A_322 = arith.constant 16 : i32
      %add3A_323 = vector.broadcast %add3A_322 : i32 to vector<16xi32>
      %add3A_324 = arith.addi %max3A_318, %add3A_323 : vector<16xi32>
      %select_n3A_325 = arith.select %lt3A_321, %add3A_324, %max3A_318 : vector<16xi1>, vector<16xi32>
      %broadcast_in_dim3A_326 = vector.shape_cast %select_n3A_325 : vector<16xi32> to vector<16x1xi32>
      %gather3A_327 = vector.shape_cast %broadcast_in_dim3A_326 : vector<16x1xi32> to vector<16xi32>
      %gather3A_328 = tpu.dynamic_gather %add3A_312[%gather3A_327] in [0] : vector<16xi32>, vector<16xi32> -> vector<16xi32>
      %ge3A_329 = arith.constant 2 : i32
      %ge3A_330 = vector.broadcast %ge3A_329 : i32 to vector<16xi32>
      %ge3A_331 = arith.cmpi sge, %iota3A, %ge3A_330 : vector<16xi32>
      %jit3A_332 = arith.constant 0 : i32
      %broadcast_in_dim3A_333 = vector.broadcast %jit3A_332 : i32 to vector<16xi32>
      %select_n3A_334 = arith.select %ge3A_331, %gather3A_328, %broadcast_in_dim3A_333 : vector<16xi1>, vector<16xi32>
      %add3A_335 = arith.addi %add3A_312, %select_n3A_334 : vector<16xi32>
      %sub3A_336 = arith.constant 4 : i32
      %sub3A_337 = vector.broadcast %sub3A_336 : i32 to vector<16xi32>
      %sub3A_338 = arith.subi %iota3A, %sub3A_337 : vector<16xi32>
      %max3A_339 = arith.constant 0 : i32
      %max3A_340 = vector.broadcast %max3A_339 : i32 to vector<16xi32>
      %max3A_341 = arith.maxsi %sub3A_338, %max3A_340 : vector<16xi32>
      %lt3A_342 = arith.constant 0 : i32
      %lt3A_343 = vector.broadcast %lt3A_342 : i32 to vector<16xi32>
      %lt3A_344 = arith.cmpi slt, %max3A_341, %lt3A_343 : vector<16xi32>
      %add3A_345 = arith.constant 16 : i32
      %add3A_346 = vector.broadcast %add3A_345 : i32 to vector<16xi32>
      %add3A_347 = arith.addi %max3A_341, %add3A_346 : vector<16xi32>
      %select_n3A_348 = arith.select %lt3A_344, %add3A_347, %max3A_341 : vector<16xi1>, vector<16xi32>
      %broadcast_in_dim3A_349 = vector.shape_cast %select_n3A_348 : vector<16xi32> to vector<16x1xi32>
      %gather3A_350 = vector.shape_cast %broadcast_in_dim3A_349 : vector<16x1xi32> to vector<16xi32>
      %gather3A_351 = tpu.dynamic_gather %add3A_335[%gather3A_350] in [0] : vector<16xi32>, vector<16xi32> -> vector<16xi32>
      %ge3A_352 = arith.constant 4 : i32
      %ge3A_353 = vector.broadcast %ge3A_352 : i32 to vector<16xi32>
      %ge3A_354 = arith.cmpi sge, %iota3A, %ge3A_353 : vector<16xi32>
      %jit3A_355 = arith.constant 0 : i32
      %broadcast_in_dim3A_356 = vector.broadcast %jit3A_355 : i32 to vector<16xi32>
      %select_n3A_357 = arith.select %ge3A_354, %gather3A_351, %broadcast_in_dim3A_356 : vector<16xi1>, vector<16xi32>
      %add3A_358 = arith.addi %add3A_335, %select_n3A_357 : vector<16xi32>
      %sub3A_359 = arith.constant 8 : i32
      %sub3A_360 = vector.broadcast %sub3A_359 : i32 to vector<16xi32>
      %sub3A_361 = arith.subi %iota3A, %sub3A_360 : vector<16xi32>
      %max3A_362 = arith.constant 0 : i32
      %max3A_363 = vector.broadcast %max3A_362 : i32 to vector<16xi32>
      %max3A_364 = arith.maxsi %sub3A_361, %max3A_363 : vector<16xi32>
      %lt3A_365 = arith.constant 0 : i32
      %lt3A_366 = vector.broadcast %lt3A_365 : i32 to vector<16xi32>
      %lt3A_367 = arith.cmpi slt, %max3A_364, %lt3A_366 : vector<16xi32>
      %add3A_368 = arith.constant 16 : i32
      %add3A_369 = vector.broadcast %add3A_368 : i32 to vector<16xi32>
      %add3A_370 = arith.addi %max3A_364, %add3A_369 : vector<16xi32>
      %select_n3A_371 = arith.select %lt3A_367, %add3A_370, %max3A_364 : vector<16xi1>, vector<16xi32>
      %broadcast_in_dim3A_372 = vector.shape_cast %select_n3A_371 : vector<16xi32> to vector<16x1xi32>
      %gather3A_373 = vector.shape_cast %broadcast_in_dim3A_372 : vector<16x1xi32> to vector<16xi32>
      %gather3A_374 = tpu.dynamic_gather %add3A_358[%gather3A_373] in [0] : vector<16xi32>, vector<16xi32> -> vector<16xi32>
      %ge3A_375 = arith.constant 8 : i32
      %ge3A_376 = vector.broadcast %ge3A_375 : i32 to vector<16xi32>
      %ge3A_377 = arith.cmpi sge, %iota3A, %ge3A_376 : vector<16xi32>
      %jit3A_378 = arith.constant 0 : i32
      %broadcast_in_dim3A_379 = vector.broadcast %jit3A_378 : i32 to vector<16xi32>
      %select_n3A_380 = arith.select %ge3A_377, %gather3A_374, %broadcast_in_dim3A_379 : vector<16xi1>, vector<16xi32>
      %add3A_381 = arith.addi %add3A_358, %select_n3A_380 : vector<16xi32>
      %jit3A_382 = arith.constant 1 : i32
      %jit3A_383 = arith.constant 0 : i32
      %broadcast_in_dim3A_384 = vector.broadcast %jit3A_382 : i32 to vector<16xi32>
      %broadcast_in_dim3A_385 = vector.broadcast %jit3A_383 : i32 to vector<16xi32>
      %select_n3A_386 = arith.select %eq3A_284, %broadcast_in_dim3A_384, %broadcast_in_dim3A_385 : vector<16xi1>, vector<16xi32>
      %sub3A_387 = arith.constant 1 : i32
      %sub3A_388 = vector.broadcast %sub3A_387 : i32 to vector<16xi32>
      %sub3A_389 = arith.subi %iota3A, %sub3A_388 : vector<16xi32>
      %max3A_390 = arith.constant 0 : i32
      %max3A_391 = vector.broadcast %max3A_390 : i32 to vector<16xi32>
      %max3A_392 = arith.maxsi %sub3A_389, %max3A_391 : vector<16xi32>
      %lt3A_393 = arith.constant 0 : i32
      %lt3A_394 = vector.broadcast %lt3A_393 : i32 to vector<16xi32>
      %lt3A_395 = arith.cmpi slt, %max3A_392, %lt3A_394 : vector<16xi32>
      %add3A_396 = arith.constant 16 : i32
      %add3A_397 = vector.broadcast %add3A_396 : i32 to vector<16xi32>
      %add3A_398 = arith.addi %max3A_392, %add3A_397 : vector<16xi32>
      %select_n3A_399 = arith.select %lt3A_395, %add3A_398, %max3A_392 : vector<16xi1>, vector<16xi32>
      %broadcast_in_dim3A_400 = vector.shape_cast %select_n3A_399 : vector<16xi32> to vector<16x1xi32>
      %gather3A_401 = vector.shape_cast %broadcast_in_dim3A_400 : vector<16x1xi32> to vector<16xi32>
      %gather3A_402 = tpu.dynamic_gather %select_n3A_386[%gather3A_401] in [0] : vector<16xi32>, vector<16xi32> -> vector<16xi32>
      %ge3A_403 = arith.constant 1 : i32
      %ge3A_404 = vector.broadcast %ge3A_403 : i32 to vector<16xi32>
      %ge3A_405 = arith.cmpi sge, %iota3A, %ge3A_404 : vector<16xi32>
      %jit3A_406 = arith.constant 0 : i32
      %broadcast_in_dim3A_407 = vector.broadcast %jit3A_406 : i32 to vector<16xi32>
      %select_n3A_408 = arith.select %ge3A_405, %gather3A_402, %broadcast_in_dim3A_407 : vector<16xi1>, vector<16xi32>
      %add3A_409 = arith.addi %select_n3A_386, %select_n3A_408 : vector<16xi32>
      %sub3A_410 = arith.constant 2 : i32
      %sub3A_411 = vector.broadcast %sub3A_410 : i32 to vector<16xi32>
      %sub3A_412 = arith.subi %iota3A, %sub3A_411 : vector<16xi32>
      %max3A_413 = arith.constant 0 : i32
      %max3A_414 = vector.broadcast %max3A_413 : i32 to vector<16xi32>
      %max3A_415 = arith.maxsi %sub3A_412, %max3A_414 : vector<16xi32>
      %lt3A_416 = arith.constant 0 : i32
      %lt3A_417 = vector.broadcast %lt3A_416 : i32 to vector<16xi32>
      %lt3A_418 = arith.cmpi slt, %max3A_415, %lt3A_417 : vector<16xi32>
      %add3A_419 = arith.constant 16 : i32
      %add3A_420 = vector.broadcast %add3A_419 : i32 to vector<16xi32>
      %add3A_421 = arith.addi %max3A_415, %add3A_420 : vector<16xi32>
      %select_n3A_422 = arith.select %lt3A_418, %add3A_421, %max3A_415 : vector<16xi1>, vector<16xi32>
      %broadcast_in_dim3A_423 = vector.shape_cast %select_n3A_422 : vector<16xi32> to vector<16x1xi32>
      %gather3A_424 = vector.shape_cast %broadcast_in_dim3A_423 : vector<16x1xi32> to vector<16xi32>
      %gather3A_425 = tpu.dynamic_gather %add3A_409[%gather3A_424] in [0] : vector<16xi32>, vector<16xi32> -> vector<16xi32>
      %ge3A_426 = arith.constant 2 : i32
      %ge3A_427 = vector.broadcast %ge3A_426 : i32 to vector<16xi32>
      %ge3A_428 = arith.cmpi sge, %iota3A, %ge3A_427 : vector<16xi32>
      %jit3A_429 = arith.constant 0 : i32
      %broadcast_in_dim3A_430 = vector.broadcast %jit3A_429 : i32 to vector<16xi32>
      %select_n3A_431 = arith.select %ge3A_428, %gather3A_425, %broadcast_in_dim3A_430 : vector<16xi1>, vector<16xi32>
      %add3A_432 = arith.addi %add3A_409, %select_n3A_431 : vector<16xi32>
      %sub3A_433 = arith.constant 4 : i32
      %sub3A_434 = vector.broadcast %sub3A_433 : i32 to vector<16xi32>
      %sub3A_435 = arith.subi %iota3A, %sub3A_434 : vector<16xi32>
      %max3A_436 = arith.constant 0 : i32
      %max3A_437 = vector.broadcast %max3A_436 : i32 to vector<16xi32>
      %max3A_438 = arith.maxsi %sub3A_435, %max3A_437 : vector<16xi32>
      %lt3A_439 = arith.constant 0 : i32
      %lt3A_440 = vector.broadcast %lt3A_439 : i32 to vector<16xi32>
      %lt3A_441 = arith.cmpi slt, %max3A_438, %lt3A_440 : vector<16xi32>
      %add3A_442 = arith.constant 16 : i32
      %add3A_443 = vector.broadcast %add3A_442 : i32 to vector<16xi32>
      %add3A_444 = arith.addi %max3A_438, %add3A_443 : vector<16xi32>
      %select_n3A_445 = arith.select %lt3A_441, %add3A_444, %max3A_438 : vector<16xi1>, vector<16xi32>
      %broadcast_in_dim3A_446 = vector.shape_cast %select_n3A_445 : vector<16xi32> to vector<16x1xi32>
      %gather3A_447 = vector.shape_cast %broadcast_in_dim3A_446 : vector<16x1xi32> to vector<16xi32>
      %gather3A_448 = tpu.dynamic_gather %add3A_432[%gather3A_447] in [0] : vector<16xi32>, vector<16xi32> -> vector<16xi32>
      %ge3A_449 = arith.constant 4 : i32
      %ge3A_450 = vector.broadcast %ge3A_449 : i32 to vector<16xi32>
      %ge3A_451 = arith.cmpi sge, %iota3A, %ge3A_450 : vector<16xi32>
      %jit3A_452 = arith.constant 0 : i32
      %broadcast_in_dim3A_453 = vector.broadcast %jit3A_452 : i32 to vector<16xi32>
      %select_n3A_454 = arith.select %ge3A_451, %gather3A_448, %broadcast_in_dim3A_453 : vector<16xi1>, vector<16xi32>
      %add3A_455 = arith.addi %add3A_432, %select_n3A_454 : vector<16xi32>
      %sub3A_456 = arith.constant 8 : i32
      %sub3A_457 = vector.broadcast %sub3A_456 : i32 to vector<16xi32>
      %sub3A_458 = arith.subi %iota3A, %sub3A_457 : vector<16xi32>
      %max3A_459 = arith.constant 0 : i32
      %max3A_460 = vector.broadcast %max3A_459 : i32 to vector<16xi32>
      %max3A_461 = arith.maxsi %sub3A_458, %max3A_460 : vector<16xi32>
      %lt3A_462 = arith.constant 0 : i32
      %lt3A_463 = vector.broadcast %lt3A_462 : i32 to vector<16xi32>
      %lt3A_464 = arith.cmpi slt, %max3A_461, %lt3A_463 : vector<16xi32>
      %add3A_465 = arith.constant 16 : i32
      %add3A_466 = vector.broadcast %add3A_465 : i32 to vector<16xi32>
      %add3A_467 = arith.addi %max3A_461, %add3A_466 : vector<16xi32>
      %select_n3A_468 = arith.select %lt3A_464, %add3A_467, %max3A_461 : vector<16xi1>, vector<16xi32>
      %broadcast_in_dim3A_469 = vector.shape_cast %select_n3A_468 : vector<16xi32> to vector<16x1xi32>
      %gather3A_470 = vector.shape_cast %broadcast_in_dim3A_469 : vector<16x1xi32> to vector<16xi32>
      %gather3A_471 = tpu.dynamic_gather %add3A_455[%gather3A_470] in [0] : vector<16xi32>, vector<16xi32> -> vector<16xi32>
      %ge3A_472 = arith.constant 8 : i32
      %ge3A_473 = vector.broadcast %ge3A_472 : i32 to vector<16xi32>
      %ge3A_474 = arith.cmpi sge, %iota3A, %ge3A_473 : vector<16xi32>
      %jit3A_475 = arith.constant 0 : i32
      %broadcast_in_dim3A_476 = vector.broadcast %jit3A_475 : i32 to vector<16xi32>
      %select_n3A_477 = arith.select %ge3A_474, %gather3A_471, %broadcast_in_dim3A_476 : vector<16xi1>, vector<16xi32>
      %add3A_478 = arith.addi %add3A_455, %select_n3A_477 : vector<16xi32>
      %add3A_479 = arith.constant 15 : i32
      %add3A_480 = vector.broadcast %add3A_479 : i32 to vector<16xi32>
      %add3A_481 = arith.addi %broadcast_in_dim3A_0, %add3A_480 : vector<16xi32>
      %lt3A_482 = arith.constant 0 : i32
      %lt3A_483 = vector.broadcast %lt3A_482 : i32 to vector<16xi32>
      %lt3A_484 = arith.cmpi slt, %add3A_481, %lt3A_483 : vector<16xi32>
      %add3A_485 = arith.constant 16 : i32
      %add3A_486 = vector.broadcast %add3A_485 : i32 to vector<16xi32>
      %add3A_487 = arith.addi %add3A_481, %add3A_486 : vector<16xi32>
      %select_n3A_488 = arith.select %lt3A_484, %add3A_487, %add3A_481 : vector<16xi1>, vector<16xi32>
      %broadcast_in_dim3A_489 = vector.shape_cast %select_n3A_488 : vector<16xi32> to vector<16x1xi32>
      %gather3A_490 = vector.shape_cast %broadcast_in_dim3A_489 : vector<16x1xi32> to vector<16xi32>
      %gather3A_491 = tpu.dynamic_gather %add3A_381[%gather3A_490] in [0] : vector<16xi32>, vector<16xi32> -> vector<16xi32>
      %add3A_492 = arith.addi %scan3A_272, %add3A_381 : vector<16xi32>
      %sub3A_493 = arith.constant 1 : i32
      %sub3A_494 = vector.broadcast %sub3A_493 : i32 to vector<16xi32>
      %sub3A_495 = arith.subi %add3A_492, %sub3A_494 : vector<16xi32>
      %add3A_496 = vector.broadcast %mul3A_274 : i32 to vector<16xi32>
      %add3A_497 = arith.addi %add3A_496, %iota3A : vector<16xi32>
      tpu.vector_store_idx %arg15[%sub3A_495], %add3A_497 masked %eq3A_282 : memref<4160xi32, #tpu.memory_space<vmem>>[vector<16xi32>], vector<16xi32>, vector<16xi1>
      %add3A_498 = arith.addi %scan3A_272, %gather3A_491 : vector<16xi32>
      %add3A_499 = arith.addi %add3A_498, %add3A_478 : vector<16xi32>
      %sub3A_500 = arith.constant 1 : i32
      %sub3A_501 = vector.broadcast %sub3A_500 : i32 to vector<16xi32>
      %sub3A_502 = arith.subi %add3A_499, %sub3A_501 : vector<16xi32>
      %add3A_503 = arith.constant 16 : i32
      %add3A_504 = arith.addi %mul3A_274, %add3A_503 : i32
      %add3A_505 = vector.broadcast %add3A_504 : i32 to vector<16xi32>
      %add3A_506 = arith.addi %add3A_505, %iota3A : vector<16xi32>
      tpu.vector_store_idx %arg15[%sub3A_502], %add3A_506 masked %eq3A_284 : memref<4160xi32, #tpu.memory_space<vmem>>[vector<16xi32>], vector<16xi32>, vector<16xi1>
      %add3A_507 = arith.addi %scan3A_272, %gather3A_491 : vector<16xi32>
      %add3A_508 = arith.constant 15 : i32
      %add3A_509 = vector.broadcast %add3A_508 : i32 to vector<16xi32>
      %add3A_510 = arith.addi %broadcast_in_dim3A_0, %add3A_509 : vector<16xi32>
      %lt3A_511 = arith.constant 0 : i32
      %lt3A_512 = vector.broadcast %lt3A_511 : i32 to vector<16xi32>
      %lt3A_513 = arith.cmpi slt, %add3A_510, %lt3A_512 : vector<16xi32>
      %add3A_514 = arith.constant 16 : i32
      %add3A_515 = vector.broadcast %add3A_514 : i32 to vector<16xi32>
      %add3A_516 = arith.addi %add3A_510, %add3A_515 : vector<16xi32>
      %select_n3A_517 = arith.select %lt3A_513, %add3A_516, %add3A_510 : vector<16xi1>, vector<16xi32>
      %broadcast_in_dim3A_518 = vector.shape_cast %select_n3A_517 : vector<16xi32> to vector<16x1xi32>
      %gather3A_519 = vector.shape_cast %broadcast_in_dim3A_518 : vector<16x1xi32> to vector<16xi32>
      %gather3A_520 = tpu.dynamic_gather %add3A_478[%gather3A_519] in [0] : vector<16xi32>, vector<16xi32> -> vector<16xi32>
      %add3A_521 = arith.addi %add3A_507, %gather3A_520 : vector<16xi32>
      scf.yield %add3A_521 : vector<16xi32>
    }
    %scan3A_17 = arith.constant 128 : i32
    tpu.wait_dma2 semaphore(%arg26 : memref<!tpu.dma_semaphore, #tpu.memory_space<semaphore_mem>>) src(%arg4 : memref<4096xf32, #tpu.memory_space<hbm>>) dst(%arg13 : memref<4096xf32, #tpu.memory_space<vmem>>)
    tpu.wait_dma2 semaphore(%arg27 : memref<!tpu.dma_semaphore, #tpu.memory_space<semaphore_mem>>) src(%arg5 : memref<4096xf32, #tpu.memory_space<hbm>>) dst(%arg14 : memref<4096xf32, #tpu.memory_space<vmem>>)
    %eq3A = vector.broadcast %arg1 : i32 to vector<16xi32>
    %eq3A_18 = arith.cmpi eq, %iota3A, %eq3A : vector<16xi32>
    %jit3A = arith.constant 0 : i32
    %broadcast_in_dim3A_19 = vector.broadcast %jit3A : i32 to vector<16xi32>
    %select_n3A = arith.select %eq3A_18, %scan3A_16, %broadcast_in_dim3A_19 : vector<16xi1>, vector<16xi32>
    %swap3A = arith.constant 0 : index
    %swap3A_20 = tpu.vector_load %arg16[%swap3A] {strides = array<i32>} : memref<16xi32, #tpu.memory_space<vmem>>, vector<16xi32>,
    tpu.vector_store %arg16[%swap3A], %select_n3A {strides = array<i32>} : memref<16xi32, #tpu.memory_space<vmem>>, vector<16xi32>,
    "tpu.region"() ({
      %run_scoped3A = tpu.sem_alloc : memref<!tpu.dma_semaphore, #tpu.memory_space<semaphore_mem>>
      %dma_start3A = arith.constant 0 : i32
      %dma_start3A_271 = tpu.memref_slice %arg18[%arg1, %dma_start3A] : memref<16x16xi32, #tpu.memory_space<vmem_shared>> -> memref<1x16xi32, #tpu.memory_space<vmem_shared>>
      %dma_start3A_272 = tpu.memref_squeeze %dma_start3A_271 : memref<1x16xi32, #tpu.memory_space<vmem_shared>> -> memref<16xi32, #tpu.memory_space<vmem_shared>>
      %dma_start3A_273 = arith.constant 0 : i32
      %dma_start3A_274 = tpu.memref_slice %arg18[%arg1, %dma_start3A_273] : memref<16x16xi32, #tpu.memory_space<vmem_shared>> -> memref<1x16xi32, #tpu.memory_space<vmem_shared>>
      %dma_start3A_275 = tpu.memref_squeeze %dma_start3A_274 : memref<1x16xi32, #tpu.memory_space<vmem_shared>> -> memref<16xi32, #tpu.memory_space<vmem_shared>>
      tpu.enqueue_dma source(%arg16 : memref<16xi32, #tpu.memory_space<vmem>>) target(%dma_start3A_275 : memref<16xi32, #tpu.memory_space<vmem_shared>>) target_semaphore(%run_scoped3A : memref<!tpu.dma_semaphore, #tpu.memory_space<semaphore_mem>>)
      %dma_wait3A = arith.constant 0 : i32
      %dma_wait3A_276 = tpu.memref_slice %arg18[%arg1, %dma_wait3A] : memref<16x16xi32, #tpu.memory_space<vmem_shared>> -> memref<1x16xi32, #tpu.memory_space<vmem_shared>>
      %dma_wait3A_277 = tpu.memref_squeeze %dma_wait3A_276 : memref<1x16xi32, #tpu.memory_space<vmem_shared>> -> memref<16xi32, #tpu.memory_space<vmem_shared>>
      %dma_wait3A_278 = arith.constant 0 : i32
      %dma_wait3A_279 = tpu.memref_slice %arg18[%arg1, %dma_wait3A_278] : memref<16x16xi32, #tpu.memory_space<vmem_shared>> -> memref<1x16xi32, #tpu.memory_space<vmem_shared>>
      %dma_wait3A_280 = tpu.memref_squeeze %dma_wait3A_279 : memref<1x16xi32, #tpu.memory_space<vmem_shared>> -> memref<16xi32, #tpu.memory_space<vmem_shared>>
      tpu.wait_dma2 semaphore(%run_scoped3A : memref<!tpu.dma_semaphore, #tpu.memory_space<semaphore_mem>>) src(%arg16 : memref<16xi32, #tpu.memory_space<vmem>>) dst(%dma_wait3A_280 : memref<16xi32, #tpu.memory_space<vmem_shared>>)
      tpu.yield
    }) : () -> ()
    %barrier3A = arith.constant 0 : index
    tpu.barrier barrier_id(%barrier3A)
    "tpu.region"() ({
      %run_scoped3A = tpu.sem_alloc : memref<!tpu.dma_semaphore, #tpu.memory_space<semaphore_mem>>
      tpu.enqueue_dma source(%arg18 : memref<16x16xi32, #tpu.memory_space<vmem_shared>>) target(%arg17 : memref<16x16xi32, #tpu.memory_space<vmem>>) target_semaphore(%run_scoped3A : memref<!tpu.dma_semaphore, #tpu.memory_space<semaphore_mem>>)
      tpu.wait_dma2 semaphore(%run_scoped3A : memref<!tpu.dma_semaphore, #tpu.memory_space<semaphore_mem>>) src(%arg18 : memref<16x16xi32, #tpu.memory_space<vmem_shared>>) dst(%arg17 : memref<16x16xi32, #tpu.memory_space<vmem>>)
      tpu.yield
    }) : () -> ()
    %broadcast_in_dim3A_21 = arith.constant 0 : i32
    %broadcast_in_dim3A_22 = vector.broadcast %broadcast_in_dim3A_21 : i32 to vector<16xi32>
    %get3A = arith.constant 0 : i32
    %get3A_23 = arith.index_cast %get3A : i32 to index
    %get3A_24 = arith.constant 0 : index
    %get3A_25 = tpu.vector_load %arg17[%get3A_23, %get3A_24] {strides = array<i32>} : memref<16x16xi32, #tpu.memory_space<vmem>>, vector<16xi32>,
    %add3A = arith.addi %broadcast_in_dim3A_22, %get3A_25 : vector<16xi32>
    %get3A_26 = arith.constant 1 : i32
    %get3A_27 = arith.index_cast %get3A_26 : i32 to index
    %get3A_28 = arith.constant 0 : index
    %get3A_29 = tpu.vector_load %arg17[%get3A_27, %get3A_28] {strides = array<i32>} : memref<16x16xi32, #tpu.memory_space<vmem>>, vector<16xi32>,
    %add3A_30 = arith.addi %add3A, %get3A_29 : vector<16xi32>
    %get3A_31 = arith.constant 2 : i32
    %get3A_32 = arith.index_cast %get3A_31 : i32 to index
    %get3A_33 = arith.constant 0 : index
    %get3A_34 = tpu.vector_load %arg17[%get3A_32, %get3A_33] {strides = array<i32>} : memref<16x16xi32, #tpu.memory_space<vmem>>, vector<16xi32>,
    %add3A_35 = arith.addi %add3A_30, %get3A_34 : vector<16xi32>
    %get3A_36 = arith.constant 3 : i32
    %get3A_37 = arith.index_cast %get3A_36 : i32 to index
    %get3A_38 = arith.constant 0 : index
    %get3A_39 = tpu.vector_load %arg17[%get3A_37, %get3A_38] {strides = array<i32>} : memref<16x16xi32, #tpu.memory_space<vmem>>, vector<16xi32>,
    %add3A_40 = arith.addi %add3A_35, %get3A_39 : vector<16xi32>
    %get3A_41 = arith.constant 4 : i32
    %get3A_42 = arith.index_cast %get3A_41 : i32 to index
    %get3A_43 = arith.constant 0 : index
    %get3A_44 = tpu.vector_load %arg17[%get3A_42, %get3A_43] {strides = array<i32>} : memref<16x16xi32, #tpu.memory_space<vmem>>, vector<16xi32>,
    %add3A_45 = arith.addi %add3A_40, %get3A_44 : vector<16xi32>
    %get3A_46 = arith.constant 5 : i32
    %get3A_47 = arith.index_cast %get3A_46 : i32 to index
    %get3A_48 = arith.constant 0 : index
    %get3A_49 = tpu.vector_load %arg17[%get3A_47, %get3A_48] {strides = array<i32>} : memref<16x16xi32, #tpu.memory_space<vmem>>, vector<16xi32>,
    %add3A_50 = arith.addi %add3A_45, %get3A_49 : vector<16xi32>
    %get3A_51 = arith.constant 6 : i32
    %get3A_52 = arith.index_cast %get3A_51 : i32 to index
    %get3A_53 = arith.constant 0 : index
    %get3A_54 = tpu.vector_load %arg17[%get3A_52, %get3A_53] {strides = array<i32>} : memref<16x16xi32, #tpu.memory_space<vmem>>, vector<16xi32>,
    %add3A_55 = arith.addi %add3A_50, %get3A_54 : vector<16xi32>
    %get3A_56 = arith.constant 7 : i32
    %get3A_57 = arith.index_cast %get3A_56 : i32 to index
    %get3A_58 = arith.constant 0 : index
    %get3A_59 = tpu.vector_load %arg17[%get3A_57, %get3A_58] {strides = array<i32>} : memref<16x16xi32, #tpu.memory_space<vmem>>, vector<16xi32>,
    %add3A_60 = arith.addi %add3A_55, %get3A_59 : vector<16xi32>
    %get3A_61 = arith.constant 8 : i32
    %get3A_62 = arith.index_cast %get3A_61 : i32 to index
    %get3A_63 = arith.constant 0 : index
    %get3A_64 = tpu.vector_load %arg17[%get3A_62, %get3A_63] {strides = array<i32>} : memref<16x16xi32, #tpu.memory_space<vmem>>, vector<16xi32>,
    %add3A_65 = arith.addi %add3A_60, %get3A_64 : vector<16xi32>
    %get3A_66 = arith.constant 9 : i32
    %get3A_67 = arith.index_cast %get3A_66 : i32 to index
    %get3A_68 = arith.constant 0 : index
    %get3A_69 = tpu.vector_load %arg17[%get3A_67, %get3A_68] {strides = array<i32>} : memref<16x16xi32, #tpu.memory_space<vmem>>, vector<16xi32>,
    %add3A_70 = arith.addi %add3A_65, %get3A_69 : vector<16xi32>
    %get3A_71 = arith.constant 10 : i32
    %get3A_72 = arith.index_cast %get3A_71 : i32 to index
    %get3A_73 = arith.constant 0 : index
    %get3A_74 = tpu.vector_load %arg17[%get3A_72, %get3A_73] {strides = array<i32>} : memref<16x16xi32, #tpu.memory_space<vmem>>, vector<16xi32>,
    %add3A_75 = arith.addi %add3A_70, %get3A_74 : vector<16xi32>
    %get3A_76 = arith.constant 11 : i32
    %get3A_77 = arith.index_cast %get3A_76 : i32 to index
    %get3A_78 = arith.constant 0 : index
    %get3A_79 = tpu.vector_load %arg17[%get3A_77, %get3A_78] {strides = array<i32>} : memref<16x16xi32, #tpu.memory_space<vmem>>, vector<16xi32>,
    %add3A_80 = arith.addi %add3A_75, %get3A_79 : vector<16xi32>
    %get3A_81 = arith.constant 12 : i32
    %get3A_82 = arith.index_cast %get3A_81 : i32 to index
    %get3A_83 = arith.constant 0 : index
    %get3A_84 = tpu.vector_load %arg17[%get3A_82, %get3A_83] {strides = array<i32>} : memref<16x16xi32, #tpu.memory_space<vmem>>, vector<16xi32>,
    %add3A_85 = arith.addi %add3A_80, %get3A_84 : vector<16xi32>
    %get3A_86 = arith.constant 13 : i32
    %get3A_87 = arith.index_cast %get3A_86 : i32 to index
    %get3A_88 = arith.constant 0 : index
    %get3A_89 = tpu.vector_load %arg17[%get3A_87, %get3A_88] {strides = array<i32>} : memref<16x16xi32, #tpu.memory_space<vmem>>, vector<16xi32>,
    %add3A_90 = arith.addi %add3A_85, %get3A_89 : vector<16xi32>
    %get3A_91 = arith.constant 14 : i32
    %get3A_92 = arith.index_cast %get3A_91 : i32 to index
    %get3A_93 = arith.constant 0 : index
    %get3A_94 = tpu.vector_load %arg17[%get3A_92, %get3A_93] {strides = array<i32>} : memref<16x16xi32, #tpu.memory_space<vmem>>, vector<16xi32>,
    %add3A_95 = arith.addi %add3A_90, %get3A_94 : vector<16xi32>
    %get3A_96 = arith.constant 15 : i32
    %get3A_97 = arith.index_cast %get3A_96 : i32 to index
    %get3A_98 = arith.constant 0 : index
    %get3A_99 = tpu.vector_load %arg17[%get3A_97, %get3A_98] {strides = array<i32>} : memref<16x16xi32, #tpu.memory_space<vmem>>, vector<16xi32>,
    %add3A_100 = arith.addi %add3A_95, %get3A_99 : vector<16xi32>
    %add3A_101 = arith.constant 255 : i32
    %add3A_102 = vector.broadcast %add3A_101 : i32 to vector<16xi32>
    %add3A_103 = arith.addi %add3A_100, %add3A_102 : vector<16xi32>
    %shift_right_arithmetic3A = arith.constant 8 : i32
    %shift_right_arithmetic3A_104 = vector.broadcast %shift_right_arithmetic3A : i32 to vector<16xi32>
    %shift_right_arithmetic3A_105 = arith.shrsi %add3A_103, %shift_right_arithmetic3A_104 : vector<16xi32>
    %shift_left3A = arith.constant 8 : i32
    %shift_left3A_106 = vector.broadcast %shift_left3A : i32 to vector<16xi32>
    %shift_left3A_107 = arith.shli %shift_right_arithmetic3A_105, %shift_left3A_106 : vector<16xi32>
    %sub3A = arith.constant 1 : i32
    %sub3A_108 = vector.broadcast %sub3A : i32 to vector<16xi32>
    %sub3A_109 = arith.subi %iota3A, %sub3A_108 : vector<16xi32>
    %max3A = arith.constant 0 : i32
    %max3A_110 = vector.broadcast %max3A : i32 to vector<16xi32>
    %max3A_111 = arith.maxsi %sub3A_109, %max3A_110 : vector<16xi32>
    %lt3A = arith.constant 0 : i32
    %lt3A_112 = vector.broadcast %lt3A : i32 to vector<16xi32>
    %lt3A_113 = arith.cmpi slt, %max3A_111, %lt3A_112 : vector<16xi32>
    %add3A_114 = arith.constant 16 : i32
    %add3A_115 = vector.broadcast %add3A_114 : i32 to vector<16xi32>
    %add3A_116 = arith.addi %max3A_111, %add3A_115 : vector<16xi32>
    %select_n3A_117 = arith.select %lt3A_113, %add3A_116, %max3A_111 : vector<16xi1>, vector<16xi32>
    %broadcast_in_dim3A_118 = vector.shape_cast %select_n3A_117 : vector<16xi32> to vector<16x1xi32>
    %gather3A = vector.shape_cast %broadcast_in_dim3A_118 : vector<16x1xi32> to vector<16xi32>
    %gather3A_119 = tpu.dynamic_gather %shift_left3A_107[%gather3A] in [0] : vector<16xi32>, vector<16xi32> -> vector<16xi32>
    %ge3A = arith.constant 1 : i32
    %ge3A_120 = vector.broadcast %ge3A : i32 to vector<16xi32>
    %ge3A_121 = arith.cmpi sge, %iota3A, %ge3A_120 : vector<16xi32>
    %jit3A_122 = arith.constant 0 : i32
    %broadcast_in_dim3A_123 = vector.broadcast %jit3A_122 : i32 to vector<16xi32>
    %select_n3A_124 = arith.select %ge3A_121, %gather3A_119, %broadcast_in_dim3A_123 : vector<16xi1>, vector<16xi32>
    %add3A_125 = arith.addi %shift_left3A_107, %select_n3A_124 : vector<16xi32>
    %sub3A_126 = arith.constant 2 : i32
    %sub3A_127 = vector.broadcast %sub3A_126 : i32 to vector<16xi32>
    %sub3A_128 = arith.subi %iota3A, %sub3A_127 : vector<16xi32>
    %max3A_129 = arith.constant 0 : i32
    %max3A_130 = vector.broadcast %max3A_129 : i32 to vector<16xi32>
    %max3A_131 = arith.maxsi %sub3A_128, %max3A_130 : vector<16xi32>
    %lt3A_132 = arith.constant 0 : i32
    %lt3A_133 = vector.broadcast %lt3A_132 : i32 to vector<16xi32>
    %lt3A_134 = arith.cmpi slt, %max3A_131, %lt3A_133 : vector<16xi32>
    %add3A_135 = arith.constant 16 : i32
    %add3A_136 = vector.broadcast %add3A_135 : i32 to vector<16xi32>
    %add3A_137 = arith.addi %max3A_131, %add3A_136 : vector<16xi32>
    %select_n3A_138 = arith.select %lt3A_134, %add3A_137, %max3A_131 : vector<16xi1>, vector<16xi32>
    %broadcast_in_dim3A_139 = vector.shape_cast %select_n3A_138 : vector<16xi32> to vector<16x1xi32>
    %gather3A_140 = vector.shape_cast %broadcast_in_dim3A_139 : vector<16x1xi32> to vector<16xi32>
    %gather3A_141 = tpu.dynamic_gather %add3A_125[%gather3A_140] in [0] : vector<16xi32>, vector<16xi32> -> vector<16xi32>
    %ge3A_142 = arith.constant 2 : i32
    %ge3A_143 = vector.broadcast %ge3A_142 : i32 to vector<16xi32>
    %ge3A_144 = arith.cmpi sge, %iota3A, %ge3A_143 : vector<16xi32>
    %jit3A_145 = arith.constant 0 : i32
    %broadcast_in_dim3A_146 = vector.broadcast %jit3A_145 : i32 to vector<16xi32>
    %select_n3A_147 = arith.select %ge3A_144, %gather3A_141, %broadcast_in_dim3A_146 : vector<16xi1>, vector<16xi32>
    %add3A_148 = arith.addi %add3A_125, %select_n3A_147 : vector<16xi32>
    %sub3A_149 = arith.constant 4 : i32
    %sub3A_150 = vector.broadcast %sub3A_149 : i32 to vector<16xi32>
    %sub3A_151 = arith.subi %iota3A, %sub3A_150 : vector<16xi32>
    %max3A_152 = arith.constant 0 : i32
    %max3A_153 = vector.broadcast %max3A_152 : i32 to vector<16xi32>
    %max3A_154 = arith.maxsi %sub3A_151, %max3A_153 : vector<16xi32>
    %lt3A_155 = arith.constant 0 : i32
    %lt3A_156 = vector.broadcast %lt3A_155 : i32 to vector<16xi32>
    %lt3A_157 = arith.cmpi slt, %max3A_154, %lt3A_156 : vector<16xi32>
    %add3A_158 = arith.constant 16 : i32
    %add3A_159 = vector.broadcast %add3A_158 : i32 to vector<16xi32>
    %add3A_160 = arith.addi %max3A_154, %add3A_159 : vector<16xi32>
    %select_n3A_161 = arith.select %lt3A_157, %add3A_160, %max3A_154 : vector<16xi1>, vector<16xi32>
    %broadcast_in_dim3A_162 = vector.shape_cast %select_n3A_161 : vector<16xi32> to vector<16x1xi32>
    %gather3A_163 = vector.shape_cast %broadcast_in_dim3A_162 : vector<16x1xi32> to vector<16xi32>
    %gather3A_164 = tpu.dynamic_gather %add3A_148[%gather3A_163] in [0] : vector<16xi32>, vector<16xi32> -> vector<16xi32>
    %ge3A_165 = arith.constant 4 : i32
    %ge3A_166 = vector.broadcast %ge3A_165 : i32 to vector<16xi32>
    %ge3A_167 = arith.cmpi sge, %iota3A, %ge3A_166 : vector<16xi32>
    %jit3A_168 = arith.constant 0 : i32
    %broadcast_in_dim3A_169 = vector.broadcast %jit3A_168 : i32 to vector<16xi32>
    %select_n3A_170 = arith.select %ge3A_167, %gather3A_164, %broadcast_in_dim3A_169 : vector<16xi1>, vector<16xi32>
    %add3A_171 = arith.addi %add3A_148, %select_n3A_170 : vector<16xi32>
    %sub3A_172 = arith.constant 8 : i32
    %sub3A_173 = vector.broadcast %sub3A_172 : i32 to vector<16xi32>
    %sub3A_174 = arith.subi %iota3A, %sub3A_173 : vector<16xi32>
    %max3A_175 = arith.constant 0 : i32
    %max3A_176 = vector.broadcast %max3A_175 : i32 to vector<16xi32>
    %max3A_177 = arith.maxsi %sub3A_174, %max3A_176 : vector<16xi32>
    %lt3A_178 = arith.constant 0 : i32
    %lt3A_179 = vector.broadcast %lt3A_178 : i32 to vector<16xi32>
    %lt3A_180 = arith.cmpi slt, %max3A_177, %lt3A_179 : vector<16xi32>
    %add3A_181 = arith.constant 16 : i32
    %add3A_182 = vector.broadcast %add3A_181 : i32 to vector<16xi32>
    %add3A_183 = arith.addi %max3A_177, %add3A_182 : vector<16xi32>
    %select_n3A_184 = arith.select %lt3A_180, %add3A_183, %max3A_177 : vector<16xi1>, vector<16xi32>
    %broadcast_in_dim3A_185 = vector.shape_cast %select_n3A_184 : vector<16xi32> to vector<16x1xi32>
    %gather3A_186 = vector.shape_cast %broadcast_in_dim3A_185 : vector<16x1xi32> to vector<16xi32>
    %gather3A_187 = tpu.dynamic_gather %add3A_171[%gather3A_186] in [0] : vector<16xi32>, vector<16xi32> -> vector<16xi32>
    %ge3A_188 = arith.constant 8 : i32
    %ge3A_189 = vector.broadcast %ge3A_188 : i32 to vector<16xi32>
    %ge3A_190 = arith.cmpi sge, %iota3A, %ge3A_189 : vector<16xi32>
    %jit3A_191 = arith.constant 0 : i32
    %broadcast_in_dim3A_192 = vector.broadcast %jit3A_191 : i32 to vector<16xi32>
    %select_n3A_193 = arith.select %ge3A_190, %gather3A_187, %broadcast_in_dim3A_192 : vector<16xi1>, vector<16xi32>
    %add3A_194 = arith.addi %add3A_171, %select_n3A_193 : vector<16xi32>
    %sub3A_195 = arith.subi %add3A_194, %shift_left3A_107 : vector<16xi32>
    %slice3A = vector.extract_strided_slice %scan3A_16 {offsets = [0], sizes = [1], strides = [1]} : vector<16xi32> to vector<1xi32>
    %squeeze3A = vector.extract %slice3A[0] : i32 from vector<1xi32>
    %slice3A_196 = vector.extract_strided_slice %scan3A_10 {offsets = [0], sizes = [1], strides = [1]} : vector<16xi32> to vector<1xi32>
    %squeeze3A_197 = vector.extract %slice3A_196[0] : i32 from vector<1xi32>
    %add3A_198 = vector.broadcast %arg1 : i32 to vector<16xi32>
    %add3A_199 = arith.addi %broadcast_in_dim3A_0, %add3A_198 : vector<16xi32>
    %lt3A_200 = arith.constant 0 : i32
    %lt3A_201 = vector.broadcast %lt3A_200 : i32 to vector<16xi32>
    %lt3A_202 = arith.cmpi slt, %add3A_199, %lt3A_201 : vector<16xi32>
    %add3A_203 = arith.constant 16 : i32
    %add3A_204 = vector.broadcast %add3A_203 : i32 to vector<16xi32>
    %add3A_205 = arith.addi %add3A_199, %add3A_204 : vector<16xi32>
    %select_n3A_206 = arith.select %lt3A_202, %add3A_205, %add3A_199 : vector<16xi1>, vector<16xi32>
    %broadcast_in_dim3A_207 = vector.shape_cast %select_n3A_206 : vector<16xi32> to vector<16x1xi32>
    %gather3A_208 = vector.shape_cast %broadcast_in_dim3A_207 : vector<16x1xi32> to vector<16xi32>
    %gather3A_209 = tpu.dynamic_gather %sub3A_195[%gather3A_208] in [0] : vector<16xi32>, vector<16xi32> -> vector<16xi32>
    %slice3A_210 = vector.extract_strided_slice %gather3A_209 {offsets = [0], sizes = [1], strides = [1]} : vector<16xi32> to vector<1xi32>
    %squeeze3A_211 = vector.extract %slice3A_210[0] : i32 from vector<1xi32>
    %add3A_212 = arith.constant 31 : i32
    %add3A_213 = arith.addi %squeeze3A, %add3A_212 : i32
    %shift_right_arithmetic3A_214 = arith.constant 5 : i32
    %shift_right_arithmetic3A_215 = arith.shrsi %add3A_213, %shift_right_arithmetic3A_214 : i32
    %add3A_216 = arith.constant 1 : i32
    %add3A_217 = arith.addi %shift_right_arithmetic3A_215, %add3A_216 : i32
    %shift_right_arithmetic3A_218 = arith.constant 1 : i32
    %shift_right_arithmetic3A_219 = arith.shrsi %add3A_217, %shift_right_arithmetic3A_218 : i32
    %while3A = arith.constant 0 : i32
    %while3A_220 = arith.constant 0 : i32
    %while3A_221 = arith.subi %shift_right_arithmetic3A_219, %while3A : i32
    %while3A_222 = arith.addi %while3A, %while3A_221 : i32
    %while3A_223 = arith.constant 1 : i32
    %while3A_224 = arith.divsi %while3A_221, %while3A_223 : i32
    %while3A_225 = arith.muli %while3A_224, %while3A_223 : i32
    %while3A_226 = arith.addi %while3A, %while3A_225 : i32
    %while3A_227 = arith.constant 1 : i32
    %while3A_228 = scf.for %while3A_271 = %while3A to %while3A_226 step %while3A_227 iter_args(%while3A_272 = %while3A_220) -> (i32)  : i32 {
      %mul3A_273 = arith.constant 2 : i32
      %mul3A_274 = arith.muli %while3A_271, %mul3A_273 : i32
      %mul3A_275 = arith.constant 32 : i32
      %mul3A_276 = arith.muli %mul3A_274, %mul3A_275 : i32
      %multiple_of3A_277 = tpu.assume_multiple %mul3A_276, 16 : i32
      %add3A_278 = arith.constant 1 : i32
      %add3A_279 = arith.addi %mul3A_274, %add3A_278 : i32
      %mul3A_280 = arith.constant 32 : i32
      %mul3A_281 = arith.muli %add3A_279, %mul3A_280 : i32
      %multiple_of3A_282 = tpu.assume_multiple %mul3A_281, 16 : i32
      %dma_start3A = tpu.memref_slice %arg15[%multiple_of3A_277] : memref<4160xi32, #tpu.memory_space<vmem>> -> memref<32xi32, #tpu.memory_space<vmem>>
      %dma_start3A_283 = arith.constant 0 : i32
      %dma_start3A_284 = arith.constant 0 : i32
      %dma_start3A_285 = tpu.memref_slice %arg6[%dma_start3A_283, %dma_start3A_284] : memref<4096x1024xf32, #tpu.memory_space<hbm>> -> memref<4096x1024xf32, #tpu.memory_space<hbm>>
      tpu.enqueue_indirect_dma source(%dma_start3A_285 : memref<4096x1024xf32, #tpu.memory_space<hbm>>) target(%arg24 : memref<32x1024xf32, #tpu.memory_space<vmem>>) offsets(%dma_start3A : memref<32xi32, #tpu.memory_space<vmem>>) semaphore(%arg26 : memref<!tpu.dma_semaphore, #tpu.memory_space<semaphore_mem>>)
      %dma_start3A_286 = tpu.memref_slice %arg15[%multiple_of3A_282] : memref<4160xi32, #tpu.memory_space<vmem>> -> memref<32xi32, #tpu.memory_space<vmem>>
      %dma_start3A_287 = arith.constant 0 : i32
      %dma_start3A_288 = arith.constant 0 : i32
      %dma_start3A_289 = tpu.memref_slice %arg6[%dma_start3A_287, %dma_start3A_288] : memref<4096x1024xf32, #tpu.memory_space<hbm>> -> memref<4096x1024xf32, #tpu.memory_space<hbm>>
      tpu.enqueue_indirect_dma source(%dma_start3A_289 : memref<4096x1024xf32, #tpu.memory_space<hbm>>) target(%arg25 : memref<32x1024xf32, #tpu.memory_space<vmem>>) offsets(%dma_start3A_286 : memref<32xi32, #tpu.memory_space<vmem>>) semaphore(%arg27 : memref<!tpu.dma_semaphore, #tpu.memory_space<semaphore_mem>>)
      %dma_wait3A = tpu.memref_slice %arg15[%multiple_of3A_277] : memref<4160xi32, #tpu.memory_space<vmem>> -> memref<32xi32, #tpu.memory_space<vmem>>
      %dma_wait3A_290 = arith.constant 0 : i32
      %dma_wait3A_291 = arith.constant 0 : i32
      %dma_wait3A_292 = tpu.memref_slice %arg6[%dma_wait3A_290, %dma_wait3A_291] : memref<4096x1024xf32, #tpu.memory_space<hbm>> -> memref<4096x1024xf32, #tpu.memory_space<hbm>>
      tpu.wait_indirect_dma semaphore(%arg26 : memref<!tpu.dma_semaphore, #tpu.memory_space<semaphore_mem>>) src(%dma_wait3A_292 : memref<4096x1024xf32, #tpu.memory_space<hbm>>) dst(%arg24 : memref<32x1024xf32, #tpu.memory_space<vmem>>)
      %lt3A_293 = arith.cmpi slt, %mul3A_274, %shift_right_arithmetic3A_215 : i32
      %convert_element_type3A_294 = arith.extui %lt3A_293 : i1 to i32
      %cond3A_295 = arith.constant 0 : i32
      %cond3A_296 = arith.cmpi ne, %convert_element_type3A_294, %cond3A_295 : i32
      scf.if %cond3A_296 {
        %mul3A_308 = arith.constant 32 : i32
        %mul3A_309 = arith.muli %mul3A_274, %mul3A_308 : i32
        %add3A_310 = arith.addi %squeeze3A_211, %mul3A_309 : i32
        %multiple_of3A_311 = tpu.assume_multiple %add3A_310, 32 : i32
        "tpu.region"() ({
          %run_scoped3A = tpu.sem_alloc : memref<!tpu.dma_semaphore, #tpu.memory_space<semaphore_mem>>
          %dma_start3A_312 = arith.constant 0 : i32
          %dma_start3A_313 = tpu.memref_slice %arg7[%multiple_of3A_311, %dma_start3A_312] : memref<12288x1024xf32, #tpu.memory_space<hbm>> -> memref<32x1024xf32, #tpu.memory_space<hbm>>
          %dma_start3A_314 = arith.constant 0 : i32
          %dma_start3A_315 = tpu.memref_slice %arg7[%multiple_of3A_311, %dma_start3A_314] : memref<12288x1024xf32, #tpu.memory_space<hbm>> -> memref<32x1024xf32, #tpu.memory_space<hbm>>
          tpu.enqueue_dma source(%arg24 : memref<32x1024xf32, #tpu.memory_space<vmem>>) target(%dma_start3A_315 : memref<32x1024xf32, #tpu.memory_space<hbm>>) target_semaphore(%run_scoped3A : memref<!tpu.dma_semaphore, #tpu.memory_space<semaphore_mem>>)
          %dma_wait3A_316 = arith.constant 0 : i32
          %dma_wait3A_317 = tpu.memref_slice %arg7[%multiple_of3A_311, %dma_wait3A_316] : memref<12288x1024xf32, #tpu.memory_space<hbm>> -> memref<32x1024xf32, #tpu.memory_space<hbm>>
          %dma_wait3A_318 = arith.constant 0 : i32
          %dma_wait3A_319 = tpu.memref_slice %arg7[%multiple_of3A_311, %dma_wait3A_318] : memref<12288x1024xf32, #tpu.memory_space<hbm>> -> memref<32x1024xf32, #tpu.memory_space<hbm>>
          tpu.wait_dma2 semaphore(%run_scoped3A : memref<!tpu.dma_semaphore, #tpu.memory_space<semaphore_mem>>) src(%arg24 : memref<32x1024xf32, #tpu.memory_space<vmem>>) dst(%dma_wait3A_319 : memref<32x1024xf32, #tpu.memory_space<hbm>>)
          tpu.yield
        }) : () -> ()
      } else {
      }
      %dma_wait3A_297 = tpu.memref_slice %arg15[%multiple_of3A_282] : memref<4160xi32, #tpu.memory_space<vmem>> -> memref<32xi32, #tpu.memory_space<vmem>>
      %dma_wait3A_298 = arith.constant 0 : i32
      %dma_wait3A_299 = arith.constant 0 : i32
      %dma_wait3A_300 = tpu.memref_slice %arg6[%dma_wait3A_298, %dma_wait3A_299] : memref<4096x1024xf32, #tpu.memory_space<hbm>> -> memref<4096x1024xf32, #tpu.memory_space<hbm>>
      tpu.wait_indirect_dma semaphore(%arg27 : memref<!tpu.dma_semaphore, #tpu.memory_space<semaphore_mem>>) src(%dma_wait3A_300 : memref<4096x1024xf32, #tpu.memory_space<hbm>>) dst(%arg25 : memref<32x1024xf32, #tpu.memory_space<vmem>>)
      %add3A_301 = arith.constant 1 : i32
      %add3A_302 = arith.addi %mul3A_274, %add3A_301 : i32
      %lt3A_303 = arith.cmpi slt, %add3A_302, %shift_right_arithmetic3A_215 : i32
      %convert_element_type3A_304 = arith.extui %lt3A_303 : i1 to i32
      %cond3A_305 = arith.constant 0 : i32
      %cond3A_306 = arith.cmpi ne, %convert_element_type3A_304, %cond3A_305 : i32
      scf.if %cond3A_306 {
        %add3A_308 = arith.constant 1 : i32
        %add3A_309 = arith.addi %mul3A_274, %add3A_308 : i32
        %mul3A_310 = arith.constant 32 : i32
        %mul3A_311 = arith.muli %add3A_309, %mul3A_310 : i32
        %add3A_312 = arith.addi %squeeze3A_211, %mul3A_311 : i32
        %multiple_of3A_313 = tpu.assume_multiple %add3A_312, 32 : i32
        "tpu.region"() ({
          %run_scoped3A = tpu.sem_alloc : memref<!tpu.dma_semaphore, #tpu.memory_space<semaphore_mem>>
          %dma_start3A_314 = arith.constant 0 : i32
          %dma_start3A_315 = tpu.memref_slice %arg7[%multiple_of3A_313, %dma_start3A_314] : memref<12288x1024xf32, #tpu.memory_space<hbm>> -> memref<32x1024xf32, #tpu.memory_space<hbm>>
          %dma_start3A_316 = arith.constant 0 : i32
          %dma_start3A_317 = tpu.memref_slice %arg7[%multiple_of3A_313, %dma_start3A_316] : memref<12288x1024xf32, #tpu.memory_space<hbm>> -> memref<32x1024xf32, #tpu.memory_space<hbm>>
          tpu.enqueue_dma source(%arg25 : memref<32x1024xf32, #tpu.memory_space<vmem>>) target(%dma_start3A_317 : memref<32x1024xf32, #tpu.memory_space<hbm>>) target_semaphore(%run_scoped3A : memref<!tpu.dma_semaphore, #tpu.memory_space<semaphore_mem>>)
          %dma_wait3A_318 = arith.constant 0 : i32
          %dma_wait3A_319 = tpu.memref_slice %arg7[%multiple_of3A_313, %dma_wait3A_318] : memref<12288x1024xf32, #tpu.memory_space<hbm>> -> memref<32x1024xf32, #tpu.memory_space<hbm>>
          %dma_wait3A_320 = arith.constant 0 : i32
          %dma_wait3A_321 = tpu.memref_slice %arg7[%multiple_of3A_313, %dma_wait3A_320] : memref<12288x1024xf32, #tpu.memory_space<hbm>> -> memref<32x1024xf32, #tpu.memory_space<hbm>>
          tpu.wait_dma2 semaphore(%run_scoped3A : memref<!tpu.dma_semaphore, #tpu.memory_space<semaphore_mem>>) src(%arg25 : memref<32x1024xf32, #tpu.memory_space<vmem>>) dst(%dma_wait3A_321 : memref<32x1024xf32, #tpu.memory_space<hbm>>)
          tpu.yield
        }) : () -> ()
      } else {
      }
      %while3A_307 = arith.constant 0 : i32
      scf.yield %while3A_307 : i32
    }
    %while3A_229 = arith.constant 1 : i32
    %while3A_230 = scf.for %while3A_271 = %while3A_226 to %while3A_222 step %while3A_229 iter_args(%while3A_272 = %while3A_228) -> (i32)  : i32 {
      %mul3A_273 = arith.constant 2 : i32
      %mul3A_274 = arith.muli %while3A_271, %mul3A_273 : i32
      %mul3A_275 = arith.constant 32 : i32
      %mul3A_276 = arith.muli %mul3A_274, %mul3A_275 : i32
      %multiple_of3A_277 = tpu.assume_multiple %mul3A_276, 16 : i32
      %add3A_278 = arith.constant 1 : i32
      %add3A_279 = arith.addi %mul3A_274, %add3A_278 : i32
      %mul3A_280 = arith.constant 32 : i32
      %mul3A_281 = arith.muli %add3A_279, %mul3A_280 : i32
      %multiple_of3A_282 = tpu.assume_multiple %mul3A_281, 16 : i32
      %dma_start3A = tpu.memref_slice %arg15[%multiple_of3A_277] : memref<4160xi32, #tpu.memory_space<vmem>> -> memref<32xi32, #tpu.memory_space<vmem>>
      %dma_start3A_283 = arith.constant 0 : i32
      %dma_start3A_284 = arith.constant 0 : i32
      %dma_start3A_285 = tpu.memref_slice %arg6[%dma_start3A_283, %dma_start3A_284] : memref<4096x1024xf32, #tpu.memory_space<hbm>> -> memref<4096x1024xf32, #tpu.memory_space<hbm>>
      tpu.enqueue_indirect_dma source(%dma_start3A_285 : memref<4096x1024xf32, #tpu.memory_space<hbm>>) target(%arg24 : memref<32x1024xf32, #tpu.memory_space<vmem>>) offsets(%dma_start3A : memref<32xi32, #tpu.memory_space<vmem>>) semaphore(%arg26 : memref<!tpu.dma_semaphore, #tpu.memory_space<semaphore_mem>>)
      %dma_start3A_286 = tpu.memref_slice %arg15[%multiple_of3A_282] : memref<4160xi32, #tpu.memory_space<vmem>> -> memref<32xi32, #tpu.memory_space<vmem>>
      %dma_start3A_287 = arith.constant 0 : i32
      %dma_start3A_288 = arith.constant 0 : i32
      %dma_start3A_289 = tpu.memref_slice %arg6[%dma_start3A_287, %dma_start3A_288] : memref<4096x1024xf32, #tpu.memory_space<hbm>> -> memref<4096x1024xf32, #tpu.memory_space<hbm>>
      tpu.enqueue_indirect_dma source(%dma_start3A_289 : memref<4096x1024xf32, #tpu.memory_space<hbm>>) target(%arg25 : memref<32x1024xf32, #tpu.memory_space<vmem>>) offsets(%dma_start3A_286 : memref<32xi32, #tpu.memory_space<vmem>>) semaphore(%arg27 : memref<!tpu.dma_semaphore, #tpu.memory_space<semaphore_mem>>)
      %dma_wait3A = tpu.memref_slice %arg15[%multiple_of3A_277] : memref<4160xi32, #tpu.memory_space<vmem>> -> memref<32xi32, #tpu.memory_space<vmem>>
      %dma_wait3A_290 = arith.constant 0 : i32
      %dma_wait3A_291 = arith.constant 0 : i32
      %dma_wait3A_292 = tpu.memref_slice %arg6[%dma_wait3A_290, %dma_wait3A_291] : memref<4096x1024xf32, #tpu.memory_space<hbm>> -> memref<4096x1024xf32, #tpu.memory_space<hbm>>
      tpu.wait_indirect_dma semaphore(%arg26 : memref<!tpu.dma_semaphore, #tpu.memory_space<semaphore_mem>>) src(%dma_wait3A_292 : memref<4096x1024xf32, #tpu.memory_space<hbm>>) dst(%arg24 : memref<32x1024xf32, #tpu.memory_space<vmem>>)
      %lt3A_293 = arith.cmpi slt, %mul3A_274, %shift_right_arithmetic3A_215 : i32
      %convert_element_type3A_294 = arith.extui %lt3A_293 : i1 to i32
      %cond3A_295 = arith.constant 0 : i32
      %cond3A_296 = arith.cmpi ne, %convert_element_type3A_294, %cond3A_295 : i32
      scf.if %cond3A_296 {
        %mul3A_308 = arith.constant 32 : i32
        %mul3A_309 = arith.muli %mul3A_274, %mul3A_308 : i32
        %add3A_310 = arith.addi %squeeze3A_211, %mul3A_309 : i32
        %multiple_of3A_311 = tpu.assume_multiple %add3A_310, 32 : i32
        "tpu.region"() ({
          %run_scoped3A = tpu.sem_alloc : memref<!tpu.dma_semaphore, #tpu.memory_space<semaphore_mem>>
          %dma_start3A_312 = arith.constant 0 : i32
          %dma_start3A_313 = tpu.memref_slice %arg7[%multiple_of3A_311, %dma_start3A_312] : memref<12288x1024xf32, #tpu.memory_space<hbm>> -> memref<32x1024xf32, #tpu.memory_space<hbm>>
          %dma_start3A_314 = arith.constant 0 : i32
          %dma_start3A_315 = tpu.memref_slice %arg7[%multiple_of3A_311, %dma_start3A_314] : memref<12288x1024xf32, #tpu.memory_space<hbm>> -> memref<32x1024xf32, #tpu.memory_space<hbm>>
          tpu.enqueue_dma source(%arg24 : memref<32x1024xf32, #tpu.memory_space<vmem>>) target(%dma_start3A_315 : memref<32x1024xf32, #tpu.memory_space<hbm>>) target_semaphore(%run_scoped3A : memref<!tpu.dma_semaphore, #tpu.memory_space<semaphore_mem>>)
          %dma_wait3A_316 = arith.constant 0 : i32
          %dma_wait3A_317 = tpu.memref_slice %arg7[%multiple_of3A_311, %dma_wait3A_316] : memref<12288x1024xf32, #tpu.memory_space<hbm>> -> memref<32x1024xf32, #tpu.memory_space<hbm>>
          %dma_wait3A_318 = arith.constant 0 : i32
          %dma_wait3A_319 = tpu.memref_slice %arg7[%multiple_of3A_311, %dma_wait3A_318] : memref<12288x1024xf32, #tpu.memory_space<hbm>> -> memref<32x1024xf32, #tpu.memory_space<hbm>>
          tpu.wait_dma2 semaphore(%run_scoped3A : memref<!tpu.dma_semaphore, #tpu.memory_space<semaphore_mem>>) src(%arg24 : memref<32x1024xf32, #tpu.memory_space<vmem>>) dst(%dma_wait3A_319 : memref<32x1024xf32, #tpu.memory_space<hbm>>)
          tpu.yield
        }) : () -> ()
      } else {
      }
      %dma_wait3A_297 = tpu.memref_slice %arg15[%multiple_of3A_282] : memref<4160xi32, #tpu.memory_space<vmem>> -> memref<32xi32, #tpu.memory_space<vmem>>
      %dma_wait3A_298 = arith.constant 0 : i32
      %dma_wait3A_299 = arith.constant 0 : i32
      %dma_wait3A_300 = tpu.memref_slice %arg6[%dma_wait3A_298, %dma_wait3A_299] : memref<4096x1024xf32, #tpu.memory_space<hbm>> -> memref<4096x1024xf32, #tpu.memory_space<hbm>>
      tpu.wait_indirect_dma semaphore(%arg27 : memref<!tpu.dma_semaphore, #tpu.memory_space<semaphore_mem>>) src(%dma_wait3A_300 : memref<4096x1024xf32, #tpu.memory_space<hbm>>) dst(%arg25 : memref<32x1024xf32, #tpu.memory_space<vmem>>)
      %add3A_301 = arith.constant 1 : i32
      %add3A_302 = arith.addi %mul3A_274, %add3A_301 : i32
      %lt3A_303 = arith.cmpi slt, %add3A_302, %shift_right_arithmetic3A_215 : i32
      %convert_element_type3A_304 = arith.extui %lt3A_303 : i1 to i32
      %cond3A_305 = arith.constant 0 : i32
      %cond3A_306 = arith.cmpi ne, %convert_element_type3A_304, %cond3A_305 : i32
      scf.if %cond3A_306 {
        %add3A_308 = arith.constant 1 : i32
        %add3A_309 = arith.addi %mul3A_274, %add3A_308 : i32
        %mul3A_310 = arith.constant 32 : i32
        %mul3A_311 = arith.muli %add3A_309, %mul3A_310 : i32
        %add3A_312 = arith.addi %squeeze3A_211, %mul3A_311 : i32
        %multiple_of3A_313 = tpu.assume_multiple %add3A_312, 32 : i32
        "tpu.region"() ({
          %run_scoped3A = tpu.sem_alloc : memref<!tpu.dma_semaphore, #tpu.memory_space<semaphore_mem>>
          %dma_start3A_314 = arith.constant 0 : i32
          %dma_start3A_315 = tpu.memref_slice %arg7[%multiple_of3A_313, %dma_start3A_314] : memref<12288x1024xf32, #tpu.memory_space<hbm>> -> memref<32x1024xf32, #tpu.memory_space<hbm>>
          %dma_start3A_316 = arith.constant 0 : i32
          %dma_start3A_317 = tpu.memref_slice %arg7[%multiple_of3A_313, %dma_start3A_316] : memref<12288x1024xf32, #tpu.memory_space<hbm>> -> memref<32x1024xf32, #tpu.memory_space<hbm>>
          tpu.enqueue_dma source(%arg25 : memref<32x1024xf32, #tpu.memory_space<vmem>>) target(%dma_start3A_317 : memref<32x1024xf32, #tpu.memory_space<hbm>>) target_semaphore(%run_scoped3A : memref<!tpu.dma_semaphore, #tpu.memory_space<semaphore_mem>>)
          %dma_wait3A_318 = arith.constant 0 : i32
          %dma_wait3A_319 = tpu.memref_slice %arg7[%multiple_of3A_313, %dma_wait3A_318] : memref<12288x1024xf32, #tpu.memory_space<hbm>> -> memref<32x1024xf32, #tpu.memory_space<hbm>>
          %dma_wait3A_320 = arith.constant 0 : i32
          %dma_wait3A_321 = tpu.memref_slice %arg7[%multiple_of3A_313, %dma_wait3A_320] : memref<12288x1024xf32, #tpu.memory_space<hbm>> -> memref<32x1024xf32, #tpu.memory_space<hbm>>
          tpu.wait_dma2 semaphore(%run_scoped3A : memref<!tpu.dma_semaphore, #tpu.memory_space<semaphore_mem>>) src(%arg25 : memref<32x1024xf32, #tpu.memory_space<vmem>>) dst(%dma_wait3A_321 : memref<32x1024xf32, #tpu.memory_space<hbm>>)
          tpu.yield
        }) : () -> ()
      } else {
      }
      %while3A_307 = arith.constant 0 : i32
      scf.yield %while3A_307 : i32
    }
    %add3A_231 = arith.constant 255 : i32
    %add3A_232 = arith.addi %squeeze3A, %add3A_231 : i32
    %shift_right_arithmetic3A_233 = arith.constant 8 : i32
    %shift_right_arithmetic3A_234 = arith.shrsi %add3A_232, %shift_right_arithmetic3A_233 : i32
    %while3A_235 = arith.constant 0 : i32
    %while3A_236 = arith.constant 0 : i32
    %while3A_237 = arith.subi %shift_right_arithmetic3A_234, %while3A_235 : i32
    %while3A_238 = arith.addi %while3A_235, %while3A_237 : i32
    %while3A_239 = arith.constant 1 : i32
    %while3A_240 = arith.divsi %while3A_237, %while3A_239 : i32
    %while3A_241 = arith.muli %while3A_240, %while3A_239 : i32
    %while3A_242 = arith.addi %while3A_235, %while3A_241 : i32
    %while3A_243 = arith.constant 1 : i32
    %while3A_244 = scf.for %while3A_271 = %while3A_235 to %while3A_242 step %while3A_243 iter_args(%while3A_272 = %while3A_236) -> (i32)  : i32 {
      %mul3A_273 = arith.constant 256 : i32
      %mul3A_274 = arith.muli %while3A_271, %mul3A_273 : i32
      %multiple_of3A_275 = tpu.assume_multiple %mul3A_274, 256 : i32
      %add3A_276 = arith.constant 0 : i32
      %add3A_277 = arith.addi %multiple_of3A_275, %add3A_276 : i32
      %get3A_278 = arith.index_cast %add3A_277 : i32 to index
      %get3A_279 = tpu.vector_load %arg15[%get3A_278] {strides = array<i32>} : memref<4160xi32, #tpu.memory_space<vmem>>, vector<16xi32>,
      %gather3A_280 = tpu.vector_load_idx %arg13[%get3A_279] : memref<4096xf32, #tpu.memory_space<vmem>>[vector<16xi32>], vector<16xf32>,
      %gather3A_281 = tpu.vector_load_idx %arg14[%get3A_279] : memref<4096xf32, #tpu.memory_space<vmem>>[vector<16xi32>], vector<16xf32>,
      %add3A_282 = vector.broadcast %add3A_277 : i32 to vector<16xi32>
      %add3A_283 = arith.addi %add3A_282, %iota3A : vector<16xi32>
      %ge3A_284 = vector.broadcast %squeeze3A_197 : i32 to vector<16xi32>
      %ge3A_285 = arith.cmpi sge, %add3A_283, %ge3A_284 : vector<16xi32>
      %select_n3A_286 = arith.select %ge3A_285, %gather3A_281, %gather3A_280 : vector<16xi1>, vector<16xf32>
      %swap3A_287 = arith.constant 0 : index
      %swap3A_288 = tpu.vector_load %arg23[%swap3A_287] {strides = array<i32>} : memref<256xf32, #tpu.memory_space<vmem>>, vector<16xf32>,
      tpu.vector_store %arg23[%swap3A_287], %select_n3A_286 {strides = array<i32>} : memref<256xf32, #tpu.memory_space<vmem>>, vector<16xf32>,
      %mul3A_289 = arith.constant 256 : i32
      %mul3A_290 = arith.muli %while3A_271, %mul3A_289 : i32
      %multiple_of3A_291 = tpu.assume_multiple %mul3A_290, 256 : i32
      %add3A_292 = arith.constant 16 : i32
      %add3A_293 = arith.addi %multiple_of3A_291, %add3A_292 : i32
      %get3A_294 = arith.index_cast %add3A_293 : i32 to index
      %get3A_295 = tpu.vector_load %arg15[%get3A_294] {strides = array<i32>} : memref<4160xi32, #tpu.memory_space<vmem>>, vector<16xi32>,
      %gather3A_296 = tpu.vector_load_idx %arg13[%get3A_295] : memref<4096xf32, #tpu.memory_space<vmem>>[vector<16xi32>], vector<16xf32>,
      %gather3A_297 = tpu.vector_load_idx %arg14[%get3A_295] : memref<4096xf32, #tpu.memory_space<vmem>>[vector<16xi32>], vector<16xf32>,
      %add3A_298 = vector.broadcast %add3A_293 : i32 to vector<16xi32>
      %add3A_299 = arith.addi %add3A_298, %iota3A : vector<16xi32>
      %ge3A_300 = vector.broadcast %squeeze3A_197 : i32 to vector<16xi32>
      %ge3A_301 = arith.cmpi sge, %add3A_299, %ge3A_300 : vector<16xi32>
      %select_n3A_302 = arith.select %ge3A_301, %gather3A_297, %gather3A_296 : vector<16xi1>, vector<16xf32>
      %swap3A_303 = arith.constant 16 : index
      %swap3A_304 = tpu.vector_load %arg23[%swap3A_303] {strides = array<i32>} : memref<256xf32, #tpu.memory_space<vmem>>, vector<16xf32>,
      tpu.vector_store %arg23[%swap3A_303], %select_n3A_302 {strides = array<i32>} : memref<256xf32, #tpu.memory_space<vmem>>, vector<16xf32>,
      %mul3A_305 = arith.constant 256 : i32
      %mul3A_306 = arith.muli %while3A_271, %mul3A_305 : i32
      %multiple_of3A_307 = tpu.assume_multiple %mul3A_306, 256 : i32
      %add3A_308 = arith.constant 32 : i32
      %add3A_309 = arith.addi %multiple_of3A_307, %add3A_308 : i32
      %get3A_310 = arith.index_cast %add3A_309 : i32 to index
      %get3A_311 = tpu.vector_load %arg15[%get3A_310] {strides = array<i32>} : memref<4160xi32, #tpu.memory_space<vmem>>, vector<16xi32>,
      %gather3A_312 = tpu.vector_load_idx %arg13[%get3A_311] : memref<4096xf32, #tpu.memory_space<vmem>>[vector<16xi32>], vector<16xf32>,
      %gather3A_313 = tpu.vector_load_idx %arg14[%get3A_311] : memref<4096xf32, #tpu.memory_space<vmem>>[vector<16xi32>], vector<16xf32>,
      %add3A_314 = vector.broadcast %add3A_309 : i32 to vector<16xi32>
      %add3A_315 = arith.addi %add3A_314, %iota3A : vector<16xi32>
      %ge3A_316 = vector.broadcast %squeeze3A_197 : i32 to vector<16xi32>
      %ge3A_317 = arith.cmpi sge, %add3A_315, %ge3A_316 : vector<16xi32>
      %select_n3A_318 = arith.select %ge3A_317, %gather3A_313, %gather3A_312 : vector<16xi1>, vector<16xf32>
      %swap3A_319 = arith.constant 32 : index
      %swap3A_320 = tpu.vector_load %arg23[%swap3A_319] {strides = array<i32>} : memref<256xf32, #tpu.memory_space<vmem>>, vector<16xf32>,
      tpu.vector_store %arg23[%swap3A_319], %select_n3A_318 {strides = array<i32>} : memref<256xf32, #tpu.memory_space<vmem>>, vector<16xf32>,
      %mul3A_321 = arith.constant 256 : i32
      %mul3A_322 = arith.muli %while3A_271, %mul3A_321 : i32
      %multiple_of3A_323 = tpu.assume_multiple %mul3A_322, 256 : i32
      %add3A_324 = arith.constant 48 : i32
      %add3A_325 = arith.addi %multiple_of3A_323, %add3A_324 : i32
      %get3A_326 = arith.index_cast %add3A_325 : i32 to index
      %get3A_327 = tpu.vector_load %arg15[%get3A_326] {strides = array<i32>} : memref<4160xi32, #tpu.memory_space<vmem>>, vector<16xi32>,
      %gather3A_328 = tpu.vector_load_idx %arg13[%get3A_327] : memref<4096xf32, #tpu.memory_space<vmem>>[vector<16xi32>], vector<16xf32>,
      %gather3A_329 = tpu.vector_load_idx %arg14[%get3A_327] : memref<4096xf32, #tpu.memory_space<vmem>>[vector<16xi32>], vector<16xf32>,
      %add3A_330 = vector.broadcast %add3A_325 : i32 to vector<16xi32>
      %add3A_331 = arith.addi %add3A_330, %iota3A : vector<16xi32>
      %ge3A_332 = vector.broadcast %squeeze3A_197 : i32 to vector<16xi32>
      %ge3A_333 = arith.cmpi sge, %add3A_331, %ge3A_332 : vector<16xi32>
      %select_n3A_334 = arith.select %ge3A_333, %gather3A_329, %gather3A_328 : vector<16xi1>, vector<16xf32>
      %swap3A_335 = arith.constant 48 : index
      %swap3A_336 = tpu.vector_load %arg23[%swap3A_335] {strides = array<i32>} : memref<256xf32, #tpu.memory_space<vmem>>, vector<16xf32>,
      tpu.vector_store %arg23[%swap3A_335], %select_n3A_334 {strides = array<i32>} : memref<256xf32, #tpu.memory_space<vmem>>, vector<16xf32>,
      %mul3A_337 = arith.constant 256 : i32
      %mul3A_338 = arith.muli %while3A_271, %mul3A_337 : i32
      %multiple_of3A_339 = tpu.assume_multiple %mul3A_338, 256 : i32
      %add3A_340 = arith.constant 64 : i32
      %add3A_341 = arith.addi %multiple_of3A_339, %add3A_340 : i32
      %get3A_342 = arith.index_cast %add3A_341 : i32 to index
      %get3A_343 = tpu.vector_load %arg15[%get3A_342] {strides = array<i32>} : memref<4160xi32, #tpu.memory_space<vmem>>, vector<16xi32>,
      %gather3A_344 = tpu.vector_load_idx %arg13[%get3A_343] : memref<4096xf32, #tpu.memory_space<vmem>>[vector<16xi32>], vector<16xf32>,
      %gather3A_345 = tpu.vector_load_idx %arg14[%get3A_343] : memref<4096xf32, #tpu.memory_space<vmem>>[vector<16xi32>], vector<16xf32>,
      %add3A_346 = vector.broadcast %add3A_341 : i32 to vector<16xi32>
      %add3A_347 = arith.addi %add3A_346, %iota3A : vector<16xi32>
      %ge3A_348 = vector.broadcast %squeeze3A_197 : i32 to vector<16xi32>
      %ge3A_349 = arith.cmpi sge, %add3A_347, %ge3A_348 : vector<16xi32>
      %select_n3A_350 = arith.select %ge3A_349, %gather3A_345, %gather3A_344 : vector<16xi1>, vector<16xf32>
      %swap3A_351 = arith.constant 64 : index
      %swap3A_352 = tpu.vector_load %arg23[%swap3A_351] {strides = array<i32>} : memref<256xf32, #tpu.memory_space<vmem>>, vector<16xf32>,
      tpu.vector_store %arg23[%swap3A_351], %select_n3A_350 {strides = array<i32>} : memref<256xf32, #tpu.memory_space<vmem>>, vector<16xf32>,
      %mul3A_353 = arith.constant 256 : i32
      %mul3A_354 = arith.muli %while3A_271, %mul3A_353 : i32
      %multiple_of3A_355 = tpu.assume_multiple %mul3A_354, 256 : i32
      %add3A_356 = arith.constant 80 : i32
      %add3A_357 = arith.addi %multiple_of3A_355, %add3A_356 : i32
      %get3A_358 = arith.index_cast %add3A_357 : i32 to index
      %get3A_359 = tpu.vector_load %arg15[%get3A_358] {strides = array<i32>} : memref<4160xi32, #tpu.memory_space<vmem>>, vector<16xi32>,
      %gather3A_360 = tpu.vector_load_idx %arg13[%get3A_359] : memref<4096xf32, #tpu.memory_space<vmem>>[vector<16xi32>], vector<16xf32>,
      %gather3A_361 = tpu.vector_load_idx %arg14[%get3A_359] : memref<4096xf32, #tpu.memory_space<vmem>>[vector<16xi32>], vector<16xf32>,
      %add3A_362 = vector.broadcast %add3A_357 : i32 to vector<16xi32>
      %add3A_363 = arith.addi %add3A_362, %iota3A : vector<16xi32>
      %ge3A_364 = vector.broadcast %squeeze3A_197 : i32 to vector<16xi32>
      %ge3A_365 = arith.cmpi sge, %add3A_363, %ge3A_364 : vector<16xi32>
      %select_n3A_366 = arith.select %ge3A_365, %gather3A_361, %gather3A_360 : vector<16xi1>, vector<16xf32>
      %swap3A_367 = arith.constant 80 : index
      %swap3A_368 = tpu.vector_load %arg23[%swap3A_367] {strides = array<i32>} : memref<256xf32, #tpu.memory_space<vmem>>, vector<16xf32>,
      tpu.vector_store %arg23[%swap3A_367], %select_n3A_366 {strides = array<i32>} : memref<256xf32, #tpu.memory_space<vmem>>, vector<16xf32>,
      %mul3A_369 = arith.constant 256 : i32
      %mul3A_370 = arith.muli %while3A_271, %mul3A_369 : i32
      %multiple_of3A_371 = tpu.assume_multiple %mul3A_370, 256 : i32
      %add3A_372 = arith.constant 96 : i32
      %add3A_373 = arith.addi %multiple_of3A_371, %add3A_372 : i32
      %get3A_374 = arith.index_cast %add3A_373 : i32 to index
      %get3A_375 = tpu.vector_load %arg15[%get3A_374] {strides = array<i32>} : memref<4160xi32, #tpu.memory_space<vmem>>, vector<16xi32>,
      %gather3A_376 = tpu.vector_load_idx %arg13[%get3A_375] : memref<4096xf32, #tpu.memory_space<vmem>>[vector<16xi32>], vector<16xf32>,
      %gather3A_377 = tpu.vector_load_idx %arg14[%get3A_375] : memref<4096xf32, #tpu.memory_space<vmem>>[vector<16xi32>], vector<16xf32>,
      %add3A_378 = vector.broadcast %add3A_373 : i32 to vector<16xi32>
      %add3A_379 = arith.addi %add3A_378, %iota3A : vector<16xi32>
      %ge3A_380 = vector.broadcast %squeeze3A_197 : i32 to vector<16xi32>
      %ge3A_381 = arith.cmpi sge, %add3A_379, %ge3A_380 : vector<16xi32>
      %select_n3A_382 = arith.select %ge3A_381, %gather3A_377, %gather3A_376 : vector<16xi1>, vector<16xf32>
      %swap3A_383 = arith.constant 96 : index
      %swap3A_384 = tpu.vector_load %arg23[%swap3A_383] {strides = array<i32>} : memref<256xf32, #tpu.memory_space<vmem>>, vector<16xf32>,
      tpu.vector_store %arg23[%swap3A_383], %select_n3A_382 {strides = array<i32>} : memref<256xf32, #tpu.memory_space<vmem>>, vector<16xf32>,
      %mul3A_385 = arith.constant 256 : i32
      %mul3A_386 = arith.muli %while3A_271, %mul3A_385 : i32
      %multiple_of3A_387 = tpu.assume_multiple %mul3A_386, 256 : i32
      %add3A_388 = arith.constant 112 : i32
      %add3A_389 = arith.addi %multiple_of3A_387, %add3A_388 : i32
      %get3A_390 = arith.index_cast %add3A_389 : i32 to index
      %get3A_391 = tpu.vector_load %arg15[%get3A_390] {strides = array<i32>} : memref<4160xi32, #tpu.memory_space<vmem>>, vector<16xi32>,
      %gather3A_392 = tpu.vector_load_idx %arg13[%get3A_391] : memref<4096xf32, #tpu.memory_space<vmem>>[vector<16xi32>], vector<16xf32>,
      %gather3A_393 = tpu.vector_load_idx %arg14[%get3A_391] : memref<4096xf32, #tpu.memory_space<vmem>>[vector<16xi32>], vector<16xf32>,
      %add3A_394 = vector.broadcast %add3A_389 : i32 to vector<16xi32>
      %add3A_395 = arith.addi %add3A_394, %iota3A : vector<16xi32>
      %ge3A_396 = vector.broadcast %squeeze3A_197 : i32 to vector<16xi32>
      %ge3A_397 = arith.cmpi sge, %add3A_395, %ge3A_396 : vector<16xi32>
      %select_n3A_398 = arith.select %ge3A_397, %gather3A_393, %gather3A_392 : vector<16xi1>, vector<16xf32>
      %swap3A_399 = arith.constant 112 : index
      %swap3A_400 = tpu.vector_load %arg23[%swap3A_399] {strides = array<i32>} : memref<256xf32, #tpu.memory_space<vmem>>, vector<16xf32>,
      tpu.vector_store %arg23[%swap3A_399], %select_n3A_398 {strides = array<i32>} : memref<256xf32, #tpu.memory_space<vmem>>, vector<16xf32>,
      %mul3A_401 = arith.constant 256 : i32
      %mul3A_402 = arith.muli %while3A_271, %mul3A_401 : i32
      %multiple_of3A_403 = tpu.assume_multiple %mul3A_402, 256 : i32
      %add3A_404 = arith.constant 128 : i32
      %add3A_405 = arith.addi %multiple_of3A_403, %add3A_404 : i32
      %get3A_406 = arith.index_cast %add3A_405 : i32 to index
      %get3A_407 = tpu.vector_load %arg15[%get3A_406] {strides = array<i32>} : memref<4160xi32, #tpu.memory_space<vmem>>, vector<16xi32>,
      %gather3A_408 = tpu.vector_load_idx %arg13[%get3A_407] : memref<4096xf32, #tpu.memory_space<vmem>>[vector<16xi32>], vector<16xf32>,
      %gather3A_409 = tpu.vector_load_idx %arg14[%get3A_407] : memref<4096xf32, #tpu.memory_space<vmem>>[vector<16xi32>], vector<16xf32>,
      %add3A_410 = vector.broadcast %add3A_405 : i32 to vector<16xi32>
      %add3A_411 = arith.addi %add3A_410, %iota3A : vector<16xi32>
      %ge3A_412 = vector.broadcast %squeeze3A_197 : i32 to vector<16xi32>
      %ge3A_413 = arith.cmpi sge, %add3A_411, %ge3A_412 : vector<16xi32>
      %select_n3A_414 = arith.select %ge3A_413, %gather3A_409, %gather3A_408 : vector<16xi1>, vector<16xf32>
      %swap3A_415 = arith.constant 128 : index
      %swap3A_416 = tpu.vector_load %arg23[%swap3A_415] {strides = array<i32>} : memref<256xf32, #tpu.memory_space<vmem>>, vector<16xf32>,
      tpu.vector_store %arg23[%swap3A_415], %select_n3A_414 {strides = array<i32>} : memref<256xf32, #tpu.memory_space<vmem>>, vector<16xf32>,
      %mul3A_417 = arith.constant 256 : i32
      %mul3A_418 = arith.muli %while3A_271, %mul3A_417 : i32
      %multiple_of3A_419 = tpu.assume_multiple %mul3A_418, 256 : i32
      %add3A_420 = arith.constant 144 : i32
      %add3A_421 = arith.addi %multiple_of3A_419, %add3A_420 : i32
      %get3A_422 = arith.index_cast %add3A_421 : i32 to index
      %get3A_423 = tpu.vector_load %arg15[%get3A_422] {strides = array<i32>} : memref<4160xi32, #tpu.memory_space<vmem>>, vector<16xi32>,
      %gather3A_424 = tpu.vector_load_idx %arg13[%get3A_423] : memref<4096xf32, #tpu.memory_space<vmem>>[vector<16xi32>], vector<16xf32>,
      %gather3A_425 = tpu.vector_load_idx %arg14[%get3A_423] : memref<4096xf32, #tpu.memory_space<vmem>>[vector<16xi32>], vector<16xf32>,
      %add3A_426 = vector.broadcast %add3A_421 : i32 to vector<16xi32>
      %add3A_427 = arith.addi %add3A_426, %iota3A : vector<16xi32>
      %ge3A_428 = vector.broadcast %squeeze3A_197 : i32 to vector<16xi32>
      %ge3A_429 = arith.cmpi sge, %add3A_427, %ge3A_428 : vector<16xi32>
      %select_n3A_430 = arith.select %ge3A_429, %gather3A_425, %gather3A_424 : vector<16xi1>, vector<16xf32>
      %swap3A_431 = arith.constant 144 : index
      %swap3A_432 = tpu.vector_load %arg23[%swap3A_431] {strides = array<i32>} : memref<256xf32, #tpu.memory_space<vmem>>, vector<16xf32>,
      tpu.vector_store %arg23[%swap3A_431], %select_n3A_430 {strides = array<i32>} : memref<256xf32, #tpu.memory_space<vmem>>, vector<16xf32>,
      %mul3A_433 = arith.constant 256 : i32
      %mul3A_434 = arith.muli %while3A_271, %mul3A_433 : i32
      %multiple_of3A_435 = tpu.assume_multiple %mul3A_434, 256 : i32
      %add3A_436 = arith.constant 160 : i32
      %add3A_437 = arith.addi %multiple_of3A_435, %add3A_436 : i32
      %get3A_438 = arith.index_cast %add3A_437 : i32 to index
      %get3A_439 = tpu.vector_load %arg15[%get3A_438] {strides = array<i32>} : memref<4160xi32, #tpu.memory_space<vmem>>, vector<16xi32>,
      %gather3A_440 = tpu.vector_load_idx %arg13[%get3A_439] : memref<4096xf32, #tpu.memory_space<vmem>>[vector<16xi32>], vector<16xf32>,
      %gather3A_441 = tpu.vector_load_idx %arg14[%get3A_439] : memref<4096xf32, #tpu.memory_space<vmem>>[vector<16xi32>], vector<16xf32>,
      %add3A_442 = vector.broadcast %add3A_437 : i32 to vector<16xi32>
      %add3A_443 = arith.addi %add3A_442, %iota3A : vector<16xi32>
      %ge3A_444 = vector.broadcast %squeeze3A_197 : i32 to vector<16xi32>
      %ge3A_445 = arith.cmpi sge, %add3A_443, %ge3A_444 : vector<16xi32>
      %select_n3A_446 = arith.select %ge3A_445, %gather3A_441, %gather3A_440 : vector<16xi1>, vector<16xf32>
      %swap3A_447 = arith.constant 160 : index
      %swap3A_448 = tpu.vector_load %arg23[%swap3A_447] {strides = array<i32>} : memref<256xf32, #tpu.memory_space<vmem>>, vector<16xf32>,
      tpu.vector_store %arg23[%swap3A_447], %select_n3A_446 {strides = array<i32>} : memref<256xf32, #tpu.memory_space<vmem>>, vector<16xf32>,
      %mul3A_449 = arith.constant 256 : i32
      %mul3A_450 = arith.muli %while3A_271, %mul3A_449 : i32
      %multiple_of3A_451 = tpu.assume_multiple %mul3A_450, 256 : i32
      %add3A_452 = arith.constant 176 : i32
      %add3A_453 = arith.addi %multiple_of3A_451, %add3A_452 : i32
      %get3A_454 = arith.index_cast %add3A_453 : i32 to index
      %get3A_455 = tpu.vector_load %arg15[%get3A_454] {strides = array<i32>} : memref<4160xi32, #tpu.memory_space<vmem>>, vector<16xi32>,
      %gather3A_456 = tpu.vector_load_idx %arg13[%get3A_455] : memref<4096xf32, #tpu.memory_space<vmem>>[vector<16xi32>], vector<16xf32>,
      %gather3A_457 = tpu.vector_load_idx %arg14[%get3A_455] : memref<4096xf32, #tpu.memory_space<vmem>>[vector<16xi32>], vector<16xf32>,
      %add3A_458 = vector.broadcast %add3A_453 : i32 to vector<16xi32>
      %add3A_459 = arith.addi %add3A_458, %iota3A : vector<16xi32>
      %ge3A_460 = vector.broadcast %squeeze3A_197 : i32 to vector<16xi32>
      %ge3A_461 = arith.cmpi sge, %add3A_459, %ge3A_460 : vector<16xi32>
      %select_n3A_462 = arith.select %ge3A_461, %gather3A_457, %gather3A_456 : vector<16xi1>, vector<16xf32>
      %swap3A_463 = arith.constant 176 : index
      %swap3A_464 = tpu.vector_load %arg23[%swap3A_463] {strides = array<i32>} : memref<256xf32, #tpu.memory_space<vmem>>, vector<16xf32>,
      tpu.vector_store %arg23[%swap3A_463], %select_n3A_462 {strides = array<i32>} : memref<256xf32, #tpu.memory_space<vmem>>, vector<16xf32>,
      %mul3A_465 = arith.constant 256 : i32
      %mul3A_466 = arith.muli %while3A_271, %mul3A_465 : i32
      %multiple_of3A_467 = tpu.assume_multiple %mul3A_466, 256 : i32
      %add3A_468 = arith.constant 192 : i32
      %add3A_469 = arith.addi %multiple_of3A_467, %add3A_468 : i32
      %get3A_470 = arith.index_cast %add3A_469 : i32 to index
      %get3A_471 = tpu.vector_load %arg15[%get3A_470] {strides = array<i32>} : memref<4160xi32, #tpu.memory_space<vmem>>, vector<16xi32>,
      %gather3A_472 = tpu.vector_load_idx %arg13[%get3A_471] : memref<4096xf32, #tpu.memory_space<vmem>>[vector<16xi32>], vector<16xf32>,
      %gather3A_473 = tpu.vector_load_idx %arg14[%get3A_471] : memref<4096xf32, #tpu.memory_space<vmem>>[vector<16xi32>], vector<16xf32>,
      %add3A_474 = vector.broadcast %add3A_469 : i32 to vector<16xi32>
      %add3A_475 = arith.addi %add3A_474, %iota3A : vector<16xi32>
      %ge3A_476 = vector.broadcast %squeeze3A_197 : i32 to vector<16xi32>
      %ge3A_477 = arith.cmpi sge, %add3A_475, %ge3A_476 : vector<16xi32>
      %select_n3A_478 = arith.select %ge3A_477, %gather3A_473, %gather3A_472 : vector<16xi1>, vector<16xf32>
      %swap3A_479 = arith.constant 192 : index
      %swap3A_480 = tpu.vector_load %arg23[%swap3A_479] {strides = array<i32>} : memref<256xf32, #tpu.memory_space<vmem>>, vector<16xf32>,
      tpu.vector_store %arg23[%swap3A_479], %select_n3A_478 {strides = array<i32>} : memref<256xf32, #tpu.memory_space<vmem>>, vector<16xf32>,
      %mul3A_481 = arith.constant 256 : i32
      %mul3A_482 = arith.muli %while3A_271, %mul3A_481 : i32
      %multiple_of3A_483 = tpu.assume_multiple %mul3A_482, 256 : i32
      %add3A_484 = arith.constant 208 : i32
      %add3A_485 = arith.addi %multiple_of3A_483, %add3A_484 : i32
      %get3A_486 = arith.index_cast %add3A_485 : i32 to index
      %get3A_487 = tpu.vector_load %arg15[%get3A_486] {strides = array<i32>} : memref<4160xi32, #tpu.memory_space<vmem>>, vector<16xi32>,
      %gather3A_488 = tpu.vector_load_idx %arg13[%get3A_487] : memref<4096xf32, #tpu.memory_space<vmem>>[vector<16xi32>], vector<16xf32>,
      %gather3A_489 = tpu.vector_load_idx %arg14[%get3A_487] : memref<4096xf32, #tpu.memory_space<vmem>>[vector<16xi32>], vector<16xf32>,
      %add3A_490 = vector.broadcast %add3A_485 : i32 to vector<16xi32>
      %add3A_491 = arith.addi %add3A_490, %iota3A : vector<16xi32>
      %ge3A_492 = vector.broadcast %squeeze3A_197 : i32 to vector<16xi32>
      %ge3A_493 = arith.cmpi sge, %add3A_491, %ge3A_492 : vector<16xi32>
      %select_n3A_494 = arith.select %ge3A_493, %gather3A_489, %gather3A_488 : vector<16xi1>, vector<16xf32>
      %swap3A_495 = arith.constant 208 : index
      %swap3A_496 = tpu.vector_load %arg23[%swap3A_495] {strides = array<i32>} : memref<256xf32, #tpu.memory_space<vmem>>, vector<16xf32>,
      tpu.vector_store %arg23[%swap3A_495], %select_n3A_494 {strides = array<i32>} : memref<256xf32, #tpu.memory_space<vmem>>, vector<16xf32>,
      %mul3A_497 = arith.constant 256 : i32
      %mul3A_498 = arith.muli %while3A_271, %mul3A_497 : i32
      %multiple_of3A_499 = tpu.assume_multiple %mul3A_498, 256 : i32
      %add3A_500 = arith.constant 224 : i32
      %add3A_501 = arith.addi %multiple_of3A_499, %add3A_500 : i32
      %get3A_502 = arith.index_cast %add3A_501 : i32 to index
      %get3A_503 = tpu.vector_load %arg15[%get3A_502] {strides = array<i32>} : memref<4160xi32, #tpu.memory_space<vmem>>, vector<16xi32>,
      %gather3A_504 = tpu.vector_load_idx %arg13[%get3A_503] : memref<4096xf32, #tpu.memory_space<vmem>>[vector<16xi32>], vector<16xf32>,
      %gather3A_505 = tpu.vector_load_idx %arg14[%get3A_503] : memref<4096xf32, #tpu.memory_space<vmem>>[vector<16xi32>], vector<16xf32>,
      %add3A_506 = vector.broadcast %add3A_501 : i32 to vector<16xi32>
      %add3A_507 = arith.addi %add3A_506, %iota3A : vector<16xi32>
      %ge3A_508 = vector.broadcast %squeeze3A_197 : i32 to vector<16xi32>
      %ge3A_509 = arith.cmpi sge, %add3A_507, %ge3A_508 : vector<16xi32>
      %select_n3A_510 = arith.select %ge3A_509, %gather3A_505, %gather3A_504 : vector<16xi1>, vector<16xf32>
      %swap3A_511 = arith.constant 224 : index
      %swap3A_512 = tpu.vector_load %arg23[%swap3A_511] {strides = array<i32>} : memref<256xf32, #tpu.memory_space<vmem>>, vector<16xf32>,
      tpu.vector_store %arg23[%swap3A_511], %select_n3A_510 {strides = array<i32>} : memref<256xf32, #tpu.memory_space<vmem>>, vector<16xf32>,
      %mul3A_513 = arith.constant 256 : i32
      %mul3A_514 = arith.muli %while3A_271, %mul3A_513 : i32
      %multiple_of3A_515 = tpu.assume_multiple %mul3A_514, 256 : i32
      %add3A_516 = arith.constant 240 : i32
      %add3A_517 = arith.addi %multiple_of3A_515, %add3A_516 : i32
      %get3A_518 = arith.index_cast %add3A_517 : i32 to index
      %get3A_519 = tpu.vector_load %arg15[%get3A_518] {strides = array<i32>} : memref<4160xi32, #tpu.memory_space<vmem>>, vector<16xi32>,
      %gather3A_520 = tpu.vector_load_idx %arg13[%get3A_519] : memref<4096xf32, #tpu.memory_space<vmem>>[vector<16xi32>], vector<16xf32>,
      %gather3A_521 = tpu.vector_load_idx %arg14[%get3A_519] : memref<4096xf32, #tpu.memory_space<vmem>>[vector<16xi32>], vector<16xf32>,
      %add3A_522 = vector.broadcast %add3A_517 : i32 to vector<16xi32>
      %add3A_523 = arith.addi %add3A_522, %iota3A : vector<16xi32>
      %ge3A_524 = vector.broadcast %squeeze3A_197 : i32 to vector<16xi32>
      %ge3A_525 = arith.cmpi sge, %add3A_523, %ge3A_524 : vector<16xi32>
      %select_n3A_526 = arith.select %ge3A_525, %gather3A_521, %gather3A_520 : vector<16xi1>, vector<16xf32>
      %swap3A_527 = arith.constant 240 : index
      %swap3A_528 = tpu.vector_load %arg23[%swap3A_527] {strides = array<i32>} : memref<256xf32, #tpu.memory_space<vmem>>, vector<16xf32>,
      tpu.vector_store %arg23[%swap3A_527], %select_n3A_526 {strides = array<i32>} : memref<256xf32, #tpu.memory_space<vmem>>, vector<16xf32>,
      %mul3A_529 = arith.constant 256 : i32
      %mul3A_530 = arith.muli %while3A_271, %mul3A_529 : i32
      %add3A_531 = arith.addi %squeeze3A_211, %mul3A_530 : i32
      %multiple_of3A_532 = tpu.assume_multiple %add3A_531, 256 : i32
      "tpu.region"() ({
        %run_scoped3A = tpu.sem_alloc : memref<!tpu.dma_semaphore, #tpu.memory_space<semaphore_mem>>
        %dma_start3A = tpu.memref_slice %arg8[%multiple_of3A_532] : memref<12288xf32, #tpu.memory_space<hbm>> -> memref<256xf32, #tpu.memory_space<hbm>>
        %dma_start3A_534 = tpu.memref_slice %arg8[%multiple_of3A_532] : memref<12288xf32, #tpu.memory_space<hbm>> -> memref<256xf32, #tpu.memory_space<hbm>>
        tpu.enqueue_dma source(%arg23 : memref<256xf32, #tpu.memory_space<vmem>>) target(%dma_start3A_534 : memref<256xf32, #tpu.memory_space<hbm>>) target_semaphore(%run_scoped3A : memref<!tpu.dma_semaphore, #tpu.memory_space<semaphore_mem>>)
        %dma_wait3A = tpu.memref_slice %arg8[%multiple_of3A_532] : memref<12288xf32, #tpu.memory_space<hbm>> -> memref<256xf32, #tpu.memory_space<hbm>>
        %dma_wait3A_535 = tpu.memref_slice %arg8[%multiple_of3A_532] : memref<12288xf32, #tpu.memory_space<hbm>> -> memref<256xf32, #tpu.memory_space<hbm>>
        tpu.wait_dma2 semaphore(%run_scoped3A : memref<!tpu.dma_semaphore, #tpu.memory_space<semaphore_mem>>) src(%arg23 : memref<256xf32, #tpu.memory_space<vmem>>) dst(%dma_wait3A_535 : memref<256xf32, #tpu.memory_space<hbm>>)
        tpu.yield
      }) : () -> ()
      %while3A_533 = arith.constant 0 : i32
      scf.yield %while3A_533 : i32
    }
    %while3A_245 = arith.constant 1 : i32
    %while3A_246 = scf.for %while3A_271 = %while3A_242 to %while3A_238 step %while3A_245 iter_args(%while3A_272 = %while3A_244) -> (i32)  : i32 {
      %mul3A_273 = arith.constant 256 : i32
      %mul3A_274 = arith.muli %while3A_271, %mul3A_273 : i32
      %multiple_of3A_275 = tpu.assume_multiple %mul3A_274, 256 : i32
      %add3A_276 = arith.constant 0 : i32
      %add3A_277 = arith.addi %multiple_of3A_275, %add3A_276 : i32
      %get3A_278 = arith.index_cast %add3A_277 : i32 to index
      %get3A_279 = tpu.vector_load %arg15[%get3A_278] {strides = array<i32>} : memref<4160xi32, #tpu.memory_space<vmem>>, vector<16xi32>,
      %gather3A_280 = tpu.vector_load_idx %arg13[%get3A_279] : memref<4096xf32, #tpu.memory_space<vmem>>[vector<16xi32>], vector<16xf32>,
      %gather3A_281 = tpu.vector_load_idx %arg14[%get3A_279] : memref<4096xf32, #tpu.memory_space<vmem>>[vector<16xi32>], vector<16xf32>,
      %add3A_282 = vector.broadcast %add3A_277 : i32 to vector<16xi32>
      %add3A_283 = arith.addi %add3A_282, %iota3A : vector<16xi32>
      %ge3A_284 = vector.broadcast %squeeze3A_197 : i32 to vector<16xi32>
      %ge3A_285 = arith.cmpi sge, %add3A_283, %ge3A_284 : vector<16xi32>
      %select_n3A_286 = arith.select %ge3A_285, %gather3A_281, %gather3A_280 : vector<16xi1>, vector<16xf32>
      %swap3A_287 = arith.constant 0 : index
      %swap3A_288 = tpu.vector_load %arg23[%swap3A_287] {strides = array<i32>} : memref<256xf32, #tpu.memory_space<vmem>>, vector<16xf32>,
      tpu.vector_store %arg23[%swap3A_287], %select_n3A_286 {strides = array<i32>} : memref<256xf32, #tpu.memory_space<vmem>>, vector<16xf32>,
      %mul3A_289 = arith.constant 256 : i32
      %mul3A_290 = arith.muli %while3A_271, %mul3A_289 : i32
      %multiple_of3A_291 = tpu.assume_multiple %mul3A_290, 256 : i32
      %add3A_292 = arith.constant 16 : i32
      %add3A_293 = arith.addi %multiple_of3A_291, %add3A_292 : i32
      %get3A_294 = arith.index_cast %add3A_293 : i32 to index
      %get3A_295 = tpu.vector_load %arg15[%get3A_294] {strides = array<i32>} : memref<4160xi32, #tpu.memory_space<vmem>>, vector<16xi32>,
      %gather3A_296 = tpu.vector_load_idx %arg13[%get3A_295] : memref<4096xf32, #tpu.memory_space<vmem>>[vector<16xi32>], vector<16xf32>,
      %gather3A_297 = tpu.vector_load_idx %arg14[%get3A_295] : memref<4096xf32, #tpu.memory_space<vmem>>[vector<16xi32>], vector<16xf32>,
      %add3A_298 = vector.broadcast %add3A_293 : i32 to vector<16xi32>
      %add3A_299 = arith.addi %add3A_298, %iota3A : vector<16xi32>
      %ge3A_300 = vector.broadcast %squeeze3A_197 : i32 to vector<16xi32>
      %ge3A_301 = arith.cmpi sge, %add3A_299, %ge3A_300 : vector<16xi32>
      %select_n3A_302 = arith.select %ge3A_301, %gather3A_297, %gather3A_296 : vector<16xi1>, vector<16xf32>
      %swap3A_303 = arith.constant 16 : index
      %swap3A_304 = tpu.vector_load %arg23[%swap3A_303] {strides = array<i32>} : memref<256xf32, #tpu.memory_space<vmem>>, vector<16xf32>,
      tpu.vector_store %arg23[%swap3A_303], %select_n3A_302 {strides = array<i32>} : memref<256xf32, #tpu.memory_space<vmem>>, vector<16xf32>,
      %mul3A_305 = arith.constant 256 : i32
      %mul3A_306 = arith.muli %while3A_271, %mul3A_305 : i32
      %multiple_of3A_307 = tpu.assume_multiple %mul3A_306, 256 : i32
      %add3A_308 = arith.constant 32 : i32
      %add3A_309 = arith.addi %multiple_of3A_307, %add3A_308 : i32
      %get3A_310 = arith.index_cast %add3A_309 : i32 to index
      %get3A_311 = tpu.vector_load %arg15[%get3A_310] {strides = array<i32>} : memref<4160xi32, #tpu.memory_space<vmem>>, vector<16xi32>,
      %gather3A_312 = tpu.vector_load_idx %arg13[%get3A_311] : memref<4096xf32, #tpu.memory_space<vmem>>[vector<16xi32>], vector<16xf32>,
      %gather3A_313 = tpu.vector_load_idx %arg14[%get3A_311] : memref<4096xf32, #tpu.memory_space<vmem>>[vector<16xi32>], vector<16xf32>,
      %add3A_314 = vector.broadcast %add3A_309 : i32 to vector<16xi32>
      %add3A_315 = arith.addi %add3A_314, %iota3A : vector<16xi32>
      %ge3A_316 = vector.broadcast %squeeze3A_197 : i32 to vector<16xi32>
      %ge3A_317 = arith.cmpi sge, %add3A_315, %ge3A_316 : vector<16xi32>
      %select_n3A_318 = arith.select %ge3A_317, %gather3A_313, %gather3A_312 : vector<16xi1>, vector<16xf32>
      %swap3A_319 = arith.constant 32 : index
      %swap3A_320 = tpu.vector_load %arg23[%swap3A_319] {strides = array<i32>} : memref<256xf32, #tpu.memory_space<vmem>>, vector<16xf32>,
      tpu.vector_store %arg23[%swap3A_319], %select_n3A_318 {strides = array<i32>} : memref<256xf32, #tpu.memory_space<vmem>>, vector<16xf32>,
      %mul3A_321 = arith.constant 256 : i32
      %mul3A_322 = arith.muli %while3A_271, %mul3A_321 : i32
      %multiple_of3A_323 = tpu.assume_multiple %mul3A_322, 256 : i32
      %add3A_324 = arith.constant 48 : i32
      %add3A_325 = arith.addi %multiple_of3A_323, %add3A_324 : i32
      %get3A_326 = arith.index_cast %add3A_325 : i32 to index
      %get3A_327 = tpu.vector_load %arg15[%get3A_326] {strides = array<i32>} : memref<4160xi32, #tpu.memory_space<vmem>>, vector<16xi32>,
      %gather3A_328 = tpu.vector_load_idx %arg13[%get3A_327] : memref<4096xf32, #tpu.memory_space<vmem>>[vector<16xi32>], vector<16xf32>,
      %gather3A_329 = tpu.vector_load_idx %arg14[%get3A_327] : memref<4096xf32, #tpu.memory_space<vmem>>[vector<16xi32>], vector<16xf32>,
      %add3A_330 = vector.broadcast %add3A_325 : i32 to vector<16xi32>
      %add3A_331 = arith.addi %add3A_330, %iota3A : vector<16xi32>
      %ge3A_332 = vector.broadcast %squeeze3A_197 : i32 to vector<16xi32>
      %ge3A_333 = arith.cmpi sge, %add3A_331, %ge3A_332 : vector<16xi32>
      %select_n3A_334 = arith.select %ge3A_333, %gather3A_329, %gather3A_328 : vector<16xi1>, vector<16xf32>
      %swap3A_335 = arith.constant 48 : index
      %swap3A_336 = tpu.vector_load %arg23[%swap3A_335] {strides = array<i32>} : memref<256xf32, #tpu.memory_space<vmem>>, vector<16xf32>,
      tpu.vector_store %arg23[%swap3A_335], %select_n3A_334 {strides = array<i32>} : memref<256xf32, #tpu.memory_space<vmem>>, vector<16xf32>,
      %mul3A_337 = arith.constant 256 : i32
      %mul3A_338 = arith.muli %while3A_271, %mul3A_337 : i32
      %multiple_of3A_339 = tpu.assume_multiple %mul3A_338, 256 : i32
      %add3A_340 = arith.constant 64 : i32
      %add3A_341 = arith.addi %multiple_of3A_339, %add3A_340 : i32
      %get3A_342 = arith.index_cast %add3A_341 : i32 to index
      %get3A_343 = tpu.vector_load %arg15[%get3A_342] {strides = array<i32>} : memref<4160xi32, #tpu.memory_space<vmem>>, vector<16xi32>,
      %gather3A_344 = tpu.vector_load_idx %arg13[%get3A_343] : memref<4096xf32, #tpu.memory_space<vmem>>[vector<16xi32>], vector<16xf32>,
      %gather3A_345 = tpu.vector_load_idx %arg14[%get3A_343] : memref<4096xf32, #tpu.memory_space<vmem>>[vector<16xi32>], vector<16xf32>,
      %add3A_346 = vector.broadcast %add3A_341 : i32 to vector<16xi32>
      %add3A_347 = arith.addi %add3A_346, %iota3A : vector<16xi32>
      %ge3A_348 = vector.broadcast %squeeze3A_197 : i32 to vector<16xi32>
      %ge3A_349 = arith.cmpi sge, %add3A_347, %ge3A_348 : vector<16xi32>
      %select_n3A_350 = arith.select %ge3A_349, %gather3A_345, %gather3A_344 : vector<16xi1>, vector<16xf32>
      %swap3A_351 = arith.constant 64 : index
      %swap3A_352 = tpu.vector_load %arg23[%swap3A_351] {strides = array<i32>} : memref<256xf32, #tpu.memory_space<vmem>>, vector<16xf32>,
      tpu.vector_store %arg23[%swap3A_351], %select_n3A_350 {strides = array<i32>} : memref<256xf32, #tpu.memory_space<vmem>>, vector<16xf32>,
      %mul3A_353 = arith.constant 256 : i32
      %mul3A_354 = arith.muli %while3A_271, %mul3A_353 : i32
      %multiple_of3A_355 = tpu.assume_multiple %mul3A_354, 256 : i32
      %add3A_356 = arith.constant 80 : i32
      %add3A_357 = arith.addi %multiple_of3A_355, %add3A_356 : i32
      %get3A_358 = arith.index_cast %add3A_357 : i32 to index
      %get3A_359 = tpu.vector_load %arg15[%get3A_358] {strides = array<i32>} : memref<4160xi32, #tpu.memory_space<vmem>>, vector<16xi32>,
      %gather3A_360 = tpu.vector_load_idx %arg13[%get3A_359] : memref<4096xf32, #tpu.memory_space<vmem>>[vector<16xi32>], vector<16xf32>,
      %gather3A_361 = tpu.vector_load_idx %arg14[%get3A_359] : memref<4096xf32, #tpu.memory_space<vmem>>[vector<16xi32>], vector<16xf32>,
      %add3A_362 = vector.broadcast %add3A_357 : i32 to vector<16xi32>
      %add3A_363 = arith.addi %add3A_362, %iota3A : vector<16xi32>
      %ge3A_364 = vector.broadcast %squeeze3A_197 : i32 to vector<16xi32>
      %ge3A_365 = arith.cmpi sge, %add3A_363, %ge3A_364 : vector<16xi32>
      %select_n3A_366 = arith.select %ge3A_365, %gather3A_361, %gather3A_360 : vector<16xi1>, vector<16xf32>
      %swap3A_367 = arith.constant 80 : index
      %swap3A_368 = tpu.vector_load %arg23[%swap3A_367] {strides = array<i32>} : memref<256xf32, #tpu.memory_space<vmem>>, vector<16xf32>,
      tpu.vector_store %arg23[%swap3A_367], %select_n3A_366 {strides = array<i32>} : memref<256xf32, #tpu.memory_space<vmem>>, vector<16xf32>,
      %mul3A_369 = arith.constant 256 : i32
      %mul3A_370 = arith.muli %while3A_271, %mul3A_369 : i32
      %multiple_of3A_371 = tpu.assume_multiple %mul3A_370, 256 : i32
      %add3A_372 = arith.constant 96 : i32
      %add3A_373 = arith.addi %multiple_of3A_371, %add3A_372 : i32
      %get3A_374 = arith.index_cast %add3A_373 : i32 to index
      %get3A_375 = tpu.vector_load %arg15[%get3A_374] {strides = array<i32>} : memref<4160xi32, #tpu.memory_space<vmem>>, vector<16xi32>,
      %gather3A_376 = tpu.vector_load_idx %arg13[%get3A_375] : memref<4096xf32, #tpu.memory_space<vmem>>[vector<16xi32>], vector<16xf32>,
      %gather3A_377 = tpu.vector_load_idx %arg14[%get3A_375] : memref<4096xf32, #tpu.memory_space<vmem>>[vector<16xi32>], vector<16xf32>,
      %add3A_378 = vector.broadcast %add3A_373 : i32 to vector<16xi32>
      %add3A_379 = arith.addi %add3A_378, %iota3A : vector<16xi32>
      %ge3A_380 = vector.broadcast %squeeze3A_197 : i32 to vector<16xi32>
      %ge3A_381 = arith.cmpi sge, %add3A_379, %ge3A_380 : vector<16xi32>
      %select_n3A_382 = arith.select %ge3A_381, %gather3A_377, %gather3A_376 : vector<16xi1>, vector<16xf32>
      %swap3A_383 = arith.constant 96 : index
      %swap3A_384 = tpu.vector_load %arg23[%swap3A_383] {strides = array<i32>} : memref<256xf32, #tpu.memory_space<vmem>>, vector<16xf32>,
      tpu.vector_store %arg23[%swap3A_383], %select_n3A_382 {strides = array<i32>} : memref<256xf32, #tpu.memory_space<vmem>>, vector<16xf32>,
      %mul3A_385 = arith.constant 256 : i32
      %mul3A_386 = arith.muli %while3A_271, %mul3A_385 : i32
      %multiple_of3A_387 = tpu.assume_multiple %mul3A_386, 256 : i32
      %add3A_388 = arith.constant 112 : i32
      %add3A_389 = arith.addi %multiple_of3A_387, %add3A_388 : i32
      %get3A_390 = arith.index_cast %add3A_389 : i32 to index
      %get3A_391 = tpu.vector_load %arg15[%get3A_390] {strides = array<i32>} : memref<4160xi32, #tpu.memory_space<vmem>>, vector<16xi32>,
      %gather3A_392 = tpu.vector_load_idx %arg13[%get3A_391] : memref<4096xf32, #tpu.memory_space<vmem>>[vector<16xi32>], vector<16xf32>,
      %gather3A_393 = tpu.vector_load_idx %arg14[%get3A_391] : memref<4096xf32, #tpu.memory_space<vmem>>[vector<16xi32>], vector<16xf32>,
      %add3A_394 = vector.broadcast %add3A_389 : i32 to vector<16xi32>
      %add3A_395 = arith.addi %add3A_394, %iota3A : vector<16xi32>
      %ge3A_396 = vector.broadcast %squeeze3A_197 : i32 to vector<16xi32>
      %ge3A_397 = arith.cmpi sge, %add3A_395, %ge3A_396 : vector<16xi32>
      %select_n3A_398 = arith.select %ge3A_397, %gather3A_393, %gather3A_392 : vector<16xi1>, vector<16xf32>
      %swap3A_399 = arith.constant 112 : index
      %swap3A_400 = tpu.vector_load %arg23[%swap3A_399] {strides = array<i32>} : memref<256xf32, #tpu.memory_space<vmem>>, vector<16xf32>,
      tpu.vector_store %arg23[%swap3A_399], %select_n3A_398 {strides = array<i32>} : memref<256xf32, #tpu.memory_space<vmem>>, vector<16xf32>,
      %mul3A_401 = arith.constant 256 : i32
      %mul3A_402 = arith.muli %while3A_271, %mul3A_401 : i32
      %multiple_of3A_403 = tpu.assume_multiple %mul3A_402, 256 : i32
      %add3A_404 = arith.constant 128 : i32
      %add3A_405 = arith.addi %multiple_of3A_403, %add3A_404 : i32
      %get3A_406 = arith.index_cast %add3A_405 : i32 to index
      %get3A_407 = tpu.vector_load %arg15[%get3A_406] {strides = array<i32>} : memref<4160xi32, #tpu.memory_space<vmem>>, vector<16xi32>,
      %gather3A_408 = tpu.vector_load_idx %arg13[%get3A_407] : memref<4096xf32, #tpu.memory_space<vmem>>[vector<16xi32>], vector<16xf32>,
      %gather3A_409 = tpu.vector_load_idx %arg14[%get3A_407] : memref<4096xf32, #tpu.memory_space<vmem>>[vector<16xi32>], vector<16xf32>,
      %add3A_410 = vector.broadcast %add3A_405 : i32 to vector<16xi32>
      %add3A_411 = arith.addi %add3A_410, %iota3A : vector<16xi32>
      %ge3A_412 = vector.broadcast %squeeze3A_197 : i32 to vector<16xi32>
      %ge3A_413 = arith.cmpi sge, %add3A_411, %ge3A_412 : vector<16xi32>
      %select_n3A_414 = arith.select %ge3A_413, %gather3A_409, %gather3A_408 : vector<16xi1>, vector<16xf32>
      %swap3A_415 = arith.constant 128 : index
      %swap3A_416 = tpu.vector_load %arg23[%swap3A_415] {strides = array<i32>} : memref<256xf32, #tpu.memory_space<vmem>>, vector<16xf32>,
      tpu.vector_store %arg23[%swap3A_415], %select_n3A_414 {strides = array<i32>} : memref<256xf32, #tpu.memory_space<vmem>>, vector<16xf32>,
      %mul3A_417 = arith.constant 256 : i32
      %mul3A_418 = arith.muli %while3A_271, %mul3A_417 : i32
      %multiple_of3A_419 = tpu.assume_multiple %mul3A_418, 256 : i32
      %add3A_420 = arith.constant 144 : i32
      %add3A_421 = arith.addi %multiple_of3A_419, %add3A_420 : i32
      %get3A_422 = arith.index_cast %add3A_421 : i32 to index
      %get3A_423 = tpu.vector_load %arg15[%get3A_422] {strides = array<i32>} : memref<4160xi32, #tpu.memory_space<vmem>>, vector<16xi32>,
      %gather3A_424 = tpu.vector_load_idx %arg13[%get3A_423] : memref<4096xf32, #tpu.memory_space<vmem>>[vector<16xi32>], vector<16xf32>,
      %gather3A_425 = tpu.vector_load_idx %arg14[%get3A_423] : memref<4096xf32, #tpu.memory_space<vmem>>[vector<16xi32>], vector<16xf32>,
      %add3A_426 = vector.broadcast %add3A_421 : i32 to vector<16xi32>
      %add3A_427 = arith.addi %add3A_426, %iota3A : vector<16xi32>
      %ge3A_428 = vector.broadcast %squeeze3A_197 : i32 to vector<16xi32>
      %ge3A_429 = arith.cmpi sge, %add3A_427, %ge3A_428 : vector<16xi32>
      %select_n3A_430 = arith.select %ge3A_429, %gather3A_425, %gather3A_424 : vector<16xi1>, vector<16xf32>
      %swap3A_431 = arith.constant 144 : index
      %swap3A_432 = tpu.vector_load %arg23[%swap3A_431] {strides = array<i32>} : memref<256xf32, #tpu.memory_space<vmem>>, vector<16xf32>,
      tpu.vector_store %arg23[%swap3A_431], %select_n3A_430 {strides = array<i32>} : memref<256xf32, #tpu.memory_space<vmem>>, vector<16xf32>,
      %mul3A_433 = arith.constant 256 : i32
      %mul3A_434 = arith.muli %while3A_271, %mul3A_433 : i32
      %multiple_of3A_435 = tpu.assume_multiple %mul3A_434, 256 : i32
      %add3A_436 = arith.constant 160 : i32
      %add3A_437 = arith.addi %multiple_of3A_435, %add3A_436 : i32
      %get3A_438 = arith.index_cast %add3A_437 : i32 to index
      %get3A_439 = tpu.vector_load %arg15[%get3A_438] {strides = array<i32>} : memref<4160xi32, #tpu.memory_space<vmem>>, vector<16xi32>,
      %gather3A_440 = tpu.vector_load_idx %arg13[%get3A_439] : memref<4096xf32, #tpu.memory_space<vmem>>[vector<16xi32>], vector<16xf32>,
      %gather3A_441 = tpu.vector_load_idx %arg14[%get3A_439] : memref<4096xf32, #tpu.memory_space<vmem>>[vector<16xi32>], vector<16xf32>,
      %add3A_442 = vector.broadcast %add3A_437 : i32 to vector<16xi32>
      %add3A_443 = arith.addi %add3A_442, %iota3A : vector<16xi32>
      %ge3A_444 = vector.broadcast %squeeze3A_197 : i32 to vector<16xi32>
      %ge3A_445 = arith.cmpi sge, %add3A_443, %ge3A_444 : vector<16xi32>
      %select_n3A_446 = arith.select %ge3A_445, %gather3A_441, %gather3A_440 : vector<16xi1>, vector<16xf32>
      %swap3A_447 = arith.constant 160 : index
      %swap3A_448 = tpu.vector_load %arg23[%swap3A_447] {strides = array<i32>} : memref<256xf32, #tpu.memory_space<vmem>>, vector<16xf32>,
      tpu.vector_store %arg23[%swap3A_447], %select_n3A_446 {strides = array<i32>} : memref<256xf32, #tpu.memory_space<vmem>>, vector<16xf32>,
      %mul3A_449 = arith.constant 256 : i32
      %mul3A_450 = arith.muli %while3A_271, %mul3A_449 : i32
      %multiple_of3A_451 = tpu.assume_multiple %mul3A_450, 256 : i32
      %add3A_452 = arith.constant 176 : i32
      %add3A_453 = arith.addi %multiple_of3A_451, %add3A_452 : i32
      %get3A_454 = arith.index_cast %add3A_453 : i32 to index
      %get3A_455 = tpu.vector_load %arg15[%get3A_454] {strides = array<i32>} : memref<4160xi32, #tpu.memory_space<vmem>>, vector<16xi32>,
      %gather3A_456 = tpu.vector_load_idx %arg13[%get3A_455] : memref<4096xf32, #tpu.memory_space<vmem>>[vector<16xi32>], vector<16xf32>,
      %gather3A_457 = tpu.vector_load_idx %arg14[%get3A_455] : memref<4096xf32, #tpu.memory_space<vmem>>[vector<16xi32>], vector<16xf32>,
      %add3A_458 = vector.broadcast %add3A_453 : i32 to vector<16xi32>
      %add3A_459 = arith.addi %add3A_458, %iota3A : vector<16xi32>
      %ge3A_460 = vector.broadcast %squeeze3A_197 : i32 to vector<16xi32>
      %ge3A_461 = arith.cmpi sge, %add3A_459, %ge3A_460 : vector<16xi32>
      %select_n3A_462 = arith.select %ge3A_461, %gather3A_457, %gather3A_456 : vector<16xi1>, vector<16xf32>
      %swap3A_463 = arith.constant 176 : index
      %swap3A_464 = tpu.vector_load %arg23[%swap3A_463] {strides = array<i32>} : memref<256xf32, #tpu.memory_space<vmem>>, vector<16xf32>,
      tpu.vector_store %arg23[%swap3A_463], %select_n3A_462 {strides = array<i32>} : memref<256xf32, #tpu.memory_space<vmem>>, vector<16xf32>,
      %mul3A_465 = arith.constant 256 : i32
      %mul3A_466 = arith.muli %while3A_271, %mul3A_465 : i32
      %multiple_of3A_467 = tpu.assume_multiple %mul3A_466, 256 : i32
      %add3A_468 = arith.constant 192 : i32
      %add3A_469 = arith.addi %multiple_of3A_467, %add3A_468 : i32
      %get3A_470 = arith.index_cast %add3A_469 : i32 to index
      %get3A_471 = tpu.vector_load %arg15[%get3A_470] {strides = array<i32>} : memref<4160xi32, #tpu.memory_space<vmem>>, vector<16xi32>,
      %gather3A_472 = tpu.vector_load_idx %arg13[%get3A_471] : memref<4096xf32, #tpu.memory_space<vmem>>[vector<16xi32>], vector<16xf32>,
      %gather3A_473 = tpu.vector_load_idx %arg14[%get3A_471] : memref<4096xf32, #tpu.memory_space<vmem>>[vector<16xi32>], vector<16xf32>,
      %add3A_474 = vector.broadcast %add3A_469 : i32 to vector<16xi32>
      %add3A_475 = arith.addi %add3A_474, %iota3A : vector<16xi32>
      %ge3A_476 = vector.broadcast %squeeze3A_197 : i32 to vector<16xi32>
      %ge3A_477 = arith.cmpi sge, %add3A_475, %ge3A_476 : vector<16xi32>
      %select_n3A_478 = arith.select %ge3A_477, %gather3A_473, %gather3A_472 : vector<16xi1>, vector<16xf32>
      %swap3A_479 = arith.constant 192 : index
      %swap3A_480 = tpu.vector_load %arg23[%swap3A_479] {strides = array<i32>} : memref<256xf32, #tpu.memory_space<vmem>>, vector<16xf32>,
      tpu.vector_store %arg23[%swap3A_479], %select_n3A_478 {strides = array<i32>} : memref<256xf32, #tpu.memory_space<vmem>>, vector<16xf32>,
      %mul3A_481 = arith.constant 256 : i32
      %mul3A_482 = arith.muli %while3A_271, %mul3A_481 : i32
      %multiple_of3A_483 = tpu.assume_multiple %mul3A_482, 256 : i32
      %add3A_484 = arith.constant 208 : i32
      %add3A_485 = arith.addi %multiple_of3A_483, %add3A_484 : i32
      %get3A_486 = arith.index_cast %add3A_485 : i32 to index
      %get3A_487 = tpu.vector_load %arg15[%get3A_486] {strides = array<i32>} : memref<4160xi32, #tpu.memory_space<vmem>>, vector<16xi32>,
      %gather3A_488 = tpu.vector_load_idx %arg13[%get3A_487] : memref<4096xf32, #tpu.memory_space<vmem>>[vector<16xi32>], vector<16xf32>,
      %gather3A_489 = tpu.vector_load_idx %arg14[%get3A_487] : memref<4096xf32, #tpu.memory_space<vmem>>[vector<16xi32>], vector<16xf32>,
      %add3A_490 = vector.broadcast %add3A_485 : i32 to vector<16xi32>
      %add3A_491 = arith.addi %add3A_490, %iota3A : vector<16xi32>
      %ge3A_492 = vector.broadcast %squeeze3A_197 : i32 to vector<16xi32>
      %ge3A_493 = arith.cmpi sge, %add3A_491, %ge3A_492 : vector<16xi32>
      %select_n3A_494 = arith.select %ge3A_493, %gather3A_489, %gather3A_488 : vector<16xi1>, vector<16xf32>
      %swap3A_495 = arith.constant 208 : index
      %swap3A_496 = tpu.vector_load %arg23[%swap3A_495] {strides = array<i32>} : memref<256xf32, #tpu.memory_space<vmem>>, vector<16xf32>,
      tpu.vector_store %arg23[%swap3A_495], %select_n3A_494 {strides = array<i32>} : memref<256xf32, #tpu.memory_space<vmem>>, vector<16xf32>,
      %mul3A_497 = arith.constant 256 : i32
      %mul3A_498 = arith.muli %while3A_271, %mul3A_497 : i32
      %multiple_of3A_499 = tpu.assume_multiple %mul3A_498, 256 : i32
      %add3A_500 = arith.constant 224 : i32
      %add3A_501 = arith.addi %multiple_of3A_499, %add3A_500 : i32
      %get3A_502 = arith.index_cast %add3A_501 : i32 to index
      %get3A_503 = tpu.vector_load %arg15[%get3A_502] {strides = array<i32>} : memref<4160xi32, #tpu.memory_space<vmem>>, vector<16xi32>,
      %gather3A_504 = tpu.vector_load_idx %arg13[%get3A_503] : memref<4096xf32, #tpu.memory_space<vmem>>[vector<16xi32>], vector<16xf32>,
      %gather3A_505 = tpu.vector_load_idx %arg14[%get3A_503] : memref<4096xf32, #tpu.memory_space<vmem>>[vector<16xi32>], vector<16xf32>,
      %add3A_506 = vector.broadcast %add3A_501 : i32 to vector<16xi32>
      %add3A_507 = arith.addi %add3A_506, %iota3A : vector<16xi32>
      %ge3A_508 = vector.broadcast %squeeze3A_197 : i32 to vector<16xi32>
      %ge3A_509 = arith.cmpi sge, %add3A_507, %ge3A_508 : vector<16xi32>
      %select_n3A_510 = arith.select %ge3A_509, %gather3A_505, %gather3A_504 : vector<16xi1>, vector<16xf32>
      %swap3A_511 = arith.constant 224 : index
      %swap3A_512 = tpu.vector_load %arg23[%swap3A_511] {strides = array<i32>} : memref<256xf32, #tpu.memory_space<vmem>>, vector<16xf32>,
      tpu.vector_store %arg23[%swap3A_511], %select_n3A_510 {strides = array<i32>} : memref<256xf32, #tpu.memory_space<vmem>>, vector<16xf32>,
      %mul3A_513 = arith.constant 256 : i32
      %mul3A_514 = arith.muli %while3A_271, %mul3A_513 : i32
      %multiple_of3A_515 = tpu.assume_multiple %mul3A_514, 256 : i32
      %add3A_516 = arith.constant 240 : i32
      %add3A_517 = arith.addi %multiple_of3A_515, %add3A_516 : i32
      %get3A_518 = arith.index_cast %add3A_517 : i32 to index
      %get3A_519 = tpu.vector_load %arg15[%get3A_518] {strides = array<i32>} : memref<4160xi32, #tpu.memory_space<vmem>>, vector<16xi32>,
      %gather3A_520 = tpu.vector_load_idx %arg13[%get3A_519] : memref<4096xf32, #tpu.memory_space<vmem>>[vector<16xi32>], vector<16xf32>,
      %gather3A_521 = tpu.vector_load_idx %arg14[%get3A_519] : memref<4096xf32, #tpu.memory_space<vmem>>[vector<16xi32>], vector<16xf32>,
      %add3A_522 = vector.broadcast %add3A_517 : i32 to vector<16xi32>
      %add3A_523 = arith.addi %add3A_522, %iota3A : vector<16xi32>
      %ge3A_524 = vector.broadcast %squeeze3A_197 : i32 to vector<16xi32>
      %ge3A_525 = arith.cmpi sge, %add3A_523, %ge3A_524 : vector<16xi32>
      %select_n3A_526 = arith.select %ge3A_525, %gather3A_521, %gather3A_520 : vector<16xi1>, vector<16xf32>
      %swap3A_527 = arith.constant 240 : index
      %swap3A_528 = tpu.vector_load %arg23[%swap3A_527] {strides = array<i32>} : memref<256xf32, #tpu.memory_space<vmem>>, vector<16xf32>,
      tpu.vector_store %arg23[%swap3A_527], %select_n3A_526 {strides = array<i32>} : memref<256xf32, #tpu.memory_space<vmem>>, vector<16xf32>,
      %mul3A_529 = arith.constant 256 : i32
      %mul3A_530 = arith.muli %while3A_271, %mul3A_529 : i32
      %add3A_531 = arith.addi %squeeze3A_211, %mul3A_530 : i32
      %multiple_of3A_532 = tpu.assume_multiple %add3A_531, 256 : i32
      "tpu.region"() ({
        %run_scoped3A = tpu.sem_alloc : memref<!tpu.dma_semaphore, #tpu.memory_space<semaphore_mem>>
        %dma_start3A = tpu.memref_slice %arg8[%multiple_of3A_532] : memref<12288xf32, #tpu.memory_space<hbm>> -> memref<256xf32, #tpu.memory_space<hbm>>
        %dma_start3A_534 = tpu.memref_slice %arg8[%multiple_of3A_532] : memref<12288xf32, #tpu.memory_space<hbm>> -> memref<256xf32, #tpu.memory_space<hbm>>
        tpu.enqueue_dma source(%arg23 : memref<256xf32, #tpu.memory_space<vmem>>) target(%dma_start3A_534 : memref<256xf32, #tpu.memory_space<hbm>>) target_semaphore(%run_scoped3A : memref<!tpu.dma_semaphore, #tpu.memory_space<semaphore_mem>>)
        %dma_wait3A = tpu.memref_slice %arg8[%multiple_of3A_532] : memref<12288xf32, #tpu.memory_space<hbm>> -> memref<256xf32, #tpu.memory_space<hbm>>
        %dma_wait3A_535 = tpu.memref_slice %arg8[%multiple_of3A_532] : memref<12288xf32, #tpu.memory_space<hbm>> -> memref<256xf32, #tpu.memory_space<hbm>>
        tpu.wait_dma2 semaphore(%run_scoped3A : memref<!tpu.dma_semaphore, #tpu.memory_space<semaphore_mem>>) src(%arg23 : memref<256xf32, #tpu.memory_space<vmem>>) dst(%dma_wait3A_535 : memref<256xf32, #tpu.memory_space<hbm>>)
        tpu.yield
      }) : () -> ()
      %while3A_533 = arith.constant 0 : i32
      scf.yield %while3A_533 : i32
    }
    %add3A_247 = arith.constant 127 : i32
    %add3A_248 = arith.addi %squeeze3A, %add3A_247 : i32
    %shift_right_arithmetic3A_249 = arith.constant 7 : i32
    %shift_right_arithmetic3A_250 = arith.shrsi %add3A_248, %shift_right_arithmetic3A_249 : i32
    %while3A_251 = arith.constant 0 : i32
    %while3A_252 = arith.constant 0 : i32
    %while3A_253 = arith.subi %shift_right_arithmetic3A_250, %while3A_251 : i32
    %while3A_254 = arith.addi %while3A_251, %while3A_253 : i32
    %while3A_255 = arith.constant 1 : i32
    %while3A_256 = arith.divsi %while3A_253, %while3A_255 : i32
    %while3A_257 = arith.muli %while3A_256, %while3A_255 : i32
    %while3A_258 = arith.addi %while3A_251, %while3A_257 : i32
    %while3A_259 = arith.constant 1 : i32
    %while3A_260 = scf.for %while3A_271 = %while3A_251 to %while3A_258 step %while3A_259 iter_args(%while3A_272 = %while3A_252) -> (i32)  : i32 {
      %mul3A_273 = arith.constant 128 : i32
      %mul3A_274 = arith.muli %while3A_271, %mul3A_273 : i32
      %multiple_of3A_275 = tpu.assume_multiple %mul3A_274, 128 : i32
      %add3A_276 = arith.constant 0 : i32
      %add3A_277 = arith.addi %multiple_of3A_275, %add3A_276 : i32
      %add3A_278 = vector.broadcast %add3A_277 : i32 to vector<16xi32>
      %add3A_279 = arith.addi %add3A_278, %iota3A : vector<16xi32>
      %get3A_280 = arith.index_cast %add3A_277 : i32 to index
      %get3A_281 = tpu.vector_load %arg15[%get3A_280] {strides = array<i32>} : memref<4160xi32, #tpu.memory_space<vmem>>, vector<16xi32>,
      %ge3A_282 = vector.broadcast %squeeze3A_197 : i32 to vector<16xi32>
      %ge3A_283 = arith.cmpi sge, %add3A_279, %ge3A_282 : vector<16xi32>
      %jit3A_284 = arith.constant 4096 : i32
      %jit3A_285 = arith.constant 0 : i32
      %broadcast_in_dim3A_286 = vector.broadcast %jit3A_284 : i32 to vector<16xi32>
      %broadcast_in_dim3A_287 = vector.broadcast %jit3A_285 : i32 to vector<16xi32>
      %select_n3A_288 = arith.select %ge3A_283, %broadcast_in_dim3A_286, %broadcast_in_dim3A_287 : vector<16xi1>, vector<16xi32>
      %add3A_289 = arith.addi %get3A_281, %select_n3A_288 : vector<16xi32>
      %ge3A_290 = vector.broadcast %squeeze3A : i32 to vector<16xi32>
      %ge3A_291 = arith.cmpi sge, %add3A_279, %ge3A_290 : vector<16xi32>
      %jit3A_292 = arith.constant 8192 : i32
      %broadcast_in_dim3A_293 = vector.broadcast %jit3A_292 : i32 to vector<16xi32>
      %select_n3A_294 = arith.select %ge3A_291, %broadcast_in_dim3A_293, %add3A_289 : vector<16xi1>, vector<16xi32>
      %swap3A_295 = arith.constant 0 : i32
      %swap3A_296 = tpu.memref_slice %arg21[%while3A_271, %swap3A_295] : memref<32x128xi32, #tpu.memory_space<vmem>> -> memref<1x128xi32, #tpu.memory_space<vmem>>
      %swap3A_297 = tpu.memref_squeeze %swap3A_296 : memref<1x128xi32, #tpu.memory_space<vmem>> -> memref<128xi32, #tpu.memory_space<vmem>>
      %swap3A_298 = arith.constant 0 : index
      %swap3A_299 = tpu.vector_load %swap3A_297[%swap3A_298] {strides = array<i32>} : memref<128xi32, #tpu.memory_space<vmem>>, vector<16xi32>,
      tpu.vector_store %swap3A_297[%swap3A_298], %select_n3A_294 {strides = array<i32>} : memref<128xi32, #tpu.memory_space<vmem>>, vector<16xi32>,
      %add3A_300 = vector.broadcast %squeeze3A_211 : i32 to vector<16xi32>
      %add3A_301 = arith.addi %add3A_300, %add3A_279 : vector<16xi32>
      %swap3A_302 = arith.constant 0 : index
      %swap3A_303 = tpu.vector_load %arg22[%swap3A_302] {strides = array<i32>} : memref<128xi32, #tpu.memory_space<vmem>>, vector<16xi32>,
      tpu.vector_store %arg22[%swap3A_302], %add3A_301 {strides = array<i32>} : memref<128xi32, #tpu.memory_space<vmem>>, vector<16xi32>,
      %mul3A_304 = arith.constant 128 : i32
      %mul3A_305 = arith.muli %while3A_271, %mul3A_304 : i32
      %multiple_of3A_306 = tpu.assume_multiple %mul3A_305, 128 : i32
      %add3A_307 = arith.constant 16 : i32
      %add3A_308 = arith.addi %multiple_of3A_306, %add3A_307 : i32
      %add3A_309 = vector.broadcast %add3A_308 : i32 to vector<16xi32>
      %add3A_310 = arith.addi %add3A_309, %iota3A : vector<16xi32>
      %get3A_311 = arith.index_cast %add3A_308 : i32 to index
      %get3A_312 = tpu.vector_load %arg15[%get3A_311] {strides = array<i32>} : memref<4160xi32, #tpu.memory_space<vmem>>, vector<16xi32>,
      %ge3A_313 = vector.broadcast %squeeze3A_197 : i32 to vector<16xi32>
      %ge3A_314 = arith.cmpi sge, %add3A_310, %ge3A_313 : vector<16xi32>
      %jit3A_315 = arith.constant 4096 : i32
      %jit3A_316 = arith.constant 0 : i32
      %broadcast_in_dim3A_317 = vector.broadcast %jit3A_315 : i32 to vector<16xi32>
      %broadcast_in_dim3A_318 = vector.broadcast %jit3A_316 : i32 to vector<16xi32>
      %select_n3A_319 = arith.select %ge3A_314, %broadcast_in_dim3A_317, %broadcast_in_dim3A_318 : vector<16xi1>, vector<16xi32>
      %add3A_320 = arith.addi %get3A_312, %select_n3A_319 : vector<16xi32>
      %ge3A_321 = vector.broadcast %squeeze3A : i32 to vector<16xi32>
      %ge3A_322 = arith.cmpi sge, %add3A_310, %ge3A_321 : vector<16xi32>
      %jit3A_323 = arith.constant 8192 : i32
      %broadcast_in_dim3A_324 = vector.broadcast %jit3A_323 : i32 to vector<16xi32>
      %select_n3A_325 = arith.select %ge3A_322, %broadcast_in_dim3A_324, %add3A_320 : vector<16xi1>, vector<16xi32>
      %swap3A_326 = arith.constant 0 : i32
      %swap3A_327 = tpu.memref_slice %arg21[%while3A_271, %swap3A_326] : memref<32x128xi32, #tpu.memory_space<vmem>> -> memref<1x128xi32, #tpu.memory_space<vmem>>
      %swap3A_328 = tpu.memref_squeeze %swap3A_327 : memref<1x128xi32, #tpu.memory_space<vmem>> -> memref<128xi32, #tpu.memory_space<vmem>>
      %swap3A_329 = arith.constant 16 : index
      %swap3A_330 = tpu.vector_load %swap3A_328[%swap3A_329] {strides = array<i32>} : memref<128xi32, #tpu.memory_space<vmem>>, vector<16xi32>,
      tpu.vector_store %swap3A_328[%swap3A_329], %select_n3A_325 {strides = array<i32>} : memref<128xi32, #tpu.memory_space<vmem>>, vector<16xi32>,
      %add3A_331 = vector.broadcast %squeeze3A_211 : i32 to vector<16xi32>
      %add3A_332 = arith.addi %add3A_331, %add3A_310 : vector<16xi32>
      %swap3A_333 = arith.constant 16 : index
      %swap3A_334 = tpu.vector_load %arg22[%swap3A_333] {strides = array<i32>} : memref<128xi32, #tpu.memory_space<vmem>>, vector<16xi32>,
      tpu.vector_store %arg22[%swap3A_333], %add3A_332 {strides = array<i32>} : memref<128xi32, #tpu.memory_space<vmem>>, vector<16xi32>,
      %mul3A_335 = arith.constant 128 : i32
      %mul3A_336 = arith.muli %while3A_271, %mul3A_335 : i32
      %multiple_of3A_337 = tpu.assume_multiple %mul3A_336, 128 : i32
      %add3A_338 = arith.constant 32 : i32
      %add3A_339 = arith.addi %multiple_of3A_337, %add3A_338 : i32
      %add3A_340 = vector.broadcast %add3A_339 : i32 to vector<16xi32>
      %add3A_341 = arith.addi %add3A_340, %iota3A : vector<16xi32>
      %get3A_342 = arith.index_cast %add3A_339 : i32 to index
      %get3A_343 = tpu.vector_load %arg15[%get3A_342] {strides = array<i32>} : memref<4160xi32, #tpu.memory_space<vmem>>, vector<16xi32>,
      %ge3A_344 = vector.broadcast %squeeze3A_197 : i32 to vector<16xi32>
      %ge3A_345 = arith.cmpi sge, %add3A_341, %ge3A_344 : vector<16xi32>
      %jit3A_346 = arith.constant 4096 : i32
      %jit3A_347 = arith.constant 0 : i32
      %broadcast_in_dim3A_348 = vector.broadcast %jit3A_346 : i32 to vector<16xi32>
      %broadcast_in_dim3A_349 = vector.broadcast %jit3A_347 : i32 to vector<16xi32>
      %select_n3A_350 = arith.select %ge3A_345, %broadcast_in_dim3A_348, %broadcast_in_dim3A_349 : vector<16xi1>, vector<16xi32>
      %add3A_351 = arith.addi %get3A_343, %select_n3A_350 : vector<16xi32>
      %ge3A_352 = vector.broadcast %squeeze3A : i32 to vector<16xi32>
      %ge3A_353 = arith.cmpi sge, %add3A_341, %ge3A_352 : vector<16xi32>
      %jit3A_354 = arith.constant 8192 : i32
      %broadcast_in_dim3A_355 = vector.broadcast %jit3A_354 : i32 to vector<16xi32>
      %select_n3A_356 = arith.select %ge3A_353, %broadcast_in_dim3A_355, %add3A_351 : vector<16xi1>, vector<16xi32>
      %swap3A_357 = arith.constant 0 : i32
      %swap3A_358 = tpu.memref_slice %arg21[%while3A_271, %swap3A_357] : memref<32x128xi32, #tpu.memory_space<vmem>> -> memref<1x128xi32, #tpu.memory_space<vmem>>
      %swap3A_359 = tpu.memref_squeeze %swap3A_358 : memref<1x128xi32, #tpu.memory_space<vmem>> -> memref<128xi32, #tpu.memory_space<vmem>>
      %swap3A_360 = arith.constant 32 : index
      %swap3A_361 = tpu.vector_load %swap3A_359[%swap3A_360] {strides = array<i32>} : memref<128xi32, #tpu.memory_space<vmem>>, vector<16xi32>,
      tpu.vector_store %swap3A_359[%swap3A_360], %select_n3A_356 {strides = array<i32>} : memref<128xi32, #tpu.memory_space<vmem>>, vector<16xi32>,
      %add3A_362 = vector.broadcast %squeeze3A_211 : i32 to vector<16xi32>
      %add3A_363 = arith.addi %add3A_362, %add3A_341 : vector<16xi32>
      %swap3A_364 = arith.constant 32 : index
      %swap3A_365 = tpu.vector_load %arg22[%swap3A_364] {strides = array<i32>} : memref<128xi32, #tpu.memory_space<vmem>>, vector<16xi32>,
      tpu.vector_store %arg22[%swap3A_364], %add3A_363 {strides = array<i32>} : memref<128xi32, #tpu.memory_space<vmem>>, vector<16xi32>,
      %mul3A_366 = arith.constant 128 : i32
      %mul3A_367 = arith.muli %while3A_271, %mul3A_366 : i32
      %multiple_of3A_368 = tpu.assume_multiple %mul3A_367, 128 : i32
      %add3A_369 = arith.constant 48 : i32
      %add3A_370 = arith.addi %multiple_of3A_368, %add3A_369 : i32
      %add3A_371 = vector.broadcast %add3A_370 : i32 to vector<16xi32>
      %add3A_372 = arith.addi %add3A_371, %iota3A : vector<16xi32>
      %get3A_373 = arith.index_cast %add3A_370 : i32 to index
      %get3A_374 = tpu.vector_load %arg15[%get3A_373] {strides = array<i32>} : memref<4160xi32, #tpu.memory_space<vmem>>, vector<16xi32>,
      %ge3A_375 = vector.broadcast %squeeze3A_197 : i32 to vector<16xi32>
      %ge3A_376 = arith.cmpi sge, %add3A_372, %ge3A_375 : vector<16xi32>
      %jit3A_377 = arith.constant 4096 : i32
      %jit3A_378 = arith.constant 0 : i32
      %broadcast_in_dim3A_379 = vector.broadcast %jit3A_377 : i32 to vector<16xi32>
      %broadcast_in_dim3A_380 = vector.broadcast %jit3A_378 : i32 to vector<16xi32>
      %select_n3A_381 = arith.select %ge3A_376, %broadcast_in_dim3A_379, %broadcast_in_dim3A_380 : vector<16xi1>, vector<16xi32>
      %add3A_382 = arith.addi %get3A_374, %select_n3A_381 : vector<16xi32>
      %ge3A_383 = vector.broadcast %squeeze3A : i32 to vector<16xi32>
      %ge3A_384 = arith.cmpi sge, %add3A_372, %ge3A_383 : vector<16xi32>
      %jit3A_385 = arith.constant 8192 : i32
      %broadcast_in_dim3A_386 = vector.broadcast %jit3A_385 : i32 to vector<16xi32>
      %select_n3A_387 = arith.select %ge3A_384, %broadcast_in_dim3A_386, %add3A_382 : vector<16xi1>, vector<16xi32>
      %swap3A_388 = arith.constant 0 : i32
      %swap3A_389 = tpu.memref_slice %arg21[%while3A_271, %swap3A_388] : memref<32x128xi32, #tpu.memory_space<vmem>> -> memref<1x128xi32, #tpu.memory_space<vmem>>
      %swap3A_390 = tpu.memref_squeeze %swap3A_389 : memref<1x128xi32, #tpu.memory_space<vmem>> -> memref<128xi32, #tpu.memory_space<vmem>>
      %swap3A_391 = arith.constant 48 : index
      %swap3A_392 = tpu.vector_load %swap3A_390[%swap3A_391] {strides = array<i32>} : memref<128xi32, #tpu.memory_space<vmem>>, vector<16xi32>,
      tpu.vector_store %swap3A_390[%swap3A_391], %select_n3A_387 {strides = array<i32>} : memref<128xi32, #tpu.memory_space<vmem>>, vector<16xi32>,
      %add3A_393 = vector.broadcast %squeeze3A_211 : i32 to vector<16xi32>
      %add3A_394 = arith.addi %add3A_393, %add3A_372 : vector<16xi32>
      %swap3A_395 = arith.constant 48 : index
      %swap3A_396 = tpu.vector_load %arg22[%swap3A_395] {strides = array<i32>} : memref<128xi32, #tpu.memory_space<vmem>>, vector<16xi32>,
      tpu.vector_store %arg22[%swap3A_395], %add3A_394 {strides = array<i32>} : memref<128xi32, #tpu.memory_space<vmem>>, vector<16xi32>,
      %mul3A_397 = arith.constant 128 : i32
      %mul3A_398 = arith.muli %while3A_271, %mul3A_397 : i32
      %multiple_of3A_399 = tpu.assume_multiple %mul3A_398, 128 : i32
      %add3A_400 = arith.constant 64 : i32
      %add3A_401 = arith.addi %multiple_of3A_399, %add3A_400 : i32
      %add3A_402 = vector.broadcast %add3A_401 : i32 to vector<16xi32>
      %add3A_403 = arith.addi %add3A_402, %iota3A : vector<16xi32>
      %get3A_404 = arith.index_cast %add3A_401 : i32 to index
      %get3A_405 = tpu.vector_load %arg15[%get3A_404] {strides = array<i32>} : memref<4160xi32, #tpu.memory_space<vmem>>, vector<16xi32>,
      %ge3A_406 = vector.broadcast %squeeze3A_197 : i32 to vector<16xi32>
      %ge3A_407 = arith.cmpi sge, %add3A_403, %ge3A_406 : vector<16xi32>
      %jit3A_408 = arith.constant 4096 : i32
      %jit3A_409 = arith.constant 0 : i32
      %broadcast_in_dim3A_410 = vector.broadcast %jit3A_408 : i32 to vector<16xi32>
      %broadcast_in_dim3A_411 = vector.broadcast %jit3A_409 : i32 to vector<16xi32>
      %select_n3A_412 = arith.select %ge3A_407, %broadcast_in_dim3A_410, %broadcast_in_dim3A_411 : vector<16xi1>, vector<16xi32>
      %add3A_413 = arith.addi %get3A_405, %select_n3A_412 : vector<16xi32>
      %ge3A_414 = vector.broadcast %squeeze3A : i32 to vector<16xi32>
      %ge3A_415 = arith.cmpi sge, %add3A_403, %ge3A_414 : vector<16xi32>
      %jit3A_416 = arith.constant 8192 : i32
      %broadcast_in_dim3A_417 = vector.broadcast %jit3A_416 : i32 to vector<16xi32>
      %select_n3A_418 = arith.select %ge3A_415, %broadcast_in_dim3A_417, %add3A_413 : vector<16xi1>, vector<16xi32>
      %swap3A_419 = arith.constant 0 : i32
      %swap3A_420 = tpu.memref_slice %arg21[%while3A_271, %swap3A_419] : memref<32x128xi32, #tpu.memory_space<vmem>> -> memref<1x128xi32, #tpu.memory_space<vmem>>
      %swap3A_421 = tpu.memref_squeeze %swap3A_420 : memref<1x128xi32, #tpu.memory_space<vmem>> -> memref<128xi32, #tpu.memory_space<vmem>>
      %swap3A_422 = arith.constant 64 : index
      %swap3A_423 = tpu.vector_load %swap3A_421[%swap3A_422] {strides = array<i32>} : memref<128xi32, #tpu.memory_space<vmem>>, vector<16xi32>,
      tpu.vector_store %swap3A_421[%swap3A_422], %select_n3A_418 {strides = array<i32>} : memref<128xi32, #tpu.memory_space<vmem>>, vector<16xi32>,
      %add3A_424 = vector.broadcast %squeeze3A_211 : i32 to vector<16xi32>
      %add3A_425 = arith.addi %add3A_424, %add3A_403 : vector<16xi32>
      %swap3A_426 = arith.constant 64 : index
      %swap3A_427 = tpu.vector_load %arg22[%swap3A_426] {strides = array<i32>} : memref<128xi32, #tpu.memory_space<vmem>>, vector<16xi32>,
      tpu.vector_store %arg22[%swap3A_426], %add3A_425 {strides = array<i32>} : memref<128xi32, #tpu.memory_space<vmem>>, vector<16xi32>,
      %mul3A_428 = arith.constant 128 : i32
      %mul3A_429 = arith.muli %while3A_271, %mul3A_428 : i32
      %multiple_of3A_430 = tpu.assume_multiple %mul3A_429, 128 : i32
      %add3A_431 = arith.constant 80 : i32
      %add3A_432 = arith.addi %multiple_of3A_430, %add3A_431 : i32
      %add3A_433 = vector.broadcast %add3A_432 : i32 to vector<16xi32>
      %add3A_434 = arith.addi %add3A_433, %iota3A : vector<16xi32>
      %get3A_435 = arith.index_cast %add3A_432 : i32 to index
      %get3A_436 = tpu.vector_load %arg15[%get3A_435] {strides = array<i32>} : memref<4160xi32, #tpu.memory_space<vmem>>, vector<16xi32>,
      %ge3A_437 = vector.broadcast %squeeze3A_197 : i32 to vector<16xi32>
      %ge3A_438 = arith.cmpi sge, %add3A_434, %ge3A_437 : vector<16xi32>
      %jit3A_439 = arith.constant 4096 : i32
      %jit3A_440 = arith.constant 0 : i32
      %broadcast_in_dim3A_441 = vector.broadcast %jit3A_439 : i32 to vector<16xi32>
      %broadcast_in_dim3A_442 = vector.broadcast %jit3A_440 : i32 to vector<16xi32>
      %select_n3A_443 = arith.select %ge3A_438, %broadcast_in_dim3A_441, %broadcast_in_dim3A_442 : vector<16xi1>, vector<16xi32>
      %add3A_444 = arith.addi %get3A_436, %select_n3A_443 : vector<16xi32>
      %ge3A_445 = vector.broadcast %squeeze3A : i32 to vector<16xi32>
      %ge3A_446 = arith.cmpi sge, %add3A_434, %ge3A_445 : vector<16xi32>
      %jit3A_447 = arith.constant 8192 : i32
      %broadcast_in_dim3A_448 = vector.broadcast %jit3A_447 : i32 to vector<16xi32>
      %select_n3A_449 = arith.select %ge3A_446, %broadcast_in_dim3A_448, %add3A_444 : vector<16xi1>, vector<16xi32>
      %swap3A_450 = arith.constant 0 : i32
      %swap3A_451 = tpu.memref_slice %arg21[%while3A_271, %swap3A_450] : memref<32x128xi32, #tpu.memory_space<vmem>> -> memref<1x128xi32, #tpu.memory_space<vmem>>
      %swap3A_452 = tpu.memref_squeeze %swap3A_451 : memref<1x128xi32, #tpu.memory_space<vmem>> -> memref<128xi32, #tpu.memory_space<vmem>>
      %swap3A_453 = arith.constant 80 : index
      %swap3A_454 = tpu.vector_load %swap3A_452[%swap3A_453] {strides = array<i32>} : memref<128xi32, #tpu.memory_space<vmem>>, vector<16xi32>,
      tpu.vector_store %swap3A_452[%swap3A_453], %select_n3A_449 {strides = array<i32>} : memref<128xi32, #tpu.memory_space<vmem>>, vector<16xi32>,
      %add3A_455 = vector.broadcast %squeeze3A_211 : i32 to vector<16xi32>
      %add3A_456 = arith.addi %add3A_455, %add3A_434 : vector<16xi32>
      %swap3A_457 = arith.constant 80 : index
      %swap3A_458 = tpu.vector_load %arg22[%swap3A_457] {strides = array<i32>} : memref<128xi32, #tpu.memory_space<vmem>>, vector<16xi32>,
      tpu.vector_store %arg22[%swap3A_457], %add3A_456 {strides = array<i32>} : memref<128xi32, #tpu.memory_space<vmem>>, vector<16xi32>,
      %mul3A_459 = arith.constant 128 : i32
      %mul3A_460 = arith.muli %while3A_271, %mul3A_459 : i32
      %multiple_of3A_461 = tpu.assume_multiple %mul3A_460, 128 : i32
      %add3A_462 = arith.constant 96 : i32
      %add3A_463 = arith.addi %multiple_of3A_461, %add3A_462 : i32
      %add3A_464 = vector.broadcast %add3A_463 : i32 to vector<16xi32>
      %add3A_465 = arith.addi %add3A_464, %iota3A : vector<16xi32>
      %get3A_466 = arith.index_cast %add3A_463 : i32 to index
      %get3A_467 = tpu.vector_load %arg15[%get3A_466] {strides = array<i32>} : memref<4160xi32, #tpu.memory_space<vmem>>, vector<16xi32>,
      %ge3A_468 = vector.broadcast %squeeze3A_197 : i32 to vector<16xi32>
      %ge3A_469 = arith.cmpi sge, %add3A_465, %ge3A_468 : vector<16xi32>
      %jit3A_470 = arith.constant 4096 : i32
      %jit3A_471 = arith.constant 0 : i32
      %broadcast_in_dim3A_472 = vector.broadcast %jit3A_470 : i32 to vector<16xi32>
      %broadcast_in_dim3A_473 = vector.broadcast %jit3A_471 : i32 to vector<16xi32>
      %select_n3A_474 = arith.select %ge3A_469, %broadcast_in_dim3A_472, %broadcast_in_dim3A_473 : vector<16xi1>, vector<16xi32>
      %add3A_475 = arith.addi %get3A_467, %select_n3A_474 : vector<16xi32>
      %ge3A_476 = vector.broadcast %squeeze3A : i32 to vector<16xi32>
      %ge3A_477 = arith.cmpi sge, %add3A_465, %ge3A_476 : vector<16xi32>
      %jit3A_478 = arith.constant 8192 : i32
      %broadcast_in_dim3A_479 = vector.broadcast %jit3A_478 : i32 to vector<16xi32>
      %select_n3A_480 = arith.select %ge3A_477, %broadcast_in_dim3A_479, %add3A_475 : vector<16xi1>, vector<16xi32>
      %swap3A_481 = arith.constant 0 : i32
      %swap3A_482 = tpu.memref_slice %arg21[%while3A_271, %swap3A_481] : memref<32x128xi32, #tpu.memory_space<vmem>> -> memref<1x128xi32, #tpu.memory_space<vmem>>
      %swap3A_483 = tpu.memref_squeeze %swap3A_482 : memref<1x128xi32, #tpu.memory_space<vmem>> -> memref<128xi32, #tpu.memory_space<vmem>>
      %swap3A_484 = arith.constant 96 : index
      %swap3A_485 = tpu.vector_load %swap3A_483[%swap3A_484] {strides = array<i32>} : memref<128xi32, #tpu.memory_space<vmem>>, vector<16xi32>,
      tpu.vector_store %swap3A_483[%swap3A_484], %select_n3A_480 {strides = array<i32>} : memref<128xi32, #tpu.memory_space<vmem>>, vector<16xi32>,
      %add3A_486 = vector.broadcast %squeeze3A_211 : i32 to vector<16xi32>
      %add3A_487 = arith.addi %add3A_486, %add3A_465 : vector<16xi32>
      %swap3A_488 = arith.constant 96 : index
      %swap3A_489 = tpu.vector_load %arg22[%swap3A_488] {strides = array<i32>} : memref<128xi32, #tpu.memory_space<vmem>>, vector<16xi32>,
      tpu.vector_store %arg22[%swap3A_488], %add3A_487 {strides = array<i32>} : memref<128xi32, #tpu.memory_space<vmem>>, vector<16xi32>,
      %mul3A_490 = arith.constant 128 : i32
      %mul3A_491 = arith.muli %while3A_271, %mul3A_490 : i32
      %multiple_of3A_492 = tpu.assume_multiple %mul3A_491, 128 : i32
      %add3A_493 = arith.constant 112 : i32
      %add3A_494 = arith.addi %multiple_of3A_492, %add3A_493 : i32
      %add3A_495 = vector.broadcast %add3A_494 : i32 to vector<16xi32>
      %add3A_496 = arith.addi %add3A_495, %iota3A : vector<16xi32>
      %get3A_497 = arith.index_cast %add3A_494 : i32 to index
      %get3A_498 = tpu.vector_load %arg15[%get3A_497] {strides = array<i32>} : memref<4160xi32, #tpu.memory_space<vmem>>, vector<16xi32>,
      %ge3A_499 = vector.broadcast %squeeze3A_197 : i32 to vector<16xi32>
      %ge3A_500 = arith.cmpi sge, %add3A_496, %ge3A_499 : vector<16xi32>
      %jit3A_501 = arith.constant 4096 : i32
      %jit3A_502 = arith.constant 0 : i32
      %broadcast_in_dim3A_503 = vector.broadcast %jit3A_501 : i32 to vector<16xi32>
      %broadcast_in_dim3A_504 = vector.broadcast %jit3A_502 : i32 to vector<16xi32>
      %select_n3A_505 = arith.select %ge3A_500, %broadcast_in_dim3A_503, %broadcast_in_dim3A_504 : vector<16xi1>, vector<16xi32>
      %add3A_506 = arith.addi %get3A_498, %select_n3A_505 : vector<16xi32>
      %ge3A_507 = vector.broadcast %squeeze3A : i32 to vector<16xi32>
      %ge3A_508 = arith.cmpi sge, %add3A_496, %ge3A_507 : vector<16xi32>
      %jit3A_509 = arith.constant 8192 : i32
      %broadcast_in_dim3A_510 = vector.broadcast %jit3A_509 : i32 to vector<16xi32>
      %select_n3A_511 = arith.select %ge3A_508, %broadcast_in_dim3A_510, %add3A_506 : vector<16xi1>, vector<16xi32>
      %swap3A_512 = arith.constant 0 : i32
      %swap3A_513 = tpu.memref_slice %arg21[%while3A_271, %swap3A_512] : memref<32x128xi32, #tpu.memory_space<vmem>> -> memref<1x128xi32, #tpu.memory_space<vmem>>
      %swap3A_514 = tpu.memref_squeeze %swap3A_513 : memref<1x128xi32, #tpu.memory_space<vmem>> -> memref<128xi32, #tpu.memory_space<vmem>>
      %swap3A_515 = arith.constant 112 : index
      %swap3A_516 = tpu.vector_load %swap3A_514[%swap3A_515] {strides = array<i32>} : memref<128xi32, #tpu.memory_space<vmem>>, vector<16xi32>,
      tpu.vector_store %swap3A_514[%swap3A_515], %select_n3A_511 {strides = array<i32>} : memref<128xi32, #tpu.memory_space<vmem>>, vector<16xi32>,
      %add3A_517 = vector.broadcast %squeeze3A_211 : i32 to vector<16xi32>
      %add3A_518 = arith.addi %add3A_517, %add3A_496 : vector<16xi32>
      %swap3A_519 = arith.constant 112 : index
      %swap3A_520 = tpu.vector_load %arg22[%swap3A_519] {strides = array<i32>} : memref<128xi32, #tpu.memory_space<vmem>>, vector<16xi32>,
      tpu.vector_store %arg22[%swap3A_519], %add3A_518 {strides = array<i32>} : memref<128xi32, #tpu.memory_space<vmem>>, vector<16xi32>,
      %dma_start3A = arith.constant 0 : i32
      %dma_start3A_521 = tpu.memref_slice %arg21[%while3A_271, %dma_start3A] : memref<32x128xi32, #tpu.memory_space<vmem>> -> memref<1x128xi32, #tpu.memory_space<vmem>>
      %dma_start3A_522 = tpu.memref_squeeze %dma_start3A_521 : memref<1x128xi32, #tpu.memory_space<vmem>> -> memref<128xi32, #tpu.memory_space<vmem>>
      %dma_start3A_523 = arith.constant 0 : i32
      %dma_start3A_524 = tpu.memref_slice %arg19[%dma_start3A_523] : memref<8448xi32, #tpu.memory_space<vmem_shared>> -> memref<8448xi32, #tpu.memory_space<vmem_shared>>
      tpu.enqueue_indirect_dma source(%arg22 : memref<128xi32, #tpu.memory_space<vmem>>) target(%dma_start3A_524 : memref<8448xi32, #tpu.memory_space<vmem_shared>>) offsets(%dma_start3A_522 : memref<128xi32, #tpu.memory_space<vmem>>) semaphore(%arg26 : memref<!tpu.dma_semaphore, #tpu.memory_space<semaphore_mem>>)
      %dma_wait3A = arith.constant 0 : i32
      %dma_wait3A_525 = tpu.memref_slice %arg21[%while3A_271, %dma_wait3A] : memref<32x128xi32, #tpu.memory_space<vmem>> -> memref<1x128xi32, #tpu.memory_space<vmem>>
      %dma_wait3A_526 = tpu.memref_squeeze %dma_wait3A_525 : memref<1x128xi32, #tpu.memory_space<vmem>> -> memref<128xi32, #tpu.memory_space<vmem>>
      %dma_wait3A_527 = arith.constant 0 : i32
      %dma_wait3A_528 = tpu.memref_slice %arg19[%dma_wait3A_527] : memref<8448xi32, #tpu.memory_space<vmem_shared>> -> memref<8448xi32, #tpu.memory_space<vmem_shared>>
      tpu.wait_indirect_dma semaphore(%arg26 : memref<!tpu.dma_semaphore, #tpu.memory_space<semaphore_mem>>) src(%arg22 : memref<128xi32, #tpu.memory_space<vmem>>) dst(%dma_wait3A_528 : memref<8448xi32, #tpu.memory_space<vmem_shared>>)
      %while3A_529 = arith.constant 0 : i32
      scf.yield %while3A_529 : i32
    }
    %while3A_261 = arith.constant 1 : i32
    %while3A_262 = scf.for %while3A_271 = %while3A_258 to %while3A_254 step %while3A_261 iter_args(%while3A_272 = %while3A_260) -> (i32)  : i32 {
      %mul3A_273 = arith.constant 128 : i32
      %mul3A_274 = arith.muli %while3A_271, %mul3A_273 : i32
      %multiple_of3A_275 = tpu.assume_multiple %mul3A_274, 128 : i32
      %add3A_276 = arith.constant 0 : i32
      %add3A_277 = arith.addi %multiple_of3A_275, %add3A_276 : i32
      %add3A_278 = vector.broadcast %add3A_277 : i32 to vector<16xi32>
      %add3A_279 = arith.addi %add3A_278, %iota3A : vector<16xi32>
      %get3A_280 = arith.index_cast %add3A_277 : i32 to index
      %get3A_281 = tpu.vector_load %arg15[%get3A_280] {strides = array<i32>} : memref<4160xi32, #tpu.memory_space<vmem>>, vector<16xi32>,
      %ge3A_282 = vector.broadcast %squeeze3A_197 : i32 to vector<16xi32>
      %ge3A_283 = arith.cmpi sge, %add3A_279, %ge3A_282 : vector<16xi32>
      %jit3A_284 = arith.constant 4096 : i32
      %jit3A_285 = arith.constant 0 : i32
      %broadcast_in_dim3A_286 = vector.broadcast %jit3A_284 : i32 to vector<16xi32>
      %broadcast_in_dim3A_287 = vector.broadcast %jit3A_285 : i32 to vector<16xi32>
      %select_n3A_288 = arith.select %ge3A_283, %broadcast_in_dim3A_286, %broadcast_in_dim3A_287 : vector<16xi1>, vector<16xi32>
      %add3A_289 = arith.addi %get3A_281, %select_n3A_288 : vector<16xi32>
      %ge3A_290 = vector.broadcast %squeeze3A : i32 to vector<16xi32>
      %ge3A_291 = arith.cmpi sge, %add3A_279, %ge3A_290 : vector<16xi32>
      %jit3A_292 = arith.constant 8192 : i32
      %broadcast_in_dim3A_293 = vector.broadcast %jit3A_292 : i32 to vector<16xi32>
      %select_n3A_294 = arith.select %ge3A_291, %broadcast_in_dim3A_293, %add3A_289 : vector<16xi1>, vector<16xi32>
      %swap3A_295 = arith.constant 0 : i32
      %swap3A_296 = tpu.memref_slice %arg21[%while3A_271, %swap3A_295] : memref<32x128xi32, #tpu.memory_space<vmem>> -> memref<1x128xi32, #tpu.memory_space<vmem>>
      %swap3A_297 = tpu.memref_squeeze %swap3A_296 : memref<1x128xi32, #tpu.memory_space<vmem>> -> memref<128xi32, #tpu.memory_space<vmem>>
      %swap3A_298 = arith.constant 0 : index
      %swap3A_299 = tpu.vector_load %swap3A_297[%swap3A_298] {strides = array<i32>} : memref<128xi32, #tpu.memory_space<vmem>>, vector<16xi32>,
      tpu.vector_store %swap3A_297[%swap3A_298], %select_n3A_294 {strides = array<i32>} : memref<128xi32, #tpu.memory_space<vmem>>, vector<16xi32>,
      %add3A_300 = vector.broadcast %squeeze3A_211 : i32 to vector<16xi32>
      %add3A_301 = arith.addi %add3A_300, %add3A_279 : vector<16xi32>
      %swap3A_302 = arith.constant 0 : index
      %swap3A_303 = tpu.vector_load %arg22[%swap3A_302] {strides = array<i32>} : memref<128xi32, #tpu.memory_space<vmem>>, vector<16xi32>,
      tpu.vector_store %arg22[%swap3A_302], %add3A_301 {strides = array<i32>} : memref<128xi32, #tpu.memory_space<vmem>>, vector<16xi32>,
      %mul3A_304 = arith.constant 128 : i32
      %mul3A_305 = arith.muli %while3A_271, %mul3A_304 : i32
      %multiple_of3A_306 = tpu.assume_multiple %mul3A_305, 128 : i32
      %add3A_307 = arith.constant 16 : i32
      %add3A_308 = arith.addi %multiple_of3A_306, %add3A_307 : i32
      %add3A_309 = vector.broadcast %add3A_308 : i32 to vector<16xi32>
      %add3A_310 = arith.addi %add3A_309, %iota3A : vector<16xi32>
      %get3A_311 = arith.index_cast %add3A_308 : i32 to index
      %get3A_312 = tpu.vector_load %arg15[%get3A_311] {strides = array<i32>} : memref<4160xi32, #tpu.memory_space<vmem>>, vector<16xi32>,
      %ge3A_313 = vector.broadcast %squeeze3A_197 : i32 to vector<16xi32>
      %ge3A_314 = arith.cmpi sge, %add3A_310, %ge3A_313 : vector<16xi32>
      %jit3A_315 = arith.constant 4096 : i32
      %jit3A_316 = arith.constant 0 : i32
      %broadcast_in_dim3A_317 = vector.broadcast %jit3A_315 : i32 to vector<16xi32>
      %broadcast_in_dim3A_318 = vector.broadcast %jit3A_316 : i32 to vector<16xi32>
      %select_n3A_319 = arith.select %ge3A_314, %broadcast_in_dim3A_317, %broadcast_in_dim3A_318 : vector<16xi1>, vector<16xi32>
      %add3A_320 = arith.addi %get3A_312, %select_n3A_319 : vector<16xi32>
      %ge3A_321 = vector.broadcast %squeeze3A : i32 to vector<16xi32>
      %ge3A_322 = arith.cmpi sge, %add3A_310, %ge3A_321 : vector<16xi32>
      %jit3A_323 = arith.constant 8192 : i32
      %broadcast_in_dim3A_324 = vector.broadcast %jit3A_323 : i32 to vector<16xi32>
      %select_n3A_325 = arith.select %ge3A_322, %broadcast_in_dim3A_324, %add3A_320 : vector<16xi1>, vector<16xi32>
      %swap3A_326 = arith.constant 0 : i32
      %swap3A_327 = tpu.memref_slice %arg21[%while3A_271, %swap3A_326] : memref<32x128xi32, #tpu.memory_space<vmem>> -> memref<1x128xi32, #tpu.memory_space<vmem>>
      %swap3A_328 = tpu.memref_squeeze %swap3A_327 : memref<1x128xi32, #tpu.memory_space<vmem>> -> memref<128xi32, #tpu.memory_space<vmem>>
      %swap3A_329 = arith.constant 16 : index
      %swap3A_330 = tpu.vector_load %swap3A_328[%swap3A_329] {strides = array<i32>} : memref<128xi32, #tpu.memory_space<vmem>>, vector<16xi32>,
      tpu.vector_store %swap3A_328[%swap3A_329], %select_n3A_325 {strides = array<i32>} : memref<128xi32, #tpu.memory_space<vmem>>, vector<16xi32>,
      %add3A_331 = vector.broadcast %squeeze3A_211 : i32 to vector<16xi32>
      %add3A_332 = arith.addi %add3A_331, %add3A_310 : vector<16xi32>
      %swap3A_333 = arith.constant 16 : index
      %swap3A_334 = tpu.vector_load %arg22[%swap3A_333] {strides = array<i32>} : memref<128xi32, #tpu.memory_space<vmem>>, vector<16xi32>,
      tpu.vector_store %arg22[%swap3A_333], %add3A_332 {strides = array<i32>} : memref<128xi32, #tpu.memory_space<vmem>>, vector<16xi32>,
      %mul3A_335 = arith.constant 128 : i32
      %mul3A_336 = arith.muli %while3A_271, %mul3A_335 : i32
      %multiple_of3A_337 = tpu.assume_multiple %mul3A_336, 128 : i32
      %add3A_338 = arith.constant 32 : i32
      %add3A_339 = arith.addi %multiple_of3A_337, %add3A_338 : i32
      %add3A_340 = vector.broadcast %add3A_339 : i32 to vector<16xi32>
      %add3A_341 = arith.addi %add3A_340, %iota3A : vector<16xi32>
      %get3A_342 = arith.index_cast %add3A_339 : i32 to index
      %get3A_343 = tpu.vector_load %arg15[%get3A_342] {strides = array<i32>} : memref<4160xi32, #tpu.memory_space<vmem>>, vector<16xi32>,
      %ge3A_344 = vector.broadcast %squeeze3A_197 : i32 to vector<16xi32>
      %ge3A_345 = arith.cmpi sge, %add3A_341, %ge3A_344 : vector<16xi32>
      %jit3A_346 = arith.constant 4096 : i32
      %jit3A_347 = arith.constant 0 : i32
      %broadcast_in_dim3A_348 = vector.broadcast %jit3A_346 : i32 to vector<16xi32>
      %broadcast_in_dim3A_349 = vector.broadcast %jit3A_347 : i32 to vector<16xi32>
      %select_n3A_350 = arith.select %ge3A_345, %broadcast_in_dim3A_348, %broadcast_in_dim3A_349 : vector<16xi1>, vector<16xi32>
      %add3A_351 = arith.addi %get3A_343, %select_n3A_350 : vector<16xi32>
      %ge3A_352 = vector.broadcast %squeeze3A : i32 to vector<16xi32>
      %ge3A_353 = arith.cmpi sge, %add3A_341, %ge3A_352 : vector<16xi32>
      %jit3A_354 = arith.constant 8192 : i32
      %broadcast_in_dim3A_355 = vector.broadcast %jit3A_354 : i32 to vector<16xi32>
      %select_n3A_356 = arith.select %ge3A_353, %broadcast_in_dim3A_355, %add3A_351 : vector<16xi1>, vector<16xi32>
      %swap3A_357 = arith.constant 0 : i32
      %swap3A_358 = tpu.memref_slice %arg21[%while3A_271, %swap3A_357] : memref<32x128xi32, #tpu.memory_space<vmem>> -> memref<1x128xi32, #tpu.memory_space<vmem>>
      %swap3A_359 = tpu.memref_squeeze %swap3A_358 : memref<1x128xi32, #tpu.memory_space<vmem>> -> memref<128xi32, #tpu.memory_space<vmem>>
      %swap3A_360 = arith.constant 32 : index
      %swap3A_361 = tpu.vector_load %swap3A_359[%swap3A_360] {strides = array<i32>} : memref<128xi32, #tpu.memory_space<vmem>>, vector<16xi32>,
      tpu.vector_store %swap3A_359[%swap3A_360], %select_n3A_356 {strides = array<i32>} : memref<128xi32, #tpu.memory_space<vmem>>, vector<16xi32>,
      %add3A_362 = vector.broadcast %squeeze3A_211 : i32 to vector<16xi32>
      %add3A_363 = arith.addi %add3A_362, %add3A_341 : vector<16xi32>
      %swap3A_364 = arith.constant 32 : index
      %swap3A_365 = tpu.vector_load %arg22[%swap3A_364] {strides = array<i32>} : memref<128xi32, #tpu.memory_space<vmem>>, vector<16xi32>,
      tpu.vector_store %arg22[%swap3A_364], %add3A_363 {strides = array<i32>} : memref<128xi32, #tpu.memory_space<vmem>>, vector<16xi32>,
      %mul3A_366 = arith.constant 128 : i32
      %mul3A_367 = arith.muli %while3A_271, %mul3A_366 : i32
      %multiple_of3A_368 = tpu.assume_multiple %mul3A_367, 128 : i32
      %add3A_369 = arith.constant 48 : i32
      %add3A_370 = arith.addi %multiple_of3A_368, %add3A_369 : i32
      %add3A_371 = vector.broadcast %add3A_370 : i32 to vector<16xi32>
      %add3A_372 = arith.addi %add3A_371, %iota3A : vector<16xi32>
      %get3A_373 = arith.index_cast %add3A_370 : i32 to index
      %get3A_374 = tpu.vector_load %arg15[%get3A_373] {strides = array<i32>} : memref<4160xi32, #tpu.memory_space<vmem>>, vector<16xi32>,
      %ge3A_375 = vector.broadcast %squeeze3A_197 : i32 to vector<16xi32>
      %ge3A_376 = arith.cmpi sge, %add3A_372, %ge3A_375 : vector<16xi32>
      %jit3A_377 = arith.constant 4096 : i32
      %jit3A_378 = arith.constant 0 : i32
      %broadcast_in_dim3A_379 = vector.broadcast %jit3A_377 : i32 to vector<16xi32>
      %broadcast_in_dim3A_380 = vector.broadcast %jit3A_378 : i32 to vector<16xi32>
      %select_n3A_381 = arith.select %ge3A_376, %broadcast_in_dim3A_379, %broadcast_in_dim3A_380 : vector<16xi1>, vector<16xi32>
      %add3A_382 = arith.addi %get3A_374, %select_n3A_381 : vector<16xi32>
      %ge3A_383 = vector.broadcast %squeeze3A : i32 to vector<16xi32>
      %ge3A_384 = arith.cmpi sge, %add3A_372, %ge3A_383 : vector<16xi32>
      %jit3A_385 = arith.constant 8192 : i32
      %broadcast_in_dim3A_386 = vector.broadcast %jit3A_385 : i32 to vector<16xi32>
      %select_n3A_387 = arith.select %ge3A_384, %broadcast_in_dim3A_386, %add3A_382 : vector<16xi1>, vector<16xi32>
      %swap3A_388 = arith.constant 0 : i32
      %swap3A_389 = tpu.memref_slice %arg21[%while3A_271, %swap3A_388] : memref<32x128xi32, #tpu.memory_space<vmem>> -> memref<1x128xi32, #tpu.memory_space<vmem>>
      %swap3A_390 = tpu.memref_squeeze %swap3A_389 : memref<1x128xi32, #tpu.memory_space<vmem>> -> memref<128xi32, #tpu.memory_space<vmem>>
      %swap3A_391 = arith.constant 48 : index
      %swap3A_392 = tpu.vector_load %swap3A_390[%swap3A_391] {strides = array<i32>} : memref<128xi32, #tpu.memory_space<vmem>>, vector<16xi32>,
      tpu.vector_store %swap3A_390[%swap3A_391], %select_n3A_387 {strides = array<i32>} : memref<128xi32, #tpu.memory_space<vmem>>, vector<16xi32>,
      %add3A_393 = vector.broadcast %squeeze3A_211 : i32 to vector<16xi32>
      %add3A_394 = arith.addi %add3A_393, %add3A_372 : vector<16xi32>
      %swap3A_395 = arith.constant 48 : index
      %swap3A_396 = tpu.vector_load %arg22[%swap3A_395] {strides = array<i32>} : memref<128xi32, #tpu.memory_space<vmem>>, vector<16xi32>,
      tpu.vector_store %arg22[%swap3A_395], %add3A_394 {strides = array<i32>} : memref<128xi32, #tpu.memory_space<vmem>>, vector<16xi32>,
      %mul3A_397 = arith.constant 128 : i32
      %mul3A_398 = arith.muli %while3A_271, %mul3A_397 : i32
      %multiple_of3A_399 = tpu.assume_multiple %mul3A_398, 128 : i32
      %add3A_400 = arith.constant 64 : i32
      %add3A_401 = arith.addi %multiple_of3A_399, %add3A_400 : i32
      %add3A_402 = vector.broadcast %add3A_401 : i32 to vector<16xi32>
      %add3A_403 = arith.addi %add3A_402, %iota3A : vector<16xi32>
      %get3A_404 = arith.index_cast %add3A_401 : i32 to index
      %get3A_405 = tpu.vector_load %arg15[%get3A_404] {strides = array<i32>} : memref<4160xi32, #tpu.memory_space<vmem>>, vector<16xi32>,
      %ge3A_406 = vector.broadcast %squeeze3A_197 : i32 to vector<16xi32>
      %ge3A_407 = arith.cmpi sge, %add3A_403, %ge3A_406 : vector<16xi32>
      %jit3A_408 = arith.constant 4096 : i32
      %jit3A_409 = arith.constant 0 : i32
      %broadcast_in_dim3A_410 = vector.broadcast %jit3A_408 : i32 to vector<16xi32>
      %broadcast_in_dim3A_411 = vector.broadcast %jit3A_409 : i32 to vector<16xi32>
      %select_n3A_412 = arith.select %ge3A_407, %broadcast_in_dim3A_410, %broadcast_in_dim3A_411 : vector<16xi1>, vector<16xi32>
      %add3A_413 = arith.addi %get3A_405, %select_n3A_412 : vector<16xi32>
      %ge3A_414 = vector.broadcast %squeeze3A : i32 to vector<16xi32>
      %ge3A_415 = arith.cmpi sge, %add3A_403, %ge3A_414 : vector<16xi32>
      %jit3A_416 = arith.constant 8192 : i32
      %broadcast_in_dim3A_417 = vector.broadcast %jit3A_416 : i32 to vector<16xi32>
      %select_n3A_418 = arith.select %ge3A_415, %broadcast_in_dim3A_417, %add3A_413 : vector<16xi1>, vector<16xi32>
      %swap3A_419 = arith.constant 0 : i32
      %swap3A_420 = tpu.memref_slice %arg21[%while3A_271, %swap3A_419] : memref<32x128xi32, #tpu.memory_space<vmem>> -> memref<1x128xi32, #tpu.memory_space<vmem>>
      %swap3A_421 = tpu.memref_squeeze %swap3A_420 : memref<1x128xi32, #tpu.memory_space<vmem>> -> memref<128xi32, #tpu.memory_space<vmem>>
      %swap3A_422 = arith.constant 64 : index
      %swap3A_423 = tpu.vector_load %swap3A_421[%swap3A_422] {strides = array<i32>} : memref<128xi32, #tpu.memory_space<vmem>>, vector<16xi32>,
      tpu.vector_store %swap3A_421[%swap3A_422], %select_n3A_418 {strides = array<i32>} : memref<128xi32, #tpu.memory_space<vmem>>, vector<16xi32>,
      %add3A_424 = vector.broadcast %squeeze3A_211 : i32 to vector<16xi32>
      %add3A_425 = arith.addi %add3A_424, %add3A_403 : vector<16xi32>
      %swap3A_426 = arith.constant 64 : index
      %swap3A_427 = tpu.vector_load %arg22[%swap3A_426] {strides = array<i32>} : memref<128xi32, #tpu.memory_space<vmem>>, vector<16xi32>,
      tpu.vector_store %arg22[%swap3A_426], %add3A_425 {strides = array<i32>} : memref<128xi32, #tpu.memory_space<vmem>>, vector<16xi32>,
      %mul3A_428 = arith.constant 128 : i32
      %mul3A_429 = arith.muli %while3A_271, %mul3A_428 : i32
      %multiple_of3A_430 = tpu.assume_multiple %mul3A_429, 128 : i32
      %add3A_431 = arith.constant 80 : i32
      %add3A_432 = arith.addi %multiple_of3A_430, %add3A_431 : i32
      %add3A_433 = vector.broadcast %add3A_432 : i32 to vector<16xi32>
      %add3A_434 = arith.addi %add3A_433, %iota3A : vector<16xi32>
      %get3A_435 = arith.index_cast %add3A_432 : i32 to index
      %get3A_436 = tpu.vector_load %arg15[%get3A_435] {strides = array<i32>} : memref<4160xi32, #tpu.memory_space<vmem>>, vector<16xi32>,
      %ge3A_437 = vector.broadcast %squeeze3A_197 : i32 to vector<16xi32>
      %ge3A_438 = arith.cmpi sge, %add3A_434, %ge3A_437 : vector<16xi32>
      %jit3A_439 = arith.constant 4096 : i32
      %jit3A_440 = arith.constant 0 : i32
      %broadcast_in_dim3A_441 = vector.broadcast %jit3A_439 : i32 to vector<16xi32>
      %broadcast_in_dim3A_442 = vector.broadcast %jit3A_440 : i32 to vector<16xi32>
      %select_n3A_443 = arith.select %ge3A_438, %broadcast_in_dim3A_441, %broadcast_in_dim3A_442 : vector<16xi1>, vector<16xi32>
      %add3A_444 = arith.addi %get3A_436, %select_n3A_443 : vector<16xi32>
      %ge3A_445 = vector.broadcast %squeeze3A : i32 to vector<16xi32>
      %ge3A_446 = arith.cmpi sge, %add3A_434, %ge3A_445 : vector<16xi32>
      %jit3A_447 = arith.constant 8192 : i32
      %broadcast_in_dim3A_448 = vector.broadcast %jit3A_447 : i32 to vector<16xi32>
      %select_n3A_449 = arith.select %ge3A_446, %broadcast_in_dim3A_448, %add3A_444 : vector<16xi1>, vector<16xi32>
      %swap3A_450 = arith.constant 0 : i32
      %swap3A_451 = tpu.memref_slice %arg21[%while3A_271, %swap3A_450] : memref<32x128xi32, #tpu.memory_space<vmem>> -> memref<1x128xi32, #tpu.memory_space<vmem>>
      %swap3A_452 = tpu.memref_squeeze %swap3A_451 : memref<1x128xi32, #tpu.memory_space<vmem>> -> memref<128xi32, #tpu.memory_space<vmem>>
      %swap3A_453 = arith.constant 80 : index
      %swap3A_454 = tpu.vector_load %swap3A_452[%swap3A_453] {strides = array<i32>} : memref<128xi32, #tpu.memory_space<vmem>>, vector<16xi32>,
      tpu.vector_store %swap3A_452[%swap3A_453], %select_n3A_449 {strides = array<i32>} : memref<128xi32, #tpu.memory_space<vmem>>, vector<16xi32>,
      %add3A_455 = vector.broadcast %squeeze3A_211 : i32 to vector<16xi32>
      %add3A_456 = arith.addi %add3A_455, %add3A_434 : vector<16xi32>
      %swap3A_457 = arith.constant 80 : index
      %swap3A_458 = tpu.vector_load %arg22[%swap3A_457] {strides = array<i32>} : memref<128xi32, #tpu.memory_space<vmem>>, vector<16xi32>,
      tpu.vector_store %arg22[%swap3A_457], %add3A_456 {strides = array<i32>} : memref<128xi32, #tpu.memory_space<vmem>>, vector<16xi32>,
      %mul3A_459 = arith.constant 128 : i32
      %mul3A_460 = arith.muli %while3A_271, %mul3A_459 : i32
      %multiple_of3A_461 = tpu.assume_multiple %mul3A_460, 128 : i32
      %add3A_462 = arith.constant 96 : i32
      %add3A_463 = arith.addi %multiple_of3A_461, %add3A_462 : i32
      %add3A_464 = vector.broadcast %add3A_463 : i32 to vector<16xi32>
      %add3A_465 = arith.addi %add3A_464, %iota3A : vector<16xi32>
      %get3A_466 = arith.index_cast %add3A_463 : i32 to index
      %get3A_467 = tpu.vector_load %arg15[%get3A_466] {strides = array<i32>} : memref<4160xi32, #tpu.memory_space<vmem>>, vector<16xi32>,
      %ge3A_468 = vector.broadcast %squeeze3A_197 : i32 to vector<16xi32>
      %ge3A_469 = arith.cmpi sge, %add3A_465, %ge3A_468 : vector<16xi32>
      %jit3A_470 = arith.constant 4096 : i32
      %jit3A_471 = arith.constant 0 : i32
      %broadcast_in_dim3A_472 = vector.broadcast %jit3A_470 : i32 to vector<16xi32>
      %broadcast_in_dim3A_473 = vector.broadcast %jit3A_471 : i32 to vector<16xi32>
      %select_n3A_474 = arith.select %ge3A_469, %broadcast_in_dim3A_472, %broadcast_in_dim3A_473 : vector<16xi1>, vector<16xi32>
      %add3A_475 = arith.addi %get3A_467, %select_n3A_474 : vector<16xi32>
      %ge3A_476 = vector.broadcast %squeeze3A : i32 to vector<16xi32>
      %ge3A_477 = arith.cmpi sge, %add3A_465, %ge3A_476 : vector<16xi32>
      %jit3A_478 = arith.constant 8192 : i32
      %broadcast_in_dim3A_479 = vector.broadcast %jit3A_478 : i32 to vector<16xi32>
      %select_n3A_480 = arith.select %ge3A_477, %broadcast_in_dim3A_479, %add3A_475 : vector<16xi1>, vector<16xi32>
      %swap3A_481 = arith.constant 0 : i32
      %swap3A_482 = tpu.memref_slice %arg21[%while3A_271, %swap3A_481] : memref<32x128xi32, #tpu.memory_space<vmem>> -> memref<1x128xi32, #tpu.memory_space<vmem>>
      %swap3A_483 = tpu.memref_squeeze %swap3A_482 : memref<1x128xi32, #tpu.memory_space<vmem>> -> memref<128xi32, #tpu.memory_space<vmem>>
      %swap3A_484 = arith.constant 96 : index
      %swap3A_485 = tpu.vector_load %swap3A_483[%swap3A_484] {strides = array<i32>} : memref<128xi32, #tpu.memory_space<vmem>>, vector<16xi32>,
      tpu.vector_store %swap3A_483[%swap3A_484], %select_n3A_480 {strides = array<i32>} : memref<128xi32, #tpu.memory_space<vmem>>, vector<16xi32>,
      %add3A_486 = vector.broadcast %squeeze3A_211 : i32 to vector<16xi32>
      %add3A_487 = arith.addi %add3A_486, %add3A_465 : vector<16xi32>
      %swap3A_488 = arith.constant 96 : index
      %swap3A_489 = tpu.vector_load %arg22[%swap3A_488] {strides = array<i32>} : memref<128xi32, #tpu.memory_space<vmem>>, vector<16xi32>,
      tpu.vector_store %arg22[%swap3A_488], %add3A_487 {strides = array<i32>} : memref<128xi32, #tpu.memory_space<vmem>>, vector<16xi32>,
      %mul3A_490 = arith.constant 128 : i32
      %mul3A_491 = arith.muli %while3A_271, %mul3A_490 : i32
      %multiple_of3A_492 = tpu.assume_multiple %mul3A_491, 128 : i32
      %add3A_493 = arith.constant 112 : i32
      %add3A_494 = arith.addi %multiple_of3A_492, %add3A_493 : i32
      %add3A_495 = vector.broadcast %add3A_494 : i32 to vector<16xi32>
      %add3A_496 = arith.addi %add3A_495, %iota3A : vector<16xi32>
      %get3A_497 = arith.index_cast %add3A_494 : i32 to index
      %get3A_498 = tpu.vector_load %arg15[%get3A_497] {strides = array<i32>} : memref<4160xi32, #tpu.memory_space<vmem>>, vector<16xi32>,
      %ge3A_499 = vector.broadcast %squeeze3A_197 : i32 to vector<16xi32>
      %ge3A_500 = arith.cmpi sge, %add3A_496, %ge3A_499 : vector<16xi32>
      %jit3A_501 = arith.constant 4096 : i32
      %jit3A_502 = arith.constant 0 : i32
      %broadcast_in_dim3A_503 = vector.broadcast %jit3A_501 : i32 to vector<16xi32>
      %broadcast_in_dim3A_504 = vector.broadcast %jit3A_502 : i32 to vector<16xi32>
      %select_n3A_505 = arith.select %ge3A_500, %broadcast_in_dim3A_503, %broadcast_in_dim3A_504 : vector<16xi1>, vector<16xi32>
      %add3A_506 = arith.addi %get3A_498, %select_n3A_505 : vector<16xi32>
      %ge3A_507 = vector.broadcast %squeeze3A : i32 to vector<16xi32>
      %ge3A_508 = arith.cmpi sge, %add3A_496, %ge3A_507 : vector<16xi32>
      %jit3A_509 = arith.constant 8192 : i32
      %broadcast_in_dim3A_510 = vector.broadcast %jit3A_509 : i32 to vector<16xi32>
      %select_n3A_511 = arith.select %ge3A_508, %broadcast_in_dim3A_510, %add3A_506 : vector<16xi1>, vector<16xi32>
      %swap3A_512 = arith.constant 0 : i32
      %swap3A_513 = tpu.memref_slice %arg21[%while3A_271, %swap3A_512] : memref<32x128xi32, #tpu.memory_space<vmem>> -> memref<1x128xi32, #tpu.memory_space<vmem>>
      %swap3A_514 = tpu.memref_squeeze %swap3A_513 : memref<1x128xi32, #tpu.memory_space<vmem>> -> memref<128xi32, #tpu.memory_space<vmem>>
      %swap3A_515 = arith.constant 112 : index
      %swap3A_516 = tpu.vector_load %swap3A_514[%swap3A_515] {strides = array<i32>} : memref<128xi32, #tpu.memory_space<vmem>>, vector<16xi32>,
      tpu.vector_store %swap3A_514[%swap3A_515], %select_n3A_511 {strides = array<i32>} : memref<128xi32, #tpu.memory_space<vmem>>, vector<16xi32>,
      %add3A_517 = vector.broadcast %squeeze3A_211 : i32 to vector<16xi32>
      %add3A_518 = arith.addi %add3A_517, %add3A_496 : vector<16xi32>
      %swap3A_519 = arith.constant 112 : index
      %swap3A_520 = tpu.vector_load %arg22[%swap3A_519] {strides = array<i32>} : memref<128xi32, #tpu.memory_space<vmem>>, vector<16xi32>,
      tpu.vector_store %arg22[%swap3A_519], %add3A_518 {strides = array<i32>} : memref<128xi32, #tpu.memory_space<vmem>>, vector<16xi32>,
      %dma_start3A = arith.constant 0 : i32
      %dma_start3A_521 = tpu.memref_slice %arg21[%while3A_271, %dma_start3A] : memref<32x128xi32, #tpu.memory_space<vmem>> -> memref<1x128xi32, #tpu.memory_space<vmem>>
      %dma_start3A_522 = tpu.memref_squeeze %dma_start3A_521 : memref<1x128xi32, #tpu.memory_space<vmem>> -> memref<128xi32, #tpu.memory_space<vmem>>
      %dma_start3A_523 = arith.constant 0 : i32
      %dma_start3A_524 = tpu.memref_slice %arg19[%dma_start3A_523] : memref<8448xi32, #tpu.memory_space<vmem_shared>> -> memref<8448xi32, #tpu.memory_space<vmem_shared>>
      tpu.enqueue_indirect_dma source(%arg22 : memref<128xi32, #tpu.memory_space<vmem>>) target(%dma_start3A_524 : memref<8448xi32, #tpu.memory_space<vmem_shared>>) offsets(%dma_start3A_522 : memref<128xi32, #tpu.memory_space<vmem>>) semaphore(%arg26 : memref<!tpu.dma_semaphore, #tpu.memory_space<semaphore_mem>>)
      %dma_wait3A = arith.constant 0 : i32
      %dma_wait3A_525 = tpu.memref_slice %arg21[%while3A_271, %dma_wait3A] : memref<32x128xi32, #tpu.memory_space<vmem>> -> memref<1x128xi32, #tpu.memory_space<vmem>>
      %dma_wait3A_526 = tpu.memref_squeeze %dma_wait3A_525 : memref<1x128xi32, #tpu.memory_space<vmem>> -> memref<128xi32, #tpu.memory_space<vmem>>
      %dma_wait3A_527 = arith.constant 0 : i32
      %dma_wait3A_528 = tpu.memref_slice %arg19[%dma_wait3A_527] : memref<8448xi32, #tpu.memory_space<vmem_shared>> -> memref<8448xi32, #tpu.memory_space<vmem_shared>>
      tpu.wait_indirect_dma semaphore(%arg26 : memref<!tpu.dma_semaphore, #tpu.memory_space<semaphore_mem>>) src(%arg22 : memref<128xi32, #tpu.memory_space<vmem>>) dst(%dma_wait3A_528 : memref<8448xi32, #tpu.memory_space<vmem_shared>>)
      %while3A_529 = arith.constant 0 : i32
      scf.yield %while3A_529 : i32
    }
    %barrier3A_263 = arith.constant 0 : index
    tpu.barrier barrier_id(%barrier3A_263)
    %mul3A = arith.constant 528 : i32
    %mul3A_264 = arith.muli %arg1, %mul3A : i32
    %multiple_of3A = tpu.assume_multiple %mul3A_264, 528 : i32
    "tpu.region"() ({
      %run_scoped3A = tpu.sem_alloc : memref<!tpu.dma_semaphore, #tpu.memory_space<semaphore_mem>>
      %dma_start3A = tpu.memref_slice %arg19[%multiple_of3A] : memref<8448xi32, #tpu.memory_space<vmem_shared>> -> memref<528xi32, #tpu.memory_space<vmem_shared>>
      %dma_start3A_271 = tpu.memref_slice %arg19[%multiple_of3A] : memref<8448xi32, #tpu.memory_space<vmem_shared>> -> memref<528xi32, #tpu.memory_space<vmem_shared>>
      tpu.enqueue_dma source(%dma_start3A_271 : memref<528xi32, #tpu.memory_space<vmem_shared>>) target(%arg20 : memref<528xi32, #tpu.memory_space<vmem>>) target_semaphore(%run_scoped3A : memref<!tpu.dma_semaphore, #tpu.memory_space<semaphore_mem>>)
      %dma_wait3A = tpu.memref_slice %arg19[%multiple_of3A] : memref<8448xi32, #tpu.memory_space<vmem_shared>> -> memref<528xi32, #tpu.memory_space<vmem_shared>>
      %dma_wait3A_272 = tpu.memref_slice %arg19[%multiple_of3A] : memref<8448xi32, #tpu.memory_space<vmem_shared>> -> memref<528xi32, #tpu.memory_space<vmem_shared>>
      tpu.wait_dma2 semaphore(%run_scoped3A : memref<!tpu.dma_semaphore, #tpu.memory_space<semaphore_mem>>) src(%dma_wait3A_272 : memref<528xi32, #tpu.memory_space<vmem_shared>>) dst(%arg20 : memref<528xi32, #tpu.memory_space<vmem>>)
      tpu.yield
    }) : () -> ()
    %mul3A_265 = arith.constant 528 : i32
    %mul3A_266 = arith.muli %arg1, %mul3A_265 : i32
    %multiple_of3A_267 = tpu.assume_multiple %mul3A_266, 528 : i32
    "tpu.region"() ({
      %run_scoped3A = tpu.sem_alloc : memref<!tpu.dma_semaphore, #tpu.memory_space<semaphore_mem>>
      %dma_start3A = tpu.memref_slice %arg9[%multiple_of3A_267] : memref<8448xi32, #tpu.memory_space<hbm>> -> memref<528xi32, #tpu.memory_space<hbm>>
      %dma_start3A_271 = tpu.memref_slice %arg9[%multiple_of3A_267] : memref<8448xi32, #tpu.memory_space<hbm>> -> memref<528xi32, #tpu.memory_space<hbm>>
      tpu.enqueue_dma source(%arg20 : memref<528xi32, #tpu.memory_space<vmem>>) target(%dma_start3A_271 : memref<528xi32, #tpu.memory_space<hbm>>) target_semaphore(%run_scoped3A : memref<!tpu.dma_semaphore, #tpu.memory_space<semaphore_mem>>)
      %dma_wait3A = tpu.memref_slice %arg9[%multiple_of3A_267] : memref<8448xi32, #tpu.memory_space<hbm>> -> memref<528xi32, #tpu.memory_space<hbm>>
      %dma_wait3A_272 = tpu.memref_slice %arg9[%multiple_of3A_267] : memref<8448xi32, #tpu.memory_space<hbm>> -> memref<528xi32, #tpu.memory_space<hbm>>
      tpu.wait_dma2 semaphore(%run_scoped3A : memref<!tpu.dma_semaphore, #tpu.memory_space<semaphore_mem>>) src(%arg20 : memref<528xi32, #tpu.memory_space<vmem>>) dst(%dma_wait3A_272 : memref<528xi32, #tpu.memory_space<hbm>>)
      tpu.yield
    }) : () -> ()
    %eq3A_268 = arith.constant 15 : i32
    %eq3A_269 = arith.cmpi eq, %arg1, %eq3A_268 : i32
    %convert_element_type3A = arith.extui %eq3A_269 : i1 to i32
    %cond3A = arith.constant 0 : i32
    %cond3A_270 = arith.cmpi ne, %convert_element_type3A, %cond3A : i32
    scf.if %cond3A_270 {
      %shift_right_arithmetic3A_271 = arith.constant 8 : i32
      %shift_right_arithmetic3A_272 = vector.broadcast %shift_right_arithmetic3A_271 : i32 to vector<16xi32>
      %shift_right_arithmetic3A_273 = arith.shrsi %sub3A_195, %shift_right_arithmetic3A_272 : vector<16xi32>
      %scan3A_274 = arith.constant 0 : i32
      %scan3A_275 = arith.constant 0 : i32
      %scan3A_276 = arith.constant 3 : i32
      %scan3A_277 = arith.addi %scan3A_275, %scan3A_276 : i32
      %scan3A_278 = arith.constant 1 : i32
      %scan3A_279 = scf.for %scan3A_281 = %scan3A_275 to %scan3A_277 step %scan3A_278 iter_args(%scan3A_282 = %scan3A_274) -> (i32)  : i32 {
        %mul3A_283 = arith.constant 16 : i32
        %mul3A_284 = arith.muli %scan3A_281, %mul3A_283 : i32
        %add3A_285 = vector.broadcast %mul3A_284 : i32 to vector<16xi32>
        %add3A_286 = arith.addi %add3A_285, %iota3A : vector<16xi32>
        %broadcast_in_dim3A_287 = arith.constant 0 : i32
        %broadcast_in_dim3A_288 = vector.broadcast %broadcast_in_dim3A_287 : i32 to vector<16xi32>
        %add3A_289 = arith.constant 0 : i32
        %add3A_290 = vector.broadcast %add3A_289 : i32 to vector<16xi32>
        %add3A_291 = arith.addi %broadcast_in_dim3A_0, %add3A_290 : vector<16xi32>
        %lt3A_292 = arith.constant 0 : i32
        %lt3A_293 = vector.broadcast %lt3A_292 : i32 to vector<16xi32>
        %lt3A_294 = arith.cmpi slt, %add3A_291, %lt3A_293 : vector<16xi32>
        %add3A_295 = arith.constant 16 : i32
        %add3A_296 = vector.broadcast %add3A_295 : i32 to vector<16xi32>
        %add3A_297 = arith.addi %add3A_291, %add3A_296 : vector<16xi32>
        %select_n3A_298 = arith.select %lt3A_294, %add3A_297, %add3A_291 : vector<16xi1>, vector<16xi32>
        %broadcast_in_dim3A_299 = vector.shape_cast %select_n3A_298 : vector<16xi32> to vector<16x1xi32>
        %gather3A_300 = vector.shape_cast %broadcast_in_dim3A_299 : vector<16x1xi32> to vector<16xi32>
        %gather3A_301 = tpu.dynamic_gather %shift_right_arithmetic3A_273[%gather3A_300] in [0] : vector<16xi32>, vector<16xi32> -> vector<16xi32>
        %ge3A_302 = arith.cmpi sge, %add3A_286, %gather3A_301 : vector<16xi32>
        %jit3A_303 = arith.constant 1 : i32
        %jit3A_304 = arith.constant 0 : i32
        %broadcast_in_dim3A_305 = vector.broadcast %jit3A_303 : i32 to vector<16xi32>
        %broadcast_in_dim3A_306 = vector.broadcast %jit3A_304 : i32 to vector<16xi32>
        %select_n3A_307 = arith.select %ge3A_302, %broadcast_in_dim3A_305, %broadcast_in_dim3A_306 : vector<16xi1>, vector<16xi32>
        %add3A_308 = arith.addi %broadcast_in_dim3A_288, %select_n3A_307 : vector<16xi32>
        %add3A_309 = arith.constant 1 : i32
        %add3A_310 = vector.broadcast %add3A_309 : i32 to vector<16xi32>
        %add3A_311 = arith.addi %broadcast_in_dim3A_0, %add3A_310 : vector<16xi32>
        %lt3A_312 = arith.constant 0 : i32
        %lt3A_313 = vector.broadcast %lt3A_312 : i32 to vector<16xi32>
        %lt3A_314 = arith.cmpi slt, %add3A_311, %lt3A_313 : vector<16xi32>
        %add3A_315 = arith.constant 16 : i32
        %add3A_316 = vector.broadcast %add3A_315 : i32 to vector<16xi32>
        %add3A_317 = arith.addi %add3A_311, %add3A_316 : vector<16xi32>
        %select_n3A_318 = arith.select %lt3A_314, %add3A_317, %add3A_311 : vector<16xi1>, vector<16xi32>
        %broadcast_in_dim3A_319 = vector.shape_cast %select_n3A_318 : vector<16xi32> to vector<16x1xi32>
        %gather3A_320 = vector.shape_cast %broadcast_in_dim3A_319 : vector<16x1xi32> to vector<16xi32>
        %gather3A_321 = tpu.dynamic_gather %shift_right_arithmetic3A_273[%gather3A_320] in [0] : vector<16xi32>, vector<16xi32> -> vector<16xi32>
        %ge3A_322 = arith.cmpi sge, %add3A_286, %gather3A_321 : vector<16xi32>
        %jit3A_323 = arith.constant 1 : i32
        %jit3A_324 = arith.constant 0 : i32
        %broadcast_in_dim3A_325 = vector.broadcast %jit3A_323 : i32 to vector<16xi32>
        %broadcast_in_dim3A_326 = vector.broadcast %jit3A_324 : i32 to vector<16xi32>
        %select_n3A_327 = arith.select %ge3A_322, %broadcast_in_dim3A_325, %broadcast_in_dim3A_326 : vector<16xi1>, vector<16xi32>
        %add3A_328 = arith.addi %add3A_308, %select_n3A_327 : vector<16xi32>
        %add3A_329 = arith.constant 2 : i32
        %add3A_330 = vector.broadcast %add3A_329 : i32 to vector<16xi32>
        %add3A_331 = arith.addi %broadcast_in_dim3A_0, %add3A_330 : vector<16xi32>
        %lt3A_332 = arith.constant 0 : i32
        %lt3A_333 = vector.broadcast %lt3A_332 : i32 to vector<16xi32>
        %lt3A_334 = arith.cmpi slt, %add3A_331, %lt3A_333 : vector<16xi32>
        %add3A_335 = arith.constant 16 : i32
        %add3A_336 = vector.broadcast %add3A_335 : i32 to vector<16xi32>
        %add3A_337 = arith.addi %add3A_331, %add3A_336 : vector<16xi32>
        %select_n3A_338 = arith.select %lt3A_334, %add3A_337, %add3A_331 : vector<16xi1>, vector<16xi32>
        %broadcast_in_dim3A_339 = vector.shape_cast %select_n3A_338 : vector<16xi32> to vector<16x1xi32>
        %gather3A_340 = vector.shape_cast %broadcast_in_dim3A_339 : vector<16x1xi32> to vector<16xi32>
        %gather3A_341 = tpu.dynamic_gather %shift_right_arithmetic3A_273[%gather3A_340] in [0] : vector<16xi32>, vector<16xi32> -> vector<16xi32>
        %ge3A_342 = arith.cmpi sge, %add3A_286, %gather3A_341 : vector<16xi32>
        %jit3A_343 = arith.constant 1 : i32
        %jit3A_344 = arith.constant 0 : i32
        %broadcast_in_dim3A_345 = vector.broadcast %jit3A_343 : i32 to vector<16xi32>
        %broadcast_in_dim3A_346 = vector.broadcast %jit3A_344 : i32 to vector<16xi32>
        %select_n3A_347 = arith.select %ge3A_342, %broadcast_in_dim3A_345, %broadcast_in_dim3A_346 : vector<16xi1>, vector<16xi32>
        %add3A_348 = arith.addi %add3A_328, %select_n3A_347 : vector<16xi32>
        %add3A_349 = arith.constant 3 : i32
        %add3A_350 = vector.broadcast %add3A_349 : i32 to vector<16xi32>
        %add3A_351 = arith.addi %broadcast_in_dim3A_0, %add3A_350 : vector<16xi32>
        %lt3A_352 = arith.constant 0 : i32
        %lt3A_353 = vector.broadcast %lt3A_352 : i32 to vector<16xi32>
        %lt3A_354 = arith.cmpi slt, %add3A_351, %lt3A_353 : vector<16xi32>
        %add3A_355 = arith.constant 16 : i32
        %add3A_356 = vector.broadcast %add3A_355 : i32 to vector<16xi32>
        %add3A_357 = arith.addi %add3A_351, %add3A_356 : vector<16xi32>
        %select_n3A_358 = arith.select %lt3A_354, %add3A_357, %add3A_351 : vector<16xi1>, vector<16xi32>
        %broadcast_in_dim3A_359 = vector.shape_cast %select_n3A_358 : vector<16xi32> to vector<16x1xi32>
        %gather3A_360 = vector.shape_cast %broadcast_in_dim3A_359 : vector<16x1xi32> to vector<16xi32>
        %gather3A_361 = tpu.dynamic_gather %shift_right_arithmetic3A_273[%gather3A_360] in [0] : vector<16xi32>, vector<16xi32> -> vector<16xi32>
        %ge3A_362 = arith.cmpi sge, %add3A_286, %gather3A_361 : vector<16xi32>
        %jit3A_363 = arith.constant 1 : i32
        %jit3A_364 = arith.constant 0 : i32
        %broadcast_in_dim3A_365 = vector.broadcast %jit3A_363 : i32 to vector<16xi32>
        %broadcast_in_dim3A_366 = vector.broadcast %jit3A_364 : i32 to vector<16xi32>
        %select_n3A_367 = arith.select %ge3A_362, %broadcast_in_dim3A_365, %broadcast_in_dim3A_366 : vector<16xi1>, vector<16xi32>
        %add3A_368 = arith.addi %add3A_348, %select_n3A_367 : vector<16xi32>
        %add3A_369 = arith.constant 4 : i32
        %add3A_370 = vector.broadcast %add3A_369 : i32 to vector<16xi32>
        %add3A_371 = arith.addi %broadcast_in_dim3A_0, %add3A_370 : vector<16xi32>
        %lt3A_372 = arith.constant 0 : i32
        %lt3A_373 = vector.broadcast %lt3A_372 : i32 to vector<16xi32>
        %lt3A_374 = arith.cmpi slt, %add3A_371, %lt3A_373 : vector<16xi32>
        %add3A_375 = arith.constant 16 : i32
        %add3A_376 = vector.broadcast %add3A_375 : i32 to vector<16xi32>
        %add3A_377 = arith.addi %add3A_371, %add3A_376 : vector<16xi32>
        %select_n3A_378 = arith.select %lt3A_374, %add3A_377, %add3A_371 : vector<16xi1>, vector<16xi32>
        %broadcast_in_dim3A_379 = vector.shape_cast %select_n3A_378 : vector<16xi32> to vector<16x1xi32>
        %gather3A_380 = vector.shape_cast %broadcast_in_dim3A_379 : vector<16x1xi32> to vector<16xi32>
        %gather3A_381 = tpu.dynamic_gather %shift_right_arithmetic3A_273[%gather3A_380] in [0] : vector<16xi32>, vector<16xi32> -> vector<16xi32>
        %ge3A_382 = arith.cmpi sge, %add3A_286, %gather3A_381 : vector<16xi32>
        %jit3A_383 = arith.constant 1 : i32
        %jit3A_384 = arith.constant 0 : i32
        %broadcast_in_dim3A_385 = vector.broadcast %jit3A_383 : i32 to vector<16xi32>
        %broadcast_in_dim3A_386 = vector.broadcast %jit3A_384 : i32 to vector<16xi32>
        %select_n3A_387 = arith.select %ge3A_382, %broadcast_in_dim3A_385, %broadcast_in_dim3A_386 : vector<16xi1>, vector<16xi32>
        %add3A_388 = arith.addi %add3A_368, %select_n3A_387 : vector<16xi32>
        %add3A_389 = arith.constant 5 : i32
        %add3A_390 = vector.broadcast %add3A_389 : i32 to vector<16xi32>
        %add3A_391 = arith.addi %broadcast_in_dim3A_0, %add3A_390 : vector<16xi32>
        %lt3A_392 = arith.constant 0 : i32
        %lt3A_393 = vector.broadcast %lt3A_392 : i32 to vector<16xi32>
        %lt3A_394 = arith.cmpi slt, %add3A_391, %lt3A_393 : vector<16xi32>
        %add3A_395 = arith.constant 16 : i32
        %add3A_396 = vector.broadcast %add3A_395 : i32 to vector<16xi32>
        %add3A_397 = arith.addi %add3A_391, %add3A_396 : vector<16xi32>
        %select_n3A_398 = arith.select %lt3A_394, %add3A_397, %add3A_391 : vector<16xi1>, vector<16xi32>
        %broadcast_in_dim3A_399 = vector.shape_cast %select_n3A_398 : vector<16xi32> to vector<16x1xi32>
        %gather3A_400 = vector.shape_cast %broadcast_in_dim3A_399 : vector<16x1xi32> to vector<16xi32>
        %gather3A_401 = tpu.dynamic_gather %shift_right_arithmetic3A_273[%gather3A_400] in [0] : vector<16xi32>, vector<16xi32> -> vector<16xi32>
        %ge3A_402 = arith.cmpi sge, %add3A_286, %gather3A_401 : vector<16xi32>
        %jit3A_403 = arith.constant 1 : i32
        %jit3A_404 = arith.constant 0 : i32
        %broadcast_in_dim3A_405 = vector.broadcast %jit3A_403 : i32 to vector<16xi32>
        %broadcast_in_dim3A_406 = vector.broadcast %jit3A_404 : i32 to vector<16xi32>
        %select_n3A_407 = arith.select %ge3A_402, %broadcast_in_dim3A_405, %broadcast_in_dim3A_406 : vector<16xi1>, vector<16xi32>
        %add3A_408 = arith.addi %add3A_388, %select_n3A_407 : vector<16xi32>
        %add3A_409 = arith.constant 6 : i32
        %add3A_410 = vector.broadcast %add3A_409 : i32 to vector<16xi32>
        %add3A_411 = arith.addi %broadcast_in_dim3A_0, %add3A_410 : vector<16xi32>
        %lt3A_412 = arith.constant 0 : i32
        %lt3A_413 = vector.broadcast %lt3A_412 : i32 to vector<16xi32>
        %lt3A_414 = arith.cmpi slt, %add3A_411, %lt3A_413 : vector<16xi32>
        %add3A_415 = arith.constant 16 : i32
        %add3A_416 = vector.broadcast %add3A_415 : i32 to vector<16xi32>
        %add3A_417 = arith.addi %add3A_411, %add3A_416 : vector<16xi32>
        %select_n3A_418 = arith.select %lt3A_414, %add3A_417, %add3A_411 : vector<16xi1>, vector<16xi32>
        %broadcast_in_dim3A_419 = vector.shape_cast %select_n3A_418 : vector<16xi32> to vector<16x1xi32>
        %gather3A_420 = vector.shape_cast %broadcast_in_dim3A_419 : vector<16x1xi32> to vector<16xi32>
        %gather3A_421 = tpu.dynamic_gather %shift_right_arithmetic3A_273[%gather3A_420] in [0] : vector<16xi32>, vector<16xi32> -> vector<16xi32>
        %ge3A_422 = arith.cmpi sge, %add3A_286, %gather3A_421 : vector<16xi32>
        %jit3A_423 = arith.constant 1 : i32
        %jit3A_424 = arith.constant 0 : i32
        %broadcast_in_dim3A_425 = vector.broadcast %jit3A_423 : i32 to vector<16xi32>
        %broadcast_in_dim3A_426 = vector.broadcast %jit3A_424 : i32 to vector<16xi32>
        %select_n3A_427 = arith.select %ge3A_422, %broadcast_in_dim3A_425, %broadcast_in_dim3A_426 : vector<16xi1>, vector<16xi32>
        %add3A_428 = arith.addi %add3A_408, %select_n3A_427 : vector<16xi32>
        %add3A_429 = arith.constant 7 : i32
        %add3A_430 = vector.broadcast %add3A_429 : i32 to vector<16xi32>
        %add3A_431 = arith.addi %broadcast_in_dim3A_0, %add3A_430 : vector<16xi32>
        %lt3A_432 = arith.constant 0 : i32
        %lt3A_433 = vector.broadcast %lt3A_432 : i32 to vector<16xi32>
        %lt3A_434 = arith.cmpi slt, %add3A_431, %lt3A_433 : vector<16xi32>
        %add3A_435 = arith.constant 16 : i32
        %add3A_436 = vector.broadcast %add3A_435 : i32 to vector<16xi32>
        %add3A_437 = arith.addi %add3A_431, %add3A_436 : vector<16xi32>
        %select_n3A_438 = arith.select %lt3A_434, %add3A_437, %add3A_431 : vector<16xi1>, vector<16xi32>
        %broadcast_in_dim3A_439 = vector.shape_cast %select_n3A_438 : vector<16xi32> to vector<16x1xi32>
        %gather3A_440 = vector.shape_cast %broadcast_in_dim3A_439 : vector<16x1xi32> to vector<16xi32>
        %gather3A_441 = tpu.dynamic_gather %shift_right_arithmetic3A_273[%gather3A_440] in [0] : vector<16xi32>, vector<16xi32> -> vector<16xi32>
        %ge3A_442 = arith.cmpi sge, %add3A_286, %gather3A_441 : vector<16xi32>
        %jit3A_443 = arith.constant 1 : i32
        %jit3A_444 = arith.constant 0 : i32
        %broadcast_in_dim3A_445 = vector.broadcast %jit3A_443 : i32 to vector<16xi32>
        %broadcast_in_dim3A_446 = vector.broadcast %jit3A_444 : i32 to vector<16xi32>
        %select_n3A_447 = arith.select %ge3A_442, %broadcast_in_dim3A_445, %broadcast_in_dim3A_446 : vector<16xi1>, vector<16xi32>
        %add3A_448 = arith.addi %add3A_428, %select_n3A_447 : vector<16xi32>
        %add3A_449 = arith.constant 8 : i32
        %add3A_450 = vector.broadcast %add3A_449 : i32 to vector<16xi32>
        %add3A_451 = arith.addi %broadcast_in_dim3A_0, %add3A_450 : vector<16xi32>
        %lt3A_452 = arith.constant 0 : i32
        %lt3A_453 = vector.broadcast %lt3A_452 : i32 to vector<16xi32>
        %lt3A_454 = arith.cmpi slt, %add3A_451, %lt3A_453 : vector<16xi32>
        %add3A_455 = arith.constant 16 : i32
        %add3A_456 = vector.broadcast %add3A_455 : i32 to vector<16xi32>
        %add3A_457 = arith.addi %add3A_451, %add3A_456 : vector<16xi32>
        %select_n3A_458 = arith.select %lt3A_454, %add3A_457, %add3A_451 : vector<16xi1>, vector<16xi32>
        %broadcast_in_dim3A_459 = vector.shape_cast %select_n3A_458 : vector<16xi32> to vector<16x1xi32>
        %gather3A_460 = vector.shape_cast %broadcast_in_dim3A_459 : vector<16x1xi32> to vector<16xi32>
        %gather3A_461 = tpu.dynamic_gather %shift_right_arithmetic3A_273[%gather3A_460] in [0] : vector<16xi32>, vector<16xi32> -> vector<16xi32>
        %ge3A_462 = arith.cmpi sge, %add3A_286, %gather3A_461 : vector<16xi32>
        %jit3A_463 = arith.constant 1 : i32
        %jit3A_464 = arith.constant 0 : i32
        %broadcast_in_dim3A_465 = vector.broadcast %jit3A_463 : i32 to vector<16xi32>
        %broadcast_in_dim3A_466 = vector.broadcast %jit3A_464 : i32 to vector<16xi32>
        %select_n3A_467 = arith.select %ge3A_462, %broadcast_in_dim3A_465, %broadcast_in_dim3A_466 : vector<16xi1>, vector<16xi32>
        %add3A_468 = arith.addi %add3A_448, %select_n3A_467 : vector<16xi32>
        %add3A_469 = arith.constant 9 : i32
        %add3A_470 = vector.broadcast %add3A_469 : i32 to vector<16xi32>
        %add3A_471 = arith.addi %broadcast_in_dim3A_0, %add3A_470 : vector<16xi32>
        %lt3A_472 = arith.constant 0 : i32
        %lt3A_473 = vector.broadcast %lt3A_472 : i32 to vector<16xi32>
        %lt3A_474 = arith.cmpi slt, %add3A_471, %lt3A_473 : vector<16xi32>
        %add3A_475 = arith.constant 16 : i32
        %add3A_476 = vector.broadcast %add3A_475 : i32 to vector<16xi32>
        %add3A_477 = arith.addi %add3A_471, %add3A_476 : vector<16xi32>
        %select_n3A_478 = arith.select %lt3A_474, %add3A_477, %add3A_471 : vector<16xi1>, vector<16xi32>
        %broadcast_in_dim3A_479 = vector.shape_cast %select_n3A_478 : vector<16xi32> to vector<16x1xi32>
        %gather3A_480 = vector.shape_cast %broadcast_in_dim3A_479 : vector<16x1xi32> to vector<16xi32>
        %gather3A_481 = tpu.dynamic_gather %shift_right_arithmetic3A_273[%gather3A_480] in [0] : vector<16xi32>, vector<16xi32> -> vector<16xi32>
        %ge3A_482 = arith.cmpi sge, %add3A_286, %gather3A_481 : vector<16xi32>
        %jit3A_483 = arith.constant 1 : i32
        %jit3A_484 = arith.constant 0 : i32
        %broadcast_in_dim3A_485 = vector.broadcast %jit3A_483 : i32 to vector<16xi32>
        %broadcast_in_dim3A_486 = vector.broadcast %jit3A_484 : i32 to vector<16xi32>
        %select_n3A_487 = arith.select %ge3A_482, %broadcast_in_dim3A_485, %broadcast_in_dim3A_486 : vector<16xi1>, vector<16xi32>
        %add3A_488 = arith.addi %add3A_468, %select_n3A_487 : vector<16xi32>
        %add3A_489 = arith.constant 10 : i32
        %add3A_490 = vector.broadcast %add3A_489 : i32 to vector<16xi32>
        %add3A_491 = arith.addi %broadcast_in_dim3A_0, %add3A_490 : vector<16xi32>
        %lt3A_492 = arith.constant 0 : i32
        %lt3A_493 = vector.broadcast %lt3A_492 : i32 to vector<16xi32>
        %lt3A_494 = arith.cmpi slt, %add3A_491, %lt3A_493 : vector<16xi32>
        %add3A_495 = arith.constant 16 : i32
        %add3A_496 = vector.broadcast %add3A_495 : i32 to vector<16xi32>
        %add3A_497 = arith.addi %add3A_491, %add3A_496 : vector<16xi32>
        %select_n3A_498 = arith.select %lt3A_494, %add3A_497, %add3A_491 : vector<16xi1>, vector<16xi32>
        %broadcast_in_dim3A_499 = vector.shape_cast %select_n3A_498 : vector<16xi32> to vector<16x1xi32>
        %gather3A_500 = vector.shape_cast %broadcast_in_dim3A_499 : vector<16x1xi32> to vector<16xi32>
        %gather3A_501 = tpu.dynamic_gather %shift_right_arithmetic3A_273[%gather3A_500] in [0] : vector<16xi32>, vector<16xi32> -> vector<16xi32>
        %ge3A_502 = arith.cmpi sge, %add3A_286, %gather3A_501 : vector<16xi32>
        %jit3A_503 = arith.constant 1 : i32
        %jit3A_504 = arith.constant 0 : i32
        %broadcast_in_dim3A_505 = vector.broadcast %jit3A_503 : i32 to vector<16xi32>
        %broadcast_in_dim3A_506 = vector.broadcast %jit3A_504 : i32 to vector<16xi32>
        %select_n3A_507 = arith.select %ge3A_502, %broadcast_in_dim3A_505, %broadcast_in_dim3A_506 : vector<16xi1>, vector<16xi32>
        %add3A_508 = arith.addi %add3A_488, %select_n3A_507 : vector<16xi32>
        %add3A_509 = arith.constant 11 : i32
        %add3A_510 = vector.broadcast %add3A_509 : i32 to vector<16xi32>
        %add3A_511 = arith.addi %broadcast_in_dim3A_0, %add3A_510 : vector<16xi32>
        %lt3A_512 = arith.constant 0 : i32
        %lt3A_513 = vector.broadcast %lt3A_512 : i32 to vector<16xi32>
        %lt3A_514 = arith.cmpi slt, %add3A_511, %lt3A_513 : vector<16xi32>
        %add3A_515 = arith.constant 16 : i32
        %add3A_516 = vector.broadcast %add3A_515 : i32 to vector<16xi32>
        %add3A_517 = arith.addi %add3A_511, %add3A_516 : vector<16xi32>
        %select_n3A_518 = arith.select %lt3A_514, %add3A_517, %add3A_511 : vector<16xi1>, vector<16xi32>
        %broadcast_in_dim3A_519 = vector.shape_cast %select_n3A_518 : vector<16xi32> to vector<16x1xi32>
        %gather3A_520 = vector.shape_cast %broadcast_in_dim3A_519 : vector<16x1xi32> to vector<16xi32>
        %gather3A_521 = tpu.dynamic_gather %shift_right_arithmetic3A_273[%gather3A_520] in [0] : vector<16xi32>, vector<16xi32> -> vector<16xi32>
        %ge3A_522 = arith.cmpi sge, %add3A_286, %gather3A_521 : vector<16xi32>
        %jit3A_523 = arith.constant 1 : i32
        %jit3A_524 = arith.constant 0 : i32
        %broadcast_in_dim3A_525 = vector.broadcast %jit3A_523 : i32 to vector<16xi32>
        %broadcast_in_dim3A_526 = vector.broadcast %jit3A_524 : i32 to vector<16xi32>
        %select_n3A_527 = arith.select %ge3A_522, %broadcast_in_dim3A_525, %broadcast_in_dim3A_526 : vector<16xi1>, vector<16xi32>
        %add3A_528 = arith.addi %add3A_508, %select_n3A_527 : vector<16xi32>
        %add3A_529 = arith.constant 12 : i32
        %add3A_530 = vector.broadcast %add3A_529 : i32 to vector<16xi32>
        %add3A_531 = arith.addi %broadcast_in_dim3A_0, %add3A_530 : vector<16xi32>
        %lt3A_532 = arith.constant 0 : i32
        %lt3A_533 = vector.broadcast %lt3A_532 : i32 to vector<16xi32>
        %lt3A_534 = arith.cmpi slt, %add3A_531, %lt3A_533 : vector<16xi32>
        %add3A_535 = arith.constant 16 : i32
        %add3A_536 = vector.broadcast %add3A_535 : i32 to vector<16xi32>
        %add3A_537 = arith.addi %add3A_531, %add3A_536 : vector<16xi32>
        %select_n3A_538 = arith.select %lt3A_534, %add3A_537, %add3A_531 : vector<16xi1>, vector<16xi32>
        %broadcast_in_dim3A_539 = vector.shape_cast %select_n3A_538 : vector<16xi32> to vector<16x1xi32>
        %gather3A_540 = vector.shape_cast %broadcast_in_dim3A_539 : vector<16x1xi32> to vector<16xi32>
        %gather3A_541 = tpu.dynamic_gather %shift_right_arithmetic3A_273[%gather3A_540] in [0] : vector<16xi32>, vector<16xi32> -> vector<16xi32>
        %ge3A_542 = arith.cmpi sge, %add3A_286, %gather3A_541 : vector<16xi32>
        %jit3A_543 = arith.constant 1 : i32
        %jit3A_544 = arith.constant 0 : i32
        %broadcast_in_dim3A_545 = vector.broadcast %jit3A_543 : i32 to vector<16xi32>
        %broadcast_in_dim3A_546 = vector.broadcast %jit3A_544 : i32 to vector<16xi32>
        %select_n3A_547 = arith.select %ge3A_542, %broadcast_in_dim3A_545, %broadcast_in_dim3A_546 : vector<16xi1>, vector<16xi32>
        %add3A_548 = arith.addi %add3A_528, %select_n3A_547 : vector<16xi32>
        %add3A_549 = arith.constant 13 : i32
        %add3A_550 = vector.broadcast %add3A_549 : i32 to vector<16xi32>
        %add3A_551 = arith.addi %broadcast_in_dim3A_0, %add3A_550 : vector<16xi32>
        %lt3A_552 = arith.constant 0 : i32
        %lt3A_553 = vector.broadcast %lt3A_552 : i32 to vector<16xi32>
        %lt3A_554 = arith.cmpi slt, %add3A_551, %lt3A_553 : vector<16xi32>
        %add3A_555 = arith.constant 16 : i32
        %add3A_556 = vector.broadcast %add3A_555 : i32 to vector<16xi32>
        %add3A_557 = arith.addi %add3A_551, %add3A_556 : vector<16xi32>
        %select_n3A_558 = arith.select %lt3A_554, %add3A_557, %add3A_551 : vector<16xi1>, vector<16xi32>
        %broadcast_in_dim3A_559 = vector.shape_cast %select_n3A_558 : vector<16xi32> to vector<16x1xi32>
        %gather3A_560 = vector.shape_cast %broadcast_in_dim3A_559 : vector<16x1xi32> to vector<16xi32>
        %gather3A_561 = tpu.dynamic_gather %shift_right_arithmetic3A_273[%gather3A_560] in [0] : vector<16xi32>, vector<16xi32> -> vector<16xi32>
        %ge3A_562 = arith.cmpi sge, %add3A_286, %gather3A_561 : vector<16xi32>
        %jit3A_563 = arith.constant 1 : i32
        %jit3A_564 = arith.constant 0 : i32
        %broadcast_in_dim3A_565 = vector.broadcast %jit3A_563 : i32 to vector<16xi32>
        %broadcast_in_dim3A_566 = vector.broadcast %jit3A_564 : i32 to vector<16xi32>
        %select_n3A_567 = arith.select %ge3A_562, %broadcast_in_dim3A_565, %broadcast_in_dim3A_566 : vector<16xi1>, vector<16xi32>
        %add3A_568 = arith.addi %add3A_548, %select_n3A_567 : vector<16xi32>
        %add3A_569 = arith.constant 14 : i32
        %add3A_570 = vector.broadcast %add3A_569 : i32 to vector<16xi32>
        %add3A_571 = arith.addi %broadcast_in_dim3A_0, %add3A_570 : vector<16xi32>
        %lt3A_572 = arith.constant 0 : i32
        %lt3A_573 = vector.broadcast %lt3A_572 : i32 to vector<16xi32>
        %lt3A_574 = arith.cmpi slt, %add3A_571, %lt3A_573 : vector<16xi32>
        %add3A_575 = arith.constant 16 : i32
        %add3A_576 = vector.broadcast %add3A_575 : i32 to vector<16xi32>
        %add3A_577 = arith.addi %add3A_571, %add3A_576 : vector<16xi32>
        %select_n3A_578 = arith.select %lt3A_574, %add3A_577, %add3A_571 : vector<16xi1>, vector<16xi32>
        %broadcast_in_dim3A_579 = vector.shape_cast %select_n3A_578 : vector<16xi32> to vector<16x1xi32>
        %gather3A_580 = vector.shape_cast %broadcast_in_dim3A_579 : vector<16x1xi32> to vector<16xi32>
        %gather3A_581 = tpu.dynamic_gather %shift_right_arithmetic3A_273[%gather3A_580] in [0] : vector<16xi32>, vector<16xi32> -> vector<16xi32>
        %ge3A_582 = arith.cmpi sge, %add3A_286, %gather3A_581 : vector<16xi32>
        %jit3A_583 = arith.constant 1 : i32
        %jit3A_584 = arith.constant 0 : i32
        %broadcast_in_dim3A_585 = vector.broadcast %jit3A_583 : i32 to vector<16xi32>
        %broadcast_in_dim3A_586 = vector.broadcast %jit3A_584 : i32 to vector<16xi32>
        %select_n3A_587 = arith.select %ge3A_582, %broadcast_in_dim3A_585, %broadcast_in_dim3A_586 : vector<16xi1>, vector<16xi32>
        %add3A_588 = arith.addi %add3A_568, %select_n3A_587 : vector<16xi32>
        %add3A_589 = arith.constant 15 : i32
        %add3A_590 = vector.broadcast %add3A_589 : i32 to vector<16xi32>
        %add3A_591 = arith.addi %broadcast_in_dim3A_0, %add3A_590 : vector<16xi32>
        %lt3A_592 = arith.constant 0 : i32
        %lt3A_593 = vector.broadcast %lt3A_592 : i32 to vector<16xi32>
        %lt3A_594 = arith.cmpi slt, %add3A_591, %lt3A_593 : vector<16xi32>
        %add3A_595 = arith.constant 16 : i32
        %add3A_596 = vector.broadcast %add3A_595 : i32 to vector<16xi32>
        %add3A_597 = arith.addi %add3A_591, %add3A_596 : vector<16xi32>
        %select_n3A_598 = arith.select %lt3A_594, %add3A_597, %add3A_591 : vector<16xi1>, vector<16xi32>
        %broadcast_in_dim3A_599 = vector.shape_cast %select_n3A_598 : vector<16xi32> to vector<16x1xi32>
        %gather3A_600 = vector.shape_cast %broadcast_in_dim3A_599 : vector<16x1xi32> to vector<16xi32>
        %gather3A_601 = tpu.dynamic_gather %shift_right_arithmetic3A_273[%gather3A_600] in [0] : vector<16xi32>, vector<16xi32> -> vector<16xi32>
        %ge3A_602 = arith.cmpi sge, %add3A_286, %gather3A_601 : vector<16xi32>
        %jit3A_603 = arith.constant 1 : i32
        %jit3A_604 = arith.constant 0 : i32
        %broadcast_in_dim3A_605 = vector.broadcast %jit3A_603 : i32 to vector<16xi32>
        %broadcast_in_dim3A_606 = vector.broadcast %jit3A_604 : i32 to vector<16xi32>
        %select_n3A_607 = arith.select %ge3A_602, %broadcast_in_dim3A_605, %broadcast_in_dim3A_606 : vector<16xi1>, vector<16xi32>
        %add3A_608 = arith.addi %add3A_588, %select_n3A_607 : vector<16xi32>
        %sub3A_609 = arith.constant 1 : i32
        %sub3A_610 = vector.broadcast %sub3A_609 : i32 to vector<16xi32>
        %sub3A_611 = arith.subi %add3A_608, %sub3A_610 : vector<16xi32>
        %swap3A_612 = arith.constant 0 : index
        %swap3A_613 = tpu.vector_load %arg16[%swap3A_612] {strides = array<i32>} : memref<16xi32, #tpu.memory_space<vmem>>, vector<16xi32>,
        tpu.vector_store %arg16[%swap3A_612], %sub3A_611 {strides = array<i32>} : memref<16xi32, #tpu.memory_space<vmem>>, vector<16xi32>,
        %mul3A_614 = arith.constant 16 : i32
        %mul3A_615 = arith.muli %scan3A_281, %mul3A_614 : i32
        %multiple_of3A_616 = tpu.assume_multiple %mul3A_615, 16 : i32
        "tpu.region"() ({
          %run_scoped3A = tpu.sem_alloc : memref<!tpu.dma_semaphore, #tpu.memory_space<semaphore_mem>>
          %dma_start3A = tpu.memref_slice %arg10[%multiple_of3A_616] : memref<48xi32, #tpu.memory_space<hbm>> -> memref<16xi32, #tpu.memory_space<hbm>>
          %dma_start3A_618 = tpu.memref_slice %arg10[%multiple_of3A_616] : memref<48xi32, #tpu.memory_space<hbm>> -> memref<16xi32, #tpu.memory_space<hbm>>
          tpu.enqueue_dma source(%arg16 : memref<16xi32, #tpu.memory_space<vmem>>) target(%dma_start3A_618 : memref<16xi32, #tpu.memory_space<hbm>>) target_semaphore(%run_scoped3A : memref<!tpu.dma_semaphore, #tpu.memory_space<semaphore_mem>>)
          %dma_wait3A = tpu.memref_slice %arg10[%multiple_of3A_616] : memref<48xi32, #tpu.memory_space<hbm>> -> memref<16xi32, #tpu.memory_space<hbm>>
          %dma_wait3A_619 = tpu.memref_slice %arg10[%multiple_of3A_616] : memref<48xi32, #tpu.memory_space<hbm>> -> memref<16xi32, #tpu.memory_space<hbm>>
          tpu.wait_dma2 semaphore(%run_scoped3A : memref<!tpu.dma_semaphore, #tpu.memory_space<semaphore_mem>>) src(%arg16 : memref<16xi32, #tpu.memory_space<vmem>>) dst(%dma_wait3A_619 : memref<16xi32, #tpu.memory_space<hbm>>)
          tpu.yield
        }) : () -> ()
        %scan3A_617 = arith.constant 0 : i32
        scf.yield %scan3A_617 : i32
      }
      %scan3A_280 = arith.constant 3 : i32
    } else {
    }
    return
  }
}

module attributes {stable_mosaic.version = 14 : i64} {
  func.func @_router_body(%arg0: i32, %arg1: memref<512x1024xf32, #tpu.memory_space<vmem>>, %arg2: memref<15x1024xf32, #tpu.memory_space<vmem>>, %arg3: memref<15xf32, #tpu.memory_space<vmem>>, %arg4: memref<256x1024xf32, #tpu.memory_space<vmem>>, %arg5: memref<256x1024xf32, #tpu.memory_space<vmem>>, %arg6: memref<1024x256xf32, #tpu.memory_space<vmem>>, %arg7: memref<512x1xi32, #tpu.memory_space<vmem>>, %arg8: memref<512x1xi32, #tpu.memory_space<vmem>>, %arg9: memref<512x1xf32, #tpu.memory_space<vmem>>, %arg10: memref<512x1xf32, #tpu.memory_space<vmem>>, %arg11: memref<512x1024xf32, #tpu.memory_space<vmem>>) attributes {dimension_semantics = [#tpu.dimension_semantics<arbitrary>], iteration_bounds = array<i64: 8>, scalar_prefetch = 0 : i64, scratch_operands = 0 : i64, tpu.core_type = #tpu.core_type<tc>, window_params = [{transform_indices = @transform_0, window_bounds = array<i64: 512, 1024>}, {pipeline_mode = #tpu.pipeline_mode<synchronous>, transform_indices = @transform_1, window_bounds = array<i64: 15, 1024>}, {pipeline_mode = #tpu.pipeline_mode<synchronous>, transform_indices = @transform_2, window_bounds = array<i64: 15>}, {pipeline_mode = #tpu.pipeline_mode<synchronous>, transform_indices = @transform_3, window_bounds = array<i64: 256, 1024>}, {pipeline_mode = #tpu.pipeline_mode<synchronous>, transform_indices = @transform_4, window_bounds = array<i64: 256, 1024>}, {pipeline_mode = #tpu.pipeline_mode<synchronous>, transform_indices = @transform_5, window_bounds = array<i64: 1024, 256>}, {transform_indices = @transform_6, window_bounds = array<i64: 512, 1>}, {transform_indices = @transform_7, window_bounds = array<i64: 512, 1>}, {transform_indices = @transform_8, window_bounds = array<i64: 512, 1>}, {transform_indices = @transform_9, window_bounds = array<i64: 512, 1>}, {transform_indices = @transform_10, window_bounds = array<i64: 512, 1024>}]} {
    %get3A = arith.constant 0 : index
    %get3A_0 = arith.constant 0 : index
    %get3A_1 = vector.load %arg1[%get3A, %get3A_0] : memref<512x1024xf32, #tpu.memory_space<vmem>>, vector<512x1024xf32>
    %get3A_2 = arith.constant 0 : index
    %get3A_3 = arith.constant 0 : index
    %get3A_4 = vector.load %arg4[%get3A_2, %get3A_3] : memref<256x1024xf32, #tpu.memory_space<vmem>>, vector<256x1024xf32>
    %dot_general3A = arith.constant dense<0.000000e+00> : vector<512x256xf32>
    %dot_general3A_5 = tpu.matmul %get3A_1, %get3A_4, %dot_general3A {dimension_numbers = #tpu.dot_dimension_numbers<[1], [1], [0], [0], [0, 0, 1, 0], [], []>, transpose_lhs_hint = false} : vector<512x1024xf32>, vector<256x1024xf32>, vector<512x256xf32> -> vector<512x256xf32>
    %get3A_6 = arith.constant 0 : index
    %get3A_7 = arith.constant 0 : index
    %get3A_8 = vector.load %arg5[%get3A_6, %get3A_7] : memref<256x1024xf32, #tpu.memory_space<vmem>>, vector<256x1024xf32>
    %dot_general3A_9 = arith.constant dense<0.000000e+00> : vector<512x256xf32>
    %dot_general3A_10 = tpu.matmul %get3A_1, %get3A_8, %dot_general3A_9 {dimension_numbers = #tpu.dot_dimension_numbers<[1], [1], [0], [0], [0, 0, 1, 0], [], []>, transpose_lhs_hint = false} : vector<512x1024xf32>, vector<256x1024xf32>, vector<512x256xf32> -> vector<512x256xf32>
    %logistic3A = arith.negf %dot_general3A_5 : vector<512x256xf32>
    %logistic3A_11 = math.exp %logistic3A : vector<512x256xf32>
    %logistic3A_12 = arith.constant 1.000000e+00 : f32
    %logistic3A_13 = vector.broadcast %logistic3A_12 : f32 to vector<512x256xf32>
    %logistic3A_14 = arith.addf %logistic3A_13, %logistic3A_11 : vector<512x256xf32>
    %logistic3A_15 = arith.divf %logistic3A_13, %logistic3A_14 : vector<512x256xf32>
    %mul3A = arith.mulf %dot_general3A_5, %logistic3A_15 : vector<512x256xf32>
    %mul3A_16 = arith.mulf %mul3A, %dot_general3A_10 : vector<512x256xf32>
    %get3A_17 = arith.constant 0 : index
    %get3A_18 = arith.constant 0 : index
    %get3A_19 = vector.load %arg6[%get3A_17, %get3A_18] : memref<1024x256xf32, #tpu.memory_space<vmem>>, vector<1024x256xf32>
    %dot_general3A_20 = arith.constant dense<0.000000e+00> : vector<512x1024xf32>
    %dot_general3A_21 = tpu.matmul %mul3A_16, %get3A_19, %dot_general3A_20 {dimension_numbers = #tpu.dot_dimension_numbers<[1], [1], [0], [0], [0, 0, 1, 0], [], []>, transpose_lhs_hint = false} : vector<512x256xf32>, vector<1024x256xf32>, vector<512x1024xf32> -> vector<512x1024xf32>
    %swap3A = arith.constant 0 : index
    %swap3A_22 = arith.constant 0 : index
    %swap3A_23 = vector.load %arg11[%swap3A, %swap3A_22] : memref<512x1024xf32, #tpu.memory_space<vmem>>, vector<512x1024xf32>
    tpu.vector_store %arg11[%swap3A, %swap3A_22], %dot_general3A_21 {strides = array<i32>} : memref<512x1024xf32, #tpu.memory_space<vmem>>, vector<512x1024xf32>,
    %get3A_24 = arith.constant 0 : index
    %get3A_25 = arith.constant 0 : index
    %get3A_26 = vector.load %arg2[%get3A_24, %get3A_25] : memref<15x1024xf32, #tpu.memory_space<vmem>>, vector<15x1024xf32>
    %dot_general3A_27 = arith.constant dense<0.000000e+00> : vector<512x15xf32>
    %dot_general3A_28 = tpu.matmul %get3A_1, %get3A_26, %dot_general3A_27 {dimension_numbers = #tpu.dot_dimension_numbers<[1], [1], [0], [0], [0, 0, 1, 0], [], []>, transpose_lhs_hint = false} : vector<512x1024xf32>, vector<15x1024xf32>, vector<512x15xf32> -> vector<512x15xf32>
    %get3A_29 = arith.constant 0 : index
    %get3A_30 = vector.load %arg3[%get3A_29] : memref<15xf32, #tpu.memory_space<vmem>>, vector<15xf32>
    %broadcast_in_dim3A = vector.shape_cast %get3A_30 : vector<15xf32> to vector<1x15xf32>
    %add3A = vector.broadcast %broadcast_in_dim3A : vector<1x15xf32> to vector<512x15xf32>
    %add3A_31 = arith.addf %dot_general3A_28, %add3A : vector<512x15xf32>
    %logistic3A_32 = arith.negf %add3A_31 : vector<512x15xf32>
    %logistic3A_33 = math.exp %logistic3A_32 : vector<512x15xf32>
    %logistic3A_34 = arith.constant 1.000000e+00 : f32
    %logistic3A_35 = vector.broadcast %logistic3A_34 : f32 to vector<512x15xf32>
    %logistic3A_36 = arith.addf %logistic3A_35, %logistic3A_33 : vector<512x15xf32>
    %logistic3A_37 = arith.divf %logistic3A_35, %logistic3A_36 : vector<512x15xf32>
    %iota3A = tpu.iota {dimensions = array<i32: 1>} : vector<512x15xi32>
    %reduce_max3A = arith.constant dense<0xFF800000> : vector<512xf32>
    %reduce_max3A_38 = vector.multi_reduction <maximumf>, %logistic3A_37, %reduce_max3A [1] : vector<512x15xf32> to vector<512xf32>
    %broadcast_in_dim3A_39 = vector.shape_cast %reduce_max3A_38 : vector<512xf32> to vector<512x1xf32>
    %eq3A = vector.broadcast %broadcast_in_dim3A_39 : vector<512x1xf32> to vector<512x15xf32>
    %eq3A_40 = arith.cmpf oeq, %logistic3A_37, %eq3A : vector<512x15xf32>
    %jit3A = arith.constant 15 : i32
    %broadcast_in_dim3A_41 = vector.broadcast %jit3A : i32 to vector<512x15xi32>
    %select_n3A = arith.select %eq3A_40, %iota3A, %broadcast_in_dim3A_41 : vector<512x15xi1>, vector<512x15xi32>
    %reduce_min3A = arith.constant dense<2147483647> : vector<512xi32>
    %reduce_min3A_42 = vector.multi_reduction <minsi>, %select_n3A, %reduce_min3A [1] : vector<512x15xi32> to vector<512xi32>
    %broadcast_in_dim3A_43 = vector.shape_cast %reduce_min3A_42 : vector<512xi32> to vector<512x1xi32>
    %eq3A_44 = vector.broadcast %broadcast_in_dim3A_43 : vector<512x1xi32> to vector<512x15xi32>
    %eq3A_45 = arith.cmpi eq, %iota3A, %eq3A_44 : vector<512x15xi32>
    %jit3A_46 = arith.constant 0xFF800000 : f32
    %broadcast_in_dim3A_47 = vector.broadcast %jit3A_46 : f32 to vector<512x15xf32>
    %select_n3A_48 = arith.select %eq3A_45, %broadcast_in_dim3A_47, %logistic3A_37 : vector<512x15xi1>, vector<512x15xf32>
    %reduce_max3A_49 = arith.constant dense<0xFF800000> : vector<512xf32>
    %reduce_max3A_50 = vector.multi_reduction <maximumf>, %select_n3A_48, %reduce_max3A_49 [1] : vector<512x15xf32> to vector<512xf32>
    %broadcast_in_dim3A_51 = vector.shape_cast %reduce_max3A_50 : vector<512xf32> to vector<512x1xf32>
    %eq3A_52 = vector.broadcast %broadcast_in_dim3A_51 : vector<512x1xf32> to vector<512x15xf32>
    %eq3A_53 = arith.cmpf oeq, %select_n3A_48, %eq3A_52 : vector<512x15xf32>
    %jit3A_54 = arith.constant 15 : i32
    %broadcast_in_dim3A_55 = vector.broadcast %jit3A_54 : i32 to vector<512x15xi32>
    %select_n3A_56 = arith.select %eq3A_53, %iota3A, %broadcast_in_dim3A_55 : vector<512x15xi1>, vector<512x15xi32>
    %reduce_min3A_57 = arith.constant dense<2147483647> : vector<512xi32>
    %reduce_min3A_58 = vector.multi_reduction <minsi>, %select_n3A_56, %reduce_min3A_57 [1] : vector<512x15xi32> to vector<512xi32>
    %broadcast_in_dim3A_59 = vector.shape_cast %reduce_min3A_58 : vector<512xi32> to vector<512x1xi32>
    %add3A_60 = arith.addf %broadcast_in_dim3A_39, %broadcast_in_dim3A_51 : vector<512x1xf32>
    %swap3A_61 = arith.constant 0 : index
    %swap3A_62 = arith.constant 0 : index
    %swap3A_63 = vector.load %arg7[%swap3A_61, %swap3A_62] : memref<512x1xi32, #tpu.memory_space<vmem>>, vector<512x1xi32>
    tpu.vector_store %arg7[%swap3A_61, %swap3A_62], %broadcast_in_dim3A_43 {strides = array<i32>} : memref<512x1xi32, #tpu.memory_space<vmem>>, vector<512x1xi32>,
    %swap3A_64 = arith.constant 0 : index
    %swap3A_65 = arith.constant 0 : index
    %swap3A_66 = vector.load %arg8[%swap3A_64, %swap3A_65] : memref<512x1xi32, #tpu.memory_space<vmem>>, vector<512x1xi32>
    tpu.vector_store %arg8[%swap3A_64, %swap3A_65], %broadcast_in_dim3A_59 {strides = array<i32>} : memref<512x1xi32, #tpu.memory_space<vmem>>, vector<512x1xi32>,
    %div3A = arith.divf %broadcast_in_dim3A_39, %add3A_60 : vector<512x1xf32>
    %swap3A_67 = arith.constant 0 : index
    %swap3A_68 = arith.constant 0 : index
    %swap3A_69 = vector.load %arg9[%swap3A_67, %swap3A_68] : memref<512x1xf32, #tpu.memory_space<vmem>>, vector<512x1xf32>
    tpu.vector_store %arg9[%swap3A_67, %swap3A_68], %div3A {strides = array<i32>} : memref<512x1xf32, #tpu.memory_space<vmem>>, vector<512x1xf32>,
    %div3A_70 = arith.divf %broadcast_in_dim3A_51, %add3A_60 : vector<512x1xf32>
    %swap3A_71 = arith.constant 0 : index
    %swap3A_72 = arith.constant 0 : index
    %swap3A_73 = vector.load %arg10[%swap3A_71, %swap3A_72] : memref<512x1xf32, #tpu.memory_space<vmem>>, vector<512x1xf32>
    tpu.vector_store %arg10[%swap3A_71, %swap3A_72], %div3A_70 {strides = array<i32>} : memref<512x1xf32, #tpu.memory_space<vmem>>, vector<512x1xf32>,
    return
  }
  func.func @transform_0(%arg0: i32) -> (i32, i32) {
    %c0_i32 = arith.constant 0 : i32
    %c0_i32_0 = arith.constant 0 : i32
    return %arg0, %c0_i32 : i32, i32
  }
  func.func @transform_1(%arg0: i32) -> (i32, i32) {
    %c0_i32 = arith.constant 0 : i32
    %c0_i32_0 = arith.constant 0 : i32
    %c0_i32_1 = arith.constant 0 : i32
    return %c0_i32, %c0_i32_0 : i32, i32
  }
  func.func @transform_2(%arg0: i32) -> i32 {
    %c0_i32 = arith.constant 0 : i32
    %c0_i32_0 = arith.constant 0 : i32
    return %c0_i32 : i32
  }
  func.func @transform_3(%arg0: i32) -> (i32, i32) {
    %c0_i32 = arith.constant 0 : i32
    %c0_i32_0 = arith.constant 0 : i32
    %c0_i32_1 = arith.constant 0 : i32
    return %c0_i32, %c0_i32_0 : i32, i32
  }
  func.func @transform_4(%arg0: i32) -> (i32, i32) {
    %c0_i32 = arith.constant 0 : i32
    %c0_i32_0 = arith.constant 0 : i32
    %c0_i32_1 = arith.constant 0 : i32
    return %c0_i32, %c0_i32_0 : i32, i32
  }
  func.func @transform_5(%arg0: i32) -> (i32, i32) {
    %c0_i32 = arith.constant 0 : i32
    %c0_i32_0 = arith.constant 0 : i32
    %c0_i32_1 = arith.constant 0 : i32
    return %c0_i32, %c0_i32_0 : i32, i32
  }
  func.func @transform_6(%arg0: i32) -> (i32, i32) {
    %c0_i32 = arith.constant 0 : i32
    %c0_i32_0 = arith.constant 0 : i32
    return %arg0, %c0_i32 : i32, i32
  }
  func.func @transform_7(%arg0: i32) -> (i32, i32) {
    %c0_i32 = arith.constant 0 : i32
    %c0_i32_0 = arith.constant 0 : i32
    return %arg0, %c0_i32 : i32, i32
  }
  func.func @transform_8(%arg0: i32) -> (i32, i32) {
    %c0_i32 = arith.constant 0 : i32
    %c0_i32_0 = arith.constant 0 : i32
    return %arg0, %c0_i32 : i32, i32
  }
  func.func @transform_9(%arg0: i32) -> (i32, i32) {
    %c0_i32 = arith.constant 0 : i32
    %c0_i32_0 = arith.constant 0 : i32
    return %arg0, %c0_i32 : i32, i32
  }
  func.func @transform_10(%arg0: i32) -> (i32, i32) {
    %c0_i32 = arith.constant 0 : i32
    %c0_i32_0 = arith.constant 0 : i32
    return %arg0, %c0_i32 : i32, i32
  }
}

module attributes {stable_mosaic.version = 14 : i64} {
  func.func @_combine_body(%arg0: i32, %arg1: memref<512x1024xf32, #tpu.memory_space<vmem>>, %arg2: memref<512x1024xf32, #tpu.memory_space<vmem>>, %arg3: memref<512x1024xf32, #tpu.memory_space<vmem>>, %arg4: memref<512x1024xf32, #tpu.memory_space<vmem>>) attributes {dimension_semantics = [#tpu.dimension_semantics<arbitrary>], iteration_bounds = array<i64: 8>, scalar_prefetch = 0 : i64, scratch_operands = 0 : i64, tpu.core_type = #tpu.core_type<tc>, window_params = [{transform_indices = @transform_0, window_bounds = array<i64: 512, 1024>}, {transform_indices = @transform_1, window_bounds = array<i64: 512, 1024>}, {transform_indices = @transform_2, window_bounds = array<i64: 512, 1024>}, {transform_indices = @transform_3, window_bounds = array<i64: 512, 1024>}]} {
    %get3A = arith.constant 0 : index
    %get3A_0 = arith.constant 0 : index
    %get3A_1 = vector.load %arg1[%get3A, %get3A_0] : memref<512x1024xf32, #tpu.memory_space<vmem>>, vector<512x1024xf32>
    %get3A_2 = arith.constant 0 : index
    %get3A_3 = arith.constant 0 : index
    %get3A_4 = vector.load %arg2[%get3A_2, %get3A_3] : memref<512x1024xf32, #tpu.memory_space<vmem>>, vector<512x1024xf32>
    %add3A = arith.addf %get3A_1, %get3A_4 : vector<512x1024xf32>
    %get3A_5 = arith.constant 0 : index
    %get3A_6 = arith.constant 0 : index
    %get3A_7 = vector.load %arg3[%get3A_5, %get3A_6] : memref<512x1024xf32, #tpu.memory_space<vmem>>, vector<512x1024xf32>
    %add3A_8 = arith.addf %add3A, %get3A_7 : vector<512x1024xf32>
    %swap3A = arith.constant 0 : index
    %swap3A_9 = arith.constant 0 : index
    %swap3A_10 = vector.load %arg4[%swap3A, %swap3A_9] : memref<512x1024xf32, #tpu.memory_space<vmem>>, vector<512x1024xf32>
    tpu.vector_store %arg4[%swap3A, %swap3A_9], %add3A_8 {strides = array<i32>} : memref<512x1024xf32, #tpu.memory_space<vmem>>, vector<512x1024xf32>,
    return
  }
  func.func @transform_0(%arg0: i32) -> (i32, i32) {
    %c0_i32 = arith.constant 0 : i32
    %c0_i32_0 = arith.constant 0 : i32
    return %arg0, %c0_i32 : i32, i32
  }
  func.func @transform_1(%arg0: i32) -> (i32, i32) {
    %c0_i32 = arith.constant 0 : i32
    %c0_i32_0 = arith.constant 0 : i32
    return %arg0, %c0_i32 : i32, i32
  }
  func.func @transform_2(%arg0: i32) -> (i32, i32) {
    %c0_i32 = arith.constant 0 : i32
    %c0_i32_0 = arith.constant 0 : i32
    return %arg0, %c0_i32 : i32, i32
  }
  func.func @transform_3(%arg0: i32) -> (i32, i32) {
    %c0_i32 = arith.constant 0 : i32
    %c0_i32_0 = arith.constant 0 : i32
    return %arg0, %c0_i32 : i32, i32
  }
}

module attributes {stable_mosaic.version = 14 : i64} {
  func.func @_group_body(%arg0: i32, %arg1: memref<48xi32, #tpu.memory_space<smem>>, %arg2: memref<256x1024xf32, #tpu.memory_space<vmem>>, %arg3: memref<256x1xf32, #tpu.memory_space<vmem>>, %arg4: memref<1x256x1024xbf16, #tpu.memory_space<vmem>>, %arg5: memref<1x256x1024xbf16, #tpu.memory_space<vmem>>, %arg6: memref<1x1024x256xbf16, #tpu.memory_space<vmem>>, %arg7: memref<256x1024xf32, #tpu.memory_space<vmem>>) attributes {dimension_semantics = [#tpu.dimension_semantics<arbitrary>], iteration_bounds = array<i64: 48>, scalar_prefetch = 1 : i64, scratch_operands = 0 : i64, tpu.core_type = #tpu.core_type<tc>, window_params = [{transform_indices = @transform_0, window_bounds = array<i64: 256, 1024>}, {transform_indices = @transform_1, window_bounds = array<i64: 256, 1>}, {transform_indices = @transform_2, window_bounds = array<i64: 1, 256, 1024>}, {transform_indices = @transform_3, window_bounds = array<i64: 1, 256, 1024>}, {transform_indices = @transform_4, window_bounds = array<i64: 1, 1024, 256>}, {transform_indices = @transform_5, window_bounds = array<i64: 256, 1024>}]} {
    %get3A = arith.constant 0 : index
    %get3A_0 = arith.constant 0 : index
    %get3A_1 = vector.load %arg2[%get3A, %get3A_0] : memref<256x1024xf32, #tpu.memory_space<vmem>>, vector<256x1024xf32>
    %convert_element_type3A = arith.truncf %get3A_1 : vector<256x1024xf32> to vector<256x1024xbf16>
    %get3A_2 = arith.constant 0 : index
    %get3A_3 = arith.constant 0 : index
    %get3A_4 = arith.constant 0 : index
    %get3A_5 = vector.load %arg4[%get3A_2, %get3A_3, %get3A_4] : memref<1x256x1024xbf16, #tpu.memory_space<vmem>>, vector<1x256x1024xbf16>
    %get3A_6 = vector.shape_cast %get3A_5 : vector<1x256x1024xbf16> to vector<256x1024xbf16>
    %dot_general3A = arith.constant dense<0.000000e+00> : vector<256x256xf32>
    %dot_general3A_7 = tpu.matmul %convert_element_type3A, %get3A_6, %dot_general3A {dimension_numbers = #tpu.dot_dimension_numbers<[1], [1], [0], [0], [0, 0, 1, 0], [], []>, transpose_lhs_hint = false} : vector<256x1024xbf16>, vector<256x1024xbf16>, vector<256x256xf32> -> vector<256x256xf32>
    %get3A_8 = arith.constant 0 : index
    %get3A_9 = arith.constant 0 : index
    %get3A_10 = arith.constant 0 : index
    %get3A_11 = vector.load %arg5[%get3A_8, %get3A_9, %get3A_10] : memref<1x256x1024xbf16, #tpu.memory_space<vmem>>, vector<1x256x1024xbf16>
    %get3A_12 = vector.shape_cast %get3A_11 : vector<1x256x1024xbf16> to vector<256x1024xbf16>
    %dot_general3A_13 = arith.constant dense<0.000000e+00> : vector<256x256xf32>
    %dot_general3A_14 = tpu.matmul %convert_element_type3A, %get3A_12, %dot_general3A_13 {dimension_numbers = #tpu.dot_dimension_numbers<[1], [1], [0], [0], [0, 0, 1, 0], [], []>, transpose_lhs_hint = false} : vector<256x1024xbf16>, vector<256x1024xbf16>, vector<256x256xf32> -> vector<256x256xf32>
    %logistic3A = arith.negf %dot_general3A_7 : vector<256x256xf32>
    %logistic3A_15 = math.exp %logistic3A : vector<256x256xf32>
    %logistic3A_16 = arith.constant 1.000000e+00 : f32
    %logistic3A_17 = vector.broadcast %logistic3A_16 : f32 to vector<256x256xf32>
    %logistic3A_18 = arith.addf %logistic3A_17, %logistic3A_15 : vector<256x256xf32>
    %logistic3A_19 = arith.divf %logistic3A_17, %logistic3A_18 : vector<256x256xf32>
    %mul3A = arith.mulf %dot_general3A_7, %logistic3A_19 : vector<256x256xf32>
    %mul3A_20 = arith.mulf %mul3A, %dot_general3A_14 : vector<256x256xf32>
    %get3A_21 = arith.constant 0 : index
    %get3A_22 = arith.constant 0 : index
    %get3A_23 = vector.load %arg3[%get3A_21, %get3A_22] : memref<256x1xf32, #tpu.memory_space<vmem>>, vector<256x1xf32>
    %mul3A_24 = vector.broadcast %get3A_23 : vector<256x1xf32> to vector<256x256xf32>
    %mul3A_25 = arith.mulf %mul3A_20, %mul3A_24 : vector<256x256xf32>
    %convert_element_type3A_26 = arith.truncf %mul3A_25 : vector<256x256xf32> to vector<256x256xbf16>
    %get3A_27 = arith.constant 0 : index
    %get3A_28 = arith.constant 0 : index
    %get3A_29 = arith.constant 0 : index
    %get3A_30 = vector.load %arg6[%get3A_27, %get3A_28, %get3A_29] : memref<1x1024x256xbf16, #tpu.memory_space<vmem>>, vector<1x1024x256xbf16>
    %get3A_31 = vector.shape_cast %get3A_30 : vector<1x1024x256xbf16> to vector<1024x256xbf16>
    %dot_general3A_32 = arith.constant dense<0.000000e+00> : vector<256x1024xf32>
    %dot_general3A_33 = tpu.matmul %convert_element_type3A_26, %get3A_31, %dot_general3A_32 {dimension_numbers = #tpu.dot_dimension_numbers<[1], [1], [0], [0], [0, 0, 1, 0], [], []>, transpose_lhs_hint = false} : vector<256x256xbf16>, vector<1024x256xbf16>, vector<256x1024xf32> -> vector<256x1024xf32>
    %swap3A = arith.constant 0 : index
    %swap3A_34 = arith.constant 0 : index
    %swap3A_35 = vector.load %arg7[%swap3A, %swap3A_34] : memref<256x1024xf32, #tpu.memory_space<vmem>>, vector<256x1024xf32>
    tpu.vector_store %arg7[%swap3A, %swap3A_34], %dot_general3A_33 {strides = array<i32>} : memref<256x1024xf32, #tpu.memory_space<vmem>>, vector<256x1024xf32>,
    return
  }
  func.func @transform_0(%arg0: i32, %arg1: memref<48xi32, #tpu.memory_space<smem>>) -> (i32, i32) {
    %c0_i32 = arith.constant 0 : i32
    %c0_i32_0 = arith.constant 0 : i32
    return %arg0, %c0_i32 : i32, i32
  }
  func.func @transform_1(%arg0: i32, %arg1: memref<48xi32, #tpu.memory_space<smem>>) -> (i32, i32) {
    %c0_i32 = arith.constant 0 : i32
    %c0_i32_0 = arith.constant 0 : i32
    return %arg0, %c0_i32 : i32, i32
  }
  func.func @transform_2(%arg0: i32, %arg1: memref<48xi32, #tpu.memory_space<smem>>) -> (i32, i32, i32) {
    %get3A = arith.index_cast %arg0 : i32 to index
    %get3A_0 = memref.load %arg1[%get3A] : memref<48xi32, #tpu.memory_space<smem>>
    %c0_i32 = arith.constant 0 : i32
    %c0_i32_1 = arith.constant 0 : i32
    %c0_i32_2 = arith.constant 0 : i32
    return %get3A_0, %c0_i32, %c0_i32_1 : i32, i32, i32
  }
  func.func @transform_3(%arg0: i32, %arg1: memref<48xi32, #tpu.memory_space<smem>>) -> (i32, i32, i32) {
    %get3A = arith.index_cast %arg0 : i32 to index
    %get3A_0 = memref.load %arg1[%get3A] : memref<48xi32, #tpu.memory_space<smem>>
    %c0_i32 = arith.constant 0 : i32
    %c0_i32_1 = arith.constant 0 : i32
    %c0_i32_2 = arith.constant 0 : i32
    return %get3A_0, %c0_i32, %c0_i32_1 : i32, i32, i32
  }
  func.func @transform_4(%arg0: i32, %arg1: memref<48xi32, #tpu.memory_space<smem>>) -> (i32, i32, i32) {
    %get3A = arith.index_cast %arg0 : i32 to index
    %get3A_0 = memref.load %arg1[%get3A] : memref<48xi32, #tpu.memory_space<smem>>
    %c0_i32 = arith.constant 0 : i32
    %c0_i32_1 = arith.constant 0 : i32
    %c0_i32_2 = arith.constant 0 : i32
    return %get3A_0, %c0_i32, %c0_i32_1 : i32, i32, i32
  }
  func.func @transform_5(%arg0: i32, %arg1: memref<48xi32, #tpu.memory_space<smem>>) -> (i32, i32) {
    %c0_i32 = arith.constant 0 : i32
    %c0_i32_0 = arith.constant 0 : i32
    return %arg0, %c0_i32 : i32, i32
  }
}

</mosaic_0001>

<sc_bundles>
// kernel: kernel.10.cloned.1.call-start
scs
__scs_entry_jumppad:
0x0: {  	(pc) =	sbr.rel $0x88, $3  }
0x1: {  	(tag) =	ssettag $0x0;
	lr =	simm.s32 $0x1  }
0x2: {  	[smem:$0x3F98] =	sst lr;
	_ =	strace $0xD0000000  }
0x3: {  	_ = 	snop  }
0x4: {  	_ = 	snop  }
0x5: {  	_ = 	snop  }
0x6: {  	_ = 	snop  }
0x7: {  	_ = 	snop  }
__scs_overlays_trampoline_lowered:
0x8: {  	[smem:$0x3FA7] =	sst s0  }
0x9: {  	[smem:$0x3FA8] =	sst s1  }
0xa: {  	[smem:$0x3FA9] =	sst s2  }
0xb: {  	[smem:$0x3FAA] =	sst s3  }
0xc: {  	[smem:$0x3FAB] =	sst s4  }
0xd: {  	[smem:$0x3FAC] =	sst s5  }
0xe: {  	[smem:$0x3FAD] =	sst s6  }
0xf: {  	[smem:$0x3FAE] =	sst s7  }
0x10: {  	[smem:$0x3FAF] =	sst s8  }
0x11: {  	[smem:$0x3FB0] =	sst s9;
	s0 =	simm.s32 @!p0 $0x0  }
0x12: {  	s1 =	sld [smem:$0x3F96];
	s0 =	simm.s32 @p0 $0x1  }
0x13: {  	[smem:$0x3FB1] =	sst s0;
	s0 =	simm.s32 @!p1 $0x0  }
0x14: {  	s2 =	sld [smem:$0x3F95];
	s0 =	simm.s32 @p1 $0x1  }
0x15: {  	[smem:$0x3FB2] =	sst s0;
	s0 =	simm.s32 @!p2 $0x0  }
0x16: {  	s3 =	sld [smem:$0x3FDB];
	s0 =	simm.s32 @p2 $0x1  }
0x17: {  	s4 =	simm.s32 $0x1BF5;
	[smem:$0x3FB4] =	sst s0  }
0x18: {  	s0 =	sld [smem:$0x3F97];
	_ =	swait.ge [sflag:s4], $0x0  }
0x19: {  	s7 =	sld [smem:$0x3F98]  }
0x1a: {  	s8 =	sadd.s32 $0xFFFFE003, lr  }
0x1b: {  	s9 =	sadd.s32 $0xFFFFFEF7, lr;
	s5 =	simm.s32 $0xFFFFFFFF;
	p2 =	slt.u32 s8, $0xFFFFF086  }
0x1c: {  	p1 =	slt.u32 s9, $0xF7A;
	s5 =	simm.s32 @!p2 $0x0  }
0x1d: {  	s5 =	simm.s32 @p1 $0x1;
	p0 =	seq.s32 s7, s2  }
0x1e: {  	s7 =	smul.u32 @!p0 $0xF7A, s2;
	p2 =	seq.s32 @!p0 s5, $0x0  }
0x1f: {  	s9 =	smul.u32 $0xF7A, s1;
	s8 =	simm.s32 @!p0 $0x1BF5;
	p2 =	por !p2, p0  }
0x20: {  	[sflag:s8] =	ssyncset.s32 @!p0 $0xFFFFF086;
	s6 =	sadd.s32 @!p0 s3, s7;
	s7 =	simm.s32 @!p0 $0x108  }
0x21: {  	s3 =	sadd.s32 s3, s9;
	s6 =	sadd.s32 @!p0 $0x88, s6;
	s7 =	simm.s32 @p2 $0x1082  }
0x22: {  	[simem:s7], [sflag:s8] =	dma.local @!p0 [hbm:s6], $0xF7A  }
0x23: {  	s9 =	sor.u32 $0xD0000000, s2;
	s6 =	simm.s32 $0x108;
	_ =	swait.ge @!p0 [sflag:s8], $0x0  }
0x24: {  	s3 =	sadd.s32 $0x88, s3;
	s6 =	simm.s32 @!p1 $0x1082;
	[sflag:s4] =	ssyncset.s32 $0xFFFFF086  }
0x25: {  	[simem:s6], [sflag:s4] =	dma.local [hbm:s3], $0xF7A  }
0x26: {  	[smem:$0x3F98] =	sst s1;
	(tag) =	ssettag s2;
	_ =	strace s9  }
0x27: {  	s1 =	sld [smem:$0x3FA8]  }
0x28: {  	s2 =	sld [smem:$0x3FA9]  }
0x29: {  	s4 =	sld [smem:$0x3FAB]  }
0x2a: {  	p0 =	seq.s32 s5, $0x0;
	s5 =	sld [smem:$0x3FAC]  }
0x2b: {  	s6 =	sld [smem:$0x3FAD]  }
0x2c: {  	s7 =	sld [smem:$0x3FAE]  }
0x2d: {  	s3 =	simm.s32 $0x108;
	s8 =	sld [smem:$0x3FAF]  }
0x2e: {  	s3 =	simm.s32 @!p0 $0x1082;
	s9 =	sld [smem:$0x3FB0]  }
0x2f: {  	lr =	sadd.s32 s0, s3;
	s0 =	sld [smem:$0x3FA7]  }
0x30: {  	s3 =	sld [smem:$0x3FAA]  }
0x31: {  	[smem:$0x3FB3] =	sst s10  }
0x32: {  	s10 =	sld [smem:$0x3FB1];
	_ =	sdelay $0x3  }
0x33: {  	p0 =	seq.s32 s10, $0x1;
	s10 =	sld [smem:$0x3FB3];
	_ =	sdelay $0x3  }
0x34: {  	[smem:$0x3FB3] =	sst s10  }
0x35: {  	s10 =	sld [smem:$0x3FB2];
	_ =	sdelay $0x3  }
0x36: {  	p1 =	seq.s32 s10, $0x1;
	s10 =	sld [smem:$0x3FB3];
	_ =	sdelay $0x3  }
0x37: {  	[smem:$0x3FB3] =	sst s10  }
0x38: {  	s10 =	sld [smem:$0x3FB4]  }
0x39: {  	_ = 	snop;
	(pc) =	sbr.ind lr, $3  }
0x3a: {  	_ = 	snop  }
0x3b: {  	_ = 	snop  }
0x3c: {  	p2 =	seq.s32 s10, $0x1;
	s10 =	sld [smem:$0x3FB3]  }
0x3d: {  	_ =	shalt  }
0x3e: {  	_ =	shalt  }
0x3f: {  	_ =	shalt  }
0x40: {  	_ =	shalt  }
0x41: {  	_ =	shalt  }
0x42: {  	_ =	shalt  }
0x43: {  	_ =	shalt  }
0x44: {  	_ =	shalt  }
0x45: {  	_ =	shalt  }
0x46: {  	_ =	shalt  }
0x47: {  	_ =	shalt  }
0x48: {  	_ =	shalt  }
0x49: {  	_ =	shalt  }
0x4a: {  	_ =	shalt  }
0x4b: {  	_ =	shalt  }
0x4c: {  	_ =	shalt  }
0x4d: {  	_ =	shalt  }
0x4e: {  	_ =	shalt  }
0x4f: {  	_ =	shalt  }
0x50: {  	_ =	shalt  }
0x51: {  	_ =	shalt  }
0x52: {  	_ =	shalt  }
0x53: {  	_ =	shalt  }
0x54: {  	_ =	shalt  }
0x55: {  	_ =	shalt  }
0x56: {  	_ =	shalt  }
0x57: {  	_ =	shalt  }
0x58: {  	_ =	shalt  }
0x59: {  	_ =	shalt  }
0x5a: {  	_ =	shalt  }
0x5b: {  	_ =	shalt  }
0x5c: {  	_ =	shalt  }
0x5d: {  	_ =	shalt  }
0x5e: {  	_ =	shalt  }
0x5f: {  	_ =	shalt  }
0x60: {  	_ =	shalt  }
0x61: {  	_ =	shalt  }
0x62: {  	_ =	shalt  }
0x63: {  	_ =	shalt  }
0x64: {  	_ =	shalt  }
0x65: {  	_ =	shalt  }
0x66: {  	_ =	shalt  }
0x67: {  	_ =	shalt  }
0x68: {  	_ =	shalt  }
0x69: {  	_ =	shalt  }
0x6a: {  	_ =	shalt  }
0x6b: {  	_ =	shalt  }
0x6c: {  	_ =	shalt  }
0x6d: {  	_ =	shalt  }
0x6e: {  	_ =	shalt  }
0x6f: {  	_ =	shalt  }
0x70: {  	_ =	shalt  }
0x71: {  	_ =	shalt  }
0x72: {  	_ =	shalt  }
0x73: {  	_ =	shalt  }
0x74: {  	_ =	shalt  }
0x75: {  	_ =	shalt  }
0x76: {  	_ =	shalt  }
0x77: {  	_ =	shalt  }
0x78: {  	_ =	shalt  }
0x79: {  	_ =	shalt  }
0x7a: {  	_ =	shalt  }
0x7b: {  	_ =	shalt  }
0x7c: {  	_ =	shalt  }
0x7d: {  	_ =	shalt  }
0x7e: {  	_ =	shalt  }
0x7f: {  	_ =	shalt  }
0x80: {  	_ =	shalt  }
0x81: {  	_ =	shalt  }
0x82: {  	_ =	shalt  }
0x83: {  	_ =	shalt  }
0x84: {  	_ =	shalt  }
0x85: {  	_ =	shalt  }
0x86: {  	_ =	shalt  }
0x87: {  	_ =	shalt  }
.Lfunc_end0:
.L_simem_size_0:
called_computation.1_lowered:
.L_overlay_start_0:
0x88: {  	s2 =	sld [smem:$0x3FD9]  }
0x89: {  	s3 =	sld [smem:$0x3FFE];
	_ =	sdelay $0x1  }
0x8a: {  	s1 =	srdreg.scid  }
0x8b: {  	s0 =	sand.u32 $0x1, s1  }
0x8c: {  	s16 =	sshll.u32 s0, $0xA;
	s2 =	sadd.s32 s3, s2  }
0x8d: {  	s2 =	sadd.s32 s2, s16  }
0x8e: {  	[smem:$0x3FBF] =	sst s2  }
0x8f: {  	_ = 	snop  }
0x90: {  	(tm) =	ssettm $0x1  }
0x91: {  	s17 =	sld [smem:$0x3FFB];
	_ =	sdelay $0x3  }
0x92: {  	_ =	strace s17  }
0x93: {  	s2 =	sld [smem:$0x3FFC];
	_ =	sdelay $0x3  }
0x94: {  	_ =	strace s2  }
0x95: {  	s2 =	sld [smem:$0x3FFD];
	_ =	sdelay $0x3  }
0x96: {  	_ =	strace s2  }
0x97: {  	_ =	strace $0x8FFFFFFF  }
0x98: {  	s18 =	sld [smem:$0x3FDB];
	_ =	sdelay $0x1  }
0x99: {  	s19 =	simm.s32 $_scs_section_size  }
0x9a: {  	s4 =	simm.s32 $_size__tile_overlayer_lowered;
	s5 =	simm.s32 $_tile_overlayer_lowered  }
0x9b: {  	s22 =	simm.s32 $0x1BFF;
	s21 =	sshll.u32 s5, $0x1;
	s2 =	sadd.s32 s19, s18  }
0x9c: {  	s6 =	simm.s32 $0x0;
	s20 =	sshll.u32 s4, $0x1;
	s4 =	sadd.s32 s21, s2  }
0x9d: {  	[timem:s6], [sflag:s22] =	dma.local [hbm:s4], s20  }
0x9e: {  	_ =	swait.ge [sflag:s22], s20  }
0x9f: {  	s3 =	ssub.s32 $0x0, s20;
	[sflag:s22] =	ssyncset.done $0x0  }
0xa0: {  	[sflag:s22] =	ssyncadd.s32 s3;
	_ =	sdelay $0x1  }
0xa1: {  	s23 =	simm.s32 $0x1B8B  }
0xa2: {  	_ =	swait.ge [sflag:s23], $0x1  }
0xa3: {  	[sflag:s23] =	ssyncset.done $0x0  }
0xa4: {  	s25 =	simm.s32 $0x1B8E;
	s24 =	sld [smem:$0x3FFE];
	[sflag:s23] =	ssyncadd.s32 $0xFFFFFFFF  }
0xa5: {  	s26 =	simm.s32 $execute0_lowered;
	[smem:$0x3FD2] =	sst s25  }
0xa6: {  	s4 =	sshll.u32 s26, $0x1;
	_ =	strace $0x80000049;
	[dreg:$0x1] =	wrdreg $0xFFFFFFFF  }
0xa7: {  	s28 =	simm.s32 $_size_execute0_lowered;
	s2 =	sadd.s32 s2, s4;
	[dreg:$0x0] =	wrdreg $0x0  }
0xa8: {  	s4 =	sshll.u32 s28, $0x1;
	[dreg:$0x2] =	wrdreg s2  }
0xa9: {  	[dreg:$0x3] =	wrdreg s4  }
0xaa: {  	[dreg:$0x4] =	wrdreg $0xC0  }
0xab: {  	_ =	task [dreg:s6], $0x5FFFF  }
0xac: {  	[dreg:$0x1] =	wrdreg $0xFFFFFFFF  }
0xad: {  	[dreg:$0x0] =	wrdreg $0x60  }
0xae: {  	[dreg:$0x2] =	wrdreg s24  }
0xaf: {  	[dreg:$0x3] =	wrdreg $0x9  }
0xb0: {  	_ =	task.clear_ibuf [dreg:s6], $0x4FFFF;
	_ =	strace $0x90000049  }
0xb1: {  	s29 =	simm.s32 $0x9;
	_ =	strace $0x8000004B  }
0xb2: {  	_ =	swait.ge [sflag:s29], $0x1  }
0xb3: {  	[sflag:s29] =	ssyncadd.s32 $0xFFFFFFFF  }
0xb4: {  	_ =	strace $0x9000004B  }
0xb5: {  	_ =	sfence  }
0xb6: {  	s30 =	sld [smem:$0x0];
	_ =	sdelay $0x2  }
0xb7: {  	s31 =	sshll.u32 s1, $0xD;
	s1 =	sshrl.u32 s1, $0x2  }
0xb8: {  	s3 =	sand.u32 $0x4000, s31;
	s1 =	sadd.s32 s1, s30  }
0xb9: {  	s0 =	sor.u32 s3, s0;
	s1 =	sshll.u32 s1, $0x11  }
0xba: {  	s0 =	sor.u32 s1, s0  }
0xbb: {  	s0 =	sadd.s32 $0x8F2B, s0  }
0xbc: {  	[sflag:s0] =	ssyncadd.remote.s32 $0x1  }
0xbd: {  	_ =	sfence.sel $0xFFFF  }
0xbe: {  	[dreg:$0x0] =	wrdreg $0xFFFFFFFF;
	(pc) =	sbr.abs _section_cstart, $3  }
0xbf: {  	[dreg:$0x1] =	wrdreg $0xFFFFFFFF  }
0xc0: {  	_ =	task.clear_ibuf [dreg:s6], $0x2FFFF;
	_ =	strace $0x9FFFFFFF  }
0xc1: {  	(tm) =	ssettm $0x7FFFFFFF  }
tec
execute0_lowered:
.L_overlay_start_1:
0x0: {  	(tag) =	ssettag $0x1  }
0x1: {  	s0 =	rddreg [dreg:$0x0];
	s1 =	srdreg.scid  }
0x2: {  	s4 =	stileid.u32;
	s2 =	simm.s32 $0x0;
	s31 =	simm.s32 $0x80  }
0x3: {  	s18 =	simm.s32 $0x1;
	s19 =	simm.s32 $0x2;
	s1 =	sand.u32 $0x1, s1  }
0x4: {  	s4 =	sshll.u32 s4, $0x7;
	[smem:$0x7FF] =	sst s2;
	s3 =	sshll.u32 s1, $0xB  }
0x5: {  	s6 =	sadd.s32 $0x184E00, s0;
	s7 =	sadd.s32 $0x3800, s0;
	s4 =	sor.u32 s4, s3  }
0x6: {  	_ =	strace $0x8000004A;
	s5 =	sshrl.u32 s4, $0x3;
	s4 =	sshll.u32 s4, $0x7  }
0x7: {  	s1 =	ssub.s32 $0x2, s1;
	[dreg:$0xc] =	wrdreg s31;
	s21 =	sadd.s32 s6, s4  }
0x8: {  	s5 =	sadd.s32 s5, s0;
	s26 =	sadd.s32 s7, s4;
	[dreg:$0x4] =	wrdreg s21  }
0x9: {  	s3 =	sadd.s32 $0x204E00, s0;
	s8 =	sadd.s32 $0x184800, s5;
	[dreg:$0x8] =	wrdreg s26  }
0xa: {  	s22 =	sor.u32 $0x1000, s4;
	s5 =	sadd.s32 $0x184A00, s5;
	[dreg:$0x2] =	wrdreg s8  }
0xb: {  	s9 =	sor.u32 $0x2000, s4;
	s23 =	sadd.s32 s6, s22;
	[dreg:$0x3] =	wrdreg s5  }
0xc: {  	s10 =	sor.u32 $0x3000, s4;
	s24 =	sadd.s32 s6, s9;
	[dreg:$0x5] =	wrdreg s23  }
0xd: {  	s11 =	sshrl.u32 s1, $0x1;
	s25 =	sadd.s32 s6, s10;
	[dreg:$0x6] =	wrdreg s24  }
0xe: {  	s1 =	ssub.s32 s1, s11;
	s28 =	sadd.s32 s7, s22;
	[dreg:$0x7] =	wrdreg s25  }
0xf: {  	s4 =	sadd.s32 $0x204F00, s0;
	s29 =	sadd.s32 s7, s9;
	[dreg:$0x9] =	wrdreg s28  }
0x10: {  	v2 =	vlaneseq.u32;
	s6 =	sadd.s32 $0x205100, s0;
	s30 =	sadd.s32 s7, s10;
	[dreg:$0xa] =	wrdreg s29  }
0x11: {  	vm0 =	vmmov $0xffff;
	v1 =	vshrl.u32 v2, $0x3;
	s7 =	smax.u32 s1, $0x1;
	s5 =	sadd.s32 $0x205000, s0;
	[dreg:$0xb] =	wrdreg s30  }
0x12: {  	v0 =	vand.u32 $0x7, v2;
	v2 =	vor.u32 $0x8, v2;
	v1 =	vmul.u32 $0x8, v1;
	s8 =	simm.s32 $0x3;
	s23 =	simm.s32 $0x100;
	s25 =	simm.s32 $0x8100  }
.LBB2_1:
0x13: {  	s20 =	rddreg [dreg:$0x2]  }
0x14: {  	[tilespmem:s2], [sflag:$0x3] =	stream.linear.gather [hbm4b:s20+s2], $0x80, $0x38;
	[tilespmem:$0x10100] =	vst v63  }
0x15: {  	_ =	swait.ge [sflag:s8], $0x80  }
0x16: {  	s14 =	rddreg [dreg:$0x3];
	[sflag:s8] =	ssyncset.done $0x0  }
0x17: {  	s21 =	rddreg [dreg:$0xc];
	[sflag:s8] =	ssyncadd.s32 $0xFFFFFF80  }
0x18: {  	[tilespmem:s21], [sflag:$0x3] =	stream.linear.gather [hbm4b:s14+s2], $0x80, $0x38;
	[tilespmem:$0x10100] =	vst v63  }
0x19: {  	_ =	swait.ge [sflag:s8], $0x80  }
0x1a: {  	[sflag:s8] =	ssyncset.done $0x0  }
0x1b: {  	[sflag:s8] =	ssyncadd.s32 $0xFFFFFF80  }
0x1c: {  	v3 =	vld [tilespmem:$0x0];
	_ =	sdelay $0x4  }
0x1d: {  	v4 =	vshll.u32 v3, $0x3  }
0x1e: {  	v3 =	vand.u32 $0x7, v3;
	v4 =	vand.u32 $0xFFFFFFC0, v4  }
0x1f: {  	v3 =	vor.u32 v3, v4  }
0x20: {  	v4 =	vperm.xlane v3, v0;
	_ =	sdelay $0x1  }
0x21: {  	v4 =	vadd.s32 v1, v4;
	_ =	sdelay $0x4  }
0x22: {  	[tilespmem:s23], [sflag:$0x1] =	stream.indirect_vreg.gather [hbm4b:s3+s2], $0x80, v4, vm0, $0xb8;
	[tilespmem:$0x10100] =	vst v63  }
0x23: {  	s0 =	simm.s32 $0x900;
	v3 =	vperm.xlane v3, v2  }
0x24: {  	[tilespmem:s0], [sflag:$0x1] =	stream.indirect_vreg.gather [hbm4b:s4+s2], $0x80, v4, vm0, $0xb8;
	[tilespmem:$0x10100] =	vst v63  }
0x25: {  	s15 =	simm.s32 $0x1100;
	v3 =	vadd.s32 v1, v3  }
0x26: {  	[tilespmem:s15], [sflag:$0x1] =	stream.indirect_vreg.gather [hbm4b:s5+s2], $0x80, v4, vm0, $0xb8;
	[tilespmem:$0x10100] =	vst v63  }
0x27: {  	s16 =	simm.s32 $0x1900  }
0x28: {  	[tilespmem:s16], [sflag:$0x1] =	stream.indirect_vreg.gather [hbm4b:s6+s2], $0x80, v4, vm0, $0xb8;
	[tilespmem:$0x10100] =	vst v63  }
0x29: {  	s17 =	simm.s32 $0x2100  }
0x2a: {  	[tilespmem:s17], [sflag:$0x1] =	stream.indirect_vreg.gather [hbm4b:s3+s2], $0x80, v3, vm0, $0xb8;
	[tilespmem:$0x10100] =	vst v63  }
0x2b: {  	s20 =	simm.s32 $0x2900  }
0x2c: {  	[tilespmem:s20], [sflag:$0x1] =	stream.indirect_vreg.gather [hbm4b:s4+s2], $0x80, v3, vm0, $0xb8;
	[tilespmem:$0x10100] =	vst v63  }
0x2d: {  	s21 =	simm.s32 $0x3100  }
0x2e: {  	[tilespmem:s21], [sflag:$0x1] =	stream.indirect_vreg.gather [hbm4b:s5+s2], $0x80, v3, vm0, $0xb8;
	[tilespmem:$0x10100] =	vst v63  }
0x2f: {  	s22 =	simm.s32 $0x3900  }
0x30: {  	[tilespmem:s22], [sflag:$0x1] =	stream.indirect_vreg.gather [hbm4b:s6+s2], $0x80, v3, vm0, $0xb8;
	[tilespmem:$0x10100] =	vst v63  }
0x31: {  	v3 =	vld [tilespmem:$0x10];
	_ =	sdelay $0x4  }
0x32: {  	v49 =	vshll.u32 v3, $0x3  }
0x33: {  	v3 =	vand.u32 $0x7, v3;
	v4 =	vand.u32 $0xFFFFFFC0, v49  }
0x34: {  	v3 =	vor.u32 v3, v4  }
0x35: {  	v4 =	vperm.xlane v3, v0;
	_ =	sdelay $0x1  }
0x36: {  	v4 =	vadd.s32 v1, v4;
	_ =	sdelay $0x3  }
0x37: {  	s24 =	simm.s32 $0x4100  }
0x38: {  	[tilespmem:s24], [sflag:$0x1] =	stream.indirect_vreg.gather [hbm4b:s3+s2], $0x80, v4, vm0, $0xb8;
	[tilespmem:$0x10100] =	vst v63  }
0x39: {  	s26 =	simm.s32 $0x4900;
	v3 =	vperm.xlane v3, v2  }
0x3a: {  	[tilespmem:s26], [sflag:$0x1] =	stream.indirect_vreg.gather [hbm4b:s4+s2], $0x80, v4, vm0, $0xb8;
	[tilespmem:$0x10100] =	vst v63  }
0x3b: {  	s28 =	simm.s32 $0x5100;
	v3 =	vadd.s32 v1, v3  }
0x3c: {  	[tilespmem:s28], [sflag:$0x1] =	stream.indirect_vreg.gather [hbm4b:s5+s2], $0x80, v4, vm0, $0xb8;
	[tilespmem:$0x10100] =	vst v63  }
0x3d: {  	s29 =	simm.s32 $0x5900  }
0x3e: {  	[tilespmem:s29], [sflag:$0x1] =	stream.indirect_vreg.gather [hbm4b:s6+s2], $0x80, v4, vm0, $0xb8;
	[tilespmem:$0x10100] =	vst v63  }
0x3f: {  	s30 =	simm.s32 $0x6100  }
0x40: {  	[tilespmem:s30], [sflag:$0x1] =	stream.indirect_vreg.gather [hbm4b:s3+s2], $0x80, v3, vm0, $0xb8;
	[tilespmem:$0x10100] =	vst v63  }
0x41: {  	s31 =	simm.s32 $0x6900  }
0x42: {  	[tilespmem:s31], [sflag:$0x1] =	stream.indirect_vreg.gather [hbm4b:s4+s2], $0x80, v3, vm0, $0xb8;
	[tilespmem:$0x10100] =	vst v63  }
0x43: {  	s13 =	simm.s32 $0x7100  }
0x44: {  	[tilespmem:s13], [sflag:$0x1] =	stream.indirect_vreg.gather [hbm4b:s5+s2], $0x80, v3, vm0, $0xb8;
	[tilespmem:$0x10100] =	vst v63  }
0x45: {  	s15 =	simm.s32 $0x7900  }
0x46: {  	[tilespmem:s15], [sflag:$0x1] =	stream.indirect_vreg.gather [hbm4b:s6+s2], $0x80, v3, vm0, $0xb8;
	[tilespmem:$0x10100] =	vst v63  }
0x47: {  	v3 =	vld [tilespmem:$0x20];
	_ =	sdelay $0x4  }
0x48: {  	v50 =	vshll.u32 v3, $0x3  }
0x49: {  	v3 =	vand.u32 $0x7, v3;
	v4 =	vand.u32 $0xFFFFFFC0, v50  }
0x4a: {  	v3 =	vor.u32 v3, v4  }
0x4b: {  	v4 =	vperm.xlane v3, v0;
	_ =	sdelay $0x1  }
0x4c: {  	v4 =	vadd.s32 v1, v4;
	_ =	sdelay $0x4  }
0x4d: {  	[tilespmem:s25], [sflag:$0x2] =	stream.indirect_vreg.gather [hbm4b:s3+s2], $0x80, v4, vm0, $0xb8;
	[tilespmem:$0x10100] =	vst v63  }
0x4e: {  	s16 =	simm.s32 $0x8900;
	v3 =	vperm.xlane v3, v2  }
0x4f: {  	[tilespmem:s16], [sflag:$0x2] =	stream.indirect_vreg.gather [hbm4b:s4+s2], $0x80, v4, vm0, $0xb8;
	[tilespmem:$0x10100] =	vst v63  }
0x50: {  	s17 =	simm.s32 $0x9100;
	v3 =	vadd.s32 v1, v3  }
0x51: {  	[tilespmem:s17], [sflag:$0x2] =	stream.indirect_vreg.gather [hbm4b:s5+s2], $0x80, v4, vm0, $0xb8;
	[tilespmem:$0x10100] =	vst v63  }
0x52: {  	s20 =	simm.s32 $0x9900  }
0x53: {  	[tilespmem:s20], [sflag:$0x2] =	stream.indirect_vreg.gather [hbm4b:s6+s2], $0x80, v4, vm0, $0xb8;
	[tilespmem:$0x10100] =	vst v63  }
0x54: {  	s21 =	simm.s32 $0xA100  }
0x55: {  	[tilespmem:s21], [sflag:$0x2] =	stream.indirect_vreg.gather [hbm4b:s3+s2], $0x80, v3, vm0, $0xb8;
	[tilespmem:$0x10100] =	vst v63  }
0x56: {  	s22 =	simm.s32 $0xA900  }
0x57: {  	[tilespmem:s22], [sflag:$0x2] =	stream.indirect_vreg.gather [hbm4b:s4+s2], $0x80, v3, vm0, $0xb8;
	[tilespmem:$0x10100] =	vst v63  }
0x58: {  	s24 =	simm.s32 $0xB100  }
0x59: {  	[tilespmem:s24], [sflag:$0x2] =	stream.indirect_vreg.gather [hbm4b:s5+s2], $0x80, v3, vm0, $0xb8;
	[tilespmem:$0x10100] =	vst v63  }
0x5a: {  	s26 =	simm.s32 $0xB900  }
0x5b: {  	[tilespmem:s26], [sflag:$0x2] =	stream.indirect_vreg.gather [hbm4b:s6+s2], $0x80, v3, vm0, $0xb8;
	[tilespmem:$0x10100] =	vst v63  }
0x5c: {  	v3 =	vld [tilespmem:$0x30];
	_ =	sdelay $0x4  }
0x5d: {  	v51 =	vshll.u32 v3, $0x3  }
0x5e: {  	v3 =	vand.u32 $0x7, v3;
	v4 =	vand.u32 $0xFFFFFFC0, v51  }
0x5f: {  	v3 =	vor.u32 v3, v4  }
0x60: {  	v4 =	vperm.xlane v3, v0;
	_ =	sdelay $0x1  }
0x61: {  	v4 =	vadd.s32 v1, v4;
	_ =	sdelay $0x3  }
0x62: {  	s31 =	simm.s32 $0xC100  }
0x63: {  	[tilespmem:s31], [sflag:$0x2] =	stream.indirect_vreg.gather [hbm4b:s3+s2], $0x80, v4, vm0, $0xb8;
	[tilespmem:$0x10100] =	vst v63  }
0x64: {  	s0 =	simm.s32 $0xC900;
	v3 =	vperm.xlane v3, v2  }
0x65: {  	[tilespmem:s0], [sflag:$0x2] =	stream.indirect_vreg.gather [hbm4b:s4+s2], $0x80, v4, vm0, $0xb8;
	[tilespmem:$0x10100] =	vst v63  }
0x66: {  	s15 =	simm.s32 $0xD100;
	v3 =	vadd.s32 v1, v3  }
0x67: {  	[tilespmem:s15], [sflag:$0x2] =	stream.indirect_vreg.gather [hbm4b:s5+s2], $0x80, v4, vm0, $0xb8;
	[tilespmem:$0x10100] =	vst v63  }
0x68: {  	s16 =	simm.s32 $0xD900  }
0x69: {  	[tilespmem:s16], [sflag:$0x2] =	stream.indirect_vreg.gather [hbm4b:s6+s2], $0x80, v4, vm0, $0xb8;
	[tilespmem:$0x10100] =	vst v63  }
0x6a: {  	s17 =	simm.s32 $0xE100  }
0x6b: {  	[tilespmem:s17], [sflag:$0x2] =	stream.indirect_vreg.gather [hbm4b:s3+s2], $0x80, v3, vm0, $0xb8;
	[tilespmem:$0x10100] =	vst v63  }
0x6c: {  	s21 =	simm.s32 $0xE900  }
0x6d: {  	[tilespmem:s21], [sflag:$0x2] =	stream.indirect_vreg.gather [hbm4b:s4+s2], $0x80, v3, vm0, $0xb8;
	[tilespmem:$0x10100] =	vst v63  }
0x6e: {  	s0 =	simm.s32 $0xF100  }
0x6f: {  	[tilespmem:s0], [sflag:$0x2] =	stream.indirect_vreg.gather [hbm4b:s5+s2], $0x80, v3, vm0, $0xb8;
	[tilespmem:$0x10100] =	vst v63  }
0x70: {  	s15 =	simm.s32 $0xF900  }
0x71: {  	[tilespmem:s15], [sflag:$0x2] =	stream.indirect_vreg.gather [hbm4b:s6+s2], $0x80, v3, vm0, $0xb8;
	[tilespmem:$0x10100] =	vst v63  }
0x72: {  	_ =	swait.ge [sflag:s18], $0x8000  }
0x73: {  	[sflag:s18] =	ssyncset.done $0x0  }
0x74: {  	s16 =	rddreg [dreg:$0x4];
	[sflag:s18] =	ssyncadd.s32 $0xFFFF8000  }
0x75: {  	[hbm4b:s16+s2] =	stream.linear.scatter [tilespmem:s23], [sflag:$0x3], $0x8000, $0x38;
	[tilespmem:$0x10100] =	vst v63  }
0x76: {  	_ =	swait.ge [sflag:s8], $0x8000  }
0x77: {  	[sflag:s8] =	ssyncset.done $0x0  }
0x78: {  	[sflag:s8] =	ssyncadd.s32 $0xFFFF8000  }
0x79: {  	_ =	swait.ge [sflag:s19], $0x8000  }
0x7a: {  	[sflag:s19] =	ssyncset.done $0x0  }
0x7b: {  	s17 =	rddreg [dreg:$0x5];
	[sflag:s19] =	ssyncadd.s32 $0xFFFF8000  }
0x7c: {  	[hbm4b:s17+s2] =	stream.linear.scatter [tilespmem:s25], [sflag:$0x3], $0x8000, $0x38;
	[tilespmem:$0x10100] =	vst v63  }
0x7d: {  	_ =	swait.ge [sflag:s8], $0x8000  }
0x7e: {  	[sflag:s8] =	ssyncset.done $0x0  }
0x7f: {  	[sflag:s8] =	ssyncadd.s32 $0xFFFF8000  }
0x80: {  	v3 =	vld [tilespmem:$0x40];
	_ =	sdelay $0x4  }
0x81: {  	v52 =	vshll.u32 v3, $0x3  }
0x82: {  	v3 =	vand.u32 $0x7, v3;
	v4 =	vand.u32 $0xFFFFFFC0, v52  }
0x83: {  	v3 =	vor.u32 v3, v4  }
0x84: {  	v4 =	vperm.xlane v3, v0;
	_ =	sdelay $0x1  }
0x85: {  	v4 =	vadd.s32 v1, v4;
	_ =	sdelay $0x4  }
0x86: {  	[tilespmem:s23], [sflag:$0x1] =	stream.indirect_vreg.gather [hbm4b:s3+s2], $0x80, v4, vm0, $0xb8;
	[tilespmem:$0x10100] =	vst v63  }
0x87: {  	s14 =	simm.s32 $0x900;
	v3 =	vperm.xlane v3, v2  }
0x88: {  	[tilespmem:s14], [sflag:$0x1] =	stream.indirect_vreg.gather [hbm4b:s4+s2], $0x80, v4, vm0, $0xb8;
	[tilespmem:$0x10100] =	vst v63  }
0x89: {  	s1 =	simm.s32 $0x1100;
	v3 =	vadd.s32 v1, v3  }
0x8a: {  	[tilespmem:s1], [sflag:$0x1] =	stream.indirect_vreg.gather [hbm4b:s5+s2], $0x80, v4, vm0, $0xb8;
	[tilespmem:$0x10100] =	vst v63  }
0x8b: {  	s9 =	simm.s32 $0x1900  }
0x8c: {  	[tilespmem:s9], [sflag:$0x1] =	stream.indirect_vreg.gather [hbm4b:s6+s2], $0x80, v4, vm0, $0xb8;
	[tilespmem:$0x10100] =	vst v63  }
0x8d: {  	s10 =	simm.s32 $0x2100  }
0x8e: {  	[tilespmem:s10], [sflag:$0x1] =	stream.indirect_vreg.gather [hbm4b:s3+s2], $0x80, v3, vm0, $0xb8;
	[tilespmem:$0x10100] =	vst v63  }
0x8f: {  	s11 =	simm.s32 $0x2900  }
0x90: {  	[tilespmem:s11], [sflag:$0x1] =	stream.indirect_vreg.gather [hbm4b:s4+s2], $0x80, v3, vm0, $0xb8;
	[tilespmem:$0x10100] =	vst v63  }
0x91: {  	s12 =	simm.s32 $0x3100  }
0x92: {  	[tilespmem:s12], [sflag:$0x1] =	stream.indirect_vreg.gather [hbm4b:s5+s2], $0x80, v3, vm0, $0xb8;
	[tilespmem:$0x10100] =	vst v63  }
0x93: {  	s17 =	simm.s32 $0x3900  }
0x94: {  	[tilespmem:s17], [sflag:$0x1] =	stream.indirect_vreg.gather [hbm4b:s6+s2], $0x80, v3, vm0, $0xb8;
	[tilespmem:$0x10100] =	vst v63  }
0x95: {  	v3 =	vld [tilespmem:$0x50];
	_ =	sdelay $0x4  }
0x96: {  	v53 =	vshll.u32 v3, $0x3  }
0x97: {  	v3 =	vand.u32 $0x7, v3;
	v4 =	vand.u32 $0xFFFFFFC0, v53  }
0x98: {  	v3 =	vor.u32 v3, v4  }
0x99: {  	v4 =	vperm.xlane v3, v0;
	_ =	sdelay $0x1  }
0x9a: {  	v4 =	vadd.s32 v1, v4;
	_ =	sdelay $0x3  }
0x9b: {  	s15 =	simm.s32 $0x4100  }
0x9c: {  	[tilespmem:s15], [sflag:$0x1] =	stream.indirect_vreg.gather [hbm4b:s3+s2], $0x80, v4, vm0, $0xb8;
	[tilespmem:$0x10100] =	vst v63  }
0x9d: {  	s16 =	simm.s32 $0x4900;
	v3 =	vperm.xlane v3, v2  }
0x9e: {  	[tilespmem:s16], [sflag:$0x1] =	stream.indirect_vreg.gather [hbm4b:s4+s2], $0x80, v4, vm0, $0xb8;
	[tilespmem:$0x10100] =	vst v63  }
0x9f: {  	s0 =	simm.s32 $0x5100;
	v3 =	vadd.s32 v1, v3  }
0xa0: {  	[tilespmem:s0], [sflag:$0x1] =	stream.indirect_vreg.gather [hbm4b:s5+s2], $0x80, v4, vm0, $0xb8;
	[tilespmem:$0x10100] =	vst v63  }
0xa1: {  	s1 =	simm.s32 $0x5900  }
0xa2: {  	[tilespmem:s1], [sflag:$0x1] =	stream.indirect_vreg.gather [hbm4b:s6+s2], $0x80, v4, vm0, $0xb8;
	[tilespmem:$0x10100] =	vst v63  }
0xa3: {  	s9 =	simm.s32 $0x6100  }
0xa4: {  	[tilespmem:s9], [sflag:$0x1] =	stream.indirect_vreg.gather [hbm4b:s3+s2], $0x80, v3, vm0, $0xb8;
	[tilespmem:$0x10100] =	vst v63  }
0xa5: {  	s10 =	simm.s32 $0x6900  }
0xa6: {  	[tilespmem:s10], [sflag:$0x1] =	stream.indirect_vreg.gather [hbm4b:s4+s2], $0x80, v3, vm0, $0xb8;
	[tilespmem:$0x10100] =	vst v63  }
0xa7: {  	s11 =	simm.s32 $0x7100  }
0xa8: {  	[tilespmem:s11], [sflag:$0x1] =	stream.indirect_vreg.gather [hbm4b:s5+s2], $0x80, v3, vm0, $0xb8;
	[tilespmem:$0x10100] =	vst v63  }
0xa9: {  	s13 =	simm.s32 $0x7900  }
0xaa: {  	[tilespmem:s13], [sflag:$0x1] =	stream.indirect_vreg.gather [hbm4b:s6+s2], $0x80, v3, vm0, $0xb8;
	[tilespmem:$0x10100] =	vst v63  }
0xab: {  	v3 =	vld [tilespmem:$0x60];
	_ =	sdelay $0x4  }
0xac: {  	v54 =	vshll.u32 v3, $0x3  }
0xad: {  	v3 =	vand.u32 $0x7, v3;
	v4 =	vand.u32 $0xFFFFFFC0, v54  }
0xae: {  	v3 =	vor.u32 v3, v4  }
0xaf: {  	v4 =	vperm.xlane v3, v0;
	_ =	sdelay $0x1  }
0xb0: {  	v4 =	vadd.s32 v1, v4;
	_ =	sdelay $0x4  }
0xb1: {  	[tilespmem:s25], [sflag:$0x2] =	stream.indirect_vreg.gather [hbm4b:s3+s2], $0x80, v4, vm0, $0xb8;
	[tilespmem:$0x10100] =	vst v63  }
0xb2: {  	s14 =	simm.s32 $0x8900;
	v3 =	vperm.xlane v3, v2  }
0xb3: {  	[tilespmem:s14], [sflag:$0x2] =	stream.indirect_vreg.gather [hbm4b:s4+s2], $0x80, v4, vm0, $0xb8;
	[tilespmem:$0x10100] =	vst v63  }
0xb4: {  	s12 =	simm.s32 $0x9100;
	v3 =	vadd.s32 v1, v3  }
0xb5: {  	[tilespmem:s12], [sflag:$0x2] =	stream.indirect_vreg.gather [hbm4b:s5+s2], $0x80, v4, vm0, $0xb8;
	[tilespmem:$0x10100] =	vst v63  }
0xb6: {  	s13 =	simm.s32 $0x9900  }
0xb7: {  	[tilespmem:s13], [sflag:$0x2] =	stream.indirect_vreg.gather [hbm4b:s6+s2], $0x80, v4, vm0, $0xb8;
	[tilespmem:$0x10100] =	vst v63  }
0xb8: {  	s28 =	simm.s32 $0xA100  }
0xb9: {  	[tilespmem:s28], [sflag:$0x2] =	stream.indirect_vreg.gather [hbm4b:s3+s2], $0x80, v3, vm0, $0xb8;
	[tilespmem:$0x10100] =	vst v63  }
0xba: {  	s29 =	simm.s32 $0xA900  }
0xbb: {  	[tilespmem:s29], [sflag:$0x2] =	stream.indirect_vreg.gather [hbm4b:s4+s2], $0x80, v3, vm0, $0xb8;
	[tilespmem:$0x10100] =	vst v63  }
0xbc: {  	s30 =	simm.s32 $0xB100  }
0xbd: {  	[tilespmem:s30], [sflag:$0x2] =	stream.indirect_vreg.gather [hbm4b:s5+s2], $0x80, v3, vm0, $0xb8;
	[tilespmem:$0x10100] =	vst v63  }
0xbe: {  	s22 =	simm.s32 $0xB900  }
0xbf: {  	[tilespmem:s22], [sflag:$0x2] =	stream.indirect_vreg.gather [hbm4b:s6+s2], $0x80, v3, vm0, $0xb8;
	[tilespmem:$0x10100] =	vst v63  }
0xc0: {  	v3 =	vld [tilespmem:$0x70];
	_ =	sdelay $0x4  }
0xc1: {  	v55 =	vshll.u32 v3, $0x3  }
0xc2: {  	v3 =	vand.u32 $0x7, v3;
	v4 =	vand.u32 $0xFFFFFFC0, v55  }
0xc3: {  	v3 =	vor.u32 v3, v4  }
0xc4: {  	v4 =	vperm.xlane v3, v0;
	_ =	sdelay $0x1  }
0xc5: {  	v4 =	vadd.s32 v1, v4;
	_ =	sdelay $0x3  }
0xc6: {  	s24 =	simm.s32 $0xC100  }
0xc7: {  	[tilespmem:s24], [sflag:$0x2] =	stream.indirect_vreg.gather [hbm4b:s3+s2], $0x80, v4, vm0, $0xb8;
	[tilespmem:$0x10100] =	vst v63  }
0xc8: {  	s26 =	simm.s32 $0xC900;
	v3 =	vperm.xlane v3, v2  }
0xc9: {  	[tilespmem:s26], [sflag:$0x2] =	stream.indirect_vreg.gather [hbm4b:s4+s2], $0x80, v4, vm0, $0xb8;
	[tilespmem:$0x10100] =	vst v63  }
0xca: {  	s31 =	simm.s32 $0xD100;
	v3 =	vadd.s32 v1, v3  }
0xcb: {  	[tilespmem:s31], [sflag:$0x2] =	stream.indirect_vreg.gather [hbm4b:s5+s2], $0x80, v4, vm0, $0xb8;
	[tilespmem:$0x10100] =	vst v63  }
0xcc: {  	s22 =	simm.s32 $0xD900  }
0xcd: {  	[tilespmem:s22], [sflag:$0x2] =	stream.indirect_vreg.gather [hbm4b:s6+s2], $0x80, v4, vm0, $0xb8;
	[tilespmem:$0x10100] =	vst v63  }
0xce: {  	s24 =	simm.s32 $0xE100  }
0xcf: {  	[tilespmem:s24], [sflag:$0x2] =	stream.indirect_vreg.gather [hbm4b:s3+s2], $0x80, v3, vm0, $0xb8;
	[tilespmem:$0x10100] =	vst v63  }
0xd0: {  	s26 =	simm.s32 $0xE900  }
0xd1: {  	[tilespmem:s26], [sflag:$0x2] =	stream.indirect_vreg.gather [hbm4b:s4+s2], $0x80, v3, vm0, $0xb8;
	[tilespmem:$0x10100] =	vst v63  }
0xd2: {  	s30 =	simm.s32 $0xF100  }
0xd3: {  	[tilespmem:s30], [sflag:$0x2] =	stream.indirect_vreg.gather [hbm4b:s5+s2], $0x80, v3, vm0, $0xb8;
	[tilespmem:$0x10100] =	vst v63  }
0xd4: {  	s21 =	simm.s32 $0xF900  }
0xd5: {  	[tilespmem:s21], [sflag:$0x2] =	stream.indirect_vreg.gather [hbm4b:s6+s2], $0x80, v3, vm0, $0xb8;
	[tilespmem:$0x10100] =	vst v63  }
0xd6: {  	_ =	swait.ge [sflag:s18], $0x8000  }
0xd7: {  	[sflag:s18] =	ssyncset.done $0x0  }
0xd8: {  	s21 =	rddreg [dreg:$0x6];
	[sflag:s18] =	ssyncadd.s32 $0xFFFF8000  }
0xd9: {  	[hbm4b:s21+s2] =	stream.linear.scatter [tilespmem:s23], [sflag:$0x3], $0x8000, $0x38;
	[tilespmem:$0x10100] =	vst v63  }
0xda: {  	_ =	swait.ge [sflag:s8], $0x8000  }
0xdb: {  	[sflag:s8] =	ssyncset.done $0x0  }
0xdc: {  	[sflag:s8] =	ssyncadd.s32 $0xFFFF8000  }
0xdd: {  	_ =	swait.ge [sflag:s19], $0x8000  }
0xde: {  	[sflag:s19] =	ssyncset.done $0x0  }
0xdf: {  	s26 =	rddreg [dreg:$0x7];
	[sflag:s19] =	ssyncadd.s32 $0xFFFF8000  }
0xe0: {  	[hbm4b:s26+s2] =	stream.linear.scatter [tilespmem:s25], [sflag:$0x3], $0x8000, $0x38;
	[tilespmem:$0x10100] =	vst v63  }
0xe1: {  	_ =	swait.ge [sflag:s8], $0x8000  }
0xe2: {  	[sflag:s8] =	ssyncset.done $0x0  }
0xe3: {  	[sflag:s8] =	ssyncadd.s32 $0xFFFF8000  }
0xe4: {  	v3 =	vld [tilespmem:$0x80];
	_ =	sdelay $0x4  }
0xe5: {  	v56 =	vshll.u32 v3, $0x3  }
0xe6: {  	v3 =	vand.u32 $0x7, v3;
	v4 =	vand.u32 $0xFFFFFFC0, v56  }
0xe7: {  	v3 =	vor.u32 v3, v4  }
0xe8: {  	v4 =	vperm.xlane v3, v0;
	_ =	sdelay $0x1  }
0xe9: {  	v4 =	vadd.s32 v1, v4;
	_ =	sdelay $0x4  }
0xea: {  	[tilespmem:s23], [sflag:$0x1] =	stream.indirect_vreg.gather [hbm4b:s3+s2], $0x80, v4, vm0, $0xb8;
	[tilespmem:$0x10100] =	vst v63  }
0xeb: {  	s21 =	simm.s32 $0x900;
	v3 =	vperm.xlane v3, v2  }
0xec: {  	[tilespmem:s21], [sflag:$0x1] =	stream.indirect_vreg.gather [hbm4b:s4+s2], $0x80, v4, vm0, $0xb8;
	[tilespmem:$0x10100] =	vst v63  }
0xed: {  	s26 =	simm.s32 $0x1100;
	v3 =	vadd.s32 v1, v3  }
0xee: {  	[tilespmem:s26], [sflag:$0x1] =	stream.indirect_vreg.gather [hbm4b:s5+s2], $0x80, v4, vm0, $0xb8;
	[tilespmem:$0x10100] =	vst v63  }
0xef: {  	s21 =	simm.s32 $0x1900  }
0xf0: {  	[tilespmem:s21], [sflag:$0x1] =	stream.indirect_vreg.gather [hbm4b:s6+s2], $0x80, v4, vm0, $0xb8;
	[tilespmem:$0x10100] =	vst v63  }
0xf1: {  	s26 =	simm.s32 $0x2100  }
0xf2: {  	[tilespmem:s26], [sflag:$0x1] =	stream.indirect_vreg.gather [hbm4b:s3+s2], $0x80, v3, vm0, $0xb8;
	[tilespmem:$0x10100] =	vst v63  }
0xf3: {  	s21 =	simm.s32 $0x2900  }
0xf4: {  	[tilespmem:s21], [sflag:$0x1] =	stream.indirect_vreg.gather [hbm4b:s4+s2], $0x80, v3, vm0, $0xb8;
	[tilespmem:$0x10100] =	vst v63  }
0xf5: {  	s26 =	simm.s32 $0x3100  }
0xf6: {  	[tilespmem:s26], [sflag:$0x1] =	stream.indirect_vreg.gather [hbm4b:s5+s2], $0x80, v3, vm0, $0xb8;
	[tilespmem:$0x10100] =	vst v63  }
0xf7: {  	_ = 	snop  }
0xf8: {  	[tilespmem:s17], [sflag:$0x1] =	stream.indirect_vreg.gather [hbm4b:s6+s2], $0x80, v3, vm0, $0xb8;
	[tilespmem:$0x10100] =	vst v63  }
0xf9: {  	v3 =	vld [tilespmem:$0x90];
	_ =	sdelay $0x4  }
0xfa: {  	v57 =	vshll.u32 v3, $0x3  }
0xfb: {  	v3 =	vand.u32 $0x7, v3;
	v4 =	vand.u32 $0xFFFFFFC0, v57  }
0xfc: {  	v3 =	vor.u32 v3, v4  }
0xfd: {  	v4 =	vperm.xlane v3, v0;
	_ =	sdelay $0x1  }
0xfe: {  	v4 =	vadd.s32 v1, v4;
	_ =	sdelay $0x4  }
0xff: {  	[tilespmem:s15], [sflag:$0x1] =	stream.indirect_vreg.gather [hbm4b:s3+s2], $0x80, v4, vm0, $0xb8;
	[tilespmem:$0x10100] =	vst v63  }
0x100: {  	v3 =	vperm.xlane v3, v2  }
0x101: {  	[tilespmem:s16], [sflag:$0x1] =	stream.indirect_vreg.gather [hbm4b:s4+s2], $0x80, v4, vm0, $0xb8;
	[tilespmem:$0x10100] =	vst v63  }
0x102: {  	v3 =	vadd.s32 v1, v3  }
0x103: {  	[tilespmem:s0], [sflag:$0x1] =	stream.indirect_vreg.gather [hbm4b:s5+s2], $0x80, v4, vm0, $0xb8;
	[tilespmem:$0x10100] =	vst v63  }
0x104: {  	_ = 	snop  }
0x105: {  	[tilespmem:s1], [sflag:$0x1] =	stream.indirect_vreg.gather [hbm4b:s6+s2], $0x80, v4, vm0, $0xb8;
	[tilespmem:$0x10100] =	vst v63  }
0x106: {  	_ = 	snop  }
0x107: {  	[tilespmem:s9], [sflag:$0x1] =	stream.indirect_vreg.gather [hbm4b:s3+s2], $0x80, v3, vm0, $0xb8;
	[tilespmem:$0x10100] =	vst v63  }
0x108: {  	_ = 	snop  }
0x109: {  	[tilespmem:s10], [sflag:$0x1] =	stream.indirect_vreg.gather [hbm4b:s4+s2], $0x80, v3, vm0, $0xb8;
	[tilespmem:$0x10100] =	vst v63  }
0x10a: {  	_ = 	snop  }
0x10b: {  	[tilespmem:s11], [sflag:$0x1] =	stream.indirect_vreg.gather [hbm4b:s5+s2], $0x80, v3, vm0, $0xb8;
	[tilespmem:$0x10100] =	vst v63  }
0x10c: {  	s21 =	simm.s32 $0x7900  }
0x10d: {  	[tilespmem:s21], [sflag:$0x1] =	stream.indirect_vreg.gather [hbm4b:s6+s2], $0x80, v3, vm0, $0xb8;
	[tilespmem:$0x10100] =	vst v63  }
0x10e: {  	v3 =	vld [tilespmem:$0xA0];
	_ =	sdelay $0x4  }
0x10f: {  	v58 =	vshll.u32 v3, $0x3  }
0x110: {  	v3 =	vand.u32 $0x7, v3;
	v4 =	vand.u32 $0xFFFFFFC0, v58  }
0x111: {  	v3 =	vor.u32 v3, v4  }
0x112: {  	v4 =	vperm.xlane v3, v0;
	_ =	sdelay $0x1  }
0x113: {  	v4 =	vadd.s32 v1, v4;
	_ =	sdelay $0x4  }
0x114: {  	[tilespmem:s25], [sflag:$0x2] =	stream.indirect_vreg.gather [hbm4b:s3+s2], $0x80, v4, vm0, $0xb8;
	[tilespmem:$0x10100] =	vst v63  }
0x115: {  	v3 =	vperm.xlane v3, v2  }
0x116: {  	[tilespmem:s14], [sflag:$0x2] =	stream.indirect_vreg.gather [hbm4b:s4+s2], $0x80, v4, vm0, $0xb8;
	[tilespmem:$0x10100] =	vst v63  }
0x117: {  	v3 =	vadd.s32 v1, v3  }
0x118: {  	[tilespmem:s12], [sflag:$0x2] =	stream.indirect_vreg.gather [hbm4b:s5+s2], $0x80, v4, vm0, $0xb8;
	[tilespmem:$0x10100] =	vst v63  }
0x119: {  	_ = 	snop  }
0x11a: {  	[tilespmem:s13], [sflag:$0x2] =	stream.indirect_vreg.gather [hbm4b:s6+s2], $0x80, v4, vm0, $0xb8;
	[tilespmem:$0x10100] =	vst v63  }
0x11b: {  	s26 =	simm.s32 $0xA100  }
0x11c: {  	[tilespmem:s26], [sflag:$0x2] =	stream.indirect_vreg.gather [hbm4b:s3+s2], $0x80, v3, vm0, $0xb8;
	[tilespmem:$0x10100] =	vst v63  }
0x11d: {  	s28 =	simm.s32 $0xA900  }
0x11e: {  	[tilespmem:s28], [sflag:$0x2] =	stream.indirect_vreg.gather [hbm4b:s4+s2], $0x80, v3, vm0, $0xb8;
	[tilespmem:$0x10100] =	vst v63  }
0x11f: {  	s29 =	simm.s32 $0xB100  }
0x120: {  	[tilespmem:s29], [sflag:$0x2] =	stream.indirect_vreg.gather [hbm4b:s5+s2], $0x80, v3, vm0, $0xb8;
	[tilespmem:$0x10100] =	vst v63  }
0x121: {  	s21 =	simm.s32 $0xB900  }
0x122: {  	[tilespmem:s21], [sflag:$0x2] =	stream.indirect_vreg.gather [hbm4b:s6+s2], $0x80, v3, vm0, $0xb8;
	[tilespmem:$0x10100] =	vst v63  }
0x123: {  	v3 =	vld [tilespmem:$0xB0];
	_ =	sdelay $0x4  }
0x124: {  	v59 =	vshll.u32 v3, $0x3  }
0x125: {  	v3 =	vand.u32 $0x7, v3;
	v4 =	vand.u32 $0xFFFFFFC0, v59  }
0x126: {  	v3 =	vor.u32 v3, v4  }
0x127: {  	v4 =	vperm.xlane v3, v0;
	_ =	sdelay $0x1  }
0x128: {  	v4 =	vadd.s32 v1, v4;
	_ =	sdelay $0x3  }
0x129: {  	s29 =	simm.s32 $0xC100  }
0x12a: {  	[tilespmem:s29], [sflag:$0x2] =	stream.indirect_vreg.gather [hbm4b:s3+s2], $0x80, v4, vm0, $0xb8;
	[tilespmem:$0x10100] =	vst v63  }
0x12b: {  	s21 =	simm.s32 $0xC900;
	v3 =	vperm.xlane v3, v2  }
0x12c: {  	[tilespmem:s21], [sflag:$0x2] =	stream.indirect_vreg.gather [hbm4b:s4+s2], $0x80, v4, vm0, $0xb8;
	[tilespmem:$0x10100] =	vst v63  }
0x12d: {  	v3 =	vadd.s32 v1, v3;
	s29 =	simm.s32 $0xD100  }
0x12e: {  	[tilespmem:s29], [sflag:$0x2] =	stream.indirect_vreg.gather [hbm4b:s5+s2], $0x80, v4, vm0, $0xb8;
	[tilespmem:$0x10100] =	vst v63  }
0x12f: {  	s22 =	simm.s32 $0xD900  }
0x130: {  	[tilespmem:s22], [sflag:$0x2] =	stream.indirect_vreg.gather [hbm4b:s6+s2], $0x80, v4, vm0, $0xb8;
	[tilespmem:$0x10100] =	vst v63  }
0x131: {  	s31 =	simm.s32 $0xE100  }
0x132: {  	[tilespmem:s31], [sflag:$0x2] =	stream.indirect_vreg.gather [hbm4b:s3+s2], $0x80, v3, vm0, $0xb8;
	[tilespmem:$0x10100] =	vst v63  }
0x133: {  	s24 =	simm.s32 $0xE900  }
0x134: {  	[tilespmem:s24], [sflag:$0x2] =	stream.indirect_vreg.gather [hbm4b:s4+s2], $0x80, v3, vm0, $0xb8;
	[tilespmem:$0x10100] =	vst v63  }
0x135: {  	s30 =	simm.s32 $0xF100  }
0x136: {  	[tilespmem:s30], [sflag:$0x2] =	stream.indirect_vreg.gather [hbm4b:s5+s2], $0x80, v3, vm0, $0xb8;
	[tilespmem:$0x10100] =	vst v63  }
0x137: {  	s30 =	simm.s32 $0xF900  }
0x138: {  	[tilespmem:s30], [sflag:$0x2] =	stream.indirect_vreg.gather [hbm4b:s6+s2], $0x80, v3, vm0, $0xb8;
	[tilespmem:$0x10100] =	vst v63  }
0x139: {  	_ =	swait.ge [sflag:s18], $0x8000  }
0x13a: {  	[sflag:s18] =	ssyncset.done $0x0  }
0x13b: {  	s31 =	rddreg [dreg:$0x8];
	[sflag:s18] =	ssyncadd.s32 $0xFFFF8000  }
0x13c: {  	[hbm4b:s31+s2] =	stream.linear.scatter [tilespmem:s23], [sflag:$0x3], $0x8000, $0x38;
	[tilespmem:$0x10100] =	vst v63  }
0x13d: {  	_ =	swait.ge [sflag:s8], $0x8000  }
0x13e: {  	[sflag:s8] =	ssyncset.done $0x0  }
0x13f: {  	[sflag:s8] =	ssyncadd.s32 $0xFFFF8000  }
0x140: {  	_ =	swait.ge [sflag:s19], $0x8000  }
0x141: {  	[sflag:s19] =	ssyncset.done $0x0  }
0x142: {  	s31 =	rddreg [dreg:$0x9];
	[sflag:s19] =	ssyncadd.s32 $0xFFFF8000  }
0x143: {  	[hbm4b:s31+s2] =	stream.linear.scatter [tilespmem:s25], [sflag:$0x3], $0x8000, $0x38;
	[tilespmem:$0x10100] =	vst v63  }
0x144: {  	_ =	swait.ge [sflag:s8], $0x8000  }
0x145: {  	[sflag:s8] =	ssyncset.done $0x0  }
0x146: {  	[sflag:s8] =	ssyncadd.s32 $0xFFFF8000  }
0x147: {  	v3 =	vld [tilespmem:$0xC0];
	_ =	sdelay $0x4  }
0x148: {  	v60 =	vshll.u32 v3, $0x3  }
0x149: {  	v3 =	vand.u32 $0x7, v3;
	v4 =	vand.u32 $0xFFFFFFC0, v60  }
0x14a: {  	v3 =	vor.u32 v3, v4  }
0x14b: {  	v4 =	vperm.xlane v3, v0;
	_ =	sdelay $0x1  }
0x14c: {  	v4 =	vadd.s32 v1, v4;
	_ =	sdelay $0x4  }
0x14d: {  	[tilespmem:s23], [sflag:$0x1] =	stream.indirect_vreg.gather [hbm4b:s3+s2], $0x80, v4, vm0, $0xb8;
	[tilespmem:$0x10100] =	vst v63  }
0x14e: {  	s31 =	simm.s32 $0x900;
	v3 =	vperm.xlane v3, v2  }
0x14f: {  	[tilespmem:s31], [sflag:$0x1] =	stream.indirect_vreg.gather [hbm4b:s4+s2], $0x80, v4, vm0, $0xb8;
	[tilespmem:$0x10100] =	vst v63  }
0x150: {  	v3 =	vadd.s32 v1, v3;
	s31 =	simm.s32 $0x1100  }
0x151: {  	[tilespmem:s31], [sflag:$0x1] =	stream.indirect_vreg.gather [hbm4b:s5+s2], $0x80, v4, vm0, $0xb8;
	[tilespmem:$0x10100] =	vst v63  }
0x152: {  	s31 =	simm.s32 $0x1900  }
0x153: {  	[tilespmem:s31], [sflag:$0x1] =	stream.indirect_vreg.gather [hbm4b:s6+s2], $0x80, v4, vm0, $0xb8;
	[tilespmem:$0x10100] =	vst v63  }
0x154: {  	s31 =	simm.s32 $0x2100  }
0x155: {  	[tilespmem:s31], [sflag:$0x1] =	stream.indirect_vreg.gather [hbm4b:s3+s2], $0x80, v3, vm0, $0xb8;
	[tilespmem:$0x10100] =	vst v63  }
0x156: {  	s31 =	simm.s32 $0x2900  }
0x157: {  	[tilespmem:s31], [sflag:$0x1] =	stream.indirect_vreg.gather [hbm4b:s4+s2], $0x80, v3, vm0, $0xb8;
	[tilespmem:$0x10100] =	vst v63  }
0x158: {  	s31 =	simm.s32 $0x3100  }
0x159: {  	[tilespmem:s31], [sflag:$0x1] =	stream.indirect_vreg.gather [hbm4b:s5+s2], $0x80, v3, vm0, $0xb8;
	[tilespmem:$0x10100] =	vst v63  }
0x15a: {  	s17 =	simm.s32 $0x3900  }
0x15b: {  	[tilespmem:s17], [sflag:$0x1] =	stream.indirect_vreg.gather [hbm4b:s6+s2], $0x80, v3, vm0, $0xb8;
	[tilespmem:$0x10100] =	vst v63  }
0x15c: {  	v3 =	vld [tilespmem:$0xD0];
	_ =	sdelay $0x4  }
0x15d: {  	v61 =	vshll.u32 v3, $0x3  }
0x15e: {  	v3 =	vand.u32 $0x7, v3;
	v4 =	vand.u32 $0xFFFFFFC0, v61  }
0x15f: {  	v3 =	vor.u32 v3, v4  }
0x160: {  	v4 =	vperm.xlane v3, v0;
	_ =	sdelay $0x1  }
0x161: {  	v4 =	vadd.s32 v1, v4;
	_ =	sdelay $0x3  }
0x162: {  	s15 =	simm.s32 $0x4100  }
0x163: {  	[tilespmem:s15], [sflag:$0x1] =	stream.indirect_vreg.gather [hbm4b:s3+s2], $0x80, v4, vm0, $0xb8;
	[tilespmem:$0x10100] =	vst v63  }
0x164: {  	s16 =	simm.s32 $0x4900;
	v3 =	vperm.xlane v3, v2  }
0x165: {  	[tilespmem:s16], [sflag:$0x1] =	stream.indirect_vreg.gather [hbm4b:s4+s2], $0x80, v4, vm0, $0xb8;
	[tilespmem:$0x10100] =	vst v63  }
0x166: {  	s0 =	simm.s32 $0x5100;
	v3 =	vadd.s32 v1, v3  }
0x167: {  	[tilespmem:s0], [sflag:$0x1] =	stream.indirect_vreg.gather [hbm4b:s5+s2], $0x80, v4, vm0, $0xb8;
	[tilespmem:$0x10100] =	vst v63  }
0x168: {  	s1 =	simm.s32 $0x5900  }
0x169: {  	[tilespmem:s1], [sflag:$0x1] =	stream.indirect_vreg.gather [hbm4b:s6+s2], $0x80, v4, vm0, $0xb8;
	[tilespmem:$0x10100] =	vst v63  }
0x16a: {  	s9 =	simm.s32 $0x6100  }
0x16b: {  	[tilespmem:s9], [sflag:$0x1] =	stream.indirect_vreg.gather [hbm4b:s3+s2], $0x80, v3, vm0, $0xb8;
	[tilespmem:$0x10100] =	vst v63  }
0x16c: {  	s10 =	simm.s32 $0x6900  }
0x16d: {  	[tilespmem:s10], [sflag:$0x1] =	stream.indirect_vreg.gather [hbm4b:s4+s2], $0x80, v3, vm0, $0xb8;
	[tilespmem:$0x10100] =	vst v63  }
0x16e: {  	s11 =	simm.s32 $0x7100  }
0x16f: {  	[tilespmem:s11], [sflag:$0x1] =	stream.indirect_vreg.gather [hbm4b:s5+s2], $0x80, v3, vm0, $0xb8;
	[tilespmem:$0x10100] =	vst v63  }
0x170: {  	s15 =	simm.s32 $0x7900  }
0x171: {  	[tilespmem:s15], [sflag:$0x1] =	stream.indirect_vreg.gather [hbm4b:s6+s2], $0x80, v3, vm0, $0xb8;
	[tilespmem:$0x10100] =	vst v63  }
0x172: {  	v3 =	vld [tilespmem:$0xE0];
	_ =	sdelay $0x4  }
0x173: {  	v62 =	vshll.u32 v3, $0x3  }
0x174: {  	v3 =	vand.u32 $0x7, v3;
	v4 =	vand.u32 $0xFFFFFFC0, v62  }
0x175: {  	v3 =	vor.u32 v3, v4  }
0x176: {  	v4 =	vperm.xlane v3, v0;
	_ =	sdelay $0x1  }
0x177: {  	v4 =	vadd.s32 v1, v4;
	_ =	sdelay $0x4  }
0x178: {  	[tilespmem:s25], [sflag:$0x2] =	stream.indirect_vreg.gather [hbm4b:s3+s2], $0x80, v4, vm0, $0xb8;
	[tilespmem:$0x10100] =	vst v63  }
0x179: {  	s14 =	simm.s32 $0x8900;
	v3 =	vperm.xlane v3, v2  }
0x17a: {  	[tilespmem:s14], [sflag:$0x2] =	stream.indirect_vreg.gather [hbm4b:s4+s2], $0x80, v4, vm0, $0xb8;
	[tilespmem:$0x10100] =	vst v63  }
0x17b: {  	s12 =	simm.s32 $0x9100;
	v3 =	vadd.s32 v1, v3  }
0x17c: {  	[tilespmem:s12], [sflag:$0x2] =	stream.indirect_vreg.gather [hbm4b:s5+s2], $0x80, v4, vm0, $0xb8;
	[tilespmem:$0x10100] =	vst v63  }
0x17d: {  	s13 =	simm.s32 $0x9900  }
0x17e: {  	[tilespmem:s13], [sflag:$0x2] =	stream.indirect_vreg.gather [hbm4b:s6+s2], $0x80, v4, vm0, $0xb8;
	[tilespmem:$0x10100] =	vst v63  }
0x17f: {  	s16 =	simm.s32 $0xA100  }
0x180: {  	[tilespmem:s16], [sflag:$0x2] =	stream.indirect_vreg.gather [hbm4b:s3+s2], $0x80, v3, vm0, $0xb8;
	[tilespmem:$0x10100] =	vst v63  }
0x181: {  	s26 =	simm.s32 $0xA900  }
0x182: {  	[tilespmem:s26], [sflag:$0x2] =	stream.indirect_vreg.gather [hbm4b:s4+s2], $0x80, v3, vm0, $0xb8;
	[tilespmem:$0x10100] =	vst v63  }
0x183: {  	s28 =	simm.s32 $0xB100  }
0x184: {  	[tilespmem:s28], [sflag:$0x2] =	stream.indirect_vreg.gather [hbm4b:s5+s2], $0x80, v3, vm0, $0xb8;
	[tilespmem:$0x10100] =	vst v63  }
0x185: {  	s17 =	simm.s32 $0xB900  }
0x186: {  	[tilespmem:s17], [sflag:$0x2] =	stream.indirect_vreg.gather [hbm4b:s6+s2], $0x80, v3, vm0, $0xb8;
	[tilespmem:$0x10100] =	vst v63  }
0x187: {  	v3 =	vld [tilespmem:$0xF0];
	_ =	sdelay $0x4  }
0x188: {  	v63 =	vshll.u32 v3, $0x3  }
0x189: {  	v3 =	vand.u32 $0x7, v3;
	v4 =	vand.u32 $0xFFFFFFC0, v63  }
0x18a: {  	v3 =	vor.u32 v3, v4  }
0x18b: {  	v4 =	vperm.xlane v3, v0;
	_ =	sdelay $0x1  }
0x18c: {  	v4 =	vadd.s32 v1, v4;
	_ =	sdelay $0x3  }
0x18d: {  	s20 =	simm.s32 $0xC100  }
0x18e: {  	[tilespmem:s20], [sflag:$0x2] =	stream.indirect_vreg.gather [hbm4b:s3+s2], $0x80, v4, vm0, $0xb8;
	[tilespmem:$0x10100] =	vst v63  }
0x18f: {  	s26 =	simm.s32 $0xC900;
	v3 =	vperm.xlane v3, v2  }
0x190: {  	[tilespmem:s26], [sflag:$0x2] =	stream.indirect_vreg.gather [hbm4b:s4+s2], $0x80, v4, vm0, $0xb8;
	[tilespmem:$0x10100] =	vst v63  }
0x191: {  	s28 =	simm.s32 $0xD100;
	v3 =	vadd.s32 v1, v3  }
0x192: {  	[tilespmem:s28], [sflag:$0x2] =	stream.indirect_vreg.gather [hbm4b:s5+s2], $0x80, v4, vm0, $0xb8;
	[tilespmem:$0x10100] =	vst v63  }
0x193: {  	s29 =	simm.s32 $0xD900  }
0x194: {  	[tilespmem:s29], [sflag:$0x2] =	stream.indirect_vreg.gather [hbm4b:s6+s2], $0x80, v4, vm0, $0xb8;
	[tilespmem:$0x10100] =	vst v63  }
0x195: {  	s21 =	simm.s32 $0xE100  }
0x196: {  	[tilespmem:s21], [sflag:$0x2] =	stream.indirect_vreg.gather [hbm4b:s3+s2], $0x80, v3, vm0, $0xb8;
	[tilespmem:$0x10100] =	vst v63  }
0x197: {  	s22 =	simm.s32 $0xE900  }
0x198: {  	[tilespmem:s22], [sflag:$0x2] =	stream.indirect_vreg.gather [hbm4b:s4+s2], $0x80, v3, vm0, $0xb8;
	[tilespmem:$0x10100] =	vst v63  }
0x199: {  	s24 =	simm.s32 $0xF100  }
0x19a: {  	[tilespmem:s24], [sflag:$0x2] =	stream.indirect_vreg.gather [hbm4b:s5+s2], $0x80, v3, vm0, $0xb8;
	[tilespmem:$0x10100] =	vst v63  }
0x19b: {  	s30 =	simm.s32 $0xF900  }
0x19c: {  	[tilespmem:s30], [sflag:$0x2] =	stream.indirect_vreg.gather [hbm4b:s6+s2], $0x80, v3, vm0, $0xb8;
	[tilespmem:$0x10100] =	vst v63  }
0x19d: {  	_ =	swait.ge [sflag:s18], $0x8000  }
0x19e: {  	[sflag:s18] =	ssyncset.done $0x0  }
0x19f: {  	s30 =	rddreg [dreg:$0xa];
	[sflag:s18] =	ssyncadd.s32 $0xFFFF8000  }
0x1a0: {  	[hbm4b:s30+s2] =	stream.linear.scatter [tilespmem:s23], [sflag:$0x3], $0x8000, $0x38;
	[tilespmem:$0x10100] =	vst v63  }
0x1a1: {  	_ =	swait.ge [sflag:s8], $0x8000  }
0x1a2: {  	[sflag:s8] =	ssyncset.done $0x0  }
0x1a3: {  	[sflag:s8] =	ssyncadd.s32 $0xFFFF8000  }
0x1a4: {  	_ =	swait.ge [sflag:s19], $0x8000  }
0x1a5: {  	p0 =	sne.s32 s7, $0x1;
	[sflag:s19] =	ssyncset.done $0x0  }
.Ltmp0:
0x1a6: {  	s31 =	rddreg [dreg:$0xb];
	[sflag:s19] =	ssyncadd.s32 $0xFFFF8000;
	(pc) =	sbr.rel @p0 .LBB2_1-.Ltmp0, $4  }
0x1a7: {  	[hbm4b:s31+s2] =	stream.linear.scatter [tilespmem:s25], [sflag:$0x3], $0x8000, $0x38;
	[tilespmem:$0x10100] =	vst v63  }
0x1a8: {  	_ =	swait.ge [sflag:s8], $0x8000  }
0x1a9: {  	[sflag:s8] =	ssyncset.done $0x0  }
0x1aa: {  	s7 =	sadd.s32 $0xFFFFFFFF, s7;
	[sflag:s8] =	ssyncadd.s32 $0xFFFF8000  }
0x1ab: {  	_ =	sfence.sel $0x180000  }
0x1ac: {  	[bflag:$0x0] =	sbarrier.arrive $0xFFFF  }
0x1ad: {  	_ =	strace $0x9000004A  }
0x1ae: {  	s0 =	stileid.u32;
	[bflag:$0x2] =	sbarrier.arrive $0xFFFF  }
0x1af: {  	p0 =	sne.s32 s0, $0x0;
	s0 =	rddreg [dreg:$0x1]  }
0x1b0: {  	s0 =	sadd.s32 @!p0 $0x100000, s0  }
0x1b1: {  	[sflag:s0] =	ssyncadd.tile.s32 @!p0 $0x1;
	_ =	shalt  }
.Lfunc_end2:
_tile_overlayer_lowered:
.L_overlay_start_2:
0x1b2: {  	(tag) =	ssettag $0x2  }
0x1b3: {  	s0 =	rddreg [dreg:$0x0];
	s2 =	stileid.u32  }
0x1b4: {  	s1 =	rddreg [dreg:$0x1];
	p0 =	sne.s32 s2, $0x0  }
0x1b5: {  	s3 =	rddreg [dreg:$0x2];
	[bflag:$0x3] =	sbarrier.arrive $0xFFFF;
	s2 =	simm.s32 @!p0 $0x1C03  }
0x1b6: {  	[timem:s3], [sflag:s2] =	dma.local @!p0 [hbm:s0], s1  }
0x1b7: {  	s0 =	simm.s32 @!p0 $0x3  }
0x1b8: {  	_ =	swait.ge @!p0 [sflag:s0], s1  }
0x1b9: {  	s1 =	ssub.s32 @!p0 $0x0, s1;
	[sflag:s0] =	ssyncset.done @!p0 $0x0  }
0x1ba: {  	[sflag:s0] =	ssyncadd.s32 @!p0 s1  }
0x1bb: {  	[bflag:$0x3] =	sbarrier.arrive $0xFFFF  }
0x1bc: {  	_ =	shalt  }

// kernel: kernel.7.cloned.1.call-start
scs
__scs_entry_jumppad:
0x0: {  	(pc) =	sbr.rel $0x88, $3  }
0x1: {  	(tag) =	ssettag $0x0;
	lr =	simm.s32 $0x1  }
0x2: {  	[smem:$0x3F98] =	sst lr;
	_ =	strace $0xD0000000  }
0x3: {  	_ = 	snop  }
0x4: {  	_ = 	snop  }
0x5: {  	_ = 	snop  }
0x6: {  	_ = 	snop  }
0x7: {  	_ = 	snop  }
__scs_overlays_trampoline_lowered:
0x8: {  	[smem:$0x3FA7] =	sst s0  }
0x9: {  	[smem:$0x3FA8] =	sst s1  }
0xa: {  	[smem:$0x3FA9] =	sst s2  }
0xb: {  	[smem:$0x3FAA] =	sst s3  }
0xc: {  	[smem:$0x3FAB] =	sst s4  }
0xd: {  	[smem:$0x3FAC] =	sst s5  }
0xe: {  	[smem:$0x3FAD] =	sst s6  }
0xf: {  	[smem:$0x3FAE] =	sst s7  }
0x10: {  	[smem:$0x3FAF] =	sst s8  }
0x11: {  	[smem:$0x3FB0] =	sst s9;
	s0 =	simm.s32 @!p0 $0x0  }
0x12: {  	s1 =	sld [smem:$0x3F96];
	s0 =	simm.s32 @p0 $0x1  }
0x13: {  	[smem:$0x3FB1] =	sst s0;
	s0 =	simm.s32 @!p1 $0x0  }
0x14: {  	s2 =	sld [smem:$0x3F95];
	s0 =	simm.s32 @p1 $0x1  }
0x15: {  	[smem:$0x3FB2] =	sst s0;
	s0 =	simm.s32 @!p2 $0x0  }
0x16: {  	s3 =	sld [smem:$0x3FDB];
	s0 =	simm.s32 @p2 $0x1  }
0x17: {  	s4 =	simm.s32 $0x1BF5;
	[smem:$0x3FB4] =	sst s0  }
0x18: {  	s0 =	sld [smem:$0x3F97];
	_ =	swait.ge [sflag:s4], $0x0  }
0x19: {  	s7 =	sld [smem:$0x3F98]  }
0x1a: {  	s8 =	sadd.s32 $0xFFFFE003, lr  }
0x1b: {  	s9 =	sadd.s32 $0xFFFFFEF7, lr;
	s5 =	simm.s32 $0xFFFFFFFF;
	p2 =	slt.u32 s8, $0xFFFFF086  }
0x1c: {  	p1 =	slt.u32 s9, $0xF7A;
	s5 =	simm.s32 @!p2 $0x0  }
0x1d: {  	s5 =	simm.s32 @p1 $0x1;
	p0 =	seq.s32 s7, s2  }
0x1e: {  	s7 =	smul.u32 @!p0 $0xF7A, s2;
	p2 =	seq.s32 @!p0 s5, $0x0  }
0x1f: {  	s9 =	smul.u32 $0xF7A, s1;
	s8 =	simm.s32 @!p0 $0x1BF5;
	p2 =	por !p2, p0  }
0x20: {  	[sflag:s8] =	ssyncset.s32 @!p0 $0xFFFFF086;
	s6 =	sadd.s32 @!p0 s3, s7;
	s7 =	simm.s32 @!p0 $0x108  }
0x21: {  	s3 =	sadd.s32 s3, s9;
	s6 =	sadd.s32 @!p0 $0x88, s6;
	s7 =	simm.s32 @p2 $0x1082  }
0x22: {  	[simem:s7], [sflag:s8] =	dma.local @!p0 [hbm:s6], $0xF7A  }
0x23: {  	s9 =	sor.u32 $0xD0000000, s2;
	s6 =	simm.s32 $0x108;
	_ =	swait.ge @!p0 [sflag:s8], $0x0  }
0x24: {  	s3 =	sadd.s32 $0x88, s3;
	s6 =	simm.s32 @!p1 $0x1082;
	[sflag:s4] =	ssyncset.s32 $0xFFFFF086  }
0x25: {  	[simem:s6], [sflag:s4] =	dma.local [hbm:s3], $0xF7A  }
0x26: {  	[smem:$0x3F98] =	sst s1;
	(tag) =	ssettag s2;
	_ =	strace s9  }
0x27: {  	s1 =	sld [smem:$0x3FA8]  }
0x28: {  	s2 =	sld [smem:$0x3FA9]  }
0x29: {  	s4 =	sld [smem:$0x3FAB]  }
0x2a: {  	p0 =	seq.s32 s5, $0x0;
	s5 =	sld [smem:$0x3FAC]  }
0x2b: {  	s6 =	sld [smem:$0x3FAD]  }
0x2c: {  	s7 =	sld [smem:$0x3FAE]  }
0x2d: {  	s3 =	simm.s32 $0x108;
	s8 =	sld [smem:$0x3FAF]  }
0x2e: {  	s3 =	simm.s32 @!p0 $0x1082;
	s9 =	sld [smem:$0x3FB0]  }
0x2f: {  	lr =	sadd.s32 s0, s3;
	s0 =	sld [smem:$0x3FA7]  }
0x30: {  	s3 =	sld [smem:$0x3FAA]  }
0x31: {  	[smem:$0x3FB3] =	sst s10  }
0x32: {  	s10 =	sld [smem:$0x3FB1];
	_ =	sdelay $0x3  }
0x33: {  	p0 =	seq.s32 s10, $0x1;
	s10 =	sld [smem:$0x3FB3];
	_ =	sdelay $0x3  }
0x34: {  	[smem:$0x3FB3] =	sst s10  }
0x35: {  	s10 =	sld [smem:$0x3FB2];
	_ =	sdelay $0x3  }
0x36: {  	p1 =	seq.s32 s10, $0x1;
	s10 =	sld [smem:$0x3FB3];
	_ =	sdelay $0x3  }
0x37: {  	[smem:$0x3FB3] =	sst s10  }
0x38: {  	s10 =	sld [smem:$0x3FB4]  }
0x39: {  	_ = 	snop;
	(pc) =	sbr.ind lr, $3  }
0x3a: {  	_ = 	snop  }
0x3b: {  	_ = 	snop  }
0x3c: {  	p2 =	seq.s32 s10, $0x1;
	s10 =	sld [smem:$0x3FB3]  }
0x3d: {  	_ =	shalt  }
0x3e: {  	_ =	shalt  }
0x3f: {  	_ =	shalt  }
0x40: {  	_ =	shalt  }
0x41: {  	_ =	shalt  }
0x42: {  	_ =	shalt  }
0x43: {  	_ =	shalt  }
0x44: {  	_ =	shalt  }
0x45: {  	_ =	shalt  }
0x46: {  	_ =	shalt  }
0x47: {  	_ =	shalt  }
0x48: {  	_ =	shalt  }
0x49: {  	_ =	shalt  }
0x4a: {  	_ =	shalt  }
0x4b: {  	_ =	shalt  }
0x4c: {  	_ =	shalt  }
0x4d: {  	_ =	shalt  }
0x4e: {  	_ =	shalt  }
0x4f: {  	_ =	shalt  }
0x50: {  	_ =	shalt  }
0x51: {  	_ =	shalt  }
0x52: {  	_ =	shalt  }
0x53: {  	_ =	shalt  }
0x54: {  	_ =	shalt  }
0x55: {  	_ =	shalt  }
0x56: {  	_ =	shalt  }
0x57: {  	_ =	shalt  }
0x58: {  	_ =	shalt  }
0x59: {  	_ =	shalt  }
0x5a: {  	_ =	shalt  }
0x5b: {  	_ =	shalt  }
0x5c: {  	_ =	shalt  }
0x5d: {  	_ =	shalt  }
0x5e: {  	_ =	shalt  }
0x5f: {  	_ =	shalt  }
0x60: {  	_ =	shalt  }
0x61: {  	_ =	shalt  }
0x62: {  	_ =	shalt  }
0x63: {  	_ =	shalt  }
0x64: {  	_ =	shalt  }
0x65: {  	_ =	shalt  }
0x66: {  	_ =	shalt  }
0x67: {  	_ =	shalt  }
0x68: {  	_ =	shalt  }
0x69: {  	_ =	shalt  }
0x6a: {  	_ =	shalt  }
0x6b: {  	_ =	shalt  }
0x6c: {  	_ =	shalt  }
0x6d: {  	_ =	shalt  }
0x6e: {  	_ =	shalt  }
0x6f: {  	_ =	shalt  }
0x70: {  	_ =	shalt  }
0x71: {  	_ =	shalt  }
0x72: {  	_ =	shalt  }
0x73: {  	_ =	shalt  }
0x74: {  	_ =	shalt  }
0x75: {  	_ =	shalt  }
0x76: {  	_ =	shalt  }
0x77: {  	_ =	shalt  }
0x78: {  	_ =	shalt  }
0x79: {  	_ =	shalt  }
0x7a: {  	_ =	shalt  }
0x7b: {  	_ =	shalt  }
0x7c: {  	_ =	shalt  }
0x7d: {  	_ =	shalt  }
0x7e: {  	_ =	shalt  }
0x7f: {  	_ =	shalt  }
0x80: {  	_ =	shalt  }
0x81: {  	_ =	shalt  }
0x82: {  	_ =	shalt  }
0x83: {  	_ =	shalt  }
0x84: {  	_ =	shalt  }
0x85: {  	_ =	shalt  }
0x86: {  	_ =	shalt  }
0x87: {  	_ =	shalt  }
.Lfunc_end0:
.L_simem_size_0:
called_computation_lowered:
.L_overlay_start_0:
0x88: {  	s0 =	sld [smem:$0x3FD9]  }
0x89: {  	s1 =	sld [smem:$0x3FFE];
	_ =	sdelay $0x3  }
0x8a: {  	s0 =	sadd.s32 s1, s0  }
0x8b: {  	[smem:$0x3FBF] =	sst s0  }
0x8c: {  	_ = 	snop  }
0x8d: {  	s0 =	sld [smem:$0x3FC9];
	(tm) =	ssettm $0x1  }
0x8e: {  	s16 =	sld [smem:$0x3FFB];
	_ =	sdelay $0x3  }
0x8f: {  	_ =	strace s16  }
0x90: {  	s1 =	sld [smem:$0x3FFC];
	_ =	sdelay $0x3  }
0x91: {  	_ =	strace s1  }
0x92: {  	s1 =	sld [smem:$0x3FFD];
	_ =	sdelay $0x3  }
0x93: {  	_ =	strace s1  }
0x94: {  	_ =	strace $0x8FFFFFFF  }
0x95: {  	s17 =	sld [smem:$0x3FDB];
	_ =	sdelay $0x1  }
0x96: {  	s2 =	simm.s32 $_scs_section_size  }
0x97: {  	s3 =	simm.s32 $_size__tile_overlayer_lowered;
	s4 =	simm.s32 $_tile_overlayer_lowered  }
0x98: {  	s20 =	simm.s32 $0x1BFF;
	s19 =	sshll.u32 s4, $0x1;
	s1 =	sadd.s32 s2, s17  }
0x99: {  	s5 =	simm.s32 $0x0;
	s18 =	sshll.u32 s3, $0x1;
	s3 =	sadd.s32 s19, s1  }
0x9a: {  	[timem:s5], [sflag:s20] =	dma.local [hbm:s3], s18  }
0x9b: {  	_ =	swait.ge [sflag:s20], s18  }
0x9c: {  	s2 =	ssub.s32 $0x0, s18;
	[sflag:s20] =	ssyncset.done $0x0  }
0x9d: {  	[sflag:s20] =	ssyncadd.s32 s2;
	_ =	sdelay $0x1  }
0x9e: {  	s21 =	simm.s32 $0x1B8B  }
0x9f: {  	_ =	swait.ge [sflag:s21], $0x1  }
0xa0: {  	[sflag:s21] =	ssyncset.done $0x0  }
0xa1: {  	s23 =	simm.s32 $0x1B8E;
	s22 =	sld [smem:$0x3FFE];
	[sflag:s21] =	ssyncadd.s32 $0xFFFFFFFF  }
0xa2: {  	s24 =	simm.s32 $execute0_lowered;
	[smem:$0x3FD2] =	sst s23  }
0xa3: {  	s3 =	sshll.u32 s24, $0x1;
	_ =	strace $0x80000046;
	[dreg:$0x1] =	wrdreg $0xFFFFFFFF  }
0xa4: {  	s25 =	simm.s32 $_size_execute0_lowered;
	s1 =	sadd.s32 s1, s3;
	[dreg:$0x0] =	wrdreg $0x0  }
0xa5: {  	s3 =	sshll.u32 s25, $0x1;
	[dreg:$0x2] =	wrdreg s1  }
0xa6: {  	[dreg:$0x3] =	wrdreg s3  }
0xa7: {  	[dreg:$0x4] =	wrdreg $0xC0  }
0xa8: {  	_ =	task [dreg:s5], $0x5FFFF  }
0xa9: {  	[dreg:$0x1] =	wrdreg $0xFFFFFFFF  }
0xaa: {  	[dreg:$0x0] =	wrdreg $0x60  }
0xab: {  	[dreg:$0x2] =	wrdreg s22  }
0xac: {  	[dreg:$0x3] =	wrdreg s0  }
0xad: {  	[dreg:$0x4] =	wrdreg $0x59000  }
0xae: {  	[dreg:$0x5] =	wrdreg $0x59100  }
0xaf: {  	[dreg:$0x6] =	wrdreg $0x9  }
0xb0: {  	_ =	task.clear_ibuf [dreg:s5], $0x7FFFF;
	_ =	strace $0x90000046  }
0xb1: {  	s26 =	simm.s32 $0x9;
	_ =	strace $0x80000048  }
0xb2: {  	_ =	swait.ge [sflag:s26], $0x1  }
0xb3: {  	[sflag:s26] =	ssyncadd.s32 $0xFFFFFFFF  }
0xb4: {  	_ =	strace $0x90000048  }
0xb5: {  	_ =	sfence  }
0xb6: {  	s28 =	sld [smem:$0x0];
	_ =	sdelay $0x1  }
0xb7: {  	s29 =	srdreg.scid  }
0xb8: {  	s30 =	sshll.u32 s29, $0xD;
	s31 =	sshrl.u32 s29, $0x2  }
0xb9: {  	s2 =	sand.u32 $0x4000, s30;
	s1 =	sand.u32 $0x1, s29;
	s0 =	sadd.s32 s31, s28  }
0xba: {  	s1 =	sor.u32 s2, s1;
	s0 =	sshll.u32 s0, $0x11  }
0xbb: {  	s0 =	sor.u32 s0, s1  }
0xbc: {  	s0 =	sadd.s32 $0x8F2B, s0  }
0xbd: {  	[sflag:s0] =	ssyncadd.remote.s32 $0x1  }
0xbe: {  	_ =	sfence.sel $0xFFFF  }
0xbf: {  	[dreg:$0x0] =	wrdreg $0xFFFFFFFF;
	(pc) =	sbr.abs _section_cstart, $3  }
0xc0: {  	[dreg:$0x1] =	wrdreg $0xFFFFFFFF  }
0xc1: {  	_ =	task.clear_ibuf [dreg:s5], $0x2FFFF;
	_ =	strace $0x9FFFFFFF  }
0xc2: {  	(tm) =	ssettm $0x7FFFFFFF  }
0xc3: {  	_ =	shalt  }
tec
execute0_lowered:
.L_overlay_start_1:
0x0: {  	(tag) =	ssettag $0x1  }
0x1: {  	s1 =	rddreg [dreg:$0x0]  }
0x2: {  	s6 =	rddreg [dreg:$0x1]  }
0x3: {  	s8 =	rddreg [dreg:$0x2]  }
0x4: {  	s3 =	rddreg [dreg:$0x3]  }
0x5: {  	s2 =	simm.s32 $0x0;
	s31 =	simm.s32 $0x1000;
	s0 =	stileid.u32  }
0x6: {  	s10 =	simm.s32 $0x40;
	s12 =	simm.s32 $0x0;
	[smem:$0x7FF] =	sst s2  }
0x7: {  	s4 =	sadd.s32 $0x3800, s1;
	s5 =	sadd.s32 $0x3A00, s1;
	_ =	strace $0x80000047  }
0x8: {  	[tilespmem:s2], [sflag:$0x1] =	stream.linear.gather [hbm4b:s4+s2], $0x1000, $0x38;
	[tilespmem:$0x16F20] =	vst v63  }
0x9: {  	s11 =	sadd.s32 $0x3C00, s1;
	s9 =	sadd.s32 $0x3E00, s1;
	s7 =	sadd.s32 $0x4800, s1  }
0xa: {  	[tilespmem:s31], [sflag:$0x2] =	stream.linear.gather [hbm4b:s5+s2], $0x1000, $0x38;
	[tilespmem:$0x16F20] =	vst v63  }
0xb: {  	v0 =	vimm.s32 $0x0;
	s4 =	sadd.s32 $0x184800, s1;
	s5 =	sadd.s32 $0x4000, s1;
	s2 =	sadd.s32 $0x4600, s1  }
.LBB2_1:
0xc: {  	p0 =	sne.s32 s10, $0x40C0;
	[tilespmem:s12+$0x4000] =	vst v0;
	s12 =	smov.u32 s10;
	s10 =	sadd.s32 $0x40, s10  }
.Ltmp0:
0xd: {  	(pc) =	sbr.rel @p0 .LBB2_1-.Ltmp0, $2  }
0xe: {  	_ =	sdelay $0x2  }
0xf: {  	s12 =	sshra.s32 s12, $0x2  }
0x10: {  	v1 =	vimm.s32 $0xEDCBA987  }
0x11: {  	v2 =	vimm.s32 $0x65432100;
	v1 =	vunpack.c.l.s4.s8 v1  }
0x12: {  	v4 =	vimm.s32 $0xDCBA9876;
	v2 =	vunpack.c.l.s4.s8 v2  }
0x13: {  	[tilespmem:s12+$0x4000] =	vst v0;
	v3 =	vmov s0;
	v0 =	vunpack.c.l.s4.s8 v4;
	v1 =	vunpack.c.0.s8.s32 v1  }
0x14: {  	s10 =	simm.s32 $0x1;
	v6 =	vimm.s32 $0xE40000;
	v4 =	vunpack.c.0.s8.s32 v2;
	v2 =	vimm.s32 $0x54321000  }
0x15: {  	_ =	swait.ge [sflag:s10], $0x1000;
	v0 =	vunpack.c.0.s8.s32 v0;
	v5 =	vunpack.c.l.s4.s8 v2;
	v1 =	vand.u32 $0xF, v1  }
0x16: {  	v7 =	vimm.s32 $0x32100000;
	[sflag:s10] =	ssyncset.done $0x0;
	v1 =	vcombine.low v4, v1;
	v4 =	vunpack.c.l.s2.s4 v6  }
0x17: {  	s29 =	simm.s32 $0x2;
	[sflag:s10] =	ssyncadd.s32 $0xFFFFF000;
	v5 =	vunpack.c.0.s8.s32 v5;
	v6 =	vand.u32 $0xF, v0;
	v0 =	vimm.s32 $0xBA987654  }
0x18: {  	vm2 =	vmmov $0x3;
	vm0 =	vcmask $0x3F30;
	_ =	swait.ge [sflag:s29], $0x1000;
	v8 =	vunpack.c.l.s4.s8 v0  }
0x19: {  	[sflag:s29] =	ssyncset.done $0x0;
	v9 =	vunpack.c.l.s4.s8 v4;
	v4 =	vcombine.low v5, v6;
	v5 =	vunpack.c.l.s4.s8 v7  }
0x1a: {  	s30 =	simm.s32 $0x2000;
	vm3 =	vmmov $0xf;
	vm1 =	vmmov $0xff;
	s10 =	simm.s32 $0x0;
	[sflag:s29] =	ssyncadd.s32 $0xFFFFF000;
	v6 =	vunpack.c.0.s8.s32 v8  }
0x1b: {  	[tilespmem:s30], [sflag:$0x1] =	stream.linear.gather [hbm4b:s11+s10], $0x1000, $0x38;
	v7 =	vimm.s32 $0x7060504;
	v8 =	vunpack.c.0.s8.s32 v9;
	v5 =	vunpack.c.0.s8.s32 v5;
	[tilespmem:$0x16F20] =	vst v63  }
0x1c: {  	s31 =	simm.s32 $0x3000;
	v2 =	vimm.s32 $0x0;
	s11 =	simm.s32 $0x10;
	v7 =	vunpack.c.0.s8.s32 v7;
	v6 =	vand.u32 $0xF, v6  }
0x1d: {  	v0 =	vlaneseq.u32;
	[tilespmem:s31], [sflag:$0x2] =	stream.linear.gather [hbm4b:s9+s10], $0x1000, $0x38;
	v9 =	vand.u32 $0x3, v8;
	v8 =	vcombine.low v5, v6;
	[tilespmem:$0x16F20] =	vst v63  }
0x1e: {  	s12 =	simm.s32 $0x20;
	s9 =	simm.s32 $0x4000;
	v5 =	vimm.s32 $0xF;
	v6 =	vimm.s32 $0x0;
	v7 =	vsel vm0, v7, v9;
	v9 =	vld [tilespmem:s11+$0xFFFFFFF0]  }
.LBB2_3:
0x1f: {  	p0 =	sne.s32 s12, $0xFE0;
	v10 =	vld [tilespmem:s11+$0x0];
	_ =	sdelay $0x3  }
0x20: {  	vm6 =	veq.s32 v9, v3  }
0x21: {  	vm5 =	veq.s32 v10, v3;
	v9 =	vsel vm6, $0x1, v2  }
0x22: {  	v10 =	vperm.xlane v9, v1;
	v11 =	vsel vm5, $0x1, v2  }
0x23: {  	vm4 =	veq.s32 v0, $0x0;
	v12 =	vperm.xlane v11, v1  }
0x24: {  	v10 =	vsel vm4, $0x0, v10  }
0x25: {  	v9 =	vadd.s32 v9, v10;
	v10 =	vsel vm4, $0x0, v12  }
0x26: {  	v12 =	vperm.xlane v9, v4;
	v10 =	vadd.s32 v11, v10  }
0x27: {  	v11 =	vperm.xlane v10, v4  }
0x28: {  	v12 =	vsel vm2, $0x0, v12  }
0x29: {  	v9 =	vadd.s32 v12, v9;
	v11 =	vsel vm2, $0x0, v11  }
0x2a: {  	v12 =	vperm.xlane v9, v8;
	v10 =	vadd.s32 v11, v10  }
0x2b: {  	v11 =	vperm.xlane v10, v8  }
0x2c: {  	v12 =	vsel vm3, $0x0, v12  }
0x2d: {  	v9 =	vadd.s32 v12, v9;
	v11 =	vsel vm3, $0x0, v11  }
0x2e: {  	v12 =	vperm.xlane v9, v7;
	v10 =	vadd.s32 v11, v10  }
0x2f: {  	v11 =	vperm.xlane v10, v7  }
0x30: {  	v12 =	vsel vm1, $0x0, v12  }
0x31: {  	v9 =	vadd.s32 v12, v9;
	v11 =	vsel vm1, $0x0, v11  }
0x32: {  	v10 =	vadd.s32 v11, v10;
	v11 =	vperm.xlane v9, v5  }
0x33: {  	v12 =	vperm.xlane v10, v5  }
0x34: {  	v9 =	vadd.s32 v9, v6;
	v6 =	vadd.s32 v6, v11  }
0x35: {  	v9 =	vadd.s32 $0xFFFFFFFF, v9;
	v10 =	vadd.s32 v6, v10;
	v6 =	vadd.s32 v6, v12  }
0x36: {  	v10 =	vadd.s32 $0xFFFFFFFF, v10;
	_ =	sdelay $0x1  }
.Ltmp1:
0x37: {  	(pc) =	sbr.rel @p0 .LBB2_3-.Ltmp1, $4  }
0x38: {  	s13 =	sadd.s32 $0x10, s10;
	v11 =	vor.u32 s10, v0;
	s10 =	smov.u32 s12  }
0x39: {  	[tilespmem:v9+s9+$0x0] =	vst.idx.msk vm6, v11;
	v9 =	vor.u32 s13, v0  }
0x3a: {  	s11 =	sadd.s32 $0x20, s11;
	[tilespmem:v10+s9+$0x0] =	vst.idx.msk vm5, v9  }
0x3b: {  	s12 =	sadd.s32 $0x20, s12;
	v9 =	vld [tilespmem:s11+$0xFFFFFFF0]  }
0x3c: {  	v10 =	vld [tilespmem:s11+$0x0];
	_ =	sdelay $0x3  }
0x3d: {  	vm6 =	veq.s32 v9, v3  }
0x3e: {  	vm5 =	veq.s32 v10, v3;
	v9 =	vsel vm6, $0x1, v2  }
0x3f: {  	v2 =	vsel vm5, $0x1, v2;
	v10 =	vperm.xlane v9, v1  }
0x40: {  	v1 =	vperm.xlane v2, v1  }
0x41: {  	v10 =	vsel vm4, $0x0, v10  }
0x42: {  	v1 =	vsel vm4, $0x0, v1;
	v9 =	vadd.s32 v9, v10  }
0x43: {  	v1 =	vadd.s32 v2, v1;
	v2 =	vperm.xlane v9, v4  }
0x44: {  	v4 =	vperm.xlane v1, v4  }
0x45: {  	v2 =	vsel vm2, $0x0, v2  }
0x46: {  	v4 =	vsel vm2, $0x0, v4;
	v2 =	vadd.s32 v2, v9  }
0x47: {  	v1 =	vadd.s32 v4, v1;
	v4 =	vperm.xlane v2, v8  }
0x48: {  	v8 =	vperm.xlane v1, v8  }
0x49: {  	v4 =	vsel vm3, $0x0, v4  }
0x4a: {  	v8 =	vsel vm3, $0x0, v8;
	v2 =	vadd.s32 v4, v2  }
0x4b: {  	v1 =	vadd.s32 v8, v1;
	v4 =	vperm.xlane v2, v7  }
0x4c: {  	v7 =	vperm.xlane v1, v7  }
0x4d: {  	v4 =	vsel vm1, $0x0, v4  }
0x4e: {  	v11 =	vimm.s32 $0xDCBA9876;
	v7 =	vsel vm1, $0x0, v7;
	v2 =	vadd.s32 v4, v2  }
0x4f: {  	v1 =	vadd.s32 v7, v1;
	v4 =	vperm.xlane v2, v5;
	v7 =	vimm.s32 $0xEDCBA987  }
0x50: {  	v8 =	vimm.s32 $0x65432100;
	v5 =	vperm.xlane v1, v5;
	v7 =	vunpack.c.l.s4.s8 v7  }
0x51: {  	v2 =	vadd.s32 v2, v6;
	v4 =	vadd.s32 v6, v4;
	v6 =	vunpack.c.l.s4.s8 v8  }
0x52: {  	s31 =	sadd.s32 $0x10, s10;
	v8 =	vadd.s32 v4, v1;
	v1 =	vadd.s32 v4, v5;
	v5 =	vunpack.c.0.s8.s32 v7  }
0x53: {  	v12 =	vimm.s32 $0xBA987654;
	v9 =	vor.u32 s31, v0;
	v6 =	vunpack.c.0.s8.s32 v6  }
0x54: {  	v7 =	vadd.s32 $0xFFFFFFFF, v8;
	v8 =	vor.u32 s10, v0;
	v0 =	vand.u32 $0xF, v5  }
0x55: {  	v13 =	vimm.s32 $0x32100000;
	v5 =	vcombine.low v6, v0;
	v6 =	vimm.s32 $0xE40000  }
0x56: {  	v10 =	vimm.s32 $0x54321000;
	v2 =	vadd.s32 $0xFFFFFFFF, v2;
	v6 =	vunpack.c.l.s2.s4 v6  }
0x57: {  	v11 =	vunpack.c.l.s4.s8 v11;
	v12 =	vunpack.c.l.s4.s8 v12;
	v10 =	vunpack.c.l.s4.s8 v10  }
0x58: {  	v14 =	vimm.s32 $0x7060504;
	v13 =	vunpack.c.l.s4.s8 v13;
	v6 =	vunpack.c.l.s4.s8 v6  }
0x59: {  	v11 =	vunpack.c.0.s8.s32 v11;
	v12 =	vunpack.c.0.s8.s32 v12;
	v10 =	vunpack.c.0.s8.s32 v10  }
0x5a: {  	v4 =	vimm.s32 $0x0;
	v0 =	vlaneseq.u32;
	v6 =	vunpack.c.0.s8.s32 v6  }
0x5b: {  	[tilespmem:v2+s9+$0x0] =	vst.idx.msk vm6, v8;
	v2 =	vand.u32 $0xF, v11;
	v8 =	vunpack.c.0.s8.s32 v13;
	v11 =	vunpack.c.0.s8.s32 v14  }
0x5c: {  	s11 =	simm.s32 $0x1010;
	[tilespmem:v7+s9+$0x0] =	vst.idx.msk vm5, v9;
	v9 =	vcombine.low v10, v2;
	v2 =	vand.u32 $0xF, v12;
	v6 =	vand.u32 $0x3, v6  }
0x5d: {  	s12 =	simm.s32 $0x20;
	s10 =	simm.s32 $0x4000;
	s9 =	simm.s32 $0x0;
	v7 =	vmovc v1;
	v8 =	vcombine.low v8, v2;
	v2 =	vimm.s32 $0xF;
	v10 =	vld [tilespmem:s11+$0xFFFFFFF0];
	v6 =	vsel vm0, v11, v6  }
.LBB2_5:
0x5e: {  	p0 =	sne.s32 s12, $0xFE0;
	v11 =	vld [tilespmem:s11+$0x0];
	_ =	sdelay $0x3  }
0x5f: {  	vm6 =	veq.s32 v10, v3  }
0x60: {  	vm5 =	veq.s32 v11, v3;
	v10 =	vsel vm6, $0x1, v4  }
0x61: {  	v11 =	vperm.xlane v10, v5;
	v12 =	vsel vm5, $0x1, v4  }
0x62: {  	vm4 =	veq.s32 v0, $0x0;
	v13 =	vperm.xlane v12, v5  }
0x63: {  	v11 =	vsel vm4, $0x0, v11  }
0x64: {  	v10 =	vadd.s32 v10, v11;
	v11 =	vsel vm4, $0x0, v13  }
0x65: {  	v13 =	vperm.xlane v10, v9;
	v11 =	vadd.s32 v12, v11  }
0x66: {  	v12 =	vperm.xlane v11, v9  }
0x67: {  	v13 =	vsel vm2, $0x0, v13  }
0x68: {  	v10 =	vadd.s32 v13, v10;
	v12 =	vsel vm2, $0x0, v12  }
0x69: {  	v13 =	vperm.xlane v10, v8;
	v11 =	vadd.s32 v12, v11  }
0x6a: {  	v12 =	vperm.xlane v11, v8  }
0x6b: {  	v13 =	vsel vm3, $0x0, v13  }
0x6c: {  	v10 =	vadd.s32 v13, v10;
	v12 =	vsel vm3, $0x0, v12  }
0x6d: {  	v13 =	vperm.xlane v10, v6;
	v11 =	vadd.s32 v12, v11  }
0x6e: {  	v12 =	vperm.xlane v11, v6  }
0x6f: {  	v13 =	vsel vm1, $0x0, v13  }
0x70: {  	v10 =	vadd.s32 v13, v10;
	v12 =	vsel vm1, $0x0, v12  }
0x71: {  	v11 =	vadd.s32 v12, v11;
	v12 =	vperm.xlane v10, v2  }
0x72: {  	v13 =	vperm.xlane v11, v2  }
0x73: {  	v10 =	vadd.s32 v10, v7;
	v7 =	vadd.s32 v7, v12  }
0x74: {  	v10 =	vadd.s32 $0xFFFFFFFF, v10;
	v11 =	vadd.s32 v7, v11;
	v7 =	vadd.s32 v7, v13  }
0x75: {  	v11 =	vadd.s32 $0xFFFFFFFF, v11;
	_ =	sdelay $0x1  }
.Ltmp2:
0x76: {  	(pc) =	sbr.rel @p0 .LBB2_5-.Ltmp2, $4  }
0x77: {  	s13 =	sadd.s32 $0x10, s9;
	v12 =	vor.u32 s9, v0;
	s9 =	smov.u32 s12  }
0x78: {  	[tilespmem:v10+s10+$0x0] =	vst.idx.msk vm6, v12;
	v10 =	vor.u32 s13, v0  }
0x79: {  	s11 =	sadd.s32 $0x20, s11;
	[tilespmem:v11+s10+$0x0] =	vst.idx.msk vm5, v10  }
0x7a: {  	s12 =	sadd.s32 $0x20, s12;
	v10 =	vld [tilespmem:s11+$0xFFFFFFF0]  }
0x7b: {  	_ =	sdelay $0x1  }
0x7c: {  	v11 =	vld [tilespmem:s11+$0x0];
	_ =	sdelay $0x1  }
0x7d: {  	vm5 =	veq.s32 v10, v3  }
0x7e: {  	v10 =	vsel vm5, $0x1, v4  }
0x7f: {  	v12 =	vperm.xlane v10, v5  }
0x80: {  	vm6 =	veq.s32 v11, v3  }
0x81: {  	v4 =	vsel vm6, $0x1, v4;
	v45 =	vsel vm4, $0x0, v12  }
0x82: {  	v5 =	vperm.xlane v4, v5;
	v10 =	vadd.s32 v10, v45  }
0x83: {  	v11 =	vperm.xlane v10, v9  }
0x84: {  	v5 =	vsel vm4, $0x0, v5  }
0x85: {  	v4 =	vadd.s32 v4, v5;
	v5 =	vsel vm2, $0x0, v11  }
0x86: {  	v46 =	vperm.xlane v4, v9;
	v5 =	vadd.s32 v5, v10  }
0x87: {  	v10 =	vperm.xlane v5, v8  }
0x88: {  	v9 =	vsel vm2, $0x0, v46  }
0x89: {  	v4 =	vadd.s32 v9, v4;
	v47 =	vsel vm3, $0x0, v10  }
0x8a: {  	v48 =	vperm.xlane v4, v8;
	v5 =	vadd.s32 v47, v5  }
0x8b: {  	v9 =	vperm.xlane v5, v6  }
0x8c: {  	v8 =	vsel vm3, $0x0, v48  }
0x8d: {  	v4 =	vadd.s32 v8, v4;
	v49 =	vsel vm1, $0x0, v9  }
0x8e: {  	v6 =	vperm.xlane v4, v6;
	v5 =	vadd.s32 v49, v5  }
0x8f: {  	v8 =	vperm.xlane v5, v2  }
0x90: {  	v6 =	vsel vm1, $0x0, v6  }
0x91: {  	v4 =	vadd.s32 v6, v4;
	v5 =	vadd.s32 v5, v7;
	v6 =	vadd.s32 v7, v8  }
0x92: {  	v5 =	vadd.s32 $0xFFFFFFFF, v5;
	v7 =	vadd.s32 v6, v4  }
0x93: {  	v7 =	vadd.s32 $0xFFFFFFFF, v7;
	_ =	sdelay $0x2  }
0x94: {  	s25 =	sadd.s32 $0x10, s9;
	v50 =	vor.u32 s9, v0  }
0x95: {  	v0 =	vor.u32 s25, v0;
	[tilespmem:v5+s10+$0x0] =	vst.idx.msk vm5, v50  }
0x96: {  	s11 =	simm.s32 $0x1;
	[tilespmem:v7+s10+$0x0] =	vst.idx.msk vm6, v0  }
0x97: {  	_ =	swait.ge [sflag:s11], $0x1000  }
0x98: {  	[sflag:s11] =	ssyncset.done $0x0  }
0x99: {  	s12 =	simm.s32 $0x2;
	v0 =	vperm.xlane v4, v2;
	[sflag:s11] =	ssyncadd.s32 $0xFFFFF000  }
0x9a: {  	v4 =	vlaneseq.u32;
	_ =	swait.ge [sflag:s12], $0x1000  }
0x9b: {  	vm14 =	veq.s32 v3, v4;
	v2 =	vadd.s32 v6, v0;
	[sflag:s12] =	ssyncset.done $0x0  }
0x9c: {  	s26 =	sshll.u32 s0, $0x7;
	v0 =	vnsel vm14, $0x0, v2;
	[sflag:s12] =	ssyncadd.s32 $0xFFFFF000  }
0x9d: {  	s28 =	simm.s32 $0x5080;
	s29 =	simm.s32 $0x3;
	s9 =	sadd.s32 s26, s8;
	[tilespmem:$0x5080] =	vst v0  }
0x9e: {  	[spmem:s9] =	stream.linear.scatter [tilespmem:s28], [sflag:$0x3], $0x80, $0x38;
	[tilespmem:$0x16F20] =	vst v63  }
0x9f: {  	_ =	swait.ge [sflag:s29], $0x80  }
0xa0: {  	[sflag:s29] =	ssyncset.done $0x0  }
0xa1: {  	[sflag:s29] =	ssyncadd.s32 $0xFFFFFF80  }
0xa2: {  	s30 =	simm.s32 $0x5100;
	[bflag:$0x0] =	sbarrier.arrive $0xFFFF  }
0xa3: {  	[tilespmem:s30], [sflag:$0x3] =	stream.linear.gather [spmem:s8], $0x800, $0x38;
	[tilespmem:$0x16F20] =	vst v63  }
0xa4: {  	_ =	swait.ge [sflag:s29], $0x800  }
0xa5: {  	[sflag:s29] =	ssyncset.done $0x0  }
0xa6: {  	[sflag:s29] =	ssyncadd.s32 $0xFFFFF800  }
0xa7: {  	v0 =	vld [tilespmem:$0x5100]  }
0xa8: {  	v5 =	vld [tilespmem:$0x5180]  }
0xa9: {  	v6 =	vld [tilespmem:$0x5200]  }
0xaa: {  	v7 =	vld [tilespmem:$0x5280]  }
0xab: {  	v51 =	vld [tilespmem:$0x5300]  }
0xac: {  	v52 =	vld [tilespmem:$0x5380]  }
0xad: {  	v53 =	vld [tilespmem:$0x5400];
	v0 =	vadd.s32 v5, v0  }
0xae: {  	v5 =	vld [tilespmem:$0x5480];
	v0 =	vadd.s32 v6, v0  }
0xaf: {  	v6 =	vld [tilespmem:$0x5500];
	v0 =	vadd.s32 v7, v0  }
0xb0: {  	v7 =	vld [tilespmem:$0x5580];
	v0 =	vadd.s32 v51, v0  }
0xb1: {  	v54 =	vld [tilespmem:$0x5600];
	v0 =	vadd.s32 v52, v0  }
0xb2: {  	v55 =	vld [tilespmem:$0x5680];
	v0 =	vadd.s32 v53, v0  }
0xb3: {  	v56 =	vld [tilespmem:$0x5700];
	v0 =	vadd.s32 v5, v0  }
0xb4: {  	v5 =	vld [tilespmem:$0x5780];
	v0 =	vadd.s32 v6, v0  }
0xb5: {  	v6 =	vld [tilespmem:$0x5800];
	v0 =	vadd.s32 v7, v0  }
0xb6: {  	v7 =	vld [tilespmem:$0x5880];
	v0 =	vadd.s32 v54, v0  }
0xb7: {  	v57 =	vimm.s32 $0xEDCBA987;
	v0 =	vadd.s32 v55, v0  }
0xb8: {  	v58 =	vimm.s32 $0x65432100;
	v8 =	vunpack.c.l.s4.s8 v57;
	v0 =	vadd.s32 v56, v0  }
0xb9: {  	v0 =	vadd.s32 v5, v0;
	v5 =	vunpack.c.l.s4.s8 v58  }
0xba: {  	v0 =	vadd.s32 v6, v0;
	v6 =	vunpack.c.0.s8.s32 v8  }
0xbb: {  	v0 =	vadd.s32 v7, v0;
	v5 =	vunpack.c.0.s8.s32 v5;
	v7 =	vimm.s32 $0xDCBA9876  }
0xbc: {  	v59 =	vimm.s32 $0x54321000;
	v6 =	vand.u32 $0xF, v6;
	v7 =	vunpack.c.l.s4.s8 v7  }
0xbd: {  	v0 =	vadd.s32 $0xFF, v0;
	v5 =	vcombine.low v5, v6;
	v6 =	vunpack.c.l.s4.s8 v59  }
0xbe: {  	v60 =	vimm.s32 $0xBA987654;
	v0 =	vand.u32 $0xFFFFFF00, v0;
	v7 =	vunpack.c.0.s8.s32 v7  }
0xbf: {  	v61 =	vimm.s32 $0x32100000;
	v5 =	vperm.xlane v0, v5;
	v6 =	vunpack.c.0.s8.s32 v6  }
0xc0: {  	vm15 =	veq.s32 v4, $0x0;
	v8 =	vunpack.c.l.s4.s8 v60;
	v7 =	vand.u32 $0xF, v7  }
0xc1: {  	v5 =	vsel vm15, $0x0, v5;
	v6 =	vcombine.low v6, v7;
	v7 =	vunpack.c.l.s4.s8 v61  }
0xc2: {  	v62 =	vimm.s32 $0xE40000;
	v8 =	vunpack.c.0.s8.s32 v8;
	v5 =	vadd.s32 v5, v0  }
0xc3: {  	v9 =	vunpack.c.l.s2.s4 v62;
	v6 =	vperm.xlane v5, v6;
	v7 =	vunpack.c.0.s8.s32 v7  }
0xc4: {  	v8 =	vand.u32 $0xF, v8  }
0xc5: {  	v63 =	vunpack.c.l.s4.s8 v9;
	v6 =	vsel vm2, $0x0, v6;
	v7 =	vcombine.low v7, v8  }
0xc6: {  	v5 =	vadd.s32 v6, v5  }
0xc7: {  	v8 =	vunpack.c.0.s8.s32 v63;
	v6 =	vperm.xlane v5, v7;
	v7 =	vimm.s32 $0x7060504  }
0xc8: {  	(v2sf) =	vpush v2, $0x0;
	v7 =	vunpack.c.0.s8.s32 v7  }
0xc9: {  	v8 =	vand.u32 $0x3, v8;
	v6 =	vsel vm3, $0x0, v6  }
0xca: {  	v5 =	vadd.s32 v6, v5;
	v6 =	vsel vm0, v7, v8  }
0xcb: {  	v6 =	vperm.xlane v5, v6;
	_ =	sdelay $0x1  }
0xcc: {  	v6 =	vsel vm1, $0x0, v6  }
0xcd: {  	v0 =	vsub.s32 v6, v0  }
0xce: {  	v0 =	vadd.s32 v5, v0  }
0xcf: {  	v3 =	vperm.xlane v0, v3;
	_ =	sdelay $0x1  }
0xd0: {  	(v2sf) =	vpush v3, $0x0;
	_ =	sdelay $0x4  }
0xd1: {  	s8 =	spop (v2sf)  }
0xd2: {  	s31 =	sadd.s32 $0x1F, s8  }
0xd3: {  	s13 =	sshra.s32 s31, $0x5  }
0xd4: {  	s9 =	sadd.s32 $0x1, s13  }
0xd5: {  	s14 =	sshra.s32 s9, $0x1  }
0xd6: {  	p0 =	slt.s32 s14, $0x1  }
.Ltmp3:
0xd7: {  	_ = 	snop;
	(pc) =	sbr.rel @p0 .LBB2_9-.Ltmp3, $2  }
0xd8: {  	_ =	sdelay $0x2  }
0xd9: {  	s9 =	smul.u32 $0x210, s0;
	s10 =	spop (v2sf)  }
0xda: {  	s15 =	simm.s32 $0x6F20  }
0xdb: {  	s24 =	simm.s32 $0x7720;
	[dreg:$0x5] =	wrdreg s15  }
0xdc: {  	s25 =	simm.s32 $0x7F20;
	[dreg:$0x6] =	wrdreg s24  }
0xdd: {  	s26 =	simm.s32 $0x8720;
	[dreg:$0x7] =	wrdreg s25  }
0xde: {  	s31 =	simm.s32 $0x8F20;
	[dreg:$0x8] =	wrdreg s26  }
0xdf: {  	s0 =	simm.s32 $0x9720;
	[dreg:$0x9] =	wrdreg s31  }
0xe0: {  	s1 =	simm.s32 $0x9F20;
	[dreg:$0xa] =	wrdreg s0  }
0xe1: {  	s16 =	simm.s32 $0xA720;
	[dreg:$0xb] =	wrdreg s1  }
0xe2: {  	s17 =	simm.s32 $0xAF20;
	[dreg:$0xc] =	wrdreg s16  }
0xe3: {  	s18 =	simm.s32 $0xB720;
	[dreg:$0xd] =	wrdreg s17  }
0xe4: {  	s19 =	simm.s32 $0xBF20;
	[dreg:$0xe] =	wrdreg s18  }
0xe5: {  	s20 =	simm.s32 $0xC720;
	[dreg:$0xf] =	wrdreg s19  }
0xe6: {  	s21 =	simm.s32 $0xCF20;
	[dreg:$0x10] =	wrdreg s20  }
0xe7: {  	s22 =	simm.s32 $0xD720;
	[dreg:$0x11] =	wrdreg s21  }
0xe8: {  	s23 =	simm.s32 $0xDF20;
	s28 =	simm.s32 $0x15F20;
	[dreg:$0x12] =	wrdreg s22  }
0xe9: {  	s29 =	simm.s32 $0x16720;
	s30 =	simm.s32 $0x0;
	[dreg:$0x13] =	wrdreg s23  }
0xea: {  	s24 =	simm.s32 $0xE720;
	s16 =	simm.s32 $0xEF20;
	s15 =	sadd.s32 $0x100, s6  }
0xeb: {  	s17 =	simm.s32 $0xF720;
	s18 =	simm.s32 $0xFF20;
	[dreg:$0x14] =	wrdreg s24  }
0xec: {  	s25 =	simm.s32 $0x10720;
	s19 =	sshll.u32 s10, $0x7;
	[dreg:$0x15] =	wrdreg s16  }
0xed: {  	s26 =	simm.s32 $0x10F20;
	s31 =	simm.s32 $0x11720;
	[dreg:$0x16] =	wrdreg s17  }
0xee: {  	s20 =	simm.s32 $0x11F20;
	s21 =	simm.s32 $0x12F20;
	[dreg:$0x17] =	wrdreg s18  }
0xef: {  	s22 =	simm.s32 $0x13720;
	s23 =	simm.s32 $0x13F20;
	[dreg:$0x18] =	wrdreg s25  }
0xf0: {  	s16 =	sadd.s32 $0x200, s6;
	s17 =	sadd.s32 $0x300, s6;
	[dreg:$0x19] =	wrdreg s26  }
0xf1: {  	s7 =	sadd.s32 s19, s7;
	s18 =	simm.s32 $0x0;
	[dreg:$0x1a] =	wrdreg s31  }
0xf2: {  	v5 =	vand.u32 $0x7, v4;
	v6 =	vshrl.u32 v4, $0x3;
	s19 =	simm.s32 $0x4020;
	[dreg:$0x1b] =	wrdreg s20;
	s20 =	simm.s32 $0x12720  }
0xf3: {  	vm0 =	vmmov $0xffff;
	v4 =	vor.u32 $0x8, v4;
	v6 =	vmul.u32 $0x8, v6;
	s24 =	simm.s32 $0x14720;
	s25 =	simm.s32 $0x14F20;
	s26 =	simm.s32 $0x15720  }
.LBB2_8:
0xf4: {  	v7 =	vld [tilespmem:s19+$0xFFFFFFE0];
	_ =	sdelay $0x4  }
0xf5: {  	v8 =	vshll.u32 v7, $0x3  }
0xf6: {  	v7 =	vand.u32 $0x7, v7;
	v8 =	vand.u32 $0xFFFFFFC0, v8  }
0xf7: {  	v7 =	vor.u32 v7, v8  }
0xf8: {  	v8 =	vperm.xlane v7, v5;
	_ =	sdelay $0x1  }
0xf9: {  	v8 =	vadd.s32 v6, v8;
	_ =	sdelay $0x3  }
0xfa: {  	s31 =	rddreg [dreg:$0x5]  }
0xfb: {  	[tilespmem:s31], [sflag:$0x1] =	stream.indirect_vreg.gather [hbm4b:s6+s18], $0x80, v8, vm0, $0xb8;
	[tilespmem:$0x16F20] =	vst v63  }
0xfc: {  	s0 =	rddreg [dreg:$0x6];
	v7 =	vperm.xlane v7, v4  }
0xfd: {  	[tilespmem:s0], [sflag:$0x1] =	stream.indirect_vreg.gather [hbm4b:s15+s18], $0x80, v8, vm0, $0xb8;
	[tilespmem:$0x16F20] =	vst v63  }
0xfe: {  	v7 =	vadd.s32 v6, v7;
	s31 =	rddreg [dreg:$0x7]  }
0xff: {  	[tilespmem:s31], [sflag:$0x1] =	stream.indirect_vreg.gather [hbm4b:s16+s18], $0x80, v8, vm0, $0xb8;
	[tilespmem:$0x16F20] =	vst v63  }
0x100: {  	s1 =	rddreg [dreg:$0x8]  }
0x101: {  	[tilespmem:s1], [sflag:$0x1] =	stream.indirect_vreg.gather [hbm4b:s17+s18], $0x80, v8, vm0, $0xb8;
	[tilespmem:$0x16F20] =	vst v63  }
0x102: {  	s31 =	rddreg [dreg:$0x9]  }
0x103: {  	[tilespmem:s31], [sflag:$0x1] =	stream.indirect_vreg.gather [hbm4b:s6+s18], $0x80, v7, vm0, $0xb8;
	[tilespmem:$0x16F20] =	vst v63  }
0x104: {  	s1 =	rddreg [dreg:$0xa]  }
0x105: {  	[tilespmem:s1], [sflag:$0x1] =	stream.indirect_vreg.gather [hbm4b:s15+s18], $0x80, v7, vm0, $0xb8;
	[tilespmem:$0x16F20] =	vst v63  }
0x106: {  	s31 =	rddreg [dreg:$0xb]  }
0x107: {  	[tilespmem:s31], [sflag:$0x1] =	stream.indirect_vreg.gather [hbm4b:s16+s18], $0x80, v7, vm0, $0xb8;
	[tilespmem:$0x16F20] =	vst v63  }
0x108: {  	s1 =	rddreg [dreg:$0xc]  }
0x109: {  	[tilespmem:s1], [sflag:$0x1] =	stream.indirect_vreg.gather [hbm4b:s17+s18], $0x80, v7, vm0, $0xb8;
	[tilespmem:$0x16F20] =	vst v63  }
0x10a: {  	v7 =	vld [tilespmem:s19+$0xFFFFFFF0];
	_ =	sdelay $0x4  }
0x10b: {  	v8 =	vshll.u32 v7, $0x3  }
0x10c: {  	v7 =	vand.u32 $0x7, v7;
	v8 =	vand.u32 $0xFFFFFFC0, v8  }
0x10d: {  	v7 =	vor.u32 v7, v8  }
0x10e: {  	v8 =	vperm.xlane v7, v5;
	_ =	sdelay $0x1  }
0x10f: {  	v8 =	vadd.s32 v6, v8;
	_ =	sdelay $0x3  }
0x110: {  	s0 =	rddreg [dreg:$0xd]  }
0x111: {  	[tilespmem:s0], [sflag:$0x1] =	stream.indirect_vreg.gather [hbm4b:s6+s18], $0x80, v8, vm0, $0xb8;
	[tilespmem:$0x16F20] =	vst v63  }
0x112: {  	s1 =	rddreg [dreg:$0xe];
	v7 =	vperm.xlane v7, v4  }
0x113: {  	[tilespmem:s1], [sflag:$0x1] =	stream.indirect_vreg.gather [hbm4b:s15+s18], $0x80, v8, vm0, $0xb8;
	[tilespmem:$0x16F20] =	vst v63  }
0x114: {  	v7 =	vadd.s32 v6, v7;
	s0 =	rddreg [dreg:$0xf]  }
0x115: {  	[tilespmem:s0], [sflag:$0x1] =	stream.indirect_vreg.gather [hbm4b:s16+s18], $0x80, v8, vm0, $0xb8;
	[tilespmem:$0x16F20] =	vst v63  }
0x116: {  	s1 =	rddreg [dreg:$0x10]  }
0x117: {  	[tilespmem:s1], [sflag:$0x1] =	stream.indirect_vreg.gather [hbm4b:s17+s18], $0x80, v8, vm0, $0xb8;
	[tilespmem:$0x16F20] =	vst v63  }
0x118: {  	s0 =	rddreg [dreg:$0x11]  }
0x119: {  	[tilespmem:s0], [sflag:$0x1] =	stream.indirect_vreg.gather [hbm4b:s6+s18], $0x80, v7, vm0, $0xb8;
	[tilespmem:$0x16F20] =	vst v63  }
0x11a: {  	s1 =	rddreg [dreg:$0x12]  }
0x11b: {  	[tilespmem:s1], [sflag:$0x1] =	stream.indirect_vreg.gather [hbm4b:s15+s18], $0x80, v7, vm0, $0xb8;
	[tilespmem:$0x16F20] =	vst v63  }
0x11c: {  	s0 =	rddreg [dreg:$0x13]  }
0x11d: {  	[tilespmem:s0], [sflag:$0x1] =	stream.indirect_vreg.gather [hbm4b:s16+s18], $0x80, v7, vm0, $0xb8;
	[tilespmem:$0x16F20] =	vst v63  }
0x11e: {  	s1 =	rddreg [dreg:$0x14]  }
0x11f: {  	[tilespmem:s1], [sflag:$0x1] =	stream.indirect_vreg.gather [hbm4b:s17+s18], $0x80, v7, vm0, $0xb8;
	[tilespmem:$0x16F20] =	vst v63  }
0x120: {  	v7 =	vld [tilespmem:s19+$0x0];
	_ =	sdelay $0x4  }
0x121: {  	v8 =	vshll.u32 v7, $0x3  }
0x122: {  	v7 =	vand.u32 $0x7, v7;
	v8 =	vand.u32 $0xFFFFFFC0, v8  }
0x123: {  	v7 =	vor.u32 v7, v8  }
0x124: {  	v8 =	vperm.xlane v7, v5;
	_ =	sdelay $0x1  }
0x125: {  	v8 =	vadd.s32 v6, v8;
	_ =	sdelay $0x3  }
0x126: {  	s1 =	rddreg [dreg:$0x15]  }
0x127: {  	[tilespmem:s1], [sflag:$0x2] =	stream.indirect_vreg.gather [hbm4b:s6+s18], $0x80, v8, vm0, $0xb8;
	[tilespmem:$0x16F20] =	vst v63  }
0x128: {  	s31 =	rddreg [dreg:$0x16];
	v7 =	vperm.xlane v7, v4  }
0x129: {  	[tilespmem:s31], [sflag:$0x2] =	stream.indirect_vreg.gather [hbm4b:s15+s18], $0x80, v8, vm0, $0xb8;
	[tilespmem:$0x16F20] =	vst v63  }
0x12a: {  	v7 =	vadd.s32 v6, v7;
	s1 =	rddreg [dreg:$0x17]  }
0x12b: {  	[tilespmem:s1], [sflag:$0x2] =	stream.indirect_vreg.gather [hbm4b:s16+s18], $0x80, v8, vm0, $0xb8;
	[tilespmem:$0x16F20] =	vst v63  }
0x12c: {  	s31 =	rddreg [dreg:$0x18]  }
0x12d: {  	[tilespmem:s31], [sflag:$0x2] =	stream.indirect_vreg.gather [hbm4b:s17+s18], $0x80, v8, vm0, $0xb8;
	[tilespmem:$0x16F20] =	vst v63  }
0x12e: {  	s1 =	rddreg [dreg:$0x19]  }
0x12f: {  	[tilespmem:s1], [sflag:$0x2] =	stream.indirect_vreg.gather [hbm4b:s6+s18], $0x80, v7, vm0, $0xb8;
	[tilespmem:$0x16F20] =	vst v63  }
0x130: {  	s31 =	rddreg [dreg:$0x1a]  }
0x131: {  	[tilespmem:s31], [sflag:$0x2] =	stream.indirect_vreg.gather [hbm4b:s15+s18], $0x80, v7, vm0, $0xb8;
	[tilespmem:$0x16F20] =	vst v63  }
0x132: {  	s1 =	rddreg [dreg:$0x1b]  }
0x133: {  	[tilespmem:s1], [sflag:$0x2] =	stream.indirect_vreg.gather [hbm4b:s16+s18], $0x80, v7, vm0, $0xb8;
	[tilespmem:$0x16F20] =	vst v63  }
0x134: {  	_ = 	snop  }
0x135: {  	[tilespmem:s20], [sflag:$0x2] =	stream.indirect_vreg.gather [hbm4b:s17+s18], $0x80, v7, vm0, $0xb8;
	[tilespmem:$0x16F20] =	vst v63  }
0x136: {  	v7 =	vld [tilespmem:s19+$0x10];
	_ =	sdelay $0x4  }
0x137: {  	v8 =	vshll.u32 v7, $0x3  }
0x138: {  	v7 =	vand.u32 $0x7, v7;
	v8 =	vand.u32 $0xFFFFFFC0, v8  }
0x139: {  	v7 =	vor.u32 v7, v8  }
0x13a: {  	v8 =	vperm.xlane v7, v5;
	_ =	sdelay $0x1  }
0x13b: {  	v8 =	vadd.s32 v6, v8;
	_ =	sdelay $0x4  }
0x13c: {  	[tilespmem:s21], [sflag:$0x2] =	stream.indirect_vreg.gather [hbm4b:s6+s18], $0x80, v8, vm0, $0xb8;
	[tilespmem:$0x16F20] =	vst v63  }
0x13d: {  	v7 =	vperm.xlane v7, v4  }
0x13e: {  	[tilespmem:s22], [sflag:$0x2] =	stream.indirect_vreg.gather [hbm4b:s15+s18], $0x80, v8, vm0, $0xb8;
	[tilespmem:$0x16F20] =	vst v63  }
0x13f: {  	v7 =	vadd.s32 v6, v7  }
0x140: {  	[tilespmem:s23], [sflag:$0x2] =	stream.indirect_vreg.gather [hbm4b:s16+s18], $0x80, v8, vm0, $0xb8;
	[tilespmem:$0x16F20] =	vst v63  }
0x141: {  	_ = 	snop  }
0x142: {  	[tilespmem:s24], [sflag:$0x2] =	stream.indirect_vreg.gather [hbm4b:s17+s18], $0x80, v8, vm0, $0xb8;
	[tilespmem:$0x16F20] =	vst v63  }
0x143: {  	_ = 	snop  }
0x144: {  	[tilespmem:s25], [sflag:$0x2] =	stream.indirect_vreg.gather [hbm4b:s6+s18], $0x80, v7, vm0, $0xb8;
	[tilespmem:$0x16F20] =	vst v63  }
0x145: {  	_ = 	snop  }
0x146: {  	[tilespmem:s26], [sflag:$0x2] =	stream.indirect_vreg.gather [hbm4b:s15+s18], $0x80, v7, vm0, $0xb8;
	[tilespmem:$0x16F20] =	vst v63  }
0x147: {  	_ = 	snop  }
0x148: {  	[tilespmem:s28], [sflag:$0x2] =	stream.indirect_vreg.gather [hbm4b:s16+s18], $0x80, v7, vm0, $0xb8;
	[tilespmem:$0x16F20] =	vst v63  }
0x149: {  	_ = 	snop  }
0x14a: {  	[tilespmem:s29], [sflag:$0x2] =	stream.indirect_vreg.gather [hbm4b:s17+s18], $0x80, v7, vm0, $0xb8;
	[tilespmem:$0x16F20] =	vst v63  }
0x14b: {  	_ =	swait.ge [sflag:s11], $0x8000  }
0x14c: {  	p0 =	sge.s32 s30, s13;
	[sflag:s11] =	ssyncset.done $0x0  }
0x14d: {  	s0 =	simm.s32 @!p0 $0x0;
	s31 =	simm.s32 @!p0 $0x6F20;
	[sflag:s11] =	ssyncadd.s32 $0xFFFF8000  }
0x14e: {  	[hbm4b:s7+s0] =	stream.linear.scatter @!p0 [tilespmem:s31], [sflag:$0x4], $0x8000, $0x38;
	[tilespmem:$0x16F20] =	vst v63  }
0x14f: {  	s0 =	simm.s32 @!p0 $0x4  }
0x150: {  	_ =	swait.ge @!p0 [sflag:s0], $0x8000  }
0x151: {  	[sflag:s0] =	ssyncset.done @!p0 $0x0  }
0x152: {  	s31 =	sadd.s32 $0x1, s30;
	[sflag:s0] =	ssyncadd.s32 @!p0 $0xFFFF8000  }
0x153: {  	p0 =	sge.s32 s31, s13;
	_ =	swait.ge [sflag:s12], $0x8000  }
0x154: {  	s0 =	sadd.s32 @!p0 $0x1000, s7;
	[sflag:s12] =	ssyncset.done $0x0  }
0x155: {  	s31 =	simm.s32 @!p0 $0x0;
	s1 =	simm.s32 @!p0 $0xEF20;
	[sflag:s12] =	ssyncadd.s32 $0xFFFF8000  }
0x156: {  	[hbm4b:s0+s31] =	stream.linear.scatter @!p0 [tilespmem:s1], [sflag:$0x3], $0x8000, $0x38;
	[tilespmem:$0x16F20] =	vst v63  }
0x157: {  	s0 =	simm.s32 @!p0 $0x3  }
0x158: {  	_ =	swait.ge @!p0 [sflag:s0], $0x8000  }
0x159: {  	s14 =	sadd.s32 $0xFFFFFFFF, s14;
	[sflag:s0] =	ssyncset.done @!p0 $0x0  }
0x15a: {  	[sflag:s0] =	ssyncadd.s32 @!p0 $0xFFFF8000;
	p0 =	sne.s32 s14, $0x0  }
.Ltmp4:
0x15b: {  	_ = 	snop;
	(pc) =	sbr.rel @p0 .LBB2_8-.Ltmp4, $2  }
0x15c: {  	_ =	sdelay $0x2  }
0x15d: {  	s19 =	sadd.s32 $0x40, s19;
	s30 =	sadd.s32 $0x2, s30;
	s7 =	sadd.s32 $0x2000, s7  }
.LBB2_9:
0x15e: {  	s0 =	sadd.s32 $0xFF, s8  }
0x15f: {  	s7 =	sshra.s32 s0, $0x8  }
0x160: {  	p0 =	slt.s32 s7, $0x1  }
.Ltmp5:
0x161: {  	_ = 	snop;
	(pc) =	sbr.rel @p0 .LBB2_12-.Ltmp5, $2  }
0x162: {  	_ =	sdelay $0x2  }
0x163: {  	v1 =	vbroadcast v1, $0x0;
	s6 =	sshrl.u32 s9, $0x3  }
0x164: {  	s11 =	simm.s32 $0xF0  }
0x165: {  	s12 =	simm.s32 $0x4080;
	s13 =	simm.s32 $0x2000;
	s14 =	simm.s32 $0x3000  }
0x166: {  	v4 =	vlaneseq.u32;
	s15 =	simm.s32 $0x0;
	s16 =	simm.s32 $0x6E20;
	s17 =	simm.s32 $0x3  }
.LBB2_11:
0x167: {  	v5 =	vld [tilespmem:s12+$0xFFFFFF80];
	_ =	sdelay $0x7  }
0x168: {  	v6 =	vld.idx.msk [tilespmem:v5+s13+$0x0], $0xffff  }
0x169: {  	v5 =	vld.idx.msk [tilespmem:v5+s14+$0x0], $0xffff;
	_ =	sdelay $0x1  }
0x16a: {  	s18 =	sadd.s32 $0xFFFFFF10, s11  }
0x16b: {  	v7 =	vor.u32 s18, v4  }
0x16c: {  	vm0 =	vlt.s32 v7, v1  }
0x16d: {  	v5 =	vsel vm0, v6, v5  }
0x16e: {  	[tilespmem:$0x6E20] =	vst v5  }
0x16f: {  	v5 =	vld [tilespmem:s12+$0xFFFFFF90];
	_ =	sdelay $0x7  }
0x170: {  	v6 =	vld.idx.msk [tilespmem:v5+s13+$0x0], $0xffff  }
0x171: {  	v5 =	vld.idx.msk [tilespmem:v5+s14+$0x0], $0xffff;
	_ =	sdelay $0x1  }
0x172: {  	s0 =	sadd.s32 $0xFFFFFF20, s11  }
0x173: {  	v7 =	vor.u32 s0, v4  }
0x174: {  	vm13 =	vlt.s32 v7, v1  }
0x175: {  	v5 =	vsel vm13, v6, v5  }
0x176: {  	[tilespmem:$0x6E30] =	vst v5  }
0x177: {  	v5 =	vld [tilespmem:s12+$0xFFFFFFA0];
	_ =	sdelay $0x7  }
0x178: {  	v6 =	vld.idx.msk [tilespmem:v5+s13+$0x0], $0xffff  }
0x179: {  	v5 =	vld.idx.msk [tilespmem:v5+s14+$0x0], $0xffff;
	_ =	sdelay $0x1  }
0x17a: {  	s31 =	sadd.s32 $0xFFFFFF30, s11  }
0x17b: {  	v7 =	vor.u32 s31, v4  }
0x17c: {  	vm14 =	vlt.s32 v7, v1  }
0x17d: {  	v5 =	vsel vm14, v6, v5  }
0x17e: {  	[tilespmem:$0x6E40] =	vst v5  }
0x17f: {  	v5 =	vld [tilespmem:s12+$0xFFFFFFB0];
	_ =	sdelay $0x7  }
0x180: {  	v6 =	vld.idx.msk [tilespmem:v5+s13+$0x0], $0xffff  }
0x181: {  	v5 =	vld.idx.msk [tilespmem:v5+s14+$0x0], $0xffff;
	_ =	sdelay $0x1  }
0x182: {  	s1 =	sadd.s32 $0xFFFFFF40, s11  }
0x183: {  	v7 =	vor.u32 s1, v4  }
0x184: {  	vm15 =	vlt.s32 v7, v1  }
0x185: {  	v5 =	vsel vm15, v6, v5  }
0x186: {  	[tilespmem:$0x6E50] =	vst v5  }
0x187: {  	v5 =	vld [tilespmem:s12+$0xFFFFFFC0];
	_ =	sdelay $0x7  }
0x188: {  	v6 =	vld.idx.msk [tilespmem:v5+s13+$0x0], $0xffff  }
0x189: {  	v5 =	vld.idx.msk [tilespmem:v5+s14+$0x0], $0xffff;
	_ =	sdelay $0x1  }
0x18a: {  	s19 =	sadd.s32 $0xFFFFFF50, s11  }
0x18b: {  	v7 =	vor.u32 s19, v4  }
0x18c: {  	vm4 =	vlt.s32 v7, v1  }
0x18d: {  	v5 =	vsel vm4, v6, v5  }
0x18e: {  	[tilespmem:$0x6E60] =	vst v5  }
0x18f: {  	v5 =	vld [tilespmem:s12+$0xFFFFFFD0];
	_ =	sdelay $0x7  }
0x190: {  	v6 =	vld.idx.msk [tilespmem:v5+s13+$0x0], $0xffff  }
0x191: {  	v5 =	vld.idx.msk [tilespmem:v5+s14+$0x0], $0xffff;
	_ =	sdelay $0x1  }
0x192: {  	s20 =	sadd.s32 $0xFFFFFF60, s11  }
0x193: {  	v7 =	vor.u32 s20, v4  }
0x194: {  	vm5 =	vlt.s32 v7, v1  }
0x195: {  	v5 =	vsel vm5, v6, v5  }
0x196: {  	[tilespmem:$0x6E70] =	vst v5  }
0x197: {  	v5 =	vld [tilespmem:s12+$0xFFFFFFE0];
	_ =	sdelay $0x7  }
0x198: {  	v6 =	vld.idx.msk [tilespmem:v5+s13+$0x0], $0xffff  }
0x199: {  	v5 =	vld.idx.msk [tilespmem:v5+s14+$0x0], $0xffff;
	_ =	sdelay $0x1  }
0x19a: {  	s21 =	sadd.s32 $0xFFFFFF70, s11  }
0x19b: {  	v7 =	vor.u32 s21, v4  }
0x19c: {  	vm6 =	vlt.s32 v7, v1  }
0x19d: {  	v5 =	vsel vm6, v6, v5  }
0x19e: {  	[tilespmem:$0x6E80] =	vst v5  }
0x19f: {  	v5 =	vld [tilespmem:s12+$0xFFFFFFF0];
	_ =	sdelay $0x7  }
0x1a0: {  	v6 =	vld.idx.msk [tilespmem:v5+s13+$0x0], $0xffff  }
0x1a1: {  	v5 =	vld.idx.msk [tilespmem:v5+s14+$0x0], $0xffff;
	_ =	sdelay $0x1  }
0x1a2: {  	s22 =	sadd.s32 $0xFFFFFF80, s11  }
0x1a3: {  	v7 =	vor.u32 s22, v4  }
0x1a4: {  	vm7 =	vlt.s32 v7, v1  }
0x1a5: {  	v5 =	vsel vm7, v6, v5  }
0x1a6: {  	[tilespmem:$0x6E90] =	vst v5  }
0x1a7: {  	v5 =	vld [tilespmem:s12+$0x0];
	_ =	sdelay $0x7  }
0x1a8: {  	v6 =	vld.idx.msk [tilespmem:v5+s13+$0x0], $0xffff  }
0x1a9: {  	v5 =	vld.idx.msk [tilespmem:v5+s14+$0x0], $0xffff;
	_ =	sdelay $0x1  }
0x1aa: {  	s23 =	sadd.s32 $0xFFFFFF90, s11  }
0x1ab: {  	v7 =	vor.u32 s23, v4  }
0x1ac: {  	vm8 =	vlt.s32 v7, v1  }
0x1ad: {  	v5 =	vsel vm8, v6, v5  }
0x1ae: {  	[tilespmem:$0x6EA0] =	vst v5  }
0x1af: {  	v5 =	vld [tilespmem:s12+$0x10];
	_ =	sdelay $0x7  }
0x1b0: {  	v6 =	vld.idx.msk [tilespmem:v5+s13+$0x0], $0xffff  }
0x1b1: {  	v5 =	vld.idx.msk [tilespmem:v5+s14+$0x0], $0xffff;
	_ =	sdelay $0x1  }
0x1b2: {  	s24 =	sadd.s32 $0xFFFFFFA0, s11  }
0x1b3: {  	v7 =	vor.u32 s24, v4  }
0x1b4: {  	vm9 =	vlt.s32 v7, v1  }
0x1b5: {  	v5 =	vsel vm9, v6, v5  }
0x1b6: {  	[tilespmem:$0x6EB0] =	vst v5  }
0x1b7: {  	v5 =	vld [tilespmem:s12+$0x20];
	_ =	sdelay $0x7  }
0x1b8: {  	v6 =	vld.idx.msk [tilespmem:v5+s13+$0x0], $0xffff  }
0x1b9: {  	v5 =	vld.idx.msk [tilespmem:v5+s14+$0x0], $0xffff;
	_ =	sdelay $0x1  }
0x1ba: {  	s25 =	sadd.s32 $0xFFFFFFB0, s11  }
0x1bb: {  	v7 =	vor.u32 s25, v4  }
0x1bc: {  	vm10 =	vlt.s32 v7, v1  }
0x1bd: {  	v5 =	vsel vm10, v6, v5  }
0x1be: {  	[tilespmem:$0x6EC0] =	vst v5  }
0x1bf: {  	v5 =	vld [tilespmem:s12+$0x30];
	_ =	sdelay $0x7  }
0x1c0: {  	v6 =	vld.idx.msk [tilespmem:v5+s13+$0x0], $0xffff  }
0x1c1: {  	v5 =	vld.idx.msk [tilespmem:v5+s14+$0x0], $0xffff;
	_ =	sdelay $0x1  }
0x1c2: {  	s26 =	sadd.s32 $0xFFFFFFC0, s11  }
0x1c3: {  	v7 =	vor.u32 s26, v4  }
0x1c4: {  	vm11 =	vlt.s32 v7, v1  }
0x1c5: {  	v5 =	vsel vm11, v6, v5  }
0x1c6: {  	[tilespmem:$0x6ED0] =	vst v5  }
0x1c7: {  	v5 =	vld [tilespmem:s12+$0x40];
	_ =	sdelay $0x7  }
0x1c8: {  	v6 =	vld.idx.msk [tilespmem:v5+s13+$0x0], $0xffff  }
0x1c9: {  	v5 =	vld.idx.msk [tilespmem:v5+s14+$0x0], $0xffff;
	_ =	sdelay $0x1  }
0x1ca: {  	s28 =	sadd.s32 $0xFFFFFFD0, s11  }
0x1cb: {  	v7 =	vor.u32 s28, v4  }
0x1cc: {  	vm12 =	vlt.s32 v7, v1  }
0x1cd: {  	v5 =	vsel vm12, v6, v5  }
0x1ce: {  	[tilespmem:$0x6EE0] =	vst v5  }
0x1cf: {  	v5 =	vld [tilespmem:s12+$0x50];
	_ =	sdelay $0x7  }
0x1d0: {  	v6 =	vld.idx.msk [tilespmem:v5+s13+$0x0], $0xffff  }
0x1d1: {  	v5 =	vld.idx.msk [tilespmem:v5+s14+$0x0], $0xffff;
	_ =	sdelay $0x1  }
0x1d2: {  	s29 =	sadd.s32 $0xFFFFFFE0, s11  }
0x1d3: {  	v7 =	vor.u32 s29, v4  }
0x1d4: {  	vm13 =	vlt.s32 v7, v1  }
0x1d5: {  	v5 =	vsel vm13, v6, v5  }
0x1d6: {  	[tilespmem:$0x6EF0] =	vst v5  }
0x1d7: {  	v5 =	vld [tilespmem:s12+$0x60];
	_ =	sdelay $0x7  }
0x1d8: {  	v6 =	vld.idx.msk [tilespmem:v5+s13+$0x0], $0xffff  }
0x1d9: {  	v5 =	vld.idx.msk [tilespmem:v5+s14+$0x0], $0xffff;
	_ =	sdelay $0x1  }
0x1da: {  	s30 =	sadd.s32 $0xFFFFFFF0, s11  }
0x1db: {  	v7 =	vor.u32 s30, v4  }
0x1dc: {  	vm14 =	vlt.s32 v7, v1  }
0x1dd: {  	v5 =	vsel vm14, v6, v5  }
0x1de: {  	[tilespmem:$0x6F00] =	vst v5  }
0x1df: {  	v5 =	vld [tilespmem:s12+$0x70];
	_ =	sdelay $0x7  }
0x1e0: {  	v6 =	vld.idx.msk [tilespmem:v5+s13+$0x0], $0xffff  }
0x1e1: {  	v5 =	vld.idx.msk [tilespmem:v5+s14+$0x0], $0xffff;
	_ =	sdelay $0x2  }
0x1e2: {  	v7 =	vor.u32 s11, v4  }
0x1e3: {  	s31 =	sadd.s32 s10, s18;
	vm15 =	vlt.s32 v7, v1  }
0x1e4: {  	p0 =	sne.s32 s7, $0x1;
	s0 =	sshrl.u32 s31, $0x3;
	v5 =	vsel vm15, v6, v5  }
.Ltmp6:
0x1e5: {  	s0 =	sadd.s32 s5, s0;
	[tilespmem:$0x6F10] =	vst v5;
	(pc) =	sbr.rel @p0 .LBB2_11-.Ltmp6, $4  }
0x1e6: {  	[hbm4b:s0+s15] =	stream.linear.scatter [tilespmem:s16], [sflag:$0x3], $0x100, $0x38;
	[tilespmem:$0x16F20] =	vst v63  }
0x1e7: {  	_ =	swait.ge [sflag:s17], $0x100  }
0x1e8: {  	s7 =	sadd.s32 $0xFFFFFFFF, s7;
	[sflag:s17] =	ssyncset.done $0x0  }
0x1e9: {  	s11 =	sadd.s32 $0x100, s11;
	s12 =	sadd.s32 $0x100, s12;
	[sflag:s17] =	ssyncadd.s32 $0xFFFFFF00  }
.LBB2_12:
0x1ea: {  	s0 =	sadd.s32 $0x7F, s8  }
0x1eb: {  	s11 =	sshra.s32 s0, $0x7  }
0x1ec: {  	p0 =	slt.s32 s11, $0x1  }
.Ltmp7:
0x1ed: {  	_ = 	snop;
	(pc) =	sbr.rel @p0 .LBB2_16-.Ltmp7, $2  }
0x1ee: {  	_ =	sdelay $0x2  }
0x1ef: {  	s5 =	sadd.s32 s9, s3;
	s4 =	sadd.s32 s4, s6  }
0x1f0: {  	s7 =	simm.s32 $0x4040  }
0x1f1: {  	v6 =	vld [tilespmem:s7+$0xFFFFFFC0]  }
0x1f2: {  	v4 =	vlaneseq.u32;
	s0 =	simm.s32 $0x0  }
0x1f3: {  	v7 =	vor.u32 s0, v4  }
0x1f4: {  	v2 =	vbroadcast v2, $0x0;
	v5 =	vimm.s32 $0x1000;
	vm0 =	vlt.s32 v7, v1  }
0x1f5: {  	v8 =	vsel vm0, $0x0, v5  }
0x1f6: {  	v3 =	vbroadcast v3, $0x0;
	vm13 =	vlt.s32 v7, v2;
	v6 =	vadd.s32 v8, v6  }
0x1f7: {  	s6 =	simm.s32 $0x5DA0;
	v6 =	vnsel vm13, $0x2000, v6  }
0x1f8: {  	[tilespmem:s6+$0x0] =	vst v6;
	v6 =	vadd.s32 v3, v7  }
0x1f9: {  	[tilespmem:$0x6DA0] =	vst v6  }
0x1fa: {  	v6 =	vld [tilespmem:s7+$0xFFFFFFD0]  }
0x1fb: {  	s25 =	simm.s32 $0x10  }
0x1fc: {  	v7 =	vor.u32 s25, v4  }
0x1fd: {  	vm14 =	vlt.s32 v7, v1  }
0x1fe: {  	v57 =	vsel vm14, $0x0, v5  }
0x1ff: {  	vm15 =	vlt.s32 v7, v2;
	v6 =	vadd.s32 v57, v6  }
0x200: {  	v6 =	vnsel vm15, $0x2000, v6  }
0x201: {  	[tilespmem:s6+$0x10] =	vst v6;
	v6 =	vadd.s32 v3, v7  }
0x202: {  	[tilespmem:$0x6DB0] =	vst v6  }
0x203: {  	v6 =	vld [tilespmem:s7+$0xFFFFFFE0]  }
0x204: {  	s26 =	simm.s32 $0x20  }
0x205: {  	v7 =	vor.u32 s26, v4  }
0x206: {  	vm4 =	vlt.s32 v7, v1  }
0x207: {  	v58 =	vsel vm4, $0x0, v5  }
0x208: {  	vm5 =	vlt.s32 v7, v2;
	v6 =	vadd.s32 v58, v6  }
0x209: {  	v6 =	vnsel vm5, $0x2000, v6  }
0x20a: {  	[tilespmem:s6+$0x20] =	vst v6;
	v6 =	vadd.s32 v3, v7  }
0x20b: {  	[tilespmem:$0x6DC0] =	vst v6  }
0x20c: {  	v6 =	vld [tilespmem:s7+$0xFFFFFFF0]  }
0x20d: {  	s28 =	simm.s32 $0x30  }
0x20e: {  	v7 =	vor.u32 s28, v4  }
0x20f: {  	vm6 =	vlt.s32 v7, v1  }
0x210: {  	v59 =	vsel vm6, $0x0, v5  }
0x211: {  	vm7 =	vlt.s32 v7, v2;
	v6 =	vadd.s32 v59, v6  }
0x212: {  	v6 =	vnsel vm7, $0x2000, v6  }
0x213: {  	[tilespmem:s6+$0x30] =	vst v6;
	v6 =	vadd.s32 v3, v7  }
0x214: {  	[tilespmem:$0x6DD0] =	vst v6  }
0x215: {  	v6 =	vld [tilespmem:s7+$0x0]  }
0x216: {  	s29 =	simm.s32 $0x40  }
0x217: {  	v7 =	vor.u32 s29, v4  }
0x218: {  	vm8 =	vlt.s32 v7, v1  }
0x219: {  	v60 =	vsel vm8, $0x0, v5  }
0x21a: {  	vm9 =	vlt.s32 v7, v2;
	v6 =	vadd.s32 v60, v6  }
0x21b: {  	v6 =	vnsel vm9, $0x2000, v6  }
0x21c: {  	[tilespmem:s6+$0x40] =	vst v6;
	v6 =	vadd.s32 v3, v7  }
0x21d: {  	[tilespmem:$0x6DE0] =	vst v6  }
0x21e: {  	v6 =	vld [tilespmem:s7+$0x10]  }
0x21f: {  	s30 =	simm.s32 $0x50  }
0x220: {  	v7 =	vor.u32 s30, v4  }
0x221: {  	vm10 =	vlt.s32 v7, v1  }
0x222: {  	v61 =	vsel vm10, $0x0, v5  }
0x223: {  	vm11 =	vlt.s32 v7, v2;
	v6 =	vadd.s32 v61, v6  }
0x224: {  	v6 =	vnsel vm11, $0x2000, v6  }
0x225: {  	[tilespmem:s6+$0x50] =	vst v6;
	v6 =	vadd.s32 v3, v7  }
0x226: {  	[tilespmem:$0x6DF0] =	vst v6  }
0x227: {  	v6 =	vld [tilespmem:s7+$0x20]  }
0x228: {  	s31 =	simm.s32 $0x60  }
0x229: {  	v7 =	vor.u32 s31, v4  }
0x22a: {  	vm12 =	vlt.s32 v7, v1  }
0x22b: {  	v62 =	vsel vm12, $0x0, v5  }
0x22c: {  	vm13 =	vlt.s32 v7, v2;
	v6 =	vadd.s32 v62, v6  }
0x22d: {  	v6 =	vnsel vm13, $0x2000, v6  }
0x22e: {  	[tilespmem:s6+$0x60] =	vst v6;
	v6 =	vadd.s32 v3, v7  }
0x22f: {  	[tilespmem:$0x6E00] =	vst v6  }
0x230: {  	v6 =	vld [tilespmem:s7+$0x30]  }
0x231: {  	s7 =	simm.s32 $0x70  }
0x232: {  	v7 =	vor.u32 s7, v4  }
0x233: {  	vm14 =	vlt.s32 v7, v1  }
0x234: {  	v63 =	vsel vm14, $0x0, v5  }
0x235: {  	vm15 =	vlt.s32 v7, v2;
	v6 =	vadd.s32 v63, v6  }
0x236: {  	p0 =	sne.s32 s11, $0x1;
	v6 =	vnsel vm15, $0x2000, v6  }
.Ltmp8:
0x237: {  	[tilespmem:s6+$0x70] =	vst v6;
	v6 =	vadd.s32 v3, v7;
	(pc) =	sbr.rel @!p0 .LBB2_15-.Ltmp8, $4  }
0x238: {  	s8 =	simm.s32 $0x80;
	s10 =	simm.s32 $0x6DA0;
	s9 =	simm.s32 $0x1;
	[tilespmem:$0x6E10] =	vst v6  }
0x239: {  	[spmem:s3] =	stream.indirect.scatter [tilespmem:s10], [sflag:$0x1], $0x1, s6, s8, $0xb8;
	[tilespmem:$0x16F20] =	vst v63  }
0x23a: {  	_ =	swait.ge [sflag:s9], $0x80  }
0x23b: {  	s11 =	sadd.s32 $0xFFFFFFFF, s11;
	s12 =	simm.s32 $0x40C0;
	[sflag:s9] =	ssyncset.done $0x0  }
.LBB2_14:
0x23c: {  	[sflag:s9] =	ssyncadd.s32 $0xFFFFFF80;
	s6 =	sadd.s32 $0x80, s6;
	s7 =	sadd.s32 $0x80, s7  }
0x23d: {  	p0 =	sne.s32 s11, $0x1;
	s11 =	sadd.s32 $0xFFFFFFFF, s11;
	v6 =	vld [tilespmem:s12+$0xFFFFFFC0]  }
0x23e: {  	s0 =	sadd.s32 $0xFFFFFF90, s7  }
0x23f: {  	v7 =	vor.u32 s0, v4  }
0x240: {  	vm0 =	vlt.s32 v7, v1  }
0x241: {  	v8 =	vsel vm0, $0x0, v5  }
0x242: {  	vm0 =	vlt.s32 v7, v2;
	v6 =	vadd.s32 v8, v6  }
0x243: {  	v6 =	vnsel vm0, $0x2000, v6  }
0x244: {  	[tilespmem:s6+$0x0] =	vst v6;
	v6 =	vadd.s32 v3, v7  }
0x245: {  	[tilespmem:$0x6DA0] =	vst v6  }
0x246: {  	v6 =	vld [tilespmem:s12+$0xFFFFFFD0]  }
0x247: {  	s0 =	sadd.s32 $0xFFFFFFA0, s7  }
0x248: {  	v7 =	vor.u32 s0, v4  }
0x249: {  	vm0 =	vlt.s32 v7, v1  }
0x24a: {  	v8 =	vsel vm0, $0x0, v5  }
0x24b: {  	vm0 =	vlt.s32 v7, v2;
	v6 =	vadd.s32 v8, v6  }
0x24c: {  	v6 =	vnsel vm0, $0x2000, v6  }
0x24d: {  	[tilespmem:s6+$0x10] =	vst v6;
	v6 =	vadd.s32 v3, v7  }
0x24e: {  	[tilespmem:$0x6DB0] =	vst v6  }
0x24f: {  	v6 =	vld [tilespmem:s12+$0xFFFFFFE0]  }
0x250: {  	s0 =	sadd.s32 $0xFFFFFFB0, s7  }
0x251: {  	v7 =	vor.u32 s0, v4  }
0x252: {  	vm0 =	vlt.s32 v7, v1  }
0x253: {  	v8 =	vsel vm0, $0x0, v5  }
0x254: {  	vm0 =	vlt.s32 v7, v2;
	v6 =	vadd.s32 v8, v6  }
0x255: {  	v6 =	vnsel vm0, $0x2000, v6  }
0x256: {  	[tilespmem:s6+$0x20] =	vst v6;
	v6 =	vadd.s32 v3, v7  }
0x257: {  	[tilespmem:$0x6DC0] =	vst v6  }
0x258: {  	v6 =	vld [tilespmem:s12+$0xFFFFFFF0]  }
0x259: {  	s0 =	sadd.s32 $0xFFFFFFC0, s7  }
0x25a: {  	v7 =	vor.u32 s0, v4  }
0x25b: {  	vm0 =	vlt.s32 v7, v1  }
0x25c: {  	v8 =	vsel vm0, $0x0, v5  }
0x25d: {  	vm0 =	vlt.s32 v7, v2;
	v6 =	vadd.s32 v8, v6  }
0x25e: {  	v6 =	vnsel vm0, $0x2000, v6  }
0x25f: {  	[tilespmem:s6+$0x30] =	vst v6;
	v6 =	vadd.s32 v3, v7  }
0x260: {  	[tilespmem:$0x6DD0] =	vst v6  }
0x261: {  	v6 =	vld [tilespmem:s12+$0x0]  }
0x262: {  	s0 =	sadd.s32 $0xFFFFFFD0, s7  }
0x263: {  	v7 =	vor.u32 s0, v4  }
0x264: {  	vm0 =	vlt.s32 v7, v1  }
0x265: {  	v8 =	vsel vm0, $0x0, v5  }
0x266: {  	vm0 =	vlt.s32 v7, v2;
	v6 =	vadd.s32 v8, v6  }
0x267: {  	v6 =	vnsel vm0, $0x2000, v6  }
0x268: {  	[tilespmem:s6+$0x40] =	vst v6;
	v6 =	vadd.s32 v3, v7  }
0x269: {  	[tilespmem:$0x6DE0] =	vst v6  }
0x26a: {  	v6 =	vld [tilespmem:s12+$0x10]  }
0x26b: {  	s0 =	sadd.s32 $0xFFFFFFE0, s7  }
0x26c: {  	v7 =	vor.u32 s0, v4  }
0x26d: {  	vm0 =	vlt.s32 v7, v1  }
0x26e: {  	v8 =	vsel vm0, $0x0, v5  }
0x26f: {  	vm0 =	vlt.s32 v7, v2;
	v6 =	vadd.s32 v8, v6  }
0x270: {  	v6 =	vnsel vm0, $0x2000, v6  }
0x271: {  	[tilespmem:s6+$0x50] =	vst v6;
	v6 =	vadd.s32 v3, v7  }
0x272: {  	[tilespmem:$0x6DF0] =	vst v6  }
0x273: {  	v6 =	vld [tilespmem:s12+$0x20]  }
0x274: {  	s0 =	sadd.s32 $0xFFFFFFF0, s7  }
0x275: {  	v7 =	vor.u32 s0, v4  }
0x276: {  	vm0 =	vlt.s32 v7, v1  }
0x277: {  	v8 =	vsel vm0, $0x0, v5  }
0x278: {  	vm0 =	vlt.s32 v7, v2;
	v6 =	vadd.s32 v8, v6  }
0x279: {  	v6 =	vnsel vm0, $0x2000, v6  }
0x27a: {  	[tilespmem:s6+$0x60] =	vst v6;
	v6 =	vadd.s32 v3, v7  }
0x27b: {  	[tilespmem:$0x6E00] =	vst v6  }
0x27c: {  	v6 =	vld [tilespmem:s12+$0x30];
	_ =	sdelay $0x1  }
0x27d: {  	v7 =	vor.u32 s7, v4  }
0x27e: {  	vm0 =	vlt.s32 v7, v1  }
0x27f: {  	v8 =	vsel vm0, $0x0, v5  }
0x280: {  	vm0 =	vlt.s32 v7, v2;
	v6 =	vadd.s32 v8, v6  }
0x281: {  	v6 =	vnsel vm0, $0x2000, v6  }
.Ltmp9:
0x282: {  	[tilespmem:s6+$0x70] =	vst v6;
	v6 =	vadd.s32 v3, v7;
	(pc) =	sbr.rel @p0 .LBB2_14-.Ltmp9, $4  }
0x283: {  	[tilespmem:$0x6E10] =	vst v6  }
0x284: {  	[spmem:s3] =	stream.indirect.scatter [tilespmem:s10], [sflag:$0x1], $0x1, s6, s8, $0xb8;
	[tilespmem:$0x16F20] =	vst v63  }
0x285: {  	_ =	swait.ge [sflag:s9], $0x80  }
0x286: {  	s12 =	sadd.s32 $0x80, s12;
	[sflag:s9] =	ssyncset.done $0x0  }
.LBB2_15:
0x287: {  	[sflag:s9] =	ssyncadd.s32 $0xFFFFFF80  }
.LBB2_16:
0x288: {  	[bflag:$0x0] =	sbarrier.arrive $0xFFFF;
	s0 =	simm.s32 $0x5B20;
	s3 =	simm.s32 $0x3  }
0x289: {  	[tilespmem:s0], [sflag:$0x3] =	stream.linear.gather [spmem:s5], $0x210, $0x38;
	[tilespmem:$0x16F20] =	vst v63  }
0x28a: {  	_ =	swait.ge [sflag:s3], $0x210  }
0x28b: {  	[sflag:s3] =	ssyncset.done $0x0  }
0x28c: {  	s5 =	simm.s32 $0x0;
	[sflag:s3] =	ssyncadd.s32 $0xFFFFFDF0  }
0x28d: {  	[hbm4b:s4+s5] =	stream.linear.scatter [tilespmem:s0], [sflag:$0x3], $0x210, $0x38;
	[tilespmem:$0x16F20] =	vst v63  }
0x28e: {  	s0 =	stileid.u32  }
0x28f: {  	p0 =	sne.s32 s0, $0xF  }
.Ltmp10:
0x290: {  	_ = 	snop;
	(pc) =	sbr.rel @p0 .LBB2_20-.Ltmp10, $4  }
0x291: {  	_ = 	snop  }
0x292: {  	_ =	swait.ge [sflag:s3], $0x210  }
0x293: {  	[sflag:s3] =	ssyncset.done $0x0  }
0x294: {  	[sflag:s3] =	ssyncadd.s32 $0xFFFFFDF0  }
0x295: {  	v17 =	vshra.s32 v0, $0x8  }
0x296: {  	v9 =	vimm.s32 $0x8;
	v0 =	vimm.s32 $0x0;
	v2 =	vimm.s32 $0x1  }
0x297: {  	v3 =	vimm.s32 $0x2;
	v4 =	vimm.s32 $0x3;
	v5 =	vimm.s32 $0x4  }
0x298: {  	v6 =	vimm.s32 $0x5;
	v7 =	vimm.s32 $0x6;
	v8 =	vimm.s32 $0x7  }
0x299: {  	v10 =	vimm.s32 $0x9;
	v11 =	vimm.s32 $0xA;
	v1 =	vperm.xlane v17, v0  }
0x29a: {  	v12 =	vimm.s32 $0xB;
	v2 =	vperm.xlane v17, v2;
	v3 =	vperm.xlane v17, v3  }
0x29b: {  	v13 =	vimm.s32 $0xC;
	v4 =	vperm.xlane v17, v4;
	v5 =	vperm.xlane v17, v5  }
0x29c: {  	v14 =	vimm.s32 $0xD;
	v6 =	vperm.xlane v17, v6;
	v7 =	vperm.xlane v17, v7  }
0x29d: {  	v16 =	vimm.s32 $0xE;
	v8 =	vperm.xlane v17, v8;
	v9 =	vperm.xlane v17, v9  }
0x29e: {  	v15 =	vlaneseq.u32;
	v10 =	vperm.xlane v17, v10;
	v11 =	vperm.xlane v17, v11  }
0x29f: {  	v18 =	vimm.s32 $0xF;
	v12 =	vperm.xlane v17, v12;
	v13 =	vperm.xlane v17, v13  }
0x2a0: {  	v14 =	vperm.xlane v17, v14;
	v16 =	vperm.xlane v17, v16;
	v19 =	vor.u32 s5, v15  }
0x2a1: {  	v17 =	vperm.xlane v17, v18;
	vm0 =	vlt.s32 v19, v1;
	vm1 =	vge.s32 v19, v2  }
0x2a2: {  	vm2 =	vge.s32 v19, v3;
	v18 =	vsel vm1, $0x1, v0;
	v20 =	vsel vm0, $0xFFFFFFFF, v0  }
0x2a3: {  	vm15 =	vge.s32 v19, v4;
	v21 =	vsel vm2, $0x1, v0;
	v18 =	vadd.s32 v18, v20  }
0x2a4: {  	vm4 =	vge.s32 v19, v5;
	v52 =	vsel vm15, $0x1, v0;
	v18 =	vadd.s32 v21, v18  }
0x2a5: {  	vm5 =	vge.s32 v19, v6;
	v53 =	vsel vm4, $0x1, v0;
	v18 =	vadd.s32 v52, v18  }
0x2a6: {  	vm6 =	vge.s32 v19, v7;
	v54 =	vsel vm5, $0x1, v0;
	v18 =	vadd.s32 v53, v18  }
0x2a7: {  	vm7 =	vge.s32 v19, v8;
	v55 =	vsel vm6, $0x1, v0;
	v18 =	vadd.s32 v54, v18  }
0x2a8: {  	vm8 =	vge.s32 v19, v9;
	v56 =	vsel vm7, $0x1, v0;
	v18 =	vadd.s32 v55, v18  }
0x2a9: {  	vm9 =	vge.s32 v19, v10;
	v57 =	vsel vm8, $0x1, v0;
	v18 =	vadd.s32 v56, v18  }
0x2aa: {  	vm10 =	vge.s32 v19, v11;
	v58 =	vsel vm9, $0x1, v0;
	v18 =	vadd.s32 v57, v18  }
0x2ab: {  	vm11 =	vge.s32 v19, v12;
	v59 =	vsel vm10, $0x1, v0;
	v18 =	vadd.s32 v58, v18  }
0x2ac: {  	vm12 =	vge.s32 v19, v13;
	v60 =	vsel vm11, $0x1, v0;
	v18 =	vadd.s32 v59, v18  }
0x2ad: {  	vm13 =	vge.s32 v19, v14;
	v61 =	vsel vm12, $0x1, v0;
	v18 =	vadd.s32 v60, v18  }
0x2ae: {  	vm14 =	vge.s32 v19, v16;
	v62 =	vsel vm13, $0x1, v0;
	v18 =	vadd.s32 v61, v18  }
0x2af: {  	vm15 =	vge.s32 v19, v17;
	v19 =	vsel vm14, $0x1, v0;
	v18 =	vadd.s32 v62, v18  }
0x2b0: {  	v63 =	vsel vm15, $0x1, v0;
	v18 =	vadd.s32 v19, v18  }
0x2b1: {  	v18 =	vadd.s32 v63, v18  }
0x2b2: {  	s4 =	simm.s32 $0x5080;
	[tilespmem:$0x5080] =	vst v18  }
0x2b3: {  	[hbm4b:s2+s5] =	stream.linear.scatter [tilespmem:s4], [sflag:$0x3], $0x10, $0x38;
	[tilespmem:$0x16F20] =	vst v63  }
0x2b4: {  	_ =	swait.ge [sflag:s3], $0x10  }
0x2b5: {  	s6 =	simm.s32 $0x10;
	[sflag:s3] =	ssyncset.done $0x0  }
.LBB2_18:
0x2b6: {  	p0 =	sne.s32 s6, $0x20;
	[sflag:s3] =	ssyncadd.s32 $0xFFFFFFF0;
	s2 =	sadd.s32 $0x2, s2  }
0x2b7: {  	v18 =	vor.u32 s6, v15;
	s6 =	sadd.s32 $0x10, s6  }
0x2b8: {  	vm0 =	vlt.s32 v18, v1;
	vm1 =	vge.s32 v18, v2;
	vm2 =	vge.s32 v18, v3  }
0x2b9: {  	v19 =	vsel vm1, $0x1, v0;
	vm1 =	vge.s32 v18, v4;
	v20 =	vsel vm0, $0xFFFFFFFF, v0  }
0x2ba: {  	v21 =	vsel vm2, $0x1, v0;
	vm0 =	vge.s32 v18, v5;
	v19 =	vadd.s32 v19, v20  }
0x2bb: {  	v20 =	vsel vm1, $0x1, v0;
	vm1 =	vge.s32 v18, v6;
	v19 =	vadd.s32 v21, v19  }
0x2bc: {  	v21 =	vsel vm0, $0x1, v0;
	vm0 =	vge.s32 v18, v7;
	v19 =	vadd.s32 v20, v19  }
0x2bd: {  	v20 =	vsel vm1, $0x1, v0;
	vm1 =	vge.s32 v18, v8;
	v19 =	vadd.s32 v21, v19  }
0x2be: {  	v21 =	vsel vm0, $0x1, v0;
	vm0 =	vge.s32 v18, v9;
	v19 =	vadd.s32 v20, v19  }
0x2bf: {  	v20 =	vsel vm1, $0x1, v0;
	vm1 =	vge.s32 v18, v10;
	v19 =	vadd.s32 v21, v19  }
0x2c0: {  	v21 =	vsel vm0, $0x1, v0;
	vm0 =	vge.s32 v18, v11;
	v19 =	vadd.s32 v20, v19  }
0x2c1: {  	v20 =	vsel vm1, $0x1, v0;
	vm1 =	vge.s32 v18, v12;
	v19 =	vadd.s32 v21, v19  }
0x2c2: {  	v21 =	vsel vm0, $0x1, v0;
	vm0 =	vge.s32 v18, v13;
	v19 =	vadd.s32 v20, v19  }
0x2c3: {  	v20 =	vsel vm1, $0x1, v0;
	vm1 =	vge.s32 v18, v14;
	v19 =	vadd.s32 v21, v19  }
0x2c4: {  	v21 =	vsel vm0, $0x1, v0;
	vm0 =	vge.s32 v18, v16;
	v19 =	vadd.s32 v20, v19  }
0x2c5: {  	v20 =	vsel vm1, $0x1, v0;
	vm1 =	vge.s32 v18, v17;
	v18 =	vadd.s32 v21, v19  }
0x2c6: {  	v19 =	vsel vm0, $0x1, v0;
	v18 =	vadd.s32 v20, v18  }
0x2c7: {  	v20 =	vsel vm1, $0x1, v0;
	v18 =	vadd.s32 v19, v18  }
.Ltmp11:
0x2c8: {  	v18 =	vadd.s32 v20, v18;
	(pc) =	sbr.rel @p0 .LBB2_18-.Ltmp11, $4  }
0x2c9: {  	[tilespmem:$0x5080] =	vst v18  }
0x2ca: {  	[hbm4b:s2+s5] =	stream.linear.scatter [tilespmem:s4], [sflag:$0x3], $0x10, $0x38;
	[tilespmem:$0x16F20] =	vst v63  }
0x2cb: {  	_ =	swait.ge [sflag:s3], $0x10  }
0x2cc: {  	[sflag:s3] =	ssyncset.done $0x0  }
0x2cd: {  	[sflag:s3] =	ssyncadd.s32 $0xFFFFFFF0  }
.LBB2_20:
0x2ce: {  	_ =	sfence.sel $0x180000  }
0x2cf: {  	[bflag:$0x0] =	sbarrier.arrive $0xFFFF  }
0x2d0: {  	_ =	strace $0x90000047  }
0x2d1: {  	[bflag:$0x2] =	sbarrier.arrive $0xFFFF  }
0x2d2: {  	p0 =	sne.s32 s0, $0x0;
	s0 =	rddreg [dreg:$0x4]  }
0x2d3: {  	s0 =	sadd.s32 @!p0 $0x100000, s0  }
0x2d4: {  	[sflag:s0] =	ssyncadd.tile.s32 @!p0 $0x1;
	_ =	shalt  }
.Lfunc_end2:
_tile_overlayer_lowered:
.L_overlay_start_2:
0x2d5: {  	(tag) =	ssettag $0x2  }
0x2d6: {  	s0 =	rddreg [dreg:$0x0];
	s2 =	stileid.u32  }
0x2d7: {  	s1 =	rddreg [dreg:$0x1];
	p0 =	sne.s32 s2, $0x0  }
0x2d8: {  	s3 =	rddreg [dreg:$0x2];
	[bflag:$0x3] =	sbarrier.arrive $0xFFFF;
	s2 =	simm.s32 @!p0 $0x1C03  }
0x2d9: {  	[timem:s3], [sflag:s2] =	dma.local @!p0 [hbm:s0], s1  }
0x2da: {  	s0 =	simm.s32 @!p0 $0x3  }
0x2db: {  	_ =	swait.ge @!p0 [sflag:s0], s1  }
0x2dc: {  	s1 =	ssub.s32 @!p0 $0x0, s1;
	[sflag:s0] =	ssyncset.done @!p0 $0x0  }
0x2dd: {  	[sflag:s0] =	ssyncadd.s32 @!p0 s1  }
0x2de: {  	[bflag:$0x3] =	sbarrier.arrive $0xFFFF  }
0x2df: {  	_ =	shalt  }

</sc_bundles>
